<compile_context>
chip_gen: v7x
topology: tpu7x:2x2x1
jax: 0.10.2.dev20260603
libtpu: 0.0.44.dev20260713+nightly
codegen_flags: <defaults>
</compile_context>

<pallas_src>
import functools

import jax
import jax.numpy as jnp
from jax import lax
from jax.experimental import pallas as pl
from jax.experimental.pallas import tpu as pltpu
from jax.experimental.pallas import tpu_sc as plsc

NUM_FEATURES = 9
NUM_BINS = 101
EMBED_DIM = 512
BATCH = 16384

_ROWS = BATCH * NUM_FEATURES
_NW = 32
_ROWS_PER_W = _ROWS // _NW
_CHUNK = 32
_NCHUNK = _ROWS_PER_W // _CHUNK
_NBUF = 4
_LOOKAHEAD = 2
_LANES = 16
_MAGIC = 8388608.0


def _sc_gather(feat_flat, w_flat):
    mesh = plsc.VectorSubcoreMesh(core_axis_name="c", subcore_axis_name="s")

    @functools.partial(
        pl.kernel,
        mesh=mesh,
        out_type=jax.ShapeDtypeStruct((_ROWS, EMBED_DIM), jnp.float32),
        scratch_types=[
            pltpu.VMEM_SHARED((NUM_FEATURES * NUM_BINS, EMBED_DIM),
                              jnp.float32),
            pltpu.VMEM((_ROWS_PER_W,), jnp.float32),
            *[pltpu.VMEM((_CHUNK,), jnp.int32) for _ in range(_NBUF)],
            *[pltpu.VMEM((_CHUNK, EMBED_DIM), jnp.float32)
              for _ in range(_NBUF)],
            *[pltpu.SemaphoreType.DMA for _ in range(2 * _NBUF)],
        ],
    )
    def body(feat_hbm, w_hbm, out_hbm, w_sh, feat_v, *scratch):
        idx_v = scratch[:_NBUF]
        rows_v = scratch[_NBUF:2 * _NBUF]
        g_sem = scratch[2 * _NBUF:3 * _NBUF]
        o_sem = scratch[3 * _NBUF:]

        wid = lax.axis_index("s") * 2 + lax.axis_index("c")
        w_base = wid * _ROWS_PER_W
        iota = lax.iota(jnp.int32, _LANES)

        @pl.when(lax.axis_index("s") == 0)
        def _():
            pltpu.sync_copy(w_hbm, w_sh)

        plsc.subcore_barrier()
        pltpu.sync_copy(feat_hbm.at[pl.ds(w_base, _ROWS_PER_W)], feat_v)

        def start_fetch(k, b):
            for i in range(_CHUNK // _LANES):
                off = k * _CHUNK + i * _LANES
                x = feat_v[pl.ds(off, _LANES)]
                xc = jnp.minimum(jnp.maximum(x, 0.0), float(NUM_BINS - 1))
                r = (xc + _MAGIC) - _MAGIC
                fid = lax.rem(w_base + off + iota, jnp.int32(NUM_FEATURES))
                idx_v[b][pl.ds(i * _LANES, _LANES)] = (
                    fid * NUM_BINS + r.astype(jnp.int32))
            def fire(n, carry):
                v = idx_v[b][pl.ds(n * _LANES, _LANES)]
                for u in range(_LANES):
                    pltpu.async_copy(
                        w_sh.at[pl.ds(v[u], 1)],
                        rows_v[b].at[pl.ds(n * _LANES + u, 1)],
                        g_sem[b])
                return carry

            lax.fori_loop(0, _CHUNK // _LANES, fire, 0)

        def wait_fetch(b):
            pltpu.make_async_copy(
                w_hbm.at[pl.ds(0, _CHUNK)], rows_v[b], g_sem[b]).wait()

        for t in range(_LOOKAHEAD):
            start_fetch(jnp.int32(t), t)

        def round_body(rnd, carry):
            for b in range(_NBUF):
                j = rnd * _NBUF + b
                wait_fetch(b)
                pltpu.async_copy(
                    rows_v[b],
                    out_hbm.at[pl.ds(w_base + j * _CHUNK, _CHUNK)],
                    o_sem[b])
                k = j + _LOOKAHEAD
                b2 = (b + _LOOKAHEAD) % _NBUF

                @pl.when(k < _NCHUNK)
                def _():
                    @pl.when(k >= _NBUF)
                    def _():
                        pltpu.make_async_copy(
                            rows_v[b2],
                            out_hbm.at[
                                pl.ds(w_base + (k - _NBUF) * _CHUNK, _CHUNK)],
                            o_sem[b2]).wait()

                    start_fetch(k, b2)

            return carry

        lax.fori_loop(0, _NCHUNK // _NBUF, round_body, 0)

        for b in range(_NBUF):
            j = _NCHUNK - _NBUF + b
            pltpu.make_async_copy(
                rows_v[b],
                out_hbm.at[pl.ds(w_base + j * _CHUNK, _CHUNK)],
                o_sem[b]).wait()

    return body(feat_flat, w_flat)


def kernel(features, W):
    feat_flat = features.reshape(_ROWS)
    w_flat = W.reshape(NUM_FEATURES * NUM_BINS, EMBED_DIM)
    out = _sc_gather(feat_flat, w_flat)
    return out.reshape(BATCH, NUM_FEATURES * EMBED_DIM)

# --- scband reference (transcript-rebuilt; emitter-appended) ---
"""Pipeline reference for scband-feature-embedding-8959301779768 (READ-ONLY COPY).

The authoritative reference and input builder live on the scoring server;
editing this copy changes nothing except your own understanding.
"""

import jax, jax.numpy as jnp
import numpy as np

NUM_FEATURES = 9
NUM_BINS = 101
EMBED_DIM = 512
BATCH = 16384

def setup_inputs(seed: int = 0) -> dict:
    key = jax.random.key(seed)
    k1, k2 = jax.random.split(key)
    features = jax.random.normal(k1, (BATCH, NUM_FEATURES), dtype=jnp.float32)
    # stacked embedding tables, one per feature: [num_features, num_bins, embed_dim]
    W = jax.random.normal(k2, (NUM_FEATURES, NUM_BINS, EMBED_DIM), dtype=jnp.float32)
    return {"features": features, "W": W}

def reference(features, W):
    # features_int = round(features).long().clamp(0, 100)
    idx = jnp.clip(jnp.round(features).astype(jnp.int32), 0, NUM_BINS - 1)
    # per-feature embedding lookup, then concat along feature-embedding axis
    embs = [jnp.take(W[i], idx[:, i], axis=0) for i in range(NUM_FEATURES)]
    return jnp.concatenate(embs, axis=1)

if __name__ == "__main__":
    import jax
    _d = setup_inputs()
    print(jax.jit(kernel)(*tuple(_d.values())))

</pallas_src>

<mosaic_0001>
#map = affine_map<(d0, d1) -> (0)>
#map1 = affine_map<(d0, d1) -> (0, 0)>
module attributes {stable_mosaic.version = 14 : i64} {
  func.func @body(%arg0: i32, %arg1: i32, %arg2: memref<147456xf32, #tpu.memory_space<hbm>>, %arg3: memref<909x512xf32, #tpu.memory_space<hbm>>, %arg4: memref<147456x512xf32, #tpu.memory_space<hbm>>, %arg5: memref<909x512xf32, #tpu.memory_space<vmem_shared>>, %arg6: memref<4608xf32, #tpu.memory_space<vmem>>, %arg7: memref<32xi32, #tpu.memory_space<vmem>>, %arg8: memref<32xi32, #tpu.memory_space<vmem>>, %arg9: memref<32xi32, #tpu.memory_space<vmem>>, %arg10: memref<32xi32, #tpu.memory_space<vmem>>, %arg11: memref<32x512xf32, #tpu.memory_space<vmem>>, %arg12: memref<32x512xf32, #tpu.memory_space<vmem>>, %arg13: memref<32x512xf32, #tpu.memory_space<vmem>>, %arg14: memref<32x512xf32, #tpu.memory_space<vmem>>, %arg15: memref<!tpu.dma_semaphore, #tpu.memory_space<semaphore_mem>>, %arg16: memref<!tpu.dma_semaphore, #tpu.memory_space<semaphore_mem>>, %arg17: memref<!tpu.dma_semaphore, #tpu.memory_space<semaphore_mem>>, %arg18: memref<!tpu.dma_semaphore, #tpu.memory_space<semaphore_mem>>, %arg19: memref<!tpu.dma_semaphore, #tpu.memory_space<semaphore_mem>>, %arg20: memref<!tpu.dma_semaphore, #tpu.memory_space<semaphore_mem>>, %arg21: memref<!tpu.dma_semaphore, #tpu.memory_space<semaphore_mem>>, %arg22: memref<!tpu.dma_semaphore, #tpu.memory_space<semaphore_mem>>) attributes {dimension_semantics = [#tpu.dimension_semantics<core_parallel>, #tpu.dimension_semantics<subcore_parallel>], iteration_bounds = array<i64: 2, 16>, scalar_prefetch = 0 : i64, scratch_operands = 18 : i64, tpu.core_type = #tpu.core_type<sc_vector_subcore>, window_params = [{transform_indices = #map}, {transform_indices = #map1}, {transform_indices = #map1}]} {
    %mul3A = arith.constant 2 : i32
    %mul3A_0 = arith.muli %arg1, %mul3A : i32
    %add3A = arith.addi %mul3A_0, %arg0 : i32
    %mul3A_1 = arith.constant 4608 : i32
    %mul3A_2 = arith.muli %add3A, %mul3A_1 : i32
    %iota3A = tpu.iota {dimensions = array<i32: 0>} : vector<16xi32>
    %eq3A = arith.constant 0 : i32
    %eq3A_3 = arith.cmpi eq, %arg1, %eq3A : i32
    %convert_element_type3A = arith.extui %eq3A_3 : i1 to i32
    %cond3A = arith.constant 0 : i32
    %cond3A_4 = arith.cmpi ne, %convert_element_type3A, %cond3A : i32
    scf.if %cond3A_4 {
      "tpu.region"() ({
        %run_scoped3A = tpu.sem_alloc : memref<!tpu.dma_semaphore, #tpu.memory_space<semaphore_mem>>
        tpu.enqueue_dma source(%arg3 : memref<909x512xf32, #tpu.memory_space<hbm>>) target(%arg5 : memref<909x512xf32, #tpu.memory_space<vmem_shared>>) target_semaphore(%run_scoped3A : memref<!tpu.dma_semaphore, #tpu.memory_space<semaphore_mem>>)
        tpu.wait_dma2 semaphore(%run_scoped3A : memref<!tpu.dma_semaphore, #tpu.memory_space<semaphore_mem>>) src(%arg3 : memref<909x512xf32, #tpu.memory_space<hbm>>) dst(%arg5 : memref<909x512xf32, #tpu.memory_space<vmem_shared>>)
        tpu.yield
      }) : () -> ()
    } else {
    }
    %barrier3A = arith.constant 0 : index
    tpu.barrier barrier_id(%barrier3A)
    "tpu.region"() ({
      %run_scoped3A = tpu.sem_alloc : memref<!tpu.dma_semaphore, #tpu.memory_space<semaphore_mem>>
      %dma_start3A = tpu.memref_slice %arg2[%mul3A_2] : memref<147456xf32, #tpu.memory_space<hbm>> -> memref<4608xf32, #tpu.memory_space<hbm>>
      %dma_start3A_179 = tpu.memref_slice %arg2[%mul3A_2] : memref<147456xf32, #tpu.memory_space<hbm>> -> memref<4608xf32, #tpu.memory_space<hbm>>
      tpu.enqueue_dma source(%dma_start3A_179 : memref<4608xf32, #tpu.memory_space<hbm>>) target(%arg6 : memref<4608xf32, #tpu.memory_space<vmem>>) target_semaphore(%run_scoped3A : memref<!tpu.dma_semaphore, #tpu.memory_space<semaphore_mem>>)
      %dma_wait3A_180 = tpu.memref_slice %arg2[%mul3A_2] : memref<147456xf32, #tpu.memory_space<hbm>> -> memref<4608xf32, #tpu.memory_space<hbm>>
      %dma_wait3A_181 = tpu.memref_slice %arg2[%mul3A_2] : memref<147456xf32, #tpu.memory_space<hbm>> -> memref<4608xf32, #tpu.memory_space<hbm>>
      tpu.wait_dma2 semaphore(%run_scoped3A : memref<!tpu.dma_semaphore, #tpu.memory_space<semaphore_mem>>) src(%dma_wait3A_181 : memref<4608xf32, #tpu.memory_space<hbm>>) dst(%arg6 : memref<4608xf32, #tpu.memory_space<vmem>>)
      tpu.yield
    }) : () -> ()
    %mul3A_5 = arith.constant 0 : i32
    %mul3A_6 = arith.constant 32 : i32
    %mul3A_7 = arith.muli %mul3A_5, %mul3A_6 : i32
    %add3A_8 = arith.constant 0 : i32
    %add3A_9 = arith.addi %mul3A_7, %add3A_8 : i32
    %get3A = arith.index_cast %add3A_9 : i32 to index
    %get3A_10 = tpu.vector_load %arg6[%get3A] {strides = array<i32>} : memref<4608xf32, #tpu.memory_space<vmem>>, vector<16xf32>,
    %get3A_11 = vector.shape_cast %get3A_10 : vector<16xf32> to vector<16xf32>
    %max3A = arith.constant 0.000000e+00 : f32
    %max3A_12 = vector.broadcast %max3A : f32 to vector<16xf32>
    %max3A_13 = arith.maximumf %get3A_11, %max3A_12 : vector<16xf32>
    %min3A = arith.constant 1.000000e+02 : f32
    %min3A_14 = vector.broadcast %min3A : f32 to vector<16xf32>
    %min3A_15 = arith.minimumf %max3A_13, %min3A_14 : vector<16xf32>
    %add3A_16 = arith.constant 0x4B000000 : f32
    %add3A_17 = vector.broadcast %add3A_16 : f32 to vector<16xf32>
    %add3A_18 = arith.addf %min3A_15, %add3A_17 : vector<16xf32>
    %sub3A = arith.constant 0x4B000000 : f32
    %sub3A_19 = vector.broadcast %sub3A : f32 to vector<16xf32>
    %sub3A_20 = arith.subf %add3A_18, %sub3A_19 : vector<16xf32>
    %add3A_21 = arith.addi %mul3A_2, %add3A_9 : i32
    %add3A_22 = vector.broadcast %add3A_21 : i32 to vector<16xi32>
    %add3A_23 = arith.addi %add3A_22, %iota3A : vector<16xi32>
    %rem3A = arith.constant 9 : i32
    %rem3A_24 = vector.broadcast %rem3A : i32 to vector<16xi32>
    %rem3A_25 = arith.remsi %add3A_23, %rem3A_24 : vector<16xi32>
    %mul3A_26 = arith.constant 101 : i32
    %mul3A_27 = vector.broadcast %mul3A_26 : i32 to vector<16xi32>
    %mul3A_28 = arith.muli %rem3A_25, %mul3A_27 : vector<16xi32>
    %convert_element_type3A_29 = arith.fptosi %sub3A_20 : vector<16xf32> to vector<16xi32>
    %add3A_30 = arith.addi %mul3A_28, %convert_element_type3A_29 : vector<16xi32>
    %swap3A = arith.constant 0 : index
    %swap3A_31 = tpu.vector_load %arg7[%swap3A] {strides = array<i32>} : memref<32xi32, #tpu.memory_space<vmem>>, vector<16xi32>,
    %swap3A_32 = vector.shape_cast %swap3A_31 : vector<16xi32> to vector<16xi32>
    %swap3A_33 = vector.shape_cast %add3A_30 : vector<16xi32> to vector<16xi32>
    tpu.vector_store %arg7[%swap3A], %swap3A_33 {strides = array<i32>} : memref<32xi32, #tpu.memory_space<vmem>>, vector<16xi32>,
    %mul3A_34 = arith.constant 0 : i32
    %mul3A_35 = arith.constant 32 : i32
    %mul3A_36 = arith.muli %mul3A_34, %mul3A_35 : i32
    %add3A_37 = arith.constant 16 : i32
    %add3A_38 = arith.addi %mul3A_36, %add3A_37 : i32
    %get3A_39 = arith.index_cast %add3A_38 : i32 to index
    %get3A_40 = tpu.vector_load %arg6[%get3A_39] {strides = array<i32>} : memref<4608xf32, #tpu.memory_space<vmem>>, vector<16xf32>,
    %get3A_41 = vector.shape_cast %get3A_40 : vector<16xf32> to vector<16xf32>
    %max3A_42 = arith.constant 0.000000e+00 : f32
    %max3A_43 = vector.broadcast %max3A_42 : f32 to vector<16xf32>
    %max3A_44 = arith.maximumf %get3A_41, %max3A_43 : vector<16xf32>
    %min3A_45 = arith.constant 1.000000e+02 : f32
    %min3A_46 = vector.broadcast %min3A_45 : f32 to vector<16xf32>
    %min3A_47 = arith.minimumf %max3A_44, %min3A_46 : vector<16xf32>
    %add3A_48 = arith.constant 0x4B000000 : f32
    %add3A_49 = vector.broadcast %add3A_48 : f32 to vector<16xf32>
    %add3A_50 = arith.addf %min3A_47, %add3A_49 : vector<16xf32>
    %sub3A_51 = arith.constant 0x4B000000 : f32
    %sub3A_52 = vector.broadcast %sub3A_51 : f32 to vector<16xf32>
    %sub3A_53 = arith.subf %add3A_50, %sub3A_52 : vector<16xf32>
    %add3A_54 = arith.addi %mul3A_2, %add3A_38 : i32
    %add3A_55 = vector.broadcast %add3A_54 : i32 to vector<16xi32>
    %add3A_56 = arith.addi %add3A_55, %iota3A : vector<16xi32>
    %rem3A_57 = arith.constant 9 : i32
    %rem3A_58 = vector.broadcast %rem3A_57 : i32 to vector<16xi32>
    %rem3A_59 = arith.remsi %add3A_56, %rem3A_58 : vector<16xi32>
    %mul3A_60 = arith.constant 101 : i32
    %mul3A_61 = vector.broadcast %mul3A_60 : i32 to vector<16xi32>
    %mul3A_62 = arith.muli %rem3A_59, %mul3A_61 : vector<16xi32>
    %convert_element_type3A_63 = arith.fptosi %sub3A_53 : vector<16xf32> to vector<16xi32>
    %add3A_64 = arith.addi %mul3A_62, %convert_element_type3A_63 : vector<16xi32>
    %swap3A_65 = arith.constant 16 : index
    %swap3A_66 = tpu.vector_load %arg7[%swap3A_65] {strides = array<i32>} : memref<32xi32, #tpu.memory_space<vmem>>, vector<16xi32>,
    %swap3A_67 = vector.shape_cast %swap3A_66 : vector<16xi32> to vector<16xi32>
    %swap3A_68 = vector.shape_cast %add3A_64 : vector<16xi32> to vector<16xi32>
    tpu.vector_store %arg7[%swap3A_65], %swap3A_68 {strides = array<i32>} : memref<32xi32, #tpu.memory_space<vmem>>, vector<16xi32>,
    %scan3A = arith.constant 0 : i32
    %scan3A_69 = arith.constant 0 : i32
    %scan3A_70 = arith.constant 2 : i32
    %scan3A_71 = arith.addi %scan3A_69, %scan3A_70 : i32
    %scan3A_72 = arith.constant 1 : i32
    scf.for %scan3A_179 = %scan3A_69 to %scan3A_71 step %scan3A_72  : i32 {
      %mul3A_180 = arith.constant 16 : i32
      %mul3A_181 = arith.muli %scan3A_179, %mul3A_180 : i32
      %get3A_182 = arith.index_cast %mul3A_181 : i32 to index
      %get3A_183 = tpu.vector_load %arg7[%get3A_182] {strides = array<i32>} : memref<32xi32, #tpu.memory_space<vmem>>, vector<16xi32>,
      %get3A_184 = vector.shape_cast %get3A_183 : vector<16xi32> to vector<16xi32>
      %slice3A = vector.extract_strided_slice %get3A_184 {offsets = [0], sizes = [1], strides = [1]} : vector<16xi32> to vector<1xi32>
      %squeeze3A = vector.extract %slice3A[0] : i32 from vector<1xi32>
      %mul3A_185 = arith.constant 16 : i32
      %mul3A_186 = arith.muli %scan3A_179, %mul3A_185 : i32
      %add3A_187 = arith.constant 0 : i32
      %add3A_188 = arith.addi %mul3A_186, %add3A_187 : i32
      %dma_start3A = arith.constant 0 : i32
      %dma_start3A_189 = tpu.memref_slice %arg11[%add3A_188, %dma_start3A] : memref<32x512xf32, #tpu.memory_space<vmem>> -> memref<1x512xf32, #tpu.memory_space<vmem>>
      %dma_start3A_190 = arith.constant 0 : i32
      %dma_start3A_191 = tpu.memref_slice %arg5[%squeeze3A, %dma_start3A_190] : memref<909x512xf32, #tpu.memory_space<vmem_shared>> -> memref<1x512xf32, #tpu.memory_space<vmem_shared>>
      %dma_start3A_192 = arith.constant 0 : i32
      %dma_start3A_193 = tpu.memref_slice %arg11[%add3A_188, %dma_start3A_192] : memref<32x512xf32, #tpu.memory_space<vmem>> -> memref<1x512xf32, #tpu.memory_space<vmem>>
      %dma_start3A_194 = arith.constant 0 : i32
      %dma_start3A_195 = tpu.memref_slice %arg5[%squeeze3A, %dma_start3A_194] : memref<909x512xf32, #tpu.memory_space<vmem_shared>> -> memref<1x512xf32, #tpu.memory_space<vmem_shared>>
      tpu.enqueue_dma source(%dma_start3A_195 : memref<1x512xf32, #tpu.memory_space<vmem_shared>>) target(%dma_start3A_193 : memref<1x512xf32, #tpu.memory_space<vmem>>) target_semaphore(%arg15 : memref<!tpu.dma_semaphore, #tpu.memory_space<semaphore_mem>>)
      %slice3A_196 = vector.extract_strided_slice %get3A_184 {offsets = [1], sizes = [1], strides = [1]} : vector<16xi32> to vector<1xi32>
      %squeeze3A_197 = vector.extract %slice3A_196[0] : i32 from vector<1xi32>
      %mul3A_198 = arith.constant 16 : i32
      %mul3A_199 = arith.muli %scan3A_179, %mul3A_198 : i32
      %add3A_200 = arith.constant 1 : i32
      %add3A_201 = arith.addi %mul3A_199, %add3A_200 : i32
      %dma_start3A_202 = arith.constant 0 : i32
      %dma_start3A_203 = tpu.memref_slice %arg11[%add3A_201, %dma_start3A_202] : memref<32x512xf32, #tpu.memory_space<vmem>> -> memref<1x512xf32, #tpu.memory_space<vmem>>
      %dma_start3A_204 = arith.constant 0 : i32
      %dma_start3A_205 = tpu.memref_slice %arg5[%squeeze3A_197, %dma_start3A_204] : memref<909x512xf32, #tpu.memory_space<vmem_shared>> -> memref<1x512xf32, #tpu.memory_space<vmem_shared>>
      %dma_start3A_206 = arith.constant 0 : i32
      %dma_start3A_207 = tpu.memref_slice %arg11[%add3A_201, %dma_start3A_206] : memref<32x512xf32, #tpu.memory_space<vmem>> -> memref<1x512xf32, #tpu.memory_space<vmem>>
      %dma_start3A_208 = arith.constant 0 : i32
      %dma_start3A_209 = tpu.memref_slice %arg5[%squeeze3A_197, %dma_start3A_208] : memref<909x512xf32, #tpu.memory_space<vmem_shared>> -> memref<1x512xf32, #tpu.memory_space<vmem_shared>>
      tpu.enqueue_dma source(%dma_start3A_209 : memref<1x512xf32, #tpu.memory_space<vmem_shared>>) target(%dma_start3A_207 : memref<1x512xf32, #tpu.memory_space<vmem>>) target_semaphore(%arg15 : memref<!tpu.dma_semaphore, #tpu.memory_space<semaphore_mem>>)
      %slice3A_210 = vector.extract_strided_slice %get3A_184 {offsets = [2], sizes = [1], strides = [1]} : vector<16xi32> to vector<1xi32>
      %squeeze3A_211 = vector.extract %slice3A_210[0] : i32 from vector<1xi32>
      %mul3A_212 = arith.constant 16 : i32
      %mul3A_213 = arith.muli %scan3A_179, %mul3A_212 : i32
      %add3A_214 = arith.constant 2 : i32
      %add3A_215 = arith.addi %mul3A_213, %add3A_214 : i32
      %dma_start3A_216 = arith.constant 0 : i32
      %dma_start3A_217 = tpu.memref_slice %arg11[%add3A_215, %dma_start3A_216] : memref<32x512xf32, #tpu.memory_space<vmem>> -> memref<1x512xf32, #tpu.memory_space<vmem>>
      %dma_start3A_218 = arith.constant 0 : i32
      %dma_start3A_219 = tpu.memref_slice %arg5[%squeeze3A_211, %dma_start3A_218] : memref<909x512xf32, #tpu.memory_space<vmem_shared>> -> memref<1x512xf32, #tpu.memory_space<vmem_shared>>
      %dma_start3A_220 = arith.constant 0 : i32
      %dma_start3A_221 = tpu.memref_slice %arg11[%add3A_215, %dma_start3A_220] : memref<32x512xf32, #tpu.memory_space<vmem>> -> memref<1x512xf32, #tpu.memory_space<vmem>>
      %dma_start3A_222 = arith.constant 0 : i32
      %dma_start3A_223 = tpu.memref_slice %arg5[%squeeze3A_211, %dma_start3A_222] : memref<909x512xf32, #tpu.memory_space<vmem_shared>> -> memref<1x512xf32, #tpu.memory_space<vmem_shared>>
      tpu.enqueue_dma source(%dma_start3A_223 : memref<1x512xf32, #tpu.memory_space<vmem_shared>>) target(%dma_start3A_221 : memref<1x512xf32, #tpu.memory_space<vmem>>) target_semaphore(%arg15 : memref<!tpu.dma_semaphore, #tpu.memory_space<semaphore_mem>>)
      %slice3A_224 = vector.extract_strided_slice %get3A_184 {offsets = [3], sizes = [1], strides = [1]} : vector<16xi32> to vector<1xi32>
      %squeeze3A_225 = vector.extract %slice3A_224[0] : i32 from vector<1xi32>
      %mul3A_226 = arith.constant 16 : i32
      %mul3A_227 = arith.muli %scan3A_179, %mul3A_226 : i32
      %add3A_228 = arith.constant 3 : i32
      %add3A_229 = arith.addi %mul3A_227, %add3A_228 : i32
      %dma_start3A_230 = arith.constant 0 : i32
      %dma_start3A_231 = tpu.memref_slice %arg11[%add3A_229, %dma_start3A_230] : memref<32x512xf32, #tpu.memory_space<vmem>> -> memref<1x512xf32, #tpu.memory_space<vmem>>
      %dma_start3A_232 = arith.constant 0 : i32
      %dma_start3A_233 = tpu.memref_slice %arg5[%squeeze3A_225, %dma_start3A_232] : memref<909x512xf32, #tpu.memory_space<vmem_shared>> -> memref<1x512xf32, #tpu.memory_space<vmem_shared>>
      %dma_start3A_234 = arith.constant 0 : i32
      %dma_start3A_235 = tpu.memref_slice %arg11[%add3A_229, %dma_start3A_234] : memref<32x512xf32, #tpu.memory_space<vmem>> -> memref<1x512xf32, #tpu.memory_space<vmem>>
      %dma_start3A_236 = arith.constant 0 : i32
      %dma_start3A_237 = tpu.memref_slice %arg5[%squeeze3A_225, %dma_start3A_236] : memref<909x512xf32, #tpu.memory_space<vmem_shared>> -> memref<1x512xf32, #tpu.memory_space<vmem_shared>>
      tpu.enqueue_dma source(%dma_start3A_237 : memref<1x512xf32, #tpu.memory_space<vmem_shared>>) target(%dma_start3A_235 : memref<1x512xf32, #tpu.memory_space<vmem>>) target_semaphore(%arg15 : memref<!tpu.dma_semaphore, #tpu.memory_space<semaphore_mem>>)
      %slice3A_238 = vector.extract_strided_slice %get3A_184 {offsets = [4], sizes = [1], strides = [1]} : vector<16xi32> to vector<1xi32>
      %squeeze3A_239 = vector.extract %slice3A_238[0] : i32 from vector<1xi32>
      %mul3A_240 = arith.constant 16 : i32
      %mul3A_241 = arith.muli %scan3A_179, %mul3A_240 : i32
      %add3A_242 = arith.constant 4 : i32
      %add3A_243 = arith.addi %mul3A_241, %add3A_242 : i32
      %dma_start3A_244 = arith.constant 0 : i32
      %dma_start3A_245 = tpu.memref_slice %arg11[%add3A_243, %dma_start3A_244] : memref<32x512xf32, #tpu.memory_space<vmem>> -> memref<1x512xf32, #tpu.memory_space<vmem>>
      %dma_start3A_246 = arith.constant 0 : i32
      %dma_start3A_247 = tpu.memref_slice %arg5[%squeeze3A_239, %dma_start3A_246] : memref<909x512xf32, #tpu.memory_space<vmem_shared>> -> memref<1x512xf32, #tpu.memory_space<vmem_shared>>
      %dma_start3A_248 = arith.constant 0 : i32
      %dma_start3A_249 = tpu.memref_slice %arg11[%add3A_243, %dma_start3A_248] : memref<32x512xf32, #tpu.memory_space<vmem>> -> memref<1x512xf32, #tpu.memory_space<vmem>>
      %dma_start3A_250 = arith.constant 0 : i32
      %dma_start3A_251 = tpu.memref_slice %arg5[%squeeze3A_239, %dma_start3A_250] : memref<909x512xf32, #tpu.memory_space<vmem_shared>> -> memref<1x512xf32, #tpu.memory_space<vmem_shared>>
      tpu.enqueue_dma source(%dma_start3A_251 : memref<1x512xf32, #tpu.memory_space<vmem_shared>>) target(%dma_start3A_249 : memref<1x512xf32, #tpu.memory_space<vmem>>) target_semaphore(%arg15 : memref<!tpu.dma_semaphore, #tpu.memory_space<semaphore_mem>>)
      %slice3A_252 = vector.extract_strided_slice %get3A_184 {offsets = [5], sizes = [1], strides = [1]} : vector<16xi32> to vector<1xi32>
      %squeeze3A_253 = vector.extract %slice3A_252[0] : i32 from vector<1xi32>
      %mul3A_254 = arith.constant 16 : i32
      %mul3A_255 = arith.muli %scan3A_179, %mul3A_254 : i32
      %add3A_256 = arith.constant 5 : i32
      %add3A_257 = arith.addi %mul3A_255, %add3A_256 : i32
      %dma_start3A_258 = arith.constant 0 : i32
      %dma_start3A_259 = tpu.memref_slice %arg11[%add3A_257, %dma_start3A_258] : memref<32x512xf32, #tpu.memory_space<vmem>> -> memref<1x512xf32, #tpu.memory_space<vmem>>
      %dma_start3A_260 = arith.constant 0 : i32
      %dma_start3A_261 = tpu.memref_slice %arg5[%squeeze3A_253, %dma_start3A_260] : memref<909x512xf32, #tpu.memory_space<vmem_shared>> -> memref<1x512xf32, #tpu.memory_space<vmem_shared>>
      %dma_start3A_262 = arith.constant 0 : i32
      %dma_start3A_263 = tpu.memref_slice %arg11[%add3A_257, %dma_start3A_262] : memref<32x512xf32, #tpu.memory_space<vmem>> -> memref<1x512xf32, #tpu.memory_space<vmem>>
      %dma_start3A_264 = arith.constant 0 : i32
      %dma_start3A_265 = tpu.memref_slice %arg5[%squeeze3A_253, %dma_start3A_264] : memref<909x512xf32, #tpu.memory_space<vmem_shared>> -> memref<1x512xf32, #tpu.memory_space<vmem_shared>>
      tpu.enqueue_dma source(%dma_start3A_265 : memref<1x512xf32, #tpu.memory_space<vmem_shared>>) target(%dma_start3A_263 : memref<1x512xf32, #tpu.memory_space<vmem>>) target_semaphore(%arg15 : memref<!tpu.dma_semaphore, #tpu.memory_space<semaphore_mem>>)
      %slice3A_266 = vector.extract_strided_slice %get3A_184 {offsets = [6], sizes = [1], strides = [1]} : vector<16xi32> to vector<1xi32>
      %squeeze3A_267 = vector.extract %slice3A_266[0] : i32 from vector<1xi32>
      %mul3A_268 = arith.constant 16 : i32
      %mul3A_269 = arith.muli %scan3A_179, %mul3A_268 : i32
      %add3A_270 = arith.constant 6 : i32
      %add3A_271 = arith.addi %mul3A_269, %add3A_270 : i32
      %dma_start3A_272 = arith.constant 0 : i32
      %dma_start3A_273 = tpu.memref_slice %arg11[%add3A_271, %dma_start3A_272] : memref<32x512xf32, #tpu.memory_space<vmem>> -> memref<1x512xf32, #tpu.memory_space<vmem>>
      %dma_start3A_274 = arith.constant 0 : i32
      %dma_start3A_275 = tpu.memref_slice %arg5[%squeeze3A_267, %dma_start3A_274] : memref<909x512xf32, #tpu.memory_space<vmem_shared>> -> memref<1x512xf32, #tpu.memory_space<vmem_shared>>
      %dma_start3A_276 = arith.constant 0 : i32
      %dma_start3A_277 = tpu.memref_slice %arg11[%add3A_271, %dma_start3A_276] : memref<32x512xf32, #tpu.memory_space<vmem>> -> memref<1x512xf32, #tpu.memory_space<vmem>>
      %dma_start3A_278 = arith.constant 0 : i32
      %dma_start3A_279 = tpu.memref_slice %arg5[%squeeze3A_267, %dma_start3A_278] : memref<909x512xf32, #tpu.memory_space<vmem_shared>> -> memref<1x512xf32, #tpu.memory_space<vmem_shared>>
      tpu.enqueue_dma source(%dma_start3A_279 : memref<1x512xf32, #tpu.memory_space<vmem_shared>>) target(%dma_start3A_277 : memref<1x512xf32, #tpu.memory_space<vmem>>) target_semaphore(%arg15 : memref<!tpu.dma_semaphore, #tpu.memory_space<semaphore_mem>>)
      %slice3A_280 = vector.extract_strided_slice %get3A_184 {offsets = [7], sizes = [1], strides = [1]} : vector<16xi32> to vector<1xi32>
      %squeeze3A_281 = vector.extract %slice3A_280[0] : i32 from vector<1xi32>
      %mul3A_282 = arith.constant 16 : i32
      %mul3A_283 = arith.muli %scan3A_179, %mul3A_282 : i32
      %add3A_284 = arith.constant 7 : i32
      %add3A_285 = arith.addi %mul3A_283, %add3A_284 : i32
      %dma_start3A_286 = arith.constant 0 : i32
      %dma_start3A_287 = tpu.memref_slice %arg11[%add3A_285, %dma_start3A_286] : memref<32x512xf32, #tpu.memory_space<vmem>> -> memref<1x512xf32, #tpu.memory_space<vmem>>
      %dma_start3A_288 = arith.constant 0 : i32
      %dma_start3A_289 = tpu.memref_slice %arg5[%squeeze3A_281, %dma_start3A_288] : memref<909x512xf32, #tpu.memory_space<vmem_shared>> -> memref<1x512xf32, #tpu.memory_space<vmem_shared>>
      %dma_start3A_290 = arith.constant 0 : i32
      %dma_start3A_291 = tpu.memref_slice %arg11[%add3A_285, %dma_start3A_290] : memref<32x512xf32, #tpu.memory_space<vmem>> -> memref<1x512xf32, #tpu.memory_space<vmem>>
      %dma_start3A_292 = arith.constant 0 : i32
      %dma_start3A_293 = tpu.memref_slice %arg5[%squeeze3A_281, %dma_start3A_292] : memref<909x512xf32, #tpu.memory_space<vmem_shared>> -> memref<1x512xf32, #tpu.memory_space<vmem_shared>>
      tpu.enqueue_dma source(%dma_start3A_293 : memref<1x512xf32, #tpu.memory_space<vmem_shared>>) target(%dma_start3A_291 : memref<1x512xf32, #tpu.memory_space<vmem>>) target_semaphore(%arg15 : memref<!tpu.dma_semaphore, #tpu.memory_space<semaphore_mem>>)
      %slice3A_294 = vector.extract_strided_slice %get3A_184 {offsets = [8], sizes = [1], strides = [1]} : vector<16xi32> to vector<1xi32>
      %squeeze3A_295 = vector.extract %slice3A_294[0] : i32 from vector<1xi32>
      %mul3A_296 = arith.constant 16 : i32
      %mul3A_297 = arith.muli %scan3A_179, %mul3A_296 : i32
      %add3A_298 = arith.constant 8 : i32
      %add3A_299 = arith.addi %mul3A_297, %add3A_298 : i32
      %dma_start3A_300 = arith.constant 0 : i32
      %dma_start3A_301 = tpu.memref_slice %arg11[%add3A_299, %dma_start3A_300] : memref<32x512xf32, #tpu.memory_space<vmem>> -> memref<1x512xf32, #tpu.memory_space<vmem>>
      %dma_start3A_302 = arith.constant 0 : i32
      %dma_start3A_303 = tpu.memref_slice %arg5[%squeeze3A_295, %dma_start3A_302] : memref<909x512xf32, #tpu.memory_space<vmem_shared>> -> memref<1x512xf32, #tpu.memory_space<vmem_shared>>
      %dma_start3A_304 = arith.constant 0 : i32
      %dma_start3A_305 = tpu.memref_slice %arg11[%add3A_299, %dma_start3A_304] : memref<32x512xf32, #tpu.memory_space<vmem>> -> memref<1x512xf32, #tpu.memory_space<vmem>>
      %dma_start3A_306 = arith.constant 0 : i32
      %dma_start3A_307 = tpu.memref_slice %arg5[%squeeze3A_295, %dma_start3A_306] : memref<909x512xf32, #tpu.memory_space<vmem_shared>> -> memref<1x512xf32, #tpu.memory_space<vmem_shared>>
      tpu.enqueue_dma source(%dma_start3A_307 : memref<1x512xf32, #tpu.memory_space<vmem_shared>>) target(%dma_start3A_305 : memref<1x512xf32, #tpu.memory_space<vmem>>) target_semaphore(%arg15 : memref<!tpu.dma_semaphore, #tpu.memory_space<semaphore_mem>>)
      %slice3A_308 = vector.extract_strided_slice %get3A_184 {offsets = [9], sizes = [1], strides = [1]} : vector<16xi32> to vector<1xi32>
      %squeeze3A_309 = vector.extract %slice3A_308[0] : i32 from vector<1xi32>
      %mul3A_310 = arith.constant 16 : i32
      %mul3A_311 = arith.muli %scan3A_179, %mul3A_310 : i32
      %add3A_312 = arith.constant 9 : i32
      %add3A_313 = arith.addi %mul3A_311, %add3A_312 : i32
      %dma_start3A_314 = arith.constant 0 : i32
      %dma_start3A_315 = tpu.memref_slice %arg11[%add3A_313, %dma_start3A_314] : memref<32x512xf32, #tpu.memory_space<vmem>> -> memref<1x512xf32, #tpu.memory_space<vmem>>
      %dma_start3A_316 = arith.constant 0 : i32
      %dma_start3A_317 = tpu.memref_slice %arg5[%squeeze3A_309, %dma_start3A_316] : memref<909x512xf32, #tpu.memory_space<vmem_shared>> -> memref<1x512xf32, #tpu.memory_space<vmem_shared>>
      %dma_start3A_318 = arith.constant 0 : i32
      %dma_start3A_319 = tpu.memref_slice %arg11[%add3A_313, %dma_start3A_318] : memref<32x512xf32, #tpu.memory_space<vmem>> -> memref<1x512xf32, #tpu.memory_space<vmem>>
      %dma_start3A_320 = arith.constant 0 : i32
      %dma_start3A_321 = tpu.memref_slice %arg5[%squeeze3A_309, %dma_start3A_320] : memref<909x512xf32, #tpu.memory_space<vmem_shared>> -> memref<1x512xf32, #tpu.memory_space<vmem_shared>>
      tpu.enqueue_dma source(%dma_start3A_321 : memref<1x512xf32, #tpu.memory_space<vmem_shared>>) target(%dma_start3A_319 : memref<1x512xf32, #tpu.memory_space<vmem>>) target_semaphore(%arg15 : memref<!tpu.dma_semaphore, #tpu.memory_space<semaphore_mem>>)
      %slice3A_322 = vector.extract_strided_slice %get3A_184 {offsets = [10], sizes = [1], strides = [1]} : vector<16xi32> to vector<1xi32>
      %squeeze3A_323 = vector.extract %slice3A_322[0] : i32 from vector<1xi32>
      %mul3A_324 = arith.constant 16 : i32
      %mul3A_325 = arith.muli %scan3A_179, %mul3A_324 : i32
      %add3A_326 = arith.constant 10 : i32
      %add3A_327 = arith.addi %mul3A_325, %add3A_326 : i32
      %dma_start3A_328 = arith.constant 0 : i32
      %dma_start3A_329 = tpu.memref_slice %arg11[%add3A_327, %dma_start3A_328] : memref<32x512xf32, #tpu.memory_space<vmem>> -> memref<1x512xf32, #tpu.memory_space<vmem>>
      %dma_start3A_330 = arith.constant 0 : i32
      %dma_start3A_331 = tpu.memref_slice %arg5[%squeeze3A_323, %dma_start3A_330] : memref<909x512xf32, #tpu.memory_space<vmem_shared>> -> memref<1x512xf32, #tpu.memory_space<vmem_shared>>
      %dma_start3A_332 = arith.constant 0 : i32
      %dma_start3A_333 = tpu.memref_slice %arg11[%add3A_327, %dma_start3A_332] : memref<32x512xf32, #tpu.memory_space<vmem>> -> memref<1x512xf32, #tpu.memory_space<vmem>>
      %dma_start3A_334 = arith.constant 0 : i32
      %dma_start3A_335 = tpu.memref_slice %arg5[%squeeze3A_323, %dma_start3A_334] : memref<909x512xf32, #tpu.memory_space<vmem_shared>> -> memref<1x512xf32, #tpu.memory_space<vmem_shared>>
      tpu.enqueue_dma source(%dma_start3A_335 : memref<1x512xf32, #tpu.memory_space<vmem_shared>>) target(%dma_start3A_333 : memref<1x512xf32, #tpu.memory_space<vmem>>) target_semaphore(%arg15 : memref<!tpu.dma_semaphore, #tpu.memory_space<semaphore_mem>>)
      %slice3A_336 = vector.extract_strided_slice %get3A_184 {offsets = [11], sizes = [1], strides = [1]} : vector<16xi32> to vector<1xi32>
      %squeeze3A_337 = vector.extract %slice3A_336[0] : i32 from vector<1xi32>
      %mul3A_338 = arith.constant 16 : i32
      %mul3A_339 = arith.muli %scan3A_179, %mul3A_338 : i32
      %add3A_340 = arith.constant 11 : i32
      %add3A_341 = arith.addi %mul3A_339, %add3A_340 : i32
      %dma_start3A_342 = arith.constant 0 : i32
      %dma_start3A_343 = tpu.memref_slice %arg11[%add3A_341, %dma_start3A_342] : memref<32x512xf32, #tpu.memory_space<vmem>> -> memref<1x512xf32, #tpu.memory_space<vmem>>
      %dma_start3A_344 = arith.constant 0 : i32
      %dma_start3A_345 = tpu.memref_slice %arg5[%squeeze3A_337, %dma_start3A_344] : memref<909x512xf32, #tpu.memory_space<vmem_shared>> -> memref<1x512xf32, #tpu.memory_space<vmem_shared>>
      %dma_start3A_346 = arith.constant 0 : i32
      %dma_start3A_347 = tpu.memref_slice %arg11[%add3A_341, %dma_start3A_346] : memref<32x512xf32, #tpu.memory_space<vmem>> -> memref<1x512xf32, #tpu.memory_space<vmem>>
      %dma_start3A_348 = arith.constant 0 : i32
      %dma_start3A_349 = tpu.memref_slice %arg5[%squeeze3A_337, %dma_start3A_348] : memref<909x512xf32, #tpu.memory_space<vmem_shared>> -> memref<1x512xf32, #tpu.memory_space<vmem_shared>>
      tpu.enqueue_dma source(%dma_start3A_349 : memref<1x512xf32, #tpu.memory_space<vmem_shared>>) target(%dma_start3A_347 : memref<1x512xf32, #tpu.memory_space<vmem>>) target_semaphore(%arg15 : memref<!tpu.dma_semaphore, #tpu.memory_space<semaphore_mem>>)
      %slice3A_350 = vector.extract_strided_slice %get3A_184 {offsets = [12], sizes = [1], strides = [1]} : vector<16xi32> to vector<1xi32>
      %squeeze3A_351 = vector.extract %slice3A_350[0] : i32 from vector<1xi32>
      %mul3A_352 = arith.constant 16 : i32
      %mul3A_353 = arith.muli %scan3A_179, %mul3A_352 : i32
      %add3A_354 = arith.constant 12 : i32
      %add3A_355 = arith.addi %mul3A_353, %add3A_354 : i32
      %dma_start3A_356 = arith.constant 0 : i32
      %dma_start3A_357 = tpu.memref_slice %arg11[%add3A_355, %dma_start3A_356] : memref<32x512xf32, #tpu.memory_space<vmem>> -> memref<1x512xf32, #tpu.memory_space<vmem>>
      %dma_start3A_358 = arith.constant 0 : i32
      %dma_start3A_359 = tpu.memref_slice %arg5[%squeeze3A_351, %dma_start3A_358] : memref<909x512xf32, #tpu.memory_space<vmem_shared>> -> memref<1x512xf32, #tpu.memory_space<vmem_shared>>
      %dma_start3A_360 = arith.constant 0 : i32
      %dma_start3A_361 = tpu.memref_slice %arg11[%add3A_355, %dma_start3A_360] : memref<32x512xf32, #tpu.memory_space<vmem>> -> memref<1x512xf32, #tpu.memory_space<vmem>>
      %dma_start3A_362 = arith.constant 0 : i32
      %dma_start3A_363 = tpu.memref_slice %arg5[%squeeze3A_351, %dma_start3A_362] : memref<909x512xf32, #tpu.memory_space<vmem_shared>> -> memref<1x512xf32, #tpu.memory_space<vmem_shared>>
      tpu.enqueue_dma source(%dma_start3A_363 : memref<1x512xf32, #tpu.memory_space<vmem_shared>>) target(%dma_start3A_361 : memref<1x512xf32, #tpu.memory_space<vmem>>) target_semaphore(%arg15 : memref<!tpu.dma_semaphore, #tpu.memory_space<semaphore_mem>>)
      %slice3A_364 = vector.extract_strided_slice %get3A_184 {offsets = [13], sizes = [1], strides = [1]} : vector<16xi32> to vector<1xi32>
      %squeeze3A_365 = vector.extract %slice3A_364[0] : i32 from vector<1xi32>
      %mul3A_366 = arith.constant 16 : i32
      %mul3A_367 = arith.muli %scan3A_179, %mul3A_366 : i32
      %add3A_368 = arith.constant 13 : i32
      %add3A_369 = arith.addi %mul3A_367, %add3A_368 : i32
      %dma_start3A_370 = arith.constant 0 : i32
      %dma_start3A_371 = tpu.memref_slice %arg11[%add3A_369, %dma_start3A_370] : memref<32x512xf32, #tpu.memory_space<vmem>> -> memref<1x512xf32, #tpu.memory_space<vmem>>
      %dma_start3A_372 = arith.constant 0 : i32
      %dma_start3A_373 = tpu.memref_slice %arg5[%squeeze3A_365, %dma_start3A_372] : memref<909x512xf32, #tpu.memory_space<vmem_shared>> -> memref<1x512xf32, #tpu.memory_space<vmem_shared>>
      %dma_start3A_374 = arith.constant 0 : i32
      %dma_start3A_375 = tpu.memref_slice %arg11[%add3A_369, %dma_start3A_374] : memref<32x512xf32, #tpu.memory_space<vmem>> -> memref<1x512xf32, #tpu.memory_space<vmem>>
      %dma_start3A_376 = arith.constant 0 : i32
      %dma_start3A_377 = tpu.memref_slice %arg5[%squeeze3A_365, %dma_start3A_376] : memref<909x512xf32, #tpu.memory_space<vmem_shared>> -> memref<1x512xf32, #tpu.memory_space<vmem_shared>>
      tpu.enqueue_dma source(%dma_start3A_377 : memref<1x512xf32, #tpu.memory_space<vmem_shared>>) target(%dma_start3A_375 : memref<1x512xf32, #tpu.memory_space<vmem>>) target_semaphore(%arg15 : memref<!tpu.dma_semaphore, #tpu.memory_space<semaphore_mem>>)
      %slice3A_378 = vector.extract_strided_slice %get3A_184 {offsets = [14], sizes = [1], strides = [1]} : vector<16xi32> to vector<1xi32>
      %squeeze3A_379 = vector.extract %slice3A_378[0] : i32 from vector<1xi32>
      %mul3A_380 = arith.constant 16 : i32
      %mul3A_381 = arith.muli %scan3A_179, %mul3A_380 : i32
      %add3A_382 = arith.constant 14 : i32
      %add3A_383 = arith.addi %mul3A_381, %add3A_382 : i32
      %dma_start3A_384 = arith.constant 0 : i32
      %dma_start3A_385 = tpu.memref_slice %arg11[%add3A_383, %dma_start3A_384] : memref<32x512xf32, #tpu.memory_space<vmem>> -> memref<1x512xf32, #tpu.memory_space<vmem>>
      %dma_start3A_386 = arith.constant 0 : i32
      %dma_start3A_387 = tpu.memref_slice %arg5[%squeeze3A_379, %dma_start3A_386] : memref<909x512xf32, #tpu.memory_space<vmem_shared>> -> memref<1x512xf32, #tpu.memory_space<vmem_shared>>
      %dma_start3A_388 = arith.constant 0 : i32
      %dma_start3A_389 = tpu.memref_slice %arg11[%add3A_383, %dma_start3A_388] : memref<32x512xf32, #tpu.memory_space<vmem>> -> memref<1x512xf32, #tpu.memory_space<vmem>>
      %dma_start3A_390 = arith.constant 0 : i32
      %dma_start3A_391 = tpu.memref_slice %arg5[%squeeze3A_379, %dma_start3A_390] : memref<909x512xf32, #tpu.memory_space<vmem_shared>> -> memref<1x512xf32, #tpu.memory_space<vmem_shared>>
      tpu.enqueue_dma source(%dma_start3A_391 : memref<1x512xf32, #tpu.memory_space<vmem_shared>>) target(%dma_start3A_389 : memref<1x512xf32, #tpu.memory_space<vmem>>) target_semaphore(%arg15 : memref<!tpu.dma_semaphore, #tpu.memory_space<semaphore_mem>>)
      %slice3A_392 = vector.extract_strided_slice %get3A_184 {offsets = [15], sizes = [1], strides = [1]} : vector<16xi32> to vector<1xi32>
      %squeeze3A_393 = vector.extract %slice3A_392[0] : i32 from vector<1xi32>
      %mul3A_394 = arith.constant 16 : i32
      %mul3A_395 = arith.muli %scan3A_179, %mul3A_394 : i32
      %add3A_396 = arith.constant 15 : i32
      %add3A_397 = arith.addi %mul3A_395, %add3A_396 : i32
      %dma_start3A_398 = arith.constant 0 : i32
      %dma_start3A_399 = tpu.memref_slice %arg11[%add3A_397, %dma_start3A_398] : memref<32x512xf32, #tpu.memory_space<vmem>> -> memref<1x512xf32, #tpu.memory_space<vmem>>
      %dma_start3A_400 = arith.constant 0 : i32
      %dma_start3A_401 = tpu.memref_slice %arg5[%squeeze3A_393, %dma_start3A_400] : memref<909x512xf32, #tpu.memory_space<vmem_shared>> -> memref<1x512xf32, #tpu.memory_space<vmem_shared>>
      %dma_start3A_402 = arith.constant 0 : i32
      %dma_start3A_403 = tpu.memref_slice %arg11[%add3A_397, %dma_start3A_402] : memref<32x512xf32, #tpu.memory_space<vmem>> -> memref<1x512xf32, #tpu.memory_space<vmem>>
      %dma_start3A_404 = arith.constant 0 : i32
      %dma_start3A_405 = tpu.memref_slice %arg5[%squeeze3A_393, %dma_start3A_404] : memref<909x512xf32, #tpu.memory_space<vmem_shared>> -> memref<1x512xf32, #tpu.memory_space<vmem_shared>>
      tpu.enqueue_dma source(%dma_start3A_405 : memref<1x512xf32, #tpu.memory_space<vmem_shared>>) target(%dma_start3A_403 : memref<1x512xf32, #tpu.memory_space<vmem>>) target_semaphore(%arg15 : memref<!tpu.dma_semaphore, #tpu.memory_space<semaphore_mem>>)
    }
    %scan3A_73 = arith.constant 2 : i32
    %mul3A_74 = arith.constant 1 : i32
    %mul3A_75 = arith.constant 32 : i32
    %mul3A_76 = arith.muli %mul3A_74, %mul3A_75 : i32
    %add3A_77 = arith.constant 0 : i32
    %add3A_78 = arith.addi %mul3A_76, %add3A_77 : i32
    %get3A_79 = arith.index_cast %add3A_78 : i32 to index
    %get3A_80 = tpu.vector_load %arg6[%get3A_79] {strides = array<i32>} : memref<4608xf32, #tpu.memory_space<vmem>>, vector<16xf32>,
    %get3A_81 = vector.shape_cast %get3A_80 : vector<16xf32> to vector<16xf32>
    %max3A_82 = arith.constant 0.000000e+00 : f32
    %max3A_83 = vector.broadcast %max3A_82 : f32 to vector<16xf32>
    %max3A_84 = arith.maximumf %get3A_81, %max3A_83 : vector<16xf32>
    %min3A_85 = arith.constant 1.000000e+02 : f32
    %min3A_86 = vector.broadcast %min3A_85 : f32 to vector<16xf32>
    %min3A_87 = arith.minimumf %max3A_84, %min3A_86 : vector<16xf32>
    %add3A_88 = arith.constant 0x4B000000 : f32
    %add3A_89 = vector.broadcast %add3A_88 : f32 to vector<16xf32>
    %add3A_90 = arith.addf %min3A_87, %add3A_89 : vector<16xf32>
    %sub3A_91 = arith.constant 0x4B000000 : f32
    %sub3A_92 = vector.broadcast %sub3A_91 : f32 to vector<16xf32>
    %sub3A_93 = arith.subf %add3A_90, %sub3A_92 : vector<16xf32>
    %add3A_94 = arith.addi %mul3A_2, %add3A_78 : i32
    %add3A_95 = vector.broadcast %add3A_94 : i32 to vector<16xi32>
    %add3A_96 = arith.addi %add3A_95, %iota3A : vector<16xi32>
    %rem3A_97 = arith.constant 9 : i32
    %rem3A_98 = vector.broadcast %rem3A_97 : i32 to vector<16xi32>
    %rem3A_99 = arith.remsi %add3A_96, %rem3A_98 : vector<16xi32>
    %mul3A_100 = arith.constant 101 : i32
    %mul3A_101 = vector.broadcast %mul3A_100 : i32 to vector<16xi32>
    %mul3A_102 = arith.muli %rem3A_99, %mul3A_101 : vector<16xi32>
    %convert_element_type3A_103 = arith.fptosi %sub3A_93 : vector<16xf32> to vector<16xi32>
    %add3A_104 = arith.addi %mul3A_102, %convert_element_type3A_103 : vector<16xi32>
    %swap3A_105 = arith.constant 0 : index
    %swap3A_106 = tpu.vector_load %arg8[%swap3A_105] {strides = array<i32>} : memref<32xi32, #tpu.memory_space<vmem>>, vector<16xi32>,
    %swap3A_107 = vector.shape_cast %swap3A_106 : vector<16xi32> to vector<16xi32>
    %swap3A_108 = vector.shape_cast %add3A_104 : vector<16xi32> to vector<16xi32>
    tpu.vector_store %arg8[%swap3A_105], %swap3A_108 {strides = array<i32>} : memref<32xi32, #tpu.memory_space<vmem>>, vector<16xi32>,
    %mul3A_109 = arith.constant 1 : i32
    %mul3A_110 = arith.constant 32 : i32
    %mul3A_111 = arith.muli %mul3A_109, %mul3A_110 : i32
    %add3A_112 = arith.constant 16 : i32
    %add3A_113 = arith.addi %mul3A_111, %add3A_112 : i32
    %get3A_114 = arith.index_cast %add3A_113 : i32 to index
    %get3A_115 = tpu.vector_load %arg6[%get3A_114] {strides = array<i32>} : memref<4608xf32, #tpu.memory_space<vmem>>, vector<16xf32>,
    %get3A_116 = vector.shape_cast %get3A_115 : vector<16xf32> to vector<16xf32>
    %max3A_117 = arith.constant 0.000000e+00 : f32
    %max3A_118 = vector.broadcast %max3A_117 : f32 to vector<16xf32>
    %max3A_119 = arith.maximumf %get3A_116, %max3A_118 : vector<16xf32>
    %min3A_120 = arith.constant 1.000000e+02 : f32
    %min3A_121 = vector.broadcast %min3A_120 : f32 to vector<16xf32>
    %min3A_122 = arith.minimumf %max3A_119, %min3A_121 : vector<16xf32>
    %add3A_123 = arith.constant 0x4B000000 : f32
    %add3A_124 = vector.broadcast %add3A_123 : f32 to vector<16xf32>
    %add3A_125 = arith.addf %min3A_122, %add3A_124 : vector<16xf32>
    %sub3A_126 = arith.constant 0x4B000000 : f32
    %sub3A_127 = vector.broadcast %sub3A_126 : f32 to vector<16xf32>
    %sub3A_128 = arith.subf %add3A_125, %sub3A_127 : vector<16xf32>
    %add3A_129 = arith.addi %mul3A_2, %add3A_113 : i32
    %add3A_130 = vector.broadcast %add3A_129 : i32 to vector<16xi32>
    %add3A_131 = arith.addi %add3A_130, %iota3A : vector<16xi32>
    %rem3A_132 = arith.constant 9 : i32
    %rem3A_133 = vector.broadcast %rem3A_132 : i32 to vector<16xi32>
    %rem3A_134 = arith.remsi %add3A_131, %rem3A_133 : vector<16xi32>
    %mul3A_135 = arith.constant 101 : i32
    %mul3A_136 = vector.broadcast %mul3A_135 : i32 to vector<16xi32>
    %mul3A_137 = arith.muli %rem3A_134, %mul3A_136 : vector<16xi32>
    %convert_element_type3A_138 = arith.fptosi %sub3A_128 : vector<16xf32> to vector<16xi32>
    %add3A_139 = arith.addi %mul3A_137, %convert_element_type3A_138 : vector<16xi32>
    %swap3A_140 = arith.constant 16 : index
    %swap3A_141 = tpu.vector_load %arg8[%swap3A_140] {strides = array<i32>} : memref<32xi32, #tpu.memory_space<vmem>>, vector<16xi32>,
    %swap3A_142 = vector.shape_cast %swap3A_141 : vector<16xi32> to vector<16xi32>
    %swap3A_143 = vector.shape_cast %add3A_139 : vector<16xi32> to vector<16xi32>
    tpu.vector_store %arg8[%swap3A_140], %swap3A_143 {strides = array<i32>} : memref<32xi32, #tpu.memory_space<vmem>>, vector<16xi32>,
    %scan3A_144 = arith.constant 0 : i32
    %scan3A_145 = arith.constant 0 : i32
    %scan3A_146 = arith.constant 2 : i32
    %scan3A_147 = arith.addi %scan3A_145, %scan3A_146 : i32
    %scan3A_148 = arith.constant 1 : i32
    scf.for %scan3A_179 = %scan3A_145 to %scan3A_147 step %scan3A_148  : i32 {
      %mul3A_180 = arith.constant 16 : i32
      %mul3A_181 = arith.muli %scan3A_179, %mul3A_180 : i32
      %get3A_182 = arith.index_cast %mul3A_181 : i32 to index
      %get3A_183 = tpu.vector_load %arg8[%get3A_182] {strides = array<i32>} : memref<32xi32, #tpu.memory_space<vmem>>, vector<16xi32>,
      %get3A_184 = vector.shape_cast %get3A_183 : vector<16xi32> to vector<16xi32>
      %slice3A = vector.extract_strided_slice %get3A_184 {offsets = [0], sizes = [1], strides = [1]} : vector<16xi32> to vector<1xi32>
      %squeeze3A = vector.extract %slice3A[0] : i32 from vector<1xi32>
      %mul3A_185 = arith.constant 16 : i32
      %mul3A_186 = arith.muli %scan3A_179, %mul3A_185 : i32
      %add3A_187 = arith.constant 0 : i32
      %add3A_188 = arith.addi %mul3A_186, %add3A_187 : i32
      %dma_start3A = arith.constant 0 : i32
      %dma_start3A_189 = tpu.memref_slice %arg12[%add3A_188, %dma_start3A] : memref<32x512xf32, #tpu.memory_space<vmem>> -> memref<1x512xf32, #tpu.memory_space<vmem>>
      %dma_start3A_190 = arith.constant 0 : i32
      %dma_start3A_191 = tpu.memref_slice %arg5[%squeeze3A, %dma_start3A_190] : memref<909x512xf32, #tpu.memory_space<vmem_shared>> -> memref<1x512xf32, #tpu.memory_space<vmem_shared>>
      %dma_start3A_192 = arith.constant 0 : i32
      %dma_start3A_193 = tpu.memref_slice %arg12[%add3A_188, %dma_start3A_192] : memref<32x512xf32, #tpu.memory_space<vmem>> -> memref<1x512xf32, #tpu.memory_space<vmem>>
      %dma_start3A_194 = arith.constant 0 : i32
      %dma_start3A_195 = tpu.memref_slice %arg5[%squeeze3A, %dma_start3A_194] : memref<909x512xf32, #tpu.memory_space<vmem_shared>> -> memref<1x512xf32, #tpu.memory_space<vmem_shared>>
      tpu.enqueue_dma source(%dma_start3A_195 : memref<1x512xf32, #tpu.memory_space<vmem_shared>>) target(%dma_start3A_193 : memref<1x512xf32, #tpu.memory_space<vmem>>) target_semaphore(%arg16 : memref<!tpu.dma_semaphore, #tpu.memory_space<semaphore_mem>>)
      %slice3A_196 = vector.extract_strided_slice %get3A_184 {offsets = [1], sizes = [1], strides = [1]} : vector<16xi32> to vector<1xi32>
      %squeeze3A_197 = vector.extract %slice3A_196[0] : i32 from vector<1xi32>
      %mul3A_198 = arith.constant 16 : i32
      %mul3A_199 = arith.muli %scan3A_179, %mul3A_198 : i32
      %add3A_200 = arith.constant 1 : i32
      %add3A_201 = arith.addi %mul3A_199, %add3A_200 : i32
      %dma_start3A_202 = arith.constant 0 : i32
      %dma_start3A_203 = tpu.memref_slice %arg12[%add3A_201, %dma_start3A_202] : memref<32x512xf32, #tpu.memory_space<vmem>> -> memref<1x512xf32, #tpu.memory_space<vmem>>
      %dma_start3A_204 = arith.constant 0 : i32
      %dma_start3A_205 = tpu.memref_slice %arg5[%squeeze3A_197, %dma_start3A_204] : memref<909x512xf32, #tpu.memory_space<vmem_shared>> -> memref<1x512xf32, #tpu.memory_space<vmem_shared>>
      %dma_start3A_206 = arith.constant 0 : i32
      %dma_start3A_207 = tpu.memref_slice %arg12[%add3A_201, %dma_start3A_206] : memref<32x512xf32, #tpu.memory_space<vmem>> -> memref<1x512xf32, #tpu.memory_space<vmem>>
      %dma_start3A_208 = arith.constant 0 : i32
      %dma_start3A_209 = tpu.memref_slice %arg5[%squeeze3A_197, %dma_start3A_208] : memref<909x512xf32, #tpu.memory_space<vmem_shared>> -> memref<1x512xf32, #tpu.memory_space<vmem_shared>>
      tpu.enqueue_dma source(%dma_start3A_209 : memref<1x512xf32, #tpu.memory_space<vmem_shared>>) target(%dma_start3A_207 : memref<1x512xf32, #tpu.memory_space<vmem>>) target_semaphore(%arg16 : memref<!tpu.dma_semaphore, #tpu.memory_space<semaphore_mem>>)
      %slice3A_210 = vector.extract_strided_slice %get3A_184 {offsets = [2], sizes = [1], strides = [1]} : vector<16xi32> to vector<1xi32>
      %squeeze3A_211 = vector.extract %slice3A_210[0] : i32 from vector<1xi32>
      %mul3A_212 = arith.constant 16 : i32
      %mul3A_213 = arith.muli %scan3A_179, %mul3A_212 : i32
      %add3A_214 = arith.constant 2 : i32
      %add3A_215 = arith.addi %mul3A_213, %add3A_214 : i32
      %dma_start3A_216 = arith.constant 0 : i32
      %dma_start3A_217 = tpu.memref_slice %arg12[%add3A_215, %dma_start3A_216] : memref<32x512xf32, #tpu.memory_space<vmem>> -> memref<1x512xf32, #tpu.memory_space<vmem>>
      %dma_start3A_218 = arith.constant 0 : i32
      %dma_start3A_219 = tpu.memref_slice %arg5[%squeeze3A_211, %dma_start3A_218] : memref<909x512xf32, #tpu.memory_space<vmem_shared>> -> memref<1x512xf32, #tpu.memory_space<vmem_shared>>
      %dma_start3A_220 = arith.constant 0 : i32
      %dma_start3A_221 = tpu.memref_slice %arg12[%add3A_215, %dma_start3A_220] : memref<32x512xf32, #tpu.memory_space<vmem>> -> memref<1x512xf32, #tpu.memory_space<vmem>>
      %dma_start3A_222 = arith.constant 0 : i32
      %dma_start3A_223 = tpu.memref_slice %arg5[%squeeze3A_211, %dma_start3A_222] : memref<909x512xf32, #tpu.memory_space<vmem_shared>> -> memref<1x512xf32, #tpu.memory_space<vmem_shared>>
      tpu.enqueue_dma source(%dma_start3A_223 : memref<1x512xf32, #tpu.memory_space<vmem_shared>>) target(%dma_start3A_221 : memref<1x512xf32, #tpu.memory_space<vmem>>) target_semaphore(%arg16 : memref<!tpu.dma_semaphore, #tpu.memory_space<semaphore_mem>>)
      %slice3A_224 = vector.extract_strided_slice %get3A_184 {offsets = [3], sizes = [1], strides = [1]} : vector<16xi32> to vector<1xi32>
      %squeeze3A_225 = vector.extract %slice3A_224[0] : i32 from vector<1xi32>
      %mul3A_226 = arith.constant 16 : i32
      %mul3A_227 = arith.muli %scan3A_179, %mul3A_226 : i32
      %add3A_228 = arith.constant 3 : i32
      %add3A_229 = arith.addi %mul3A_227, %add3A_228 : i32
      %dma_start3A_230 = arith.constant 0 : i32
      %dma_start3A_231 = tpu.memref_slice %arg12[%add3A_229, %dma_start3A_230] : memref<32x512xf32, #tpu.memory_space<vmem>> -> memref<1x512xf32, #tpu.memory_space<vmem>>
      %dma_start3A_232 = arith.constant 0 : i32
      %dma_start3A_233 = tpu.memref_slice %arg5[%squeeze3A_225, %dma_start3A_232] : memref<909x512xf32, #tpu.memory_space<vmem_shared>> -> memref<1x512xf32, #tpu.memory_space<vmem_shared>>
      %dma_start3A_234 = arith.constant 0 : i32
      %dma_start3A_235 = tpu.memref_slice %arg12[%add3A_229, %dma_start3A_234] : memref<32x512xf32, #tpu.memory_space<vmem>> -> memref<1x512xf32, #tpu.memory_space<vmem>>
      %dma_start3A_236 = arith.constant 0 : i32
      %dma_start3A_237 = tpu.memref_slice %arg5[%squeeze3A_225, %dma_start3A_236] : memref<909x512xf32, #tpu.memory_space<vmem_shared>> -> memref<1x512xf32, #tpu.memory_space<vmem_shared>>
      tpu.enqueue_dma source(%dma_start3A_237 : memref<1x512xf32, #tpu.memory_space<vmem_shared>>) target(%dma_start3A_235 : memref<1x512xf32, #tpu.memory_space<vmem>>) target_semaphore(%arg16 : memref<!tpu.dma_semaphore, #tpu.memory_space<semaphore_mem>>)
      %slice3A_238 = vector.extract_strided_slice %get3A_184 {offsets = [4], sizes = [1], strides = [1]} : vector<16xi32> to vector<1xi32>
      %squeeze3A_239 = vector.extract %slice3A_238[0] : i32 from vector<1xi32>
      %mul3A_240 = arith.constant 16 : i32
      %mul3A_241 = arith.muli %scan3A_179, %mul3A_240 : i32
      %add3A_242 = arith.constant 4 : i32
      %add3A_243 = arith.addi %mul3A_241, %add3A_242 : i32
      %dma_start3A_244 = arith.constant 0 : i32
      %dma_start3A_245 = tpu.memref_slice %arg12[%add3A_243, %dma_start3A_244] : memref<32x512xf32, #tpu.memory_space<vmem>> -> memref<1x512xf32, #tpu.memory_space<vmem>>
      %dma_start3A_246 = arith.constant 0 : i32
      %dma_start3A_247 = tpu.memref_slice %arg5[%squeeze3A_239, %dma_start3A_246] : memref<909x512xf32, #tpu.memory_space<vmem_shared>> -> memref<1x512xf32, #tpu.memory_space<vmem_shared>>
      %dma_start3A_248 = arith.constant 0 : i32
      %dma_start3A_249 = tpu.memref_slice %arg12[%add3A_243, %dma_start3A_248] : memref<32x512xf32, #tpu.memory_space<vmem>> -> memref<1x512xf32, #tpu.memory_space<vmem>>
      %dma_start3A_250 = arith.constant 0 : i32
      %dma_start3A_251 = tpu.memref_slice %arg5[%squeeze3A_239, %dma_start3A_250] : memref<909x512xf32, #tpu.memory_space<vmem_shared>> -> memref<1x512xf32, #tpu.memory_space<vmem_shared>>
      tpu.enqueue_dma source(%dma_start3A_251 : memref<1x512xf32, #tpu.memory_space<vmem_shared>>) target(%dma_start3A_249 : memref<1x512xf32, #tpu.memory_space<vmem>>) target_semaphore(%arg16 : memref<!tpu.dma_semaphore, #tpu.memory_space<semaphore_mem>>)
      %slice3A_252 = vector.extract_strided_slice %get3A_184 {offsets = [5], sizes = [1], strides = [1]} : vector<16xi32> to vector<1xi32>
      %squeeze3A_253 = vector.extract %slice3A_252[0] : i32 from vector<1xi32>
      %mul3A_254 = arith.constant 16 : i32
      %mul3A_255 = arith.muli %scan3A_179, %mul3A_254 : i32
      %add3A_256 = arith.constant 5 : i32
      %add3A_257 = arith.addi %mul3A_255, %add3A_256 : i32
      %dma_start3A_258 = arith.constant 0 : i32
      %dma_start3A_259 = tpu.memref_slice %arg12[%add3A_257, %dma_start3A_258] : memref<32x512xf32, #tpu.memory_space<vmem>> -> memref<1x512xf32, #tpu.memory_space<vmem>>
      %dma_start3A_260 = arith.constant 0 : i32
      %dma_start3A_261 = tpu.memref_slice %arg5[%squeeze3A_253, %dma_start3A_260] : memref<909x512xf32, #tpu.memory_space<vmem_shared>> -> memref<1x512xf32, #tpu.memory_space<vmem_shared>>
      %dma_start3A_262 = arith.constant 0 : i32
      %dma_start3A_263 = tpu.memref_slice %arg12[%add3A_257, %dma_start3A_262] : memref<32x512xf32, #tpu.memory_space<vmem>> -> memref<1x512xf32, #tpu.memory_space<vmem>>
      %dma_start3A_264 = arith.constant 0 : i32
      %dma_start3A_265 = tpu.memref_slice %arg5[%squeeze3A_253, %dma_start3A_264] : memref<909x512xf32, #tpu.memory_space<vmem_shared>> -> memref<1x512xf32, #tpu.memory_space<vmem_shared>>
      tpu.enqueue_dma source(%dma_start3A_265 : memref<1x512xf32, #tpu.memory_space<vmem_shared>>) target(%dma_start3A_263 : memref<1x512xf32, #tpu.memory_space<vmem>>) target_semaphore(%arg16 : memref<!tpu.dma_semaphore, #tpu.memory_space<semaphore_mem>>)
      %slice3A_266 = vector.extract_strided_slice %get3A_184 {offsets = [6], sizes = [1], strides = [1]} : vector<16xi32> to vector<1xi32>
      %squeeze3A_267 = vector.extract %slice3A_266[0] : i32 from vector<1xi32>
      %mul3A_268 = arith.constant 16 : i32
      %mul3A_269 = arith.muli %scan3A_179, %mul3A_268 : i32
      %add3A_270 = arith.constant 6 : i32
      %add3A_271 = arith.addi %mul3A_269, %add3A_270 : i32
      %dma_start3A_272 = arith.constant 0 : i32
      %dma_start3A_273 = tpu.memref_slice %arg12[%add3A_271, %dma_start3A_272] : memref<32x512xf32, #tpu.memory_space<vmem>> -> memref<1x512xf32, #tpu.memory_space<vmem>>
      %dma_start3A_274 = arith.constant 0 : i32
      %dma_start3A_275 = tpu.memref_slice %arg5[%squeeze3A_267, %dma_start3A_274] : memref<909x512xf32, #tpu.memory_space<vmem_shared>> -> memref<1x512xf32, #tpu.memory_space<vmem_shared>>
      %dma_start3A_276 = arith.constant 0 : i32
      %dma_start3A_277 = tpu.memref_slice %arg12[%add3A_271, %dma_start3A_276] : memref<32x512xf32, #tpu.memory_space<vmem>> -> memref<1x512xf32, #tpu.memory_space<vmem>>
      %dma_start3A_278 = arith.constant 0 : i32
      %dma_start3A_279 = tpu.memref_slice %arg5[%squeeze3A_267, %dma_start3A_278] : memref<909x512xf32, #tpu.memory_space<vmem_shared>> -> memref<1x512xf32, #tpu.memory_space<vmem_shared>>
      tpu.enqueue_dma source(%dma_start3A_279 : memref<1x512xf32, #tpu.memory_space<vmem_shared>>) target(%dma_start3A_277 : memref<1x512xf32, #tpu.memory_space<vmem>>) target_semaphore(%arg16 : memref<!tpu.dma_semaphore, #tpu.memory_space<semaphore_mem>>)
      %slice3A_280 = vector.extract_strided_slice %get3A_184 {offsets = [7], sizes = [1], strides = [1]} : vector<16xi32> to vector<1xi32>
      %squeeze3A_281 = vector.extract %slice3A_280[0] : i32 from vector<1xi32>
      %mul3A_282 = arith.constant 16 : i32
      %mul3A_283 = arith.muli %scan3A_179, %mul3A_282 : i32
      %add3A_284 = arith.constant 7 : i32
      %add3A_285 = arith.addi %mul3A_283, %add3A_284 : i32
      %dma_start3A_286 = arith.constant 0 : i32
      %dma_start3A_287 = tpu.memref_slice %arg12[%add3A_285, %dma_start3A_286] : memref<32x512xf32, #tpu.memory_space<vmem>> -> memref<1x512xf32, #tpu.memory_space<vmem>>
      %dma_start3A_288 = arith.constant 0 : i32
      %dma_start3A_289 = tpu.memref_slice %arg5[%squeeze3A_281, %dma_start3A_288] : memref<909x512xf32, #tpu.memory_space<vmem_shared>> -> memref<1x512xf32, #tpu.memory_space<vmem_shared>>
      %dma_start3A_290 = arith.constant 0 : i32
      %dma_start3A_291 = tpu.memref_slice %arg12[%add3A_285, %dma_start3A_290] : memref<32x512xf32, #tpu.memory_space<vmem>> -> memref<1x512xf32, #tpu.memory_space<vmem>>
      %dma_start3A_292 = arith.constant 0 : i32
      %dma_start3A_293 = tpu.memref_slice %arg5[%squeeze3A_281, %dma_start3A_292] : memref<909x512xf32, #tpu.memory_space<vmem_shared>> -> memref<1x512xf32, #tpu.memory_space<vmem_shared>>
      tpu.enqueue_dma source(%dma_start3A_293 : memref<1x512xf32, #tpu.memory_space<vmem_shared>>) target(%dma_start3A_291 : memref<1x512xf32, #tpu.memory_space<vmem>>) target_semaphore(%arg16 : memref<!tpu.dma_semaphore, #tpu.memory_space<semaphore_mem>>)
      %slice3A_294 = vector.extract_strided_slice %get3A_184 {offsets = [8], sizes = [1], strides = [1]} : vector<16xi32> to vector<1xi32>
      %squeeze3A_295 = vector.extract %slice3A_294[0] : i32 from vector<1xi32>
      %mul3A_296 = arith.constant 16 : i32
      %mul3A_297 = arith.muli %scan3A_179, %mul3A_296 : i32
      %add3A_298 = arith.constant 8 : i32
      %add3A_299 = arith.addi %mul3A_297, %add3A_298 : i32
      %dma_start3A_300 = arith.constant 0 : i32
      %dma_start3A_301 = tpu.memref_slice %arg12[%add3A_299, %dma_start3A_300] : memref<32x512xf32, #tpu.memory_space<vmem>> -> memref<1x512xf32, #tpu.memory_space<vmem>>
      %dma_start3A_302 = arith.constant 0 : i32
      %dma_start3A_303 = tpu.memref_slice %arg5[%squeeze3A_295, %dma_start3A_302] : memref<909x512xf32, #tpu.memory_space<vmem_shared>> -> memref<1x512xf32, #tpu.memory_space<vmem_shared>>
      %dma_start3A_304 = arith.constant 0 : i32
      %dma_start3A_305 = tpu.memref_slice %arg12[%add3A_299, %dma_start3A_304] : memref<32x512xf32, #tpu.memory_space<vmem>> -> memref<1x512xf32, #tpu.memory_space<vmem>>
      %dma_start3A_306 = arith.constant 0 : i32
      %dma_start3A_307 = tpu.memref_slice %arg5[%squeeze3A_295, %dma_start3A_306] : memref<909x512xf32, #tpu.memory_space<vmem_shared>> -> memref<1x512xf32, #tpu.memory_space<vmem_shared>>
      tpu.enqueue_dma source(%dma_start3A_307 : memref<1x512xf32, #tpu.memory_space<vmem_shared>>) target(%dma_start3A_305 : memref<1x512xf32, #tpu.memory_space<vmem>>) target_semaphore(%arg16 : memref<!tpu.dma_semaphore, #tpu.memory_space<semaphore_mem>>)
      %slice3A_308 = vector.extract_strided_slice %get3A_184 {offsets = [9], sizes = [1], strides = [1]} : vector<16xi32> to vector<1xi32>
      %squeeze3A_309 = vector.extract %slice3A_308[0] : i32 from vector<1xi32>
      %mul3A_310 = arith.constant 16 : i32
      %mul3A_311 = arith.muli %scan3A_179, %mul3A_310 : i32
      %add3A_312 = arith.constant 9 : i32
      %add3A_313 = arith.addi %mul3A_311, %add3A_312 : i32
      %dma_start3A_314 = arith.constant 0 : i32
      %dma_start3A_315 = tpu.memref_slice %arg12[%add3A_313, %dma_start3A_314] : memref<32x512xf32, #tpu.memory_space<vmem>> -> memref<1x512xf32, #tpu.memory_space<vmem>>
      %dma_start3A_316 = arith.constant 0 : i32
      %dma_start3A_317 = tpu.memref_slice %arg5[%squeeze3A_309, %dma_start3A_316] : memref<909x512xf32, #tpu.memory_space<vmem_shared>> -> memref<1x512xf32, #tpu.memory_space<vmem_shared>>
      %dma_start3A_318 = arith.constant 0 : i32
      %dma_start3A_319 = tpu.memref_slice %arg12[%add3A_313, %dma_start3A_318] : memref<32x512xf32, #tpu.memory_space<vmem>> -> memref<1x512xf32, #tpu.memory_space<vmem>>
      %dma_start3A_320 = arith.constant 0 : i32
      %dma_start3A_321 = tpu.memref_slice %arg5[%squeeze3A_309, %dma_start3A_320] : memref<909x512xf32, #tpu.memory_space<vmem_shared>> -> memref<1x512xf32, #tpu.memory_space<vmem_shared>>
      tpu.enqueue_dma source(%dma_start3A_321 : memref<1x512xf32, #tpu.memory_space<vmem_shared>>) target(%dma_start3A_319 : memref<1x512xf32, #tpu.memory_space<vmem>>) target_semaphore(%arg16 : memref<!tpu.dma_semaphore, #tpu.memory_space<semaphore_mem>>)
      %slice3A_322 = vector.extract_strided_slice %get3A_184 {offsets = [10], sizes = [1], strides = [1]} : vector<16xi32> to vector<1xi32>
      %squeeze3A_323 = vector.extract %slice3A_322[0] : i32 from vector<1xi32>
      %mul3A_324 = arith.constant 16 : i32
      %mul3A_325 = arith.muli %scan3A_179, %mul3A_324 : i32
      %add3A_326 = arith.constant 10 : i32
      %add3A_327 = arith.addi %mul3A_325, %add3A_326 : i32
      %dma_start3A_328 = arith.constant 0 : i32
      %dma_start3A_329 = tpu.memref_slice %arg12[%add3A_327, %dma_start3A_328] : memref<32x512xf32, #tpu.memory_space<vmem>> -> memref<1x512xf32, #tpu.memory_space<vmem>>
      %dma_start3A_330 = arith.constant 0 : i32
      %dma_start3A_331 = tpu.memref_slice %arg5[%squeeze3A_323, %dma_start3A_330] : memref<909x512xf32, #tpu.memory_space<vmem_shared>> -> memref<1x512xf32, #tpu.memory_space<vmem_shared>>
      %dma_start3A_332 = arith.constant 0 : i32
      %dma_start3A_333 = tpu.memref_slice %arg12[%add3A_327, %dma_start3A_332] : memref<32x512xf32, #tpu.memory_space<vmem>> -> memref<1x512xf32, #tpu.memory_space<vmem>>
      %dma_start3A_334 = arith.constant 0 : i32
      %dma_start3A_335 = tpu.memref_slice %arg5[%squeeze3A_323, %dma_start3A_334] : memref<909x512xf32, #tpu.memory_space<vmem_shared>> -> memref<1x512xf32, #tpu.memory_space<vmem_shared>>
      tpu.enqueue_dma source(%dma_start3A_335 : memref<1x512xf32, #tpu.memory_space<vmem_shared>>) target(%dma_start3A_333 : memref<1x512xf32, #tpu.memory_space<vmem>>) target_semaphore(%arg16 : memref<!tpu.dma_semaphore, #tpu.memory_space<semaphore_mem>>)
      %slice3A_336 = vector.extract_strided_slice %get3A_184 {offsets = [11], sizes = [1], strides = [1]} : vector<16xi32> to vector<1xi32>
      %squeeze3A_337 = vector.extract %slice3A_336[0] : i32 from vector<1xi32>
      %mul3A_338 = arith.constant 16 : i32
      %mul3A_339 = arith.muli %scan3A_179, %mul3A_338 : i32
      %add3A_340 = arith.constant 11 : i32
      %add3A_341 = arith.addi %mul3A_339, %add3A_340 : i32
      %dma_start3A_342 = arith.constant 0 : i32
      %dma_start3A_343 = tpu.memref_slice %arg12[%add3A_341, %dma_start3A_342] : memref<32x512xf32, #tpu.memory_space<vmem>> -> memref<1x512xf32, #tpu.memory_space<vmem>>
      %dma_start3A_344 = arith.constant 0 : i32
      %dma_start3A_345 = tpu.memref_slice %arg5[%squeeze3A_337, %dma_start3A_344] : memref<909x512xf32, #tpu.memory_space<vmem_shared>> -> memref<1x512xf32, #tpu.memory_space<vmem_shared>>
      %dma_start3A_346 = arith.constant 0 : i32
      %dma_start3A_347 = tpu.memref_slice %arg12[%add3A_341, %dma_start3A_346] : memref<32x512xf32, #tpu.memory_space<vmem>> -> memref<1x512xf32, #tpu.memory_space<vmem>>
      %dma_start3A_348 = arith.constant 0 : i32
      %dma_start3A_349 = tpu.memref_slice %arg5[%squeeze3A_337, %dma_start3A_348] : memref<909x512xf32, #tpu.memory_space<vmem_shared>> -> memref<1x512xf32, #tpu.memory_space<vmem_shared>>
      tpu.enqueue_dma source(%dma_start3A_349 : memref<1x512xf32, #tpu.memory_space<vmem_shared>>) target(%dma_start3A_347 : memref<1x512xf32, #tpu.memory_space<vmem>>) target_semaphore(%arg16 : memref<!tpu.dma_semaphore, #tpu.memory_space<semaphore_mem>>)
      %slice3A_350 = vector.extract_strided_slice %get3A_184 {offsets = [12], sizes = [1], strides = [1]} : vector<16xi32> to vector<1xi32>
      %squeeze3A_351 = vector.extract %slice3A_350[0] : i32 from vector<1xi32>
      %mul3A_352 = arith.constant 16 : i32
      %mul3A_353 = arith.muli %scan3A_179, %mul3A_352 : i32
      %add3A_354 = arith.constant 12 : i32
      %add3A_355 = arith.addi %mul3A_353, %add3A_354 : i32
      %dma_start3A_356 = arith.constant 0 : i32
      %dma_start3A_357 = tpu.memref_slice %arg12[%add3A_355, %dma_start3A_356] : memref<32x512xf32, #tpu.memory_space<vmem>> -> memref<1x512xf32, #tpu.memory_space<vmem>>
      %dma_start3A_358 = arith.constant 0 : i32
      %dma_start3A_359 = tpu.memref_slice %arg5[%squeeze3A_351, %dma_start3A_358] : memref<909x512xf32, #tpu.memory_space<vmem_shared>> -> memref<1x512xf32, #tpu.memory_space<vmem_shared>>
      %dma_start3A_360 = arith.constant 0 : i32
      %dma_start3A_361 = tpu.memref_slice %arg12[%add3A_355, %dma_start3A_360] : memref<32x512xf32, #tpu.memory_space<vmem>> -> memref<1x512xf32, #tpu.memory_space<vmem>>
      %dma_start3A_362 = arith.constant 0 : i32
      %dma_start3A_363 = tpu.memref_slice %arg5[%squeeze3A_351, %dma_start3A_362] : memref<909x512xf32, #tpu.memory_space<vmem_shared>> -> memref<1x512xf32, #tpu.memory_space<vmem_shared>>
      tpu.enqueue_dma source(%dma_start3A_363 : memref<1x512xf32, #tpu.memory_space<vmem_shared>>) target(%dma_start3A_361 : memref<1x512xf32, #tpu.memory_space<vmem>>) target_semaphore(%arg16 : memref<!tpu.dma_semaphore, #tpu.memory_space<semaphore_mem>>)
      %slice3A_364 = vector.extract_strided_slice %get3A_184 {offsets = [13], sizes = [1], strides = [1]} : vector<16xi32> to vector<1xi32>
      %squeeze3A_365 = vector.extract %slice3A_364[0] : i32 from vector<1xi32>
      %mul3A_366 = arith.constant 16 : i32
      %mul3A_367 = arith.muli %scan3A_179, %mul3A_366 : i32
      %add3A_368 = arith.constant 13 : i32
      %add3A_369 = arith.addi %mul3A_367, %add3A_368 : i32
      %dma_start3A_370 = arith.constant 0 : i32
      %dma_start3A_371 = tpu.memref_slice %arg12[%add3A_369, %dma_start3A_370] : memref<32x512xf32, #tpu.memory_space<vmem>> -> memref<1x512xf32, #tpu.memory_space<vmem>>
      %dma_start3A_372 = arith.constant 0 : i32
      %dma_start3A_373 = tpu.memref_slice %arg5[%squeeze3A_365, %dma_start3A_372] : memref<909x512xf32, #tpu.memory_space<vmem_shared>> -> memref<1x512xf32, #tpu.memory_space<vmem_shared>>
      %dma_start3A_374 = arith.constant 0 : i32
      %dma_start3A_375 = tpu.memref_slice %arg12[%add3A_369, %dma_start3A_374] : memref<32x512xf32, #tpu.memory_space<vmem>> -> memref<1x512xf32, #tpu.memory_space<vmem>>
      %dma_start3A_376 = arith.constant 0 : i32
      %dma_start3A_377 = tpu.memref_slice %arg5[%squeeze3A_365, %dma_start3A_376] : memref<909x512xf32, #tpu.memory_space<vmem_shared>> -> memref<1x512xf32, #tpu.memory_space<vmem_shared>>
      tpu.enqueue_dma source(%dma_start3A_377 : memref<1x512xf32, #tpu.memory_space<vmem_shared>>) target(%dma_start3A_375 : memref<1x512xf32, #tpu.memory_space<vmem>>) target_semaphore(%arg16 : memref<!tpu.dma_semaphore, #tpu.memory_space<semaphore_mem>>)
      %slice3A_378 = vector.extract_strided_slice %get3A_184 {offsets = [14], sizes = [1], strides = [1]} : vector<16xi32> to vector<1xi32>
      %squeeze3A_379 = vector.extract %slice3A_378[0] : i32 from vector<1xi32>
      %mul3A_380 = arith.constant 16 : i32
      %mul3A_381 = arith.muli %scan3A_179, %mul3A_380 : i32
      %add3A_382 = arith.constant 14 : i32
      %add3A_383 = arith.addi %mul3A_381, %add3A_382 : i32
      %dma_start3A_384 = arith.constant 0 : i32
      %dma_start3A_385 = tpu.memref_slice %arg12[%add3A_383, %dma_start3A_384] : memref<32x512xf32, #tpu.memory_space<vmem>> -> memref<1x512xf32, #tpu.memory_space<vmem>>
      %dma_start3A_386 = arith.constant 0 : i32
      %dma_start3A_387 = tpu.memref_slice %arg5[%squeeze3A_379, %dma_start3A_386] : memref<909x512xf32, #tpu.memory_space<vmem_shared>> -> memref<1x512xf32, #tpu.memory_space<vmem_shared>>
      %dma_start3A_388 = arith.constant 0 : i32
      %dma_start3A_389 = tpu.memref_slice %arg12[%add3A_383, %dma_start3A_388] : memref<32x512xf32, #tpu.memory_space<vmem>> -> memref<1x512xf32, #tpu.memory_space<vmem>>
      %dma_start3A_390 = arith.constant 0 : i32
      %dma_start3A_391 = tpu.memref_slice %arg5[%squeeze3A_379, %dma_start3A_390] : memref<909x512xf32, #tpu.memory_space<vmem_shared>> -> memref<1x512xf32, #tpu.memory_space<vmem_shared>>
      tpu.enqueue_dma source(%dma_start3A_391 : memref<1x512xf32, #tpu.memory_space<vmem_shared>>) target(%dma_start3A_389 : memref<1x512xf32, #tpu.memory_space<vmem>>) target_semaphore(%arg16 : memref<!tpu.dma_semaphore, #tpu.memory_space<semaphore_mem>>)
      %slice3A_392 = vector.extract_strided_slice %get3A_184 {offsets = [15], sizes = [1], strides = [1]} : vector<16xi32> to vector<1xi32>
      %squeeze3A_393 = vector.extract %slice3A_392[0] : i32 from vector<1xi32>
      %mul3A_394 = arith.constant 16 : i32
      %mul3A_395 = arith.muli %scan3A_179, %mul3A_394 : i32
      %add3A_396 = arith.constant 15 : i32
      %add3A_397 = arith.addi %mul3A_395, %add3A_396 : i32
      %dma_start3A_398 = arith.constant 0 : i32
      %dma_start3A_399 = tpu.memref_slice %arg12[%add3A_397, %dma_start3A_398] : memref<32x512xf32, #tpu.memory_space<vmem>> -> memref<1x512xf32, #tpu.memory_space<vmem>>
      %dma_start3A_400 = arith.constant 0 : i32
      %dma_start3A_401 = tpu.memref_slice %arg5[%squeeze3A_393, %dma_start3A_400] : memref<909x512xf32, #tpu.memory_space<vmem_shared>> -> memref<1x512xf32, #tpu.memory_space<vmem_shared>>
      %dma_start3A_402 = arith.constant 0 : i32
      %dma_start3A_403 = tpu.memref_slice %arg12[%add3A_397, %dma_start3A_402] : memref<32x512xf32, #tpu.memory_space<vmem>> -> memref<1x512xf32, #tpu.memory_space<vmem>>
      %dma_start3A_404 = arith.constant 0 : i32
      %dma_start3A_405 = tpu.memref_slice %arg5[%squeeze3A_393, %dma_start3A_404] : memref<909x512xf32, #tpu.memory_space<vmem_shared>> -> memref<1x512xf32, #tpu.memory_space<vmem_shared>>
      tpu.enqueue_dma source(%dma_start3A_405 : memref<1x512xf32, #tpu.memory_space<vmem_shared>>) target(%dma_start3A_403 : memref<1x512xf32, #tpu.memory_space<vmem>>) target_semaphore(%arg16 : memref<!tpu.dma_semaphore, #tpu.memory_space<semaphore_mem>>)
    }
    %scan3A_149 = arith.constant 2 : i32
    %scan3A_150 = arith.constant 0 : i32
    %scan3A_151 = arith.constant 0 : i32
    %scan3A_152 = arith.constant 36 : i32
    %scan3A_153 = arith.addi %scan3A_151, %scan3A_152 : i32
    %scan3A_154 = arith.constant 1 : i32
    scf.for %scan3A_179 = %scan3A_151 to %scan3A_153 step %scan3A_154  : i32 {
      %mul3A_180 = arith.constant 4 : i32
      %mul3A_181 = arith.muli %scan3A_179, %mul3A_180 : i32
      %add3A_182 = arith.constant 0 : i32
      %add3A_183 = arith.addi %mul3A_181, %add3A_182 : i32
      %dma_wait3A_184 = arith.constant 0 : i32
      %dma_wait3A_185 = arith.constant 0 : i32
      %dma_wait3A_186 = tpu.memref_slice %arg3[%dma_wait3A_184, %dma_wait3A_185] : memref<909x512xf32, #tpu.memory_space<hbm>> -> memref<32x512xf32, #tpu.memory_space<hbm>>
      %dma_wait3A_187 = arith.constant 0 : i32
      %dma_wait3A_188 = arith.constant 0 : i32
      %dma_wait3A_189 = tpu.memref_slice %arg3[%dma_wait3A_187, %dma_wait3A_188] : memref<909x512xf32, #tpu.memory_space<hbm>> -> memref<32x512xf32, #tpu.memory_space<hbm>>
      tpu.wait_dma2 semaphore(%arg15 : memref<!tpu.dma_semaphore, #tpu.memory_space<semaphore_mem>>) src(%dma_wait3A_189 : memref<32x512xf32, #tpu.memory_space<hbm>>) dst(%arg11 : memref<32x512xf32, #tpu.memory_space<vmem>>)
      %mul3A_190 = arith.constant 32 : i32
      %mul3A_191 = arith.muli %add3A_183, %mul3A_190 : i32
      %add3A_192 = arith.addi %mul3A_2, %mul3A_191 : i32
      %dma_start3A = arith.constant 0 : i32
      %dma_start3A_193 = tpu.memref_slice %arg4[%add3A_192, %dma_start3A] : memref<147456x512xf32, #tpu.memory_space<hbm>> -> memref<32x512xf32, #tpu.memory_space<hbm>>
      %dma_start3A_194 = arith.constant 0 : i32
      %dma_start3A_195 = tpu.memref_slice %arg4[%add3A_192, %dma_start3A_194] : memref<147456x512xf32, #tpu.memory_space<hbm>> -> memref<32x512xf32, #tpu.memory_space<hbm>>
      tpu.enqueue_dma source(%arg11 : memref<32x512xf32, #tpu.memory_space<vmem>>) target(%dma_start3A_195 : memref<32x512xf32, #tpu.memory_space<hbm>>) target_semaphore(%arg19 : memref<!tpu.dma_semaphore, #tpu.memory_space<semaphore_mem>>)
      %add3A_196 = arith.constant 2 : i32
      %add3A_197 = arith.addi %add3A_183, %add3A_196 : i32
      %lt3A = arith.constant 144 : i32
      %lt3A_198 = arith.cmpi slt, %add3A_197, %lt3A : i32
      %convert_element_type3A_199 = arith.extui %lt3A_198 : i1 to i32
      %cond3A_200 = arith.constant 0 : i32
      %cond3A_201 = arith.cmpi ne, %convert_element_type3A_199, %cond3A_200 : i32
      scf.if %cond3A_201 {
        %ge3A = arith.constant 4 : i32
        %ge3A_274 = arith.cmpi sge, %add3A_197, %ge3A : i32
        %convert_element_type3A_275 = arith.extui %ge3A_274 : i1 to i32
        %cond3A_276 = arith.constant 0 : i32
        %cond3A_277 = arith.cmpi ne, %convert_element_type3A_275, %cond3A_276 : i32
        scf.if %cond3A_277 {
          %sub3A_352 = arith.constant 4 : i32
          %sub3A_353 = arith.subi %add3A_197, %sub3A_352 : i32
          %mul3A_354 = arith.constant 32 : i32
          %mul3A_355 = arith.muli %sub3A_353, %mul3A_354 : i32
          %add3A_356 = arith.addi %mul3A_2, %mul3A_355 : i32
          %dma_wait3A_357 = arith.constant 0 : i32
          %dma_wait3A_358 = tpu.memref_slice %arg4[%add3A_356, %dma_wait3A_357] : memref<147456x512xf32, #tpu.memory_space<hbm>> -> memref<32x512xf32, #tpu.memory_space<hbm>>
          %dma_wait3A_359 = arith.constant 0 : i32
          %dma_wait3A_360 = tpu.memref_slice %arg4[%add3A_356, %dma_wait3A_359] : memref<147456x512xf32, #tpu.memory_space<hbm>> -> memref<32x512xf32, #tpu.memory_space<hbm>>
          tpu.wait_dma2 semaphore(%arg21 : memref<!tpu.dma_semaphore, #tpu.memory_space<semaphore_mem>>) src(%arg13 : memref<32x512xf32, #tpu.memory_space<vmem>>) dst(%dma_wait3A_360 : memref<32x512xf32, #tpu.memory_space<hbm>>)
        } else {
        }
        %mul3A_278 = arith.constant 32 : i32
        %mul3A_279 = arith.muli %add3A_197, %mul3A_278 : i32
        %add3A_280 = arith.constant 0 : i32
        %add3A_281 = arith.addi %mul3A_279, %add3A_280 : i32
        %get3A_282 = arith.index_cast %add3A_281 : i32 to index
        %get3A_283 = tpu.vector_load %arg6[%get3A_282] {strides = array<i32>} : memref<4608xf32, #tpu.memory_space<vmem>>, vector<16xf32>,
        %get3A_284 = vector.shape_cast %get3A_283 : vector<16xf32> to vector<16xf32>
        %max3A_285 = arith.constant 0.000000e+00 : f32
        %max3A_286 = vector.broadcast %max3A_285 : f32 to vector<16xf32>
        %max3A_287 = arith.maximumf %get3A_284, %max3A_286 : vector<16xf32>
        %min3A_288 = arith.constant 1.000000e+02 : f32
        %min3A_289 = vector.broadcast %min3A_288 : f32 to vector<16xf32>
        %min3A_290 = arith.minimumf %max3A_287, %min3A_289 : vector<16xf32>
        %add3A_291 = arith.constant 0x4B000000 : f32
        %add3A_292 = vector.broadcast %add3A_291 : f32 to vector<16xf32>
        %add3A_293 = arith.addf %min3A_290, %add3A_292 : vector<16xf32>
        %sub3A_294 = arith.constant 0x4B000000 : f32
        %sub3A_295 = vector.broadcast %sub3A_294 : f32 to vector<16xf32>
        %sub3A_296 = arith.subf %add3A_293, %sub3A_295 : vector<16xf32>
        %add3A_297 = arith.addi %mul3A_2, %add3A_281 : i32
        %add3A_298 = vector.broadcast %add3A_297 : i32 to vector<16xi32>
        %add3A_299 = arith.addi %add3A_298, %iota3A : vector<16xi32>
        %rem3A_300 = arith.constant 9 : i32
        %rem3A_301 = vector.broadcast %rem3A_300 : i32 to vector<16xi32>
        %rem3A_302 = arith.remsi %add3A_299, %rem3A_301 : vector<16xi32>
        %mul3A_303 = arith.constant 101 : i32
        %mul3A_304 = vector.broadcast %mul3A_303 : i32 to vector<16xi32>
        %mul3A_305 = arith.muli %rem3A_302, %mul3A_304 : vector<16xi32>
        %convert_element_type3A_306 = arith.fptosi %sub3A_296 : vector<16xf32> to vector<16xi32>
        %add3A_307 = arith.addi %mul3A_305, %convert_element_type3A_306 : vector<16xi32>
        %swap3A_308 = arith.constant 0 : index
        %swap3A_309 = tpu.vector_load %arg9[%swap3A_308] {strides = array<i32>} : memref<32xi32, #tpu.memory_space<vmem>>, vector<16xi32>,
        %swap3A_310 = vector.shape_cast %swap3A_309 : vector<16xi32> to vector<16xi32>
        %swap3A_311 = vector.shape_cast %add3A_307 : vector<16xi32> to vector<16xi32>
        tpu.vector_store %arg9[%swap3A_308], %swap3A_311 {strides = array<i32>} : memref<32xi32, #tpu.memory_space<vmem>>, vector<16xi32>,
        %mul3A_312 = arith.constant 32 : i32
        %mul3A_313 = arith.muli %add3A_197, %mul3A_312 : i32
        %add3A_314 = arith.constant 16 : i32
        %add3A_315 = arith.addi %mul3A_313, %add3A_314 : i32
        %get3A_316 = arith.index_cast %add3A_315 : i32 to index
        %get3A_317 = tpu.vector_load %arg6[%get3A_316] {strides = array<i32>} : memref<4608xf32, #tpu.memory_space<vmem>>, vector<16xf32>,
        %get3A_318 = vector.shape_cast %get3A_317 : vector<16xf32> to vector<16xf32>
        %max3A_319 = arith.constant 0.000000e+00 : f32
        %max3A_320 = vector.broadcast %max3A_319 : f32 to vector<16xf32>
        %max3A_321 = arith.maximumf %get3A_318, %max3A_320 : vector<16xf32>
        %min3A_322 = arith.constant 1.000000e+02 : f32
        %min3A_323 = vector.broadcast %min3A_322 : f32 to vector<16xf32>
        %min3A_324 = arith.minimumf %max3A_321, %min3A_323 : vector<16xf32>
        %add3A_325 = arith.constant 0x4B000000 : f32
        %add3A_326 = vector.broadcast %add3A_325 : f32 to vector<16xf32>
        %add3A_327 = arith.addf %min3A_324, %add3A_326 : vector<16xf32>
        %sub3A_328 = arith.constant 0x4B000000 : f32
        %sub3A_329 = vector.broadcast %sub3A_328 : f32 to vector<16xf32>
        %sub3A_330 = arith.subf %add3A_327, %sub3A_329 : vector<16xf32>
        %add3A_331 = arith.addi %mul3A_2, %add3A_315 : i32
        %add3A_332 = vector.broadcast %add3A_331 : i32 to vector<16xi32>
        %add3A_333 = arith.addi %add3A_332, %iota3A : vector<16xi32>
        %rem3A_334 = arith.constant 9 : i32
        %rem3A_335 = vector.broadcast %rem3A_334 : i32 to vector<16xi32>
        %rem3A_336 = arith.remsi %add3A_333, %rem3A_335 : vector<16xi32>
        %mul3A_337 = arith.constant 101 : i32
        %mul3A_338 = vector.broadcast %mul3A_337 : i32 to vector<16xi32>
        %mul3A_339 = arith.muli %rem3A_336, %mul3A_338 : vector<16xi32>
        %convert_element_type3A_340 = arith.fptosi %sub3A_330 : vector<16xf32> to vector<16xi32>
        %add3A_341 = arith.addi %mul3A_339, %convert_element_type3A_340 : vector<16xi32>
        %swap3A_342 = arith.constant 16 : index
        %swap3A_343 = tpu.vector_load %arg9[%swap3A_342] {strides = array<i32>} : memref<32xi32, #tpu.memory_space<vmem>>, vector<16xi32>,
        %swap3A_344 = vector.shape_cast %swap3A_343 : vector<16xi32> to vector<16xi32>
        %swap3A_345 = vector.shape_cast %add3A_341 : vector<16xi32> to vector<16xi32>
        tpu.vector_store %arg9[%swap3A_342], %swap3A_345 {strides = array<i32>} : memref<32xi32, #tpu.memory_space<vmem>>, vector<16xi32>,
        %scan3A_346 = arith.constant 0 : i32
        %scan3A_347 = arith.constant 0 : i32
        %scan3A_348 = arith.constant 2 : i32
        %scan3A_349 = arith.addi %scan3A_347, %scan3A_348 : i32
        %scan3A_350 = arith.constant 1 : i32
        scf.for %scan3A_352 = %scan3A_347 to %scan3A_349 step %scan3A_350  : i32 {
          %mul3A_353 = arith.constant 16 : i32
          %mul3A_354 = arith.muli %scan3A_352, %mul3A_353 : i32
          %get3A_355 = arith.index_cast %mul3A_354 : i32 to index
          %get3A_356 = tpu.vector_load %arg9[%get3A_355] {strides = array<i32>} : memref<32xi32, #tpu.memory_space<vmem>>, vector<16xi32>,
          %get3A_357 = vector.shape_cast %get3A_356 : vector<16xi32> to vector<16xi32>
          %slice3A = vector.extract_strided_slice %get3A_357 {offsets = [0], sizes = [1], strides = [1]} : vector<16xi32> to vector<1xi32>
          %squeeze3A = vector.extract %slice3A[0] : i32 from vector<1xi32>
          %mul3A_358 = arith.constant 16 : i32
          %mul3A_359 = arith.muli %scan3A_352, %mul3A_358 : i32
          %add3A_360 = arith.constant 0 : i32
          %add3A_361 = arith.addi %mul3A_359, %add3A_360 : i32
          %dma_start3A_362 = arith.constant 0 : i32
          %dma_start3A_363 = tpu.memref_slice %arg13[%add3A_361, %dma_start3A_362] : memref<32x512xf32, #tpu.memory_space<vmem>> -> memref<1x512xf32, #tpu.memory_space<vmem>>
          %dma_start3A_364 = arith.constant 0 : i32
          %dma_start3A_365 = tpu.memref_slice %arg5[%squeeze3A, %dma_start3A_364] : memref<909x512xf32, #tpu.memory_space<vmem_shared>> -> memref<1x512xf32, #tpu.memory_space<vmem_shared>>
          %dma_start3A_366 = arith.constant 0 : i32
          %dma_start3A_367 = tpu.memref_slice %arg13[%add3A_361, %dma_start3A_366] : memref<32x512xf32, #tpu.memory_space<vmem>> -> memref<1x512xf32, #tpu.memory_space<vmem>>
          %dma_start3A_368 = arith.constant 0 : i32
          %dma_start3A_369 = tpu.memref_slice %arg5[%squeeze3A, %dma_start3A_368] : memref<909x512xf32, #tpu.memory_space<vmem_shared>> -> memref<1x512xf32, #tpu.memory_space<vmem_shared>>
          tpu.enqueue_dma source(%dma_start3A_369 : memref<1x512xf32, #tpu.memory_space<vmem_shared>>) target(%dma_start3A_367 : memref<1x512xf32, #tpu.memory_space<vmem>>) target_semaphore(%arg17 : memref<!tpu.dma_semaphore, #tpu.memory_space<semaphore_mem>>)
          %slice3A_370 = vector.extract_strided_slice %get3A_357 {offsets = [1], sizes = [1], strides = [1]} : vector<16xi32> to vector<1xi32>
          %squeeze3A_371 = vector.extract %slice3A_370[0] : i32 from vector<1xi32>
          %mul3A_372 = arith.constant 16 : i32
          %mul3A_373 = arith.muli %scan3A_352, %mul3A_372 : i32
          %add3A_374 = arith.constant 1 : i32
          %add3A_375 = arith.addi %mul3A_373, %add3A_374 : i32
          %dma_start3A_376 = arith.constant 0 : i32
          %dma_start3A_377 = tpu.memref_slice %arg13[%add3A_375, %dma_start3A_376] : memref<32x512xf32, #tpu.memory_space<vmem>> -> memref<1x512xf32, #tpu.memory_space<vmem>>
          %dma_start3A_378 = arith.constant 0 : i32
          %dma_start3A_379 = tpu.memref_slice %arg5[%squeeze3A_371, %dma_start3A_378] : memref<909x512xf32, #tpu.memory_space<vmem_shared>> -> memref<1x512xf32, #tpu.memory_space<vmem_shared>>
          %dma_start3A_380 = arith.constant 0 : i32
          %dma_start3A_381 = tpu.memref_slice %arg13[%add3A_375, %dma_start3A_380] : memref<32x512xf32, #tpu.memory_space<vmem>> -> memref<1x512xf32, #tpu.memory_space<vmem>>
          %dma_start3A_382 = arith.constant 0 : i32
          %dma_start3A_383 = tpu.memref_slice %arg5[%squeeze3A_371, %dma_start3A_382] : memref<909x512xf32, #tpu.memory_space<vmem_shared>> -> memref<1x512xf32, #tpu.memory_space<vmem_shared>>
          tpu.enqueue_dma source(%dma_start3A_383 : memref<1x512xf32, #tpu.memory_space<vmem_shared>>) target(%dma_start3A_381 : memref<1x512xf32, #tpu.memory_space<vmem>>) target_semaphore(%arg17 : memref<!tpu.dma_semaphore, #tpu.memory_space<semaphore_mem>>)
          %slice3A_384 = vector.extract_strided_slice %get3A_357 {offsets = [2], sizes = [1], strides = [1]} : vector<16xi32> to vector<1xi32>
          %squeeze3A_385 = vector.extract %slice3A_384[0] : i32 from vector<1xi32>
          %mul3A_386 = arith.constant 16 : i32
          %mul3A_387 = arith.muli %scan3A_352, %mul3A_386 : i32
          %add3A_388 = arith.constant 2 : i32
          %add3A_389 = arith.addi %mul3A_387, %add3A_388 : i32
          %dma_start3A_390 = arith.constant 0 : i32
          %dma_start3A_391 = tpu.memref_slice %arg13[%add3A_389, %dma_start3A_390] : memref<32x512xf32, #tpu.memory_space<vmem>> -> memref<1x512xf32, #tpu.memory_space<vmem>>
          %dma_start3A_392 = arith.constant 0 : i32
          %dma_start3A_393 = tpu.memref_slice %arg5[%squeeze3A_385, %dma_start3A_392] : memref<909x512xf32, #tpu.memory_space<vmem_shared>> -> memref<1x512xf32, #tpu.memory_space<vmem_shared>>
          %dma_start3A_394 = arith.constant 0 : i32
          %dma_start3A_395 = tpu.memref_slice %arg13[%add3A_389, %dma_start3A_394] : memref<32x512xf32, #tpu.memory_space<vmem>> -> memref<1x512xf32, #tpu.memory_space<vmem>>
          %dma_start3A_396 = arith.constant 0 : i32
          %dma_start3A_397 = tpu.memref_slice %arg5[%squeeze3A_385, %dma_start3A_396] : memref<909x512xf32, #tpu.memory_space<vmem_shared>> -> memref<1x512xf32, #tpu.memory_space<vmem_shared>>
          tpu.enqueue_dma source(%dma_start3A_397 : memref<1x512xf32, #tpu.memory_space<vmem_shared>>) target(%dma_start3A_395 : memref<1x512xf32, #tpu.memory_space<vmem>>) target_semaphore(%arg17 : memref<!tpu.dma_semaphore, #tpu.memory_space<semaphore_mem>>)
          %slice3A_398 = vector.extract_strided_slice %get3A_357 {offsets = [3], sizes = [1], strides = [1]} : vector<16xi32> to vector<1xi32>
          %squeeze3A_399 = vector.extract %slice3A_398[0] : i32 from vector<1xi32>
          %mul3A_400 = arith.constant 16 : i32
          %mul3A_401 = arith.muli %scan3A_352, %mul3A_400 : i32
          %add3A_402 = arith.constant 3 : i32
          %add3A_403 = arith.addi %mul3A_401, %add3A_402 : i32
          %dma_start3A_404 = arith.constant 0 : i32
          %dma_start3A_405 = tpu.memref_slice %arg13[%add3A_403, %dma_start3A_404] : memref<32x512xf32, #tpu.memory_space<vmem>> -> memref<1x512xf32, #tpu.memory_space<vmem>>
          %dma_start3A_406 = arith.constant 0 : i32
          %dma_start3A_407 = tpu.memref_slice %arg5[%squeeze3A_399, %dma_start3A_406] : memref<909x512xf32, #tpu.memory_space<vmem_shared>> -> memref<1x512xf32, #tpu.memory_space<vmem_shared>>
          %dma_start3A_408 = arith.constant 0 : i32
          %dma_start3A_409 = tpu.memref_slice %arg13[%add3A_403, %dma_start3A_408] : memref<32x512xf32, #tpu.memory_space<vmem>> -> memref<1x512xf32, #tpu.memory_space<vmem>>
          %dma_start3A_410 = arith.constant 0 : i32
          %dma_start3A_411 = tpu.memref_slice %arg5[%squeeze3A_399, %dma_start3A_410] : memref<909x512xf32, #tpu.memory_space<vmem_shared>> -> memref<1x512xf32, #tpu.memory_space<vmem_shared>>
          tpu.enqueue_dma source(%dma_start3A_411 : memref<1x512xf32, #tpu.memory_space<vmem_shared>>) target(%dma_start3A_409 : memref<1x512xf32, #tpu.memory_space<vmem>>) target_semaphore(%arg17 : memref<!tpu.dma_semaphore, #tpu.memory_space<semaphore_mem>>)
          %slice3A_412 = vector.extract_strided_slice %get3A_357 {offsets = [4], sizes = [1], strides = [1]} : vector<16xi32> to vector<1xi32>
          %squeeze3A_413 = vector.extract %slice3A_412[0] : i32 from vector<1xi32>
          %mul3A_414 = arith.constant 16 : i32
          %mul3A_415 = arith.muli %scan3A_352, %mul3A_414 : i32
          %add3A_416 = arith.constant 4 : i32
          %add3A_417 = arith.addi %mul3A_415, %add3A_416 : i32
          %dma_start3A_418 = arith.constant 0 : i32
          %dma_start3A_419 = tpu.memref_slice %arg13[%add3A_417, %dma_start3A_418] : memref<32x512xf32, #tpu.memory_space<vmem>> -> memref<1x512xf32, #tpu.memory_space<vmem>>
          %dma_start3A_420 = arith.constant 0 : i32
          %dma_start3A_421 = tpu.memref_slice %arg5[%squeeze3A_413, %dma_start3A_420] : memref<909x512xf32, #tpu.memory_space<vmem_shared>> -> memref<1x512xf32, #tpu.memory_space<vmem_shared>>
          %dma_start3A_422 = arith.constant 0 : i32
          %dma_start3A_423 = tpu.memref_slice %arg13[%add3A_417, %dma_start3A_422] : memref<32x512xf32, #tpu.memory_space<vmem>> -> memref<1x512xf32, #tpu.memory_space<vmem>>
          %dma_start3A_424 = arith.constant 0 : i32
          %dma_start3A_425 = tpu.memref_slice %arg5[%squeeze3A_413, %dma_start3A_424] : memref<909x512xf32, #tpu.memory_space<vmem_shared>> -> memref<1x512xf32, #tpu.memory_space<vmem_shared>>
          tpu.enqueue_dma source(%dma_start3A_425 : memref<1x512xf32, #tpu.memory_space<vmem_shared>>) target(%dma_start3A_423 : memref<1x512xf32, #tpu.memory_space<vmem>>) target_semaphore(%arg17 : memref<!tpu.dma_semaphore, #tpu.memory_space<semaphore_mem>>)
          %slice3A_426 = vector.extract_strided_slice %get3A_357 {offsets = [5], sizes = [1], strides = [1]} : vector<16xi32> to vector<1xi32>
          %squeeze3A_427 = vector.extract %slice3A_426[0] : i32 from vector<1xi32>
          %mul3A_428 = arith.constant 16 : i32
          %mul3A_429 = arith.muli %scan3A_352, %mul3A_428 : i32
          %add3A_430 = arith.constant 5 : i32
          %add3A_431 = arith.addi %mul3A_429, %add3A_430 : i32
          %dma_start3A_432 = arith.constant 0 : i32
          %dma_start3A_433 = tpu.memref_slice %arg13[%add3A_431, %dma_start3A_432] : memref<32x512xf32, #tpu.memory_space<vmem>> -> memref<1x512xf32, #tpu.memory_space<vmem>>
          %dma_start3A_434 = arith.constant 0 : i32
          %dma_start3A_435 = tpu.memref_slice %arg5[%squeeze3A_427, %dma_start3A_434] : memref<909x512xf32, #tpu.memory_space<vmem_shared>> -> memref<1x512xf32, #tpu.memory_space<vmem_shared>>
          %dma_start3A_436 = arith.constant 0 : i32
          %dma_start3A_437 = tpu.memref_slice %arg13[%add3A_431, %dma_start3A_436] : memref<32x512xf32, #tpu.memory_space<vmem>> -> memref<1x512xf32, #tpu.memory_space<vmem>>
          %dma_start3A_438 = arith.constant 0 : i32
          %dma_start3A_439 = tpu.memref_slice %arg5[%squeeze3A_427, %dma_start3A_438] : memref<909x512xf32, #tpu.memory_space<vmem_shared>> -> memref<1x512xf32, #tpu.memory_space<vmem_shared>>
          tpu.enqueue_dma source(%dma_start3A_439 : memref<1x512xf32, #tpu.memory_space<vmem_shared>>) target(%dma_start3A_437 : memref<1x512xf32, #tpu.memory_space<vmem>>) target_semaphore(%arg17 : memref<!tpu.dma_semaphore, #tpu.memory_space<semaphore_mem>>)
          %slice3A_440 = vector.extract_strided_slice %get3A_357 {offsets = [6], sizes = [1], strides = [1]} : vector<16xi32> to vector<1xi32>
          %squeeze3A_441 = vector.extract %slice3A_440[0] : i32 from vector<1xi32>
          %mul3A_442 = arith.constant 16 : i32
          %mul3A_443 = arith.muli %scan3A_352, %mul3A_442 : i32
          %add3A_444 = arith.constant 6 : i32
          %add3A_445 = arith.addi %mul3A_443, %add3A_444 : i32
          %dma_start3A_446 = arith.constant 0 : i32
          %dma_start3A_447 = tpu.memref_slice %arg13[%add3A_445, %dma_start3A_446] : memref<32x512xf32, #tpu.memory_space<vmem>> -> memref<1x512xf32, #tpu.memory_space<vmem>>
          %dma_start3A_448 = arith.constant 0 : i32
          %dma_start3A_449 = tpu.memref_slice %arg5[%squeeze3A_441, %dma_start3A_448] : memref<909x512xf32, #tpu.memory_space<vmem_shared>> -> memref<1x512xf32, #tpu.memory_space<vmem_shared>>
          %dma_start3A_450 = arith.constant 0 : i32
          %dma_start3A_451 = tpu.memref_slice %arg13[%add3A_445, %dma_start3A_450] : memref<32x512xf32, #tpu.memory_space<vmem>> -> memref<1x512xf32, #tpu.memory_space<vmem>>
          %dma_start3A_452 = arith.constant 0 : i32
          %dma_start3A_453 = tpu.memref_slice %arg5[%squeeze3A_441, %dma_start3A_452] : memref<909x512xf32, #tpu.memory_space<vmem_shared>> -> memref<1x512xf32, #tpu.memory_space<vmem_shared>>
          tpu.enqueue_dma source(%dma_start3A_453 : memref<1x512xf32, #tpu.memory_space<vmem_shared>>) target(%dma_start3A_451 : memref<1x512xf32, #tpu.memory_space<vmem>>) target_semaphore(%arg17 : memref<!tpu.dma_semaphore, #tpu.memory_space<semaphore_mem>>)
          %slice3A_454 = vector.extract_strided_slice %get3A_357 {offsets = [7], sizes = [1], strides = [1]} : vector<16xi32> to vector<1xi32>
          %squeeze3A_455 = vector.extract %slice3A_454[0] : i32 from vector<1xi32>
          %mul3A_456 = arith.constant 16 : i32
          %mul3A_457 = arith.muli %scan3A_352, %mul3A_456 : i32
          %add3A_458 = arith.constant 7 : i32
          %add3A_459 = arith.addi %mul3A_457, %add3A_458 : i32
          %dma_start3A_460 = arith.constant 0 : i32
          %dma_start3A_461 = tpu.memref_slice %arg13[%add3A_459, %dma_start3A_460] : memref<32x512xf32, #tpu.memory_space<vmem>> -> memref<1x512xf32, #tpu.memory_space<vmem>>
          %dma_start3A_462 = arith.constant 0 : i32
          %dma_start3A_463 = tpu.memref_slice %arg5[%squeeze3A_455, %dma_start3A_462] : memref<909x512xf32, #tpu.memory_space<vmem_shared>> -> memref<1x512xf32, #tpu.memory_space<vmem_shared>>
          %dma_start3A_464 = arith.constant 0 : i32
          %dma_start3A_465 = tpu.memref_slice %arg13[%add3A_459, %dma_start3A_464] : memref<32x512xf32, #tpu.memory_space<vmem>> -> memref<1x512xf32, #tpu.memory_space<vmem>>
          %dma_start3A_466 = arith.constant 0 : i32
          %dma_start3A_467 = tpu.memref_slice %arg5[%squeeze3A_455, %dma_start3A_466] : memref<909x512xf32, #tpu.memory_space<vmem_shared>> -> memref<1x512xf32, #tpu.memory_space<vmem_shared>>
          tpu.enqueue_dma source(%dma_start3A_467 : memref<1x512xf32, #tpu.memory_space<vmem_shared>>) target(%dma_start3A_465 : memref<1x512xf32, #tpu.memory_space<vmem>>) target_semaphore(%arg17 : memref<!tpu.dma_semaphore, #tpu.memory_space<semaphore_mem>>)
          %slice3A_468 = vector.extract_strided_slice %get3A_357 {offsets = [8], sizes = [1], strides = [1]} : vector<16xi32> to vector<1xi32>
          %squeeze3A_469 = vector.extract %slice3A_468[0] : i32 from vector<1xi32>
          %mul3A_470 = arith.constant 16 : i32
          %mul3A_471 = arith.muli %scan3A_352, %mul3A_470 : i32
          %add3A_472 = arith.constant 8 : i32
          %add3A_473 = arith.addi %mul3A_471, %add3A_472 : i32
          %dma_start3A_474 = arith.constant 0 : i32
          %dma_start3A_475 = tpu.memref_slice %arg13[%add3A_473, %dma_start3A_474] : memref<32x512xf32, #tpu.memory_space<vmem>> -> memref<1x512xf32, #tpu.memory_space<vmem>>
          %dma_start3A_476 = arith.constant 0 : i32
          %dma_start3A_477 = tpu.memref_slice %arg5[%squeeze3A_469, %dma_start3A_476] : memref<909x512xf32, #tpu.memory_space<vmem_shared>> -> memref<1x512xf32, #tpu.memory_space<vmem_shared>>
          %dma_start3A_478 = arith.constant 0 : i32
          %dma_start3A_479 = tpu.memref_slice %arg13[%add3A_473, %dma_start3A_478] : memref<32x512xf32, #tpu.memory_space<vmem>> -> memref<1x512xf32, #tpu.memory_space<vmem>>
          %dma_start3A_480 = arith.constant 0 : i32
          %dma_start3A_481 = tpu.memref_slice %arg5[%squeeze3A_469, %dma_start3A_480] : memref<909x512xf32, #tpu.memory_space<vmem_shared>> -> memref<1x512xf32, #tpu.memory_space<vmem_shared>>
          tpu.enqueue_dma source(%dma_start3A_481 : memref<1x512xf32, #tpu.memory_space<vmem_shared>>) target(%dma_start3A_479 : memref<1x512xf32, #tpu.memory_space<vmem>>) target_semaphore(%arg17 : memref<!tpu.dma_semaphore, #tpu.memory_space<semaphore_mem>>)
          %slice3A_482 = vector.extract_strided_slice %get3A_357 {offsets = [9], sizes = [1], strides = [1]} : vector<16xi32> to vector<1xi32>
          %squeeze3A_483 = vector.extract %slice3A_482[0] : i32 from vector<1xi32>
          %mul3A_484 = arith.constant 16 : i32
          %mul3A_485 = arith.muli %scan3A_352, %mul3A_484 : i32
          %add3A_486 = arith.constant 9 : i32
          %add3A_487 = arith.addi %mul3A_485, %add3A_486 : i32
          %dma_start3A_488 = arith.constant 0 : i32
          %dma_start3A_489 = tpu.memref_slice %arg13[%add3A_487, %dma_start3A_488] : memref<32x512xf32, #tpu.memory_space<vmem>> -> memref<1x512xf32, #tpu.memory_space<vmem>>
          %dma_start3A_490 = arith.constant 0 : i32
          %dma_start3A_491 = tpu.memref_slice %arg5[%squeeze3A_483, %dma_start3A_490] : memref<909x512xf32, #tpu.memory_space<vmem_shared>> -> memref<1x512xf32, #tpu.memory_space<vmem_shared>>
          %dma_start3A_492 = arith.constant 0 : i32
          %dma_start3A_493 = tpu.memref_slice %arg13[%add3A_487, %dma_start3A_492] : memref<32x512xf32, #tpu.memory_space<vmem>> -> memref<1x512xf32, #tpu.memory_space<vmem>>
          %dma_start3A_494 = arith.constant 0 : i32
          %dma_start3A_495 = tpu.memref_slice %arg5[%squeeze3A_483, %dma_start3A_494] : memref<909x512xf32, #tpu.memory_space<vmem_shared>> -> memref<1x512xf32, #tpu.memory_space<vmem_shared>>
          tpu.enqueue_dma source(%dma_start3A_495 : memref<1x512xf32, #tpu.memory_space<vmem_shared>>) target(%dma_start3A_493 : memref<1x512xf32, #tpu.memory_space<vmem>>) target_semaphore(%arg17 : memref<!tpu.dma_semaphore, #tpu.memory_space<semaphore_mem>>)
          %slice3A_496 = vector.extract_strided_slice %get3A_357 {offsets = [10], sizes = [1], strides = [1]} : vector<16xi32> to vector<1xi32>
          %squeeze3A_497 = vector.extract %slice3A_496[0] : i32 from vector<1xi32>
          %mul3A_498 = arith.constant 16 : i32
          %mul3A_499 = arith.muli %scan3A_352, %mul3A_498 : i32
          %add3A_500 = arith.constant 10 : i32
          %add3A_501 = arith.addi %mul3A_499, %add3A_500 : i32
          %dma_start3A_502 = arith.constant 0 : i32
          %dma_start3A_503 = tpu.memref_slice %arg13[%add3A_501, %dma_start3A_502] : memref<32x512xf32, #tpu.memory_space<vmem>> -> memref<1x512xf32, #tpu.memory_space<vmem>>
          %dma_start3A_504 = arith.constant 0 : i32
          %dma_start3A_505 = tpu.memref_slice %arg5[%squeeze3A_497, %dma_start3A_504] : memref<909x512xf32, #tpu.memory_space<vmem_shared>> -> memref<1x512xf32, #tpu.memory_space<vmem_shared>>
          %dma_start3A_506 = arith.constant 0 : i32
          %dma_start3A_507 = tpu.memref_slice %arg13[%add3A_501, %dma_start3A_506] : memref<32x512xf32, #tpu.memory_space<vmem>> -> memref<1x512xf32, #tpu.memory_space<vmem>>
          %dma_start3A_508 = arith.constant 0 : i32
          %dma_start3A_509 = tpu.memref_slice %arg5[%squeeze3A_497, %dma_start3A_508] : memref<909x512xf32, #tpu.memory_space<vmem_shared>> -> memref<1x512xf32, #tpu.memory_space<vmem_shared>>
          tpu.enqueue_dma source(%dma_start3A_509 : memref<1x512xf32, #tpu.memory_space<vmem_shared>>) target(%dma_start3A_507 : memref<1x512xf32, #tpu.memory_space<vmem>>) target_semaphore(%arg17 : memref<!tpu.dma_semaphore, #tpu.memory_space<semaphore_mem>>)
          %slice3A_510 = vector.extract_strided_slice %get3A_357 {offsets = [11], sizes = [1], strides = [1]} : vector<16xi32> to vector<1xi32>
          %squeeze3A_511 = vector.extract %slice3A_510[0] : i32 from vector<1xi32>
          %mul3A_512 = arith.constant 16 : i32
          %mul3A_513 = arith.muli %scan3A_352, %mul3A_512 : i32
          %add3A_514 = arith.constant 11 : i32
          %add3A_515 = arith.addi %mul3A_513, %add3A_514 : i32
          %dma_start3A_516 = arith.constant 0 : i32
          %dma_start3A_517 = tpu.memref_slice %arg13[%add3A_515, %dma_start3A_516] : memref<32x512xf32, #tpu.memory_space<vmem>> -> memref<1x512xf32, #tpu.memory_space<vmem>>
          %dma_start3A_518 = arith.constant 0 : i32
          %dma_start3A_519 = tpu.memref_slice %arg5[%squeeze3A_511, %dma_start3A_518] : memref<909x512xf32, #tpu.memory_space<vmem_shared>> -> memref<1x512xf32, #tpu.memory_space<vmem_shared>>
          %dma_start3A_520 = arith.constant 0 : i32
          %dma_start3A_521 = tpu.memref_slice %arg13[%add3A_515, %dma_start3A_520] : memref<32x512xf32, #tpu.memory_space<vmem>> -> memref<1x512xf32, #tpu.memory_space<vmem>>
          %dma_start3A_522 = arith.constant 0 : i32
          %dma_start3A_523 = tpu.memref_slice %arg5[%squeeze3A_511, %dma_start3A_522] : memref<909x512xf32, #tpu.memory_space<vmem_shared>> -> memref<1x512xf32, #tpu.memory_space<vmem_shared>>
          tpu.enqueue_dma source(%dma_start3A_523 : memref<1x512xf32, #tpu.memory_space<vmem_shared>>) target(%dma_start3A_521 : memref<1x512xf32, #tpu.memory_space<vmem>>) target_semaphore(%arg17 : memref<!tpu.dma_semaphore, #tpu.memory_space<semaphore_mem>>)
          %slice3A_524 = vector.extract_strided_slice %get3A_357 {offsets = [12], sizes = [1], strides = [1]} : vector<16xi32> to vector<1xi32>
          %squeeze3A_525 = vector.extract %slice3A_524[0] : i32 from vector<1xi32>
          %mul3A_526 = arith.constant 16 : i32
          %mul3A_527 = arith.muli %scan3A_352, %mul3A_526 : i32
          %add3A_528 = arith.constant 12 : i32
          %add3A_529 = arith.addi %mul3A_527, %add3A_528 : i32
          %dma_start3A_530 = arith.constant 0 : i32
          %dma_start3A_531 = tpu.memref_slice %arg13[%add3A_529, %dma_start3A_530] : memref<32x512xf32, #tpu.memory_space<vmem>> -> memref<1x512xf32, #tpu.memory_space<vmem>>
          %dma_start3A_532 = arith.constant 0 : i32
          %dma_start3A_533 = tpu.memref_slice %arg5[%squeeze3A_525, %dma_start3A_532] : memref<909x512xf32, #tpu.memory_space<vmem_shared>> -> memref<1x512xf32, #tpu.memory_space<vmem_shared>>
          %dma_start3A_534 = arith.constant 0 : i32
          %dma_start3A_535 = tpu.memref_slice %arg13[%add3A_529, %dma_start3A_534] : memref<32x512xf32, #tpu.memory_space<vmem>> -> memref<1x512xf32, #tpu.memory_space<vmem>>
          %dma_start3A_536 = arith.constant 0 : i32
          %dma_start3A_537 = tpu.memref_slice %arg5[%squeeze3A_525, %dma_start3A_536] : memref<909x512xf32, #tpu.memory_space<vmem_shared>> -> memref<1x512xf32, #tpu.memory_space<vmem_shared>>
          tpu.enqueue_dma source(%dma_start3A_537 : memref<1x512xf32, #tpu.memory_space<vmem_shared>>) target(%dma_start3A_535 : memref<1x512xf32, #tpu.memory_space<vmem>>) target_semaphore(%arg17 : memref<!tpu.dma_semaphore, #tpu.memory_space<semaphore_mem>>)
          %slice3A_538 = vector.extract_strided_slice %get3A_357 {offsets = [13], sizes = [1], strides = [1]} : vector<16xi32> to vector<1xi32>
          %squeeze3A_539 = vector.extract %slice3A_538[0] : i32 from vector<1xi32>
          %mul3A_540 = arith.constant 16 : i32
          %mul3A_541 = arith.muli %scan3A_352, %mul3A_540 : i32
          %add3A_542 = arith.constant 13 : i32
          %add3A_543 = arith.addi %mul3A_541, %add3A_542 : i32
          %dma_start3A_544 = arith.constant 0 : i32
          %dma_start3A_545 = tpu.memref_slice %arg13[%add3A_543, %dma_start3A_544] : memref<32x512xf32, #tpu.memory_space<vmem>> -> memref<1x512xf32, #tpu.memory_space<vmem>>
          %dma_start3A_546 = arith.constant 0 : i32
          %dma_start3A_547 = tpu.memref_slice %arg5[%squeeze3A_539, %dma_start3A_546] : memref<909x512xf32, #tpu.memory_space<vmem_shared>> -> memref<1x512xf32, #tpu.memory_space<vmem_shared>>
          %dma_start3A_548 = arith.constant 0 : i32
          %dma_start3A_549 = tpu.memref_slice %arg13[%add3A_543, %dma_start3A_548] : memref<32x512xf32, #tpu.memory_space<vmem>> -> memref<1x512xf32, #tpu.memory_space<vmem>>
          %dma_start3A_550 = arith.constant 0 : i32
          %dma_start3A_551 = tpu.memref_slice %arg5[%squeeze3A_539, %dma_start3A_550] : memref<909x512xf32, #tpu.memory_space<vmem_shared>> -> memref<1x512xf32, #tpu.memory_space<vmem_shared>>
          tpu.enqueue_dma source(%dma_start3A_551 : memref<1x512xf32, #tpu.memory_space<vmem_shared>>) target(%dma_start3A_549 : memref<1x512xf32, #tpu.memory_space<vmem>>) target_semaphore(%arg17 : memref<!tpu.dma_semaphore, #tpu.memory_space<semaphore_mem>>)
          %slice3A_552 = vector.extract_strided_slice %get3A_357 {offsets = [14], sizes = [1], strides = [1]} : vector<16xi32> to vector<1xi32>
          %squeeze3A_553 = vector.extract %slice3A_552[0] : i32 from vector<1xi32>
          %mul3A_554 = arith.constant 16 : i32
          %mul3A_555 = arith.muli %scan3A_352, %mul3A_554 : i32
          %add3A_556 = arith.constant 14 : i32
          %add3A_557 = arith.addi %mul3A_555, %add3A_556 : i32
          %dma_start3A_558 = arith.constant 0 : i32
          %dma_start3A_559 = tpu.memref_slice %arg13[%add3A_557, %dma_start3A_558] : memref<32x512xf32, #tpu.memory_space<vmem>> -> memref<1x512xf32, #tpu.memory_space<vmem>>
          %dma_start3A_560 = arith.constant 0 : i32
          %dma_start3A_561 = tpu.memref_slice %arg5[%squeeze3A_553, %dma_start3A_560] : memref<909x512xf32, #tpu.memory_space<vmem_shared>> -> memref<1x512xf32, #tpu.memory_space<vmem_shared>>
          %dma_start3A_562 = arith.constant 0 : i32
          %dma_start3A_563 = tpu.memref_slice %arg13[%add3A_557, %dma_start3A_562] : memref<32x512xf32, #tpu.memory_space<vmem>> -> memref<1x512xf32, #tpu.memory_space<vmem>>
          %dma_start3A_564 = arith.constant 0 : i32
          %dma_start3A_565 = tpu.memref_slice %arg5[%squeeze3A_553, %dma_start3A_564] : memref<909x512xf32, #tpu.memory_space<vmem_shared>> -> memref<1x512xf32, #tpu.memory_space<vmem_shared>>
          tpu.enqueue_dma source(%dma_start3A_565 : memref<1x512xf32, #tpu.memory_space<vmem_shared>>) target(%dma_start3A_563 : memref<1x512xf32, #tpu.memory_space<vmem>>) target_semaphore(%arg17 : memref<!tpu.dma_semaphore, #tpu.memory_space<semaphore_mem>>)
          %slice3A_566 = vector.extract_strided_slice %get3A_357 {offsets = [15], sizes = [1], strides = [1]} : vector<16xi32> to vector<1xi32>
          %squeeze3A_567 = vector.extract %slice3A_566[0] : i32 from vector<1xi32>
          %mul3A_568 = arith.constant 16 : i32
          %mul3A_569 = arith.muli %scan3A_352, %mul3A_568 : i32
          %add3A_570 = arith.constant 15 : i32
          %add3A_571 = arith.addi %mul3A_569, %add3A_570 : i32
          %dma_start3A_572 = arith.constant 0 : i32
          %dma_start3A_573 = tpu.memref_slice %arg13[%add3A_571, %dma_start3A_572] : memref<32x512xf32, #tpu.memory_space<vmem>> -> memref<1x512xf32, #tpu.memory_space<vmem>>
          %dma_start3A_574 = arith.constant 0 : i32
          %dma_start3A_575 = tpu.memref_slice %arg5[%squeeze3A_567, %dma_start3A_574] : memref<909x512xf32, #tpu.memory_space<vmem_shared>> -> memref<1x512xf32, #tpu.memory_space<vmem_shared>>
          %dma_start3A_576 = arith.constant 0 : i32
          %dma_start3A_577 = tpu.memref_slice %arg13[%add3A_571, %dma_start3A_576] : memref<32x512xf32, #tpu.memory_space<vmem>> -> memref<1x512xf32, #tpu.memory_space<vmem>>
          %dma_start3A_578 = arith.constant 0 : i32
          %dma_start3A_579 = tpu.memref_slice %arg5[%squeeze3A_567, %dma_start3A_578] : memref<909x512xf32, #tpu.memory_space<vmem_shared>> -> memref<1x512xf32, #tpu.memory_space<vmem_shared>>
          tpu.enqueue_dma source(%dma_start3A_579 : memref<1x512xf32, #tpu.memory_space<vmem_shared>>) target(%dma_start3A_577 : memref<1x512xf32, #tpu.memory_space<vmem>>) target_semaphore(%arg17 : memref<!tpu.dma_semaphore, #tpu.memory_space<semaphore_mem>>)
        }
        %scan3A_351 = arith.constant 2 : i32
      } else {
      }
      %mul3A_202 = arith.constant 4 : i32
      %mul3A_203 = arith.muli %scan3A_179, %mul3A_202 : i32
      %add3A_204 = arith.constant 1 : i32
      %add3A_205 = arith.addi %mul3A_203, %add3A_204 : i32
      %dma_wait3A_206 = arith.constant 0 : i32
      %dma_wait3A_207 = arith.constant 0 : i32
      %dma_wait3A_208 = tpu.memref_slice %arg3[%dma_wait3A_206, %dma_wait3A_207] : memref<909x512xf32, #tpu.memory_space<hbm>> -> memref<32x512xf32, #tpu.memory_space<hbm>>
      %dma_wait3A_209 = arith.constant 0 : i32
      %dma_wait3A_210 = arith.constant 0 : i32
      %dma_wait3A_211 = tpu.memref_slice %arg3[%dma_wait3A_209, %dma_wait3A_210] : memref<909x512xf32, #tpu.memory_space<hbm>> -> memref<32x512xf32, #tpu.memory_space<hbm>>
      tpu.wait_dma2 semaphore(%arg16 : memref<!tpu.dma_semaphore, #tpu.memory_space<semaphore_mem>>) src(%dma_wait3A_211 : memref<32x512xf32, #tpu.memory_space<hbm>>) dst(%arg12 : memref<32x512xf32, #tpu.memory_space<vmem>>)
      %mul3A_212 = arith.constant 32 : i32
      %mul3A_213 = arith.muli %add3A_205, %mul3A_212 : i32
      %add3A_214 = arith.addi %mul3A_2, %mul3A_213 : i32
      %dma_start3A_215 = arith.constant 0 : i32
      %dma_start3A_216 = tpu.memref_slice %arg4[%add3A_214, %dma_start3A_215] : memref<147456x512xf32, #tpu.memory_space<hbm>> -> memref<32x512xf32, #tpu.memory_space<hbm>>
      %dma_start3A_217 = arith.constant 0 : i32
      %dma_start3A_218 = tpu.memref_slice %arg4[%add3A_214, %dma_start3A_217] : memref<147456x512xf32, #tpu.memory_space<hbm>> -> memref<32x512xf32, #tpu.memory_space<hbm>>
      tpu.enqueue_dma source(%arg12 : memref<32x512xf32, #tpu.memory_space<vmem>>) target(%dma_start3A_218 : memref<32x512xf32, #tpu.memory_space<hbm>>) target_semaphore(%arg20 : memref<!tpu.dma_semaphore, #tpu.memory_space<semaphore_mem>>)
      %add3A_219 = arith.constant 2 : i32
      %add3A_220 = arith.addi %add3A_205, %add3A_219 : i32
      %lt3A_221 = arith.constant 144 : i32
      %lt3A_222 = arith.cmpi slt, %add3A_220, %lt3A_221 : i32
      %convert_element_type3A_223 = arith.extui %lt3A_222 : i1 to i32
      %cond3A_224 = arith.constant 0 : i32
      %cond3A_225 = arith.cmpi ne, %convert_element_type3A_223, %cond3A_224 : i32
      scf.if %cond3A_225 {
        %ge3A = arith.constant 4 : i32
        %ge3A_274 = arith.cmpi sge, %add3A_220, %ge3A : i32
        %convert_element_type3A_275 = arith.extui %ge3A_274 : i1 to i32
        %cond3A_276 = arith.constant 0 : i32
        %cond3A_277 = arith.cmpi ne, %convert_element_type3A_275, %cond3A_276 : i32
        scf.if %cond3A_277 {
          %sub3A_352 = arith.constant 4 : i32
          %sub3A_353 = arith.subi %add3A_220, %sub3A_352 : i32
          %mul3A_354 = arith.constant 32 : i32
          %mul3A_355 = arith.muli %sub3A_353, %mul3A_354 : i32
          %add3A_356 = arith.addi %mul3A_2, %mul3A_355 : i32
          %dma_wait3A_357 = arith.constant 0 : i32
          %dma_wait3A_358 = tpu.memref_slice %arg4[%add3A_356, %dma_wait3A_357] : memref<147456x512xf32, #tpu.memory_space<hbm>> -> memref<32x512xf32, #tpu.memory_space<hbm>>
          %dma_wait3A_359 = arith.constant 0 : i32
          %dma_wait3A_360 = tpu.memref_slice %arg4[%add3A_356, %dma_wait3A_359] : memref<147456x512xf32, #tpu.memory_space<hbm>> -> memref<32x512xf32, #tpu.memory_space<hbm>>
          tpu.wait_dma2 semaphore(%arg22 : memref<!tpu.dma_semaphore, #tpu.memory_space<semaphore_mem>>) src(%arg14 : memref<32x512xf32, #tpu.memory_space<vmem>>) dst(%dma_wait3A_360 : memref<32x512xf32, #tpu.memory_space<hbm>>)
        } else {
        }
        %mul3A_278 = arith.constant 32 : i32
        %mul3A_279 = arith.muli %add3A_220, %mul3A_278 : i32
        %add3A_280 = arith.constant 0 : i32
        %add3A_281 = arith.addi %mul3A_279, %add3A_280 : i32
        %get3A_282 = arith.index_cast %add3A_281 : i32 to index
        %get3A_283 = tpu.vector_load %arg6[%get3A_282] {strides = array<i32>} : memref<4608xf32, #tpu.memory_space<vmem>>, vector<16xf32>,
        %get3A_284 = vector.shape_cast %get3A_283 : vector<16xf32> to vector<16xf32>
        %max3A_285 = arith.constant 0.000000e+00 : f32
        %max3A_286 = vector.broadcast %max3A_285 : f32 to vector<16xf32>
        %max3A_287 = arith.maximumf %get3A_284, %max3A_286 : vector<16xf32>
        %min3A_288 = arith.constant 1.000000e+02 : f32
        %min3A_289 = vector.broadcast %min3A_288 : f32 to vector<16xf32>
        %min3A_290 = arith.minimumf %max3A_287, %min3A_289 : vector<16xf32>
        %add3A_291 = arith.constant 0x4B000000 : f32
        %add3A_292 = vector.broadcast %add3A_291 : f32 to vector<16xf32>
        %add3A_293 = arith.addf %min3A_290, %add3A_292 : vector<16xf32>
        %sub3A_294 = arith.constant 0x4B000000 : f32
        %sub3A_295 = vector.broadcast %sub3A_294 : f32 to vector<16xf32>
        %sub3A_296 = arith.subf %add3A_293, %sub3A_295 : vector<16xf32>
        %add3A_297 = arith.addi %mul3A_2, %add3A_281 : i32
        %add3A_298 = vector.broadcast %add3A_297 : i32 to vector<16xi32>
        %add3A_299 = arith.addi %add3A_298, %iota3A : vector<16xi32>
        %rem3A_300 = arith.constant 9 : i32
        %rem3A_301 = vector.broadcast %rem3A_300 : i32 to vector<16xi32>
        %rem3A_302 = arith.remsi %add3A_299, %rem3A_301 : vector<16xi32>
        %mul3A_303 = arith.constant 101 : i32
        %mul3A_304 = vector.broadcast %mul3A_303 : i32 to vector<16xi32>
        %mul3A_305 = arith.muli %rem3A_302, %mul3A_304 : vector<16xi32>
        %convert_element_type3A_306 = arith.fptosi %sub3A_296 : vector<16xf32> to vector<16xi32>
        %add3A_307 = arith.addi %mul3A_305, %convert_element_type3A_306 : vector<16xi32>
        %swap3A_308 = arith.constant 0 : index
        %swap3A_309 = tpu.vector_load %arg10[%swap3A_308] {strides = array<i32>} : memref<32xi32, #tpu.memory_space<vmem>>, vector<16xi32>,
        %swap3A_310 = vector.shape_cast %swap3A_309 : vector<16xi32> to vector<16xi32>
        %swap3A_311 = vector.shape_cast %add3A_307 : vector<16xi32> to vector<16xi32>
        tpu.vector_store %arg10[%swap3A_308], %swap3A_311 {strides = array<i32>} : memref<32xi32, #tpu.memory_space<vmem>>, vector<16xi32>,
        %mul3A_312 = arith.constant 32 : i32
        %mul3A_313 = arith.muli %add3A_220, %mul3A_312 : i32
        %add3A_314 = arith.constant 16 : i32
        %add3A_315 = arith.addi %mul3A_313, %add3A_314 : i32
        %get3A_316 = arith.index_cast %add3A_315 : i32 to index
        %get3A_317 = tpu.vector_load %arg6[%get3A_316] {strides = array<i32>} : memref<4608xf32, #tpu.memory_space<vmem>>, vector<16xf32>,
        %get3A_318 = vector.shape_cast %get3A_317 : vector<16xf32> to vector<16xf32>
        %max3A_319 = arith.constant 0.000000e+00 : f32
        %max3A_320 = vector.broadcast %max3A_319 : f32 to vector<16xf32>
        %max3A_321 = arith.maximumf %get3A_318, %max3A_320 : vector<16xf32>
        %min3A_322 = arith.constant 1.000000e+02 : f32
        %min3A_323 = vector.broadcast %min3A_322 : f32 to vector<16xf32>
        %min3A_324 = arith.minimumf %max3A_321, %min3A_323 : vector<16xf32>
        %add3A_325 = arith.constant 0x4B000000 : f32
        %add3A_326 = vector.broadcast %add3A_325 : f32 to vector<16xf32>
        %add3A_327 = arith.addf %min3A_324, %add3A_326 : vector<16xf32>
        %sub3A_328 = arith.constant 0x4B000000 : f32
        %sub3A_329 = vector.broadcast %sub3A_328 : f32 to vector<16xf32>
        %sub3A_330 = arith.subf %add3A_327, %sub3A_329 : vector<16xf32>
        %add3A_331 = arith.addi %mul3A_2, %add3A_315 : i32
        %add3A_332 = vector.broadcast %add3A_331 : i32 to vector<16xi32>
        %add3A_333 = arith.addi %add3A_332, %iota3A : vector<16xi32>
        %rem3A_334 = arith.constant 9 : i32
        %rem3A_335 = vector.broadcast %rem3A_334 : i32 to vector<16xi32>
        %rem3A_336 = arith.remsi %add3A_333, %rem3A_335 : vector<16xi32>
        %mul3A_337 = arith.constant 101 : i32
        %mul3A_338 = vector.broadcast %mul3A_337 : i32 to vector<16xi32>
        %mul3A_339 = arith.muli %rem3A_336, %mul3A_338 : vector<16xi32>
        %convert_element_type3A_340 = arith.fptosi %sub3A_330 : vector<16xf32> to vector<16xi32>
        %add3A_341 = arith.addi %mul3A_339, %convert_element_type3A_340 : vector<16xi32>
        %swap3A_342 = arith.constant 16 : index
        %swap3A_343 = tpu.vector_load %arg10[%swap3A_342] {strides = array<i32>} : memref<32xi32, #tpu.memory_space<vmem>>, vector<16xi32>,
        %swap3A_344 = vector.shape_cast %swap3A_343 : vector<16xi32> to vector<16xi32>
        %swap3A_345 = vector.shape_cast %add3A_341 : vector<16xi32> to vector<16xi32>
        tpu.vector_store %arg10[%swap3A_342], %swap3A_345 {strides = array<i32>} : memref<32xi32, #tpu.memory_space<vmem>>, vector<16xi32>,
        %scan3A_346 = arith.constant 0 : i32
        %scan3A_347 = arith.constant 0 : i32
        %scan3A_348 = arith.constant 2 : i32
        %scan3A_349 = arith.addi %scan3A_347, %scan3A_348 : i32
        %scan3A_350 = arith.constant 1 : i32
        scf.for %scan3A_352 = %scan3A_347 to %scan3A_349 step %scan3A_350  : i32 {
          %mul3A_353 = arith.constant 16 : i32
          %mul3A_354 = arith.muli %scan3A_352, %mul3A_353 : i32
          %get3A_355 = arith.index_cast %mul3A_354 : i32 to index
          %get3A_356 = tpu.vector_load %arg10[%get3A_355] {strides = array<i32>} : memref<32xi32, #tpu.memory_space<vmem>>, vector<16xi32>,
          %get3A_357 = vector.shape_cast %get3A_356 : vector<16xi32> to vector<16xi32>
          %slice3A = vector.extract_strided_slice %get3A_357 {offsets = [0], sizes = [1], strides = [1]} : vector<16xi32> to vector<1xi32>
          %squeeze3A = vector.extract %slice3A[0] : i32 from vector<1xi32>
          %mul3A_358 = arith.constant 16 : i32
          %mul3A_359 = arith.muli %scan3A_352, %mul3A_358 : i32
          %add3A_360 = arith.constant 0 : i32
          %add3A_361 = arith.addi %mul3A_359, %add3A_360 : i32
          %dma_start3A_362 = arith.constant 0 : i32
          %dma_start3A_363 = tpu.memref_slice %arg14[%add3A_361, %dma_start3A_362] : memref<32x512xf32, #tpu.memory_space<vmem>> -> memref<1x512xf32, #tpu.memory_space<vmem>>
          %dma_start3A_364 = arith.constant 0 : i32
          %dma_start3A_365 = tpu.memref_slice %arg5[%squeeze3A, %dma_start3A_364] : memref<909x512xf32, #tpu.memory_space<vmem_shared>> -> memref<1x512xf32, #tpu.memory_space<vmem_shared>>
          %dma_start3A_366 = arith.constant 0 : i32
          %dma_start3A_367 = tpu.memref_slice %arg14[%add3A_361, %dma_start3A_366] : memref<32x512xf32, #tpu.memory_space<vmem>> -> memref<1x512xf32, #tpu.memory_space<vmem>>
          %dma_start3A_368 = arith.constant 0 : i32
          %dma_start3A_369 = tpu.memref_slice %arg5[%squeeze3A, %dma_start3A_368] : memref<909x512xf32, #tpu.memory_space<vmem_shared>> -> memref<1x512xf32, #tpu.memory_space<vmem_shared>>
          tpu.enqueue_dma source(%dma_start3A_369 : memref<1x512xf32, #tpu.memory_space<vmem_shared>>) target(%dma_start3A_367 : memref<1x512xf32, #tpu.memory_space<vmem>>) target_semaphore(%arg18 : memref<!tpu.dma_semaphore, #tpu.memory_space<semaphore_mem>>)
          %slice3A_370 = vector.extract_strided_slice %get3A_357 {offsets = [1], sizes = [1], strides = [1]} : vector<16xi32> to vector<1xi32>
          %squeeze3A_371 = vector.extract %slice3A_370[0] : i32 from vector<1xi32>
          %mul3A_372 = arith.constant 16 : i32
          %mul3A_373 = arith.muli %scan3A_352, %mul3A_372 : i32
          %add3A_374 = arith.constant 1 : i32
          %add3A_375 = arith.addi %mul3A_373, %add3A_374 : i32
          %dma_start3A_376 = arith.constant 0 : i32
          %dma_start3A_377 = tpu.memref_slice %arg14[%add3A_375, %dma_start3A_376] : memref<32x512xf32, #tpu.memory_space<vmem>> -> memref<1x512xf32, #tpu.memory_space<vmem>>
          %dma_start3A_378 = arith.constant 0 : i32
          %dma_start3A_379 = tpu.memref_slice %arg5[%squeeze3A_371, %dma_start3A_378] : memref<909x512xf32, #tpu.memory_space<vmem_shared>> -> memref<1x512xf32, #tpu.memory_space<vmem_shared>>
          %dma_start3A_380 = arith.constant 0 : i32
          %dma_start3A_381 = tpu.memref_slice %arg14[%add3A_375, %dma_start3A_380] : memref<32x512xf32, #tpu.memory_space<vmem>> -> memref<1x512xf32, #tpu.memory_space<vmem>>
          %dma_start3A_382 = arith.constant 0 : i32
          %dma_start3A_383 = tpu.memref_slice %arg5[%squeeze3A_371, %dma_start3A_382] : memref<909x512xf32, #tpu.memory_space<vmem_shared>> -> memref<1x512xf32, #tpu.memory_space<vmem_shared>>
          tpu.enqueue_dma source(%dma_start3A_383 : memref<1x512xf32, #tpu.memory_space<vmem_shared>>) target(%dma_start3A_381 : memref<1x512xf32, #tpu.memory_space<vmem>>) target_semaphore(%arg18 : memref<!tpu.dma_semaphore, #tpu.memory_space<semaphore_mem>>)
          %slice3A_384 = vector.extract_strided_slice %get3A_357 {offsets = [2], sizes = [1], strides = [1]} : vector<16xi32> to vector<1xi32>
          %squeeze3A_385 = vector.extract %slice3A_384[0] : i32 from vector<1xi32>
          %mul3A_386 = arith.constant 16 : i32
          %mul3A_387 = arith.muli %scan3A_352, %mul3A_386 : i32
          %add3A_388 = arith.constant 2 : i32
          %add3A_389 = arith.addi %mul3A_387, %add3A_388 : i32
          %dma_start3A_390 = arith.constant 0 : i32
          %dma_start3A_391 = tpu.memref_slice %arg14[%add3A_389, %dma_start3A_390] : memref<32x512xf32, #tpu.memory_space<vmem>> -> memref<1x512xf32, #tpu.memory_space<vmem>>
          %dma_start3A_392 = arith.constant 0 : i32
          %dma_start3A_393 = tpu.memref_slice %arg5[%squeeze3A_385, %dma_start3A_392] : memref<909x512xf32, #tpu.memory_space<vmem_shared>> -> memref<1x512xf32, #tpu.memory_space<vmem_shared>>
          %dma_start3A_394 = arith.constant 0 : i32
          %dma_start3A_395 = tpu.memref_slice %arg14[%add3A_389, %dma_start3A_394] : memref<32x512xf32, #tpu.memory_space<vmem>> -> memref<1x512xf32, #tpu.memory_space<vmem>>
          %dma_start3A_396 = arith.constant 0 : i32
          %dma_start3A_397 = tpu.memref_slice %arg5[%squeeze3A_385, %dma_start3A_396] : memref<909x512xf32, #tpu.memory_space<vmem_shared>> -> memref<1x512xf32, #tpu.memory_space<vmem_shared>>
          tpu.enqueue_dma source(%dma_start3A_397 : memref<1x512xf32, #tpu.memory_space<vmem_shared>>) target(%dma_start3A_395 : memref<1x512xf32, #tpu.memory_space<vmem>>) target_semaphore(%arg18 : memref<!tpu.dma_semaphore, #tpu.memory_space<semaphore_mem>>)
          %slice3A_398 = vector.extract_strided_slice %get3A_357 {offsets = [3], sizes = [1], strides = [1]} : vector<16xi32> to vector<1xi32>
          %squeeze3A_399 = vector.extract %slice3A_398[0] : i32 from vector<1xi32>
          %mul3A_400 = arith.constant 16 : i32
          %mul3A_401 = arith.muli %scan3A_352, %mul3A_400 : i32
          %add3A_402 = arith.constant 3 : i32
          %add3A_403 = arith.addi %mul3A_401, %add3A_402 : i32
          %dma_start3A_404 = arith.constant 0 : i32
          %dma_start3A_405 = tpu.memref_slice %arg14[%add3A_403, %dma_start3A_404] : memref<32x512xf32, #tpu.memory_space<vmem>> -> memref<1x512xf32, #tpu.memory_space<vmem>>
          %dma_start3A_406 = arith.constant 0 : i32
          %dma_start3A_407 = tpu.memref_slice %arg5[%squeeze3A_399, %dma_start3A_406] : memref<909x512xf32, #tpu.memory_space<vmem_shared>> -> memref<1x512xf32, #tpu.memory_space<vmem_shared>>
          %dma_start3A_408 = arith.constant 0 : i32
          %dma_start3A_409 = tpu.memref_slice %arg14[%add3A_403, %dma_start3A_408] : memref<32x512xf32, #tpu.memory_space<vmem>> -> memref<1x512xf32, #tpu.memory_space<vmem>>
          %dma_start3A_410 = arith.constant 0 : i32
          %dma_start3A_411 = tpu.memref_slice %arg5[%squeeze3A_399, %dma_start3A_410] : memref<909x512xf32, #tpu.memory_space<vmem_shared>> -> memref<1x512xf32, #tpu.memory_space<vmem_shared>>
          tpu.enqueue_dma source(%dma_start3A_411 : memref<1x512xf32, #tpu.memory_space<vmem_shared>>) target(%dma_start3A_409 : memref<1x512xf32, #tpu.memory_space<vmem>>) target_semaphore(%arg18 : memref<!tpu.dma_semaphore, #tpu.memory_space<semaphore_mem>>)
          %slice3A_412 = vector.extract_strided_slice %get3A_357 {offsets = [4], sizes = [1], strides = [1]} : vector<16xi32> to vector<1xi32>
          %squeeze3A_413 = vector.extract %slice3A_412[0] : i32 from vector<1xi32>
          %mul3A_414 = arith.constant 16 : i32
          %mul3A_415 = arith.muli %scan3A_352, %mul3A_414 : i32
          %add3A_416 = arith.constant 4 : i32
          %add3A_417 = arith.addi %mul3A_415, %add3A_416 : i32
          %dma_start3A_418 = arith.constant 0 : i32
          %dma_start3A_419 = tpu.memref_slice %arg14[%add3A_417, %dma_start3A_418] : memref<32x512xf32, #tpu.memory_space<vmem>> -> memref<1x512xf32, #tpu.memory_space<vmem>>
          %dma_start3A_420 = arith.constant 0 : i32
          %dma_start3A_421 = tpu.memref_slice %arg5[%squeeze3A_413, %dma_start3A_420] : memref<909x512xf32, #tpu.memory_space<vmem_shared>> -> memref<1x512xf32, #tpu.memory_space<vmem_shared>>
          %dma_start3A_422 = arith.constant 0 : i32
          %dma_start3A_423 = tpu.memref_slice %arg14[%add3A_417, %dma_start3A_422] : memref<32x512xf32, #tpu.memory_space<vmem>> -> memref<1x512xf32, #tpu.memory_space<vmem>>
          %dma_start3A_424 = arith.constant 0 : i32
          %dma_start3A_425 = tpu.memref_slice %arg5[%squeeze3A_413, %dma_start3A_424] : memref<909x512xf32, #tpu.memory_space<vmem_shared>> -> memref<1x512xf32, #tpu.memory_space<vmem_shared>>
          tpu.enqueue_dma source(%dma_start3A_425 : memref<1x512xf32, #tpu.memory_space<vmem_shared>>) target(%dma_start3A_423 : memref<1x512xf32, #tpu.memory_space<vmem>>) target_semaphore(%arg18 : memref<!tpu.dma_semaphore, #tpu.memory_space<semaphore_mem>>)
          %slice3A_426 = vector.extract_strided_slice %get3A_357 {offsets = [5], sizes = [1], strides = [1]} : vector<16xi32> to vector<1xi32>
          %squeeze3A_427 = vector.extract %slice3A_426[0] : i32 from vector<1xi32>
          %mul3A_428 = arith.constant 16 : i32
          %mul3A_429 = arith.muli %scan3A_352, %mul3A_428 : i32
          %add3A_430 = arith.constant 5 : i32
          %add3A_431 = arith.addi %mul3A_429, %add3A_430 : i32
          %dma_start3A_432 = arith.constant 0 : i32
          %dma_start3A_433 = tpu.memref_slice %arg14[%add3A_431, %dma_start3A_432] : memref<32x512xf32, #tpu.memory_space<vmem>> -> memref<1x512xf32, #tpu.memory_space<vmem>>
          %dma_start3A_434 = arith.constant 0 : i32
          %dma_start3A_435 = tpu.memref_slice %arg5[%squeeze3A_427, %dma_start3A_434] : memref<909x512xf32, #tpu.memory_space<vmem_shared>> -> memref<1x512xf32, #tpu.memory_space<vmem_shared>>
          %dma_start3A_436 = arith.constant 0 : i32
          %dma_start3A_437 = tpu.memref_slice %arg14[%add3A_431, %dma_start3A_436] : memref<32x512xf32, #tpu.memory_space<vmem>> -> memref<1x512xf32, #tpu.memory_space<vmem>>
          %dma_start3A_438 = arith.constant 0 : i32
          %dma_start3A_439 = tpu.memref_slice %arg5[%squeeze3A_427, %dma_start3A_438] : memref<909x512xf32, #tpu.memory_space<vmem_shared>> -> memref<1x512xf32, #tpu.memory_space<vmem_shared>>
          tpu.enqueue_dma source(%dma_start3A_439 : memref<1x512xf32, #tpu.memory_space<vmem_shared>>) target(%dma_start3A_437 : memref<1x512xf32, #tpu.memory_space<vmem>>) target_semaphore(%arg18 : memref<!tpu.dma_semaphore, #tpu.memory_space<semaphore_mem>>)
          %slice3A_440 = vector.extract_strided_slice %get3A_357 {offsets = [6], sizes = [1], strides = [1]} : vector<16xi32> to vector<1xi32>
          %squeeze3A_441 = vector.extract %slice3A_440[0] : i32 from vector<1xi32>
          %mul3A_442 = arith.constant 16 : i32
          %mul3A_443 = arith.muli %scan3A_352, %mul3A_442 : i32
          %add3A_444 = arith.constant 6 : i32
          %add3A_445 = arith.addi %mul3A_443, %add3A_444 : i32
          %dma_start3A_446 = arith.constant 0 : i32
          %dma_start3A_447 = tpu.memref_slice %arg14[%add3A_445, %dma_start3A_446] : memref<32x512xf32, #tpu.memory_space<vmem>> -> memref<1x512xf32, #tpu.memory_space<vmem>>
          %dma_start3A_448 = arith.constant 0 : i32
          %dma_start3A_449 = tpu.memref_slice %arg5[%squeeze3A_441, %dma_start3A_448] : memref<909x512xf32, #tpu.memory_space<vmem_shared>> -> memref<1x512xf32, #tpu.memory_space<vmem_shared>>
          %dma_start3A_450 = arith.constant 0 : i32
          %dma_start3A_451 = tpu.memref_slice %arg14[%add3A_445, %dma_start3A_450] : memref<32x512xf32, #tpu.memory_space<vmem>> -> memref<1x512xf32, #tpu.memory_space<vmem>>
          %dma_start3A_452 = arith.constant 0 : i32
          %dma_start3A_453 = tpu.memref_slice %arg5[%squeeze3A_441, %dma_start3A_452] : memref<909x512xf32, #tpu.memory_space<vmem_shared>> -> memref<1x512xf32, #tpu.memory_space<vmem_shared>>
          tpu.enqueue_dma source(%dma_start3A_453 : memref<1x512xf32, #tpu.memory_space<vmem_shared>>) target(%dma_start3A_451 : memref<1x512xf32, #tpu.memory_space<vmem>>) target_semaphore(%arg18 : memref<!tpu.dma_semaphore, #tpu.memory_space<semaphore_mem>>)
          %slice3A_454 = vector.extract_strided_slice %get3A_357 {offsets = [7], sizes = [1], strides = [1]} : vector<16xi32> to vector<1xi32>
          %squeeze3A_455 = vector.extract %slice3A_454[0] : i32 from vector<1xi32>
          %mul3A_456 = arith.constant 16 : i32
          %mul3A_457 = arith.muli %scan3A_352, %mul3A_456 : i32
          %add3A_458 = arith.constant 7 : i32
          %add3A_459 = arith.addi %mul3A_457, %add3A_458 : i32
          %dma_start3A_460 = arith.constant 0 : i32
          %dma_start3A_461 = tpu.memref_slice %arg14[%add3A_459, %dma_start3A_460] : memref<32x512xf32, #tpu.memory_space<vmem>> -> memref<1x512xf32, #tpu.memory_space<vmem>>
          %dma_start3A_462 = arith.constant 0 : i32
          %dma_start3A_463 = tpu.memref_slice %arg5[%squeeze3A_455, %dma_start3A_462] : memref<909x512xf32, #tpu.memory_space<vmem_shared>> -> memref<1x512xf32, #tpu.memory_space<vmem_shared>>
          %dma_start3A_464 = arith.constant 0 : i32
          %dma_start3A_465 = tpu.memref_slice %arg14[%add3A_459, %dma_start3A_464] : memref<32x512xf32, #tpu.memory_space<vmem>> -> memref<1x512xf32, #tpu.memory_space<vmem>>
          %dma_start3A_466 = arith.constant 0 : i32
          %dma_start3A_467 = tpu.memref_slice %arg5[%squeeze3A_455, %dma_start3A_466] : memref<909x512xf32, #tpu.memory_space<vmem_shared>> -> memref<1x512xf32, #tpu.memory_space<vmem_shared>>
          tpu.enqueue_dma source(%dma_start3A_467 : memref<1x512xf32, #tpu.memory_space<vmem_shared>>) target(%dma_start3A_465 : memref<1x512xf32, #tpu.memory_space<vmem>>) target_semaphore(%arg18 : memref<!tpu.dma_semaphore, #tpu.memory_space<semaphore_mem>>)
          %slice3A_468 = vector.extract_strided_slice %get3A_357 {offsets = [8], sizes = [1], strides = [1]} : vector<16xi32> to vector<1xi32>
          %squeeze3A_469 = vector.extract %slice3A_468[0] : i32 from vector<1xi32>
          %mul3A_470 = arith.constant 16 : i32
          %mul3A_471 = arith.muli %scan3A_352, %mul3A_470 : i32
          %add3A_472 = arith.constant 8 : i32
          %add3A_473 = arith.addi %mul3A_471, %add3A_472 : i32
          %dma_start3A_474 = arith.constant 0 : i32
          %dma_start3A_475 = tpu.memref_slice %arg14[%add3A_473, %dma_start3A_474] : memref<32x512xf32, #tpu.memory_space<vmem>> -> memref<1x512xf32, #tpu.memory_space<vmem>>
          %dma_start3A_476 = arith.constant 0 : i32
          %dma_start3A_477 = tpu.memref_slice %arg5[%squeeze3A_469, %dma_start3A_476] : memref<909x512xf32, #tpu.memory_space<vmem_shared>> -> memref<1x512xf32, #tpu.memory_space<vmem_shared>>
          %dma_start3A_478 = arith.constant 0 : i32
          %dma_start3A_479 = tpu.memref_slice %arg14[%add3A_473, %dma_start3A_478] : memref<32x512xf32, #tpu.memory_space<vmem>> -> memref<1x512xf32, #tpu.memory_space<vmem>>
          %dma_start3A_480 = arith.constant 0 : i32
          %dma_start3A_481 = tpu.memref_slice %arg5[%squeeze3A_469, %dma_start3A_480] : memref<909x512xf32, #tpu.memory_space<vmem_shared>> -> memref<1x512xf32, #tpu.memory_space<vmem_shared>>
          tpu.enqueue_dma source(%dma_start3A_481 : memref<1x512xf32, #tpu.memory_space<vmem_shared>>) target(%dma_start3A_479 : memref<1x512xf32, #tpu.memory_space<vmem>>) target_semaphore(%arg18 : memref<!tpu.dma_semaphore, #tpu.memory_space<semaphore_mem>>)
          %slice3A_482 = vector.extract_strided_slice %get3A_357 {offsets = [9], sizes = [1], strides = [1]} : vector<16xi32> to vector<1xi32>
          %squeeze3A_483 = vector.extract %slice3A_482[0] : i32 from vector<1xi32>
          %mul3A_484 = arith.constant 16 : i32
          %mul3A_485 = arith.muli %scan3A_352, %mul3A_484 : i32
          %add3A_486 = arith.constant 9 : i32
          %add3A_487 = arith.addi %mul3A_485, %add3A_486 : i32
          %dma_start3A_488 = arith.constant 0 : i32
          %dma_start3A_489 = tpu.memref_slice %arg14[%add3A_487, %dma_start3A_488] : memref<32x512xf32, #tpu.memory_space<vmem>> -> memref<1x512xf32, #tpu.memory_space<vmem>>
          %dma_start3A_490 = arith.constant 0 : i32
          %dma_start3A_491 = tpu.memref_slice %arg5[%squeeze3A_483, %dma_start3A_490] : memref<909x512xf32, #tpu.memory_space<vmem_shared>> -> memref<1x512xf32, #tpu.memory_space<vmem_shared>>
          %dma_start3A_492 = arith.constant 0 : i32
          %dma_start3A_493 = tpu.memref_slice %arg14[%add3A_487, %dma_start3A_492] : memref<32x512xf32, #tpu.memory_space<vmem>> -> memref<1x512xf32, #tpu.memory_space<vmem>>
          %dma_start3A_494 = arith.constant 0 : i32
          %dma_start3A_495 = tpu.memref_slice %arg5[%squeeze3A_483, %dma_start3A_494] : memref<909x512xf32, #tpu.memory_space<vmem_shared>> -> memref<1x512xf32, #tpu.memory_space<vmem_shared>>
          tpu.enqueue_dma source(%dma_start3A_495 : memref<1x512xf32, #tpu.memory_space<vmem_shared>>) target(%dma_start3A_493 : memref<1x512xf32, #tpu.memory_space<vmem>>) target_semaphore(%arg18 : memref<!tpu.dma_semaphore, #tpu.memory_space<semaphore_mem>>)
          %slice3A_496 = vector.extract_strided_slice %get3A_357 {offsets = [10], sizes = [1], strides = [1]} : vector<16xi32> to vector<1xi32>
          %squeeze3A_497 = vector.extract %slice3A_496[0] : i32 from vector<1xi32>
          %mul3A_498 = arith.constant 16 : i32
          %mul3A_499 = arith.muli %scan3A_352, %mul3A_498 : i32
          %add3A_500 = arith.constant 10 : i32
          %add3A_501 = arith.addi %mul3A_499, %add3A_500 : i32
          %dma_start3A_502 = arith.constant 0 : i32
          %dma_start3A_503 = tpu.memref_slice %arg14[%add3A_501, %dma_start3A_502] : memref<32x512xf32, #tpu.memory_space<vmem>> -> memref<1x512xf32, #tpu.memory_space<vmem>>
          %dma_start3A_504 = arith.constant 0 : i32
          %dma_start3A_505 = tpu.memref_slice %arg5[%squeeze3A_497, %dma_start3A_504] : memref<909x512xf32, #tpu.memory_space<vmem_shared>> -> memref<1x512xf32, #tpu.memory_space<vmem_shared>>
          %dma_start3A_506 = arith.constant 0 : i32
          %dma_start3A_507 = tpu.memref_slice %arg14[%add3A_501, %dma_start3A_506] : memref<32x512xf32, #tpu.memory_space<vmem>> -> memref<1x512xf32, #tpu.memory_space<vmem>>
          %dma_start3A_508 = arith.constant 0 : i32
          %dma_start3A_509 = tpu.memref_slice %arg5[%squeeze3A_497, %dma_start3A_508] : memref<909x512xf32, #tpu.memory_space<vmem_shared>> -> memref<1x512xf32, #tpu.memory_space<vmem_shared>>
          tpu.enqueue_dma source(%dma_start3A_509 : memref<1x512xf32, #tpu.memory_space<vmem_shared>>) target(%dma_start3A_507 : memref<1x512xf32, #tpu.memory_space<vmem>>) target_semaphore(%arg18 : memref<!tpu.dma_semaphore, #tpu.memory_space<semaphore_mem>>)
          %slice3A_510 = vector.extract_strided_slice %get3A_357 {offsets = [11], sizes = [1], strides = [1]} : vector<16xi32> to vector<1xi32>
          %squeeze3A_511 = vector.extract %slice3A_510[0] : i32 from vector<1xi32>
          %mul3A_512 = arith.constant 16 : i32
          %mul3A_513 = arith.muli %scan3A_352, %mul3A_512 : i32
          %add3A_514 = arith.constant 11 : i32
          %add3A_515 = arith.addi %mul3A_513, %add3A_514 : i32
          %dma_start3A_516 = arith.constant 0 : i32
          %dma_start3A_517 = tpu.memref_slice %arg14[%add3A_515, %dma_start3A_516] : memref<32x512xf32, #tpu.memory_space<vmem>> -> memref<1x512xf32, #tpu.memory_space<vmem>>
          %dma_start3A_518 = arith.constant 0 : i32
          %dma_start3A_519 = tpu.memref_slice %arg5[%squeeze3A_511, %dma_start3A_518] : memref<909x512xf32, #tpu.memory_space<vmem_shared>> -> memref<1x512xf32, #tpu.memory_space<vmem_shared>>
          %dma_start3A_520 = arith.constant 0 : i32
          %dma_start3A_521 = tpu.memref_slice %arg14[%add3A_515, %dma_start3A_520] : memref<32x512xf32, #tpu.memory_space<vmem>> -> memref<1x512xf32, #tpu.memory_space<vmem>>
          %dma_start3A_522 = arith.constant 0 : i32
          %dma_start3A_523 = tpu.memref_slice %arg5[%squeeze3A_511, %dma_start3A_522] : memref<909x512xf32, #tpu.memory_space<vmem_shared>> -> memref<1x512xf32, #tpu.memory_space<vmem_shared>>
          tpu.enqueue_dma source(%dma_start3A_523 : memref<1x512xf32, #tpu.memory_space<vmem_shared>>) target(%dma_start3A_521 : memref<1x512xf32, #tpu.memory_space<vmem>>) target_semaphore(%arg18 : memref<!tpu.dma_semaphore, #tpu.memory_space<semaphore_mem>>)
          %slice3A_524 = vector.extract_strided_slice %get3A_357 {offsets = [12], sizes = [1], strides = [1]} : vector<16xi32> to vector<1xi32>
          %squeeze3A_525 = vector.extract %slice3A_524[0] : i32 from vector<1xi32>
          %mul3A_526 = arith.constant 16 : i32
          %mul3A_527 = arith.muli %scan3A_352, %mul3A_526 : i32
          %add3A_528 = arith.constant 12 : i32
          %add3A_529 = arith.addi %mul3A_527, %add3A_528 : i32
          %dma_start3A_530 = arith.constant 0 : i32
          %dma_start3A_531 = tpu.memref_slice %arg14[%add3A_529, %dma_start3A_530] : memref<32x512xf32, #tpu.memory_space<vmem>> -> memref<1x512xf32, #tpu.memory_space<vmem>>
          %dma_start3A_532 = arith.constant 0 : i32
          %dma_start3A_533 = tpu.memref_slice %arg5[%squeeze3A_525, %dma_start3A_532] : memref<909x512xf32, #tpu.memory_space<vmem_shared>> -> memref<1x512xf32, #tpu.memory_space<vmem_shared>>
          %dma_start3A_534 = arith.constant 0 : i32
          %dma_start3A_535 = tpu.memref_slice %arg14[%add3A_529, %dma_start3A_534] : memref<32x512xf32, #tpu.memory_space<vmem>> -> memref<1x512xf32, #tpu.memory_space<vmem>>
          %dma_start3A_536 = arith.constant 0 : i32
          %dma_start3A_537 = tpu.memref_slice %arg5[%squeeze3A_525, %dma_start3A_536] : memref<909x512xf32, #tpu.memory_space<vmem_shared>> -> memref<1x512xf32, #tpu.memory_space<vmem_shared>>
          tpu.enqueue_dma source(%dma_start3A_537 : memref<1x512xf32, #tpu.memory_space<vmem_shared>>) target(%dma_start3A_535 : memref<1x512xf32, #tpu.memory_space<vmem>>) target_semaphore(%arg18 : memref<!tpu.dma_semaphore, #tpu.memory_space<semaphore_mem>>)
          %slice3A_538 = vector.extract_strided_slice %get3A_357 {offsets = [13], sizes = [1], strides = [1]} : vector<16xi32> to vector<1xi32>
          %squeeze3A_539 = vector.extract %slice3A_538[0] : i32 from vector<1xi32>
          %mul3A_540 = arith.constant 16 : i32
          %mul3A_541 = arith.muli %scan3A_352, %mul3A_540 : i32
          %add3A_542 = arith.constant 13 : i32
          %add3A_543 = arith.addi %mul3A_541, %add3A_542 : i32
          %dma_start3A_544 = arith.constant 0 : i32
          %dma_start3A_545 = tpu.memref_slice %arg14[%add3A_543, %dma_start3A_544] : memref<32x512xf32, #tpu.memory_space<vmem>> -> memref<1x512xf32, #tpu.memory_space<vmem>>
          %dma_start3A_546 = arith.constant 0 : i32
          %dma_start3A_547 = tpu.memref_slice %arg5[%squeeze3A_539, %dma_start3A_546] : memref<909x512xf32, #tpu.memory_space<vmem_shared>> -> memref<1x512xf32, #tpu.memory_space<vmem_shared>>
          %dma_start3A_548 = arith.constant 0 : i32
          %dma_start3A_549 = tpu.memref_slice %arg14[%add3A_543, %dma_start3A_548] : memref<32x512xf32, #tpu.memory_space<vmem>> -> memref<1x512xf32, #tpu.memory_space<vmem>>
          %dma_start3A_550 = arith.constant 0 : i32
          %dma_start3A_551 = tpu.memref_slice %arg5[%squeeze3A_539, %dma_start3A_550] : memref<909x512xf32, #tpu.memory_space<vmem_shared>> -> memref<1x512xf32, #tpu.memory_space<vmem_shared>>
          tpu.enqueue_dma source(%dma_start3A_551 : memref<1x512xf32, #tpu.memory_space<vmem_shared>>) target(%dma_start3A_549 : memref<1x512xf32, #tpu.memory_space<vmem>>) target_semaphore(%arg18 : memref<!tpu.dma_semaphore, #tpu.memory_space<semaphore_mem>>)
          %slice3A_552 = vector.extract_strided_slice %get3A_357 {offsets = [14], sizes = [1], strides = [1]} : vector<16xi32> to vector<1xi32>
          %squeeze3A_553 = vector.extract %slice3A_552[0] : i32 from vector<1xi32>
          %mul3A_554 = arith.constant 16 : i32
          %mul3A_555 = arith.muli %scan3A_352, %mul3A_554 : i32
          %add3A_556 = arith.constant 14 : i32
          %add3A_557 = arith.addi %mul3A_555, %add3A_556 : i32
          %dma_start3A_558 = arith.constant 0 : i32
          %dma_start3A_559 = tpu.memref_slice %arg14[%add3A_557, %dma_start3A_558] : memref<32x512xf32, #tpu.memory_space<vmem>> -> memref<1x512xf32, #tpu.memory_space<vmem>>
          %dma_start3A_560 = arith.constant 0 : i32
          %dma_start3A_561 = tpu.memref_slice %arg5[%squeeze3A_553, %dma_start3A_560] : memref<909x512xf32, #tpu.memory_space<vmem_shared>> -> memref<1x512xf32, #tpu.memory_space<vmem_shared>>
          %dma_start3A_562 = arith.constant 0 : i32
          %dma_start3A_563 = tpu.memref_slice %arg14[%add3A_557, %dma_start3A_562] : memref<32x512xf32, #tpu.memory_space<vmem>> -> memref<1x512xf32, #tpu.memory_space<vmem>>
          %dma_start3A_564 = arith.constant 0 : i32
          %dma_start3A_565 = tpu.memref_slice %arg5[%squeeze3A_553, %dma_start3A_564] : memref<909x512xf32, #tpu.memory_space<vmem_shared>> -> memref<1x512xf32, #tpu.memory_space<vmem_shared>>
          tpu.enqueue_dma source(%dma_start3A_565 : memref<1x512xf32, #tpu.memory_space<vmem_shared>>) target(%dma_start3A_563 : memref<1x512xf32, #tpu.memory_space<vmem>>) target_semaphore(%arg18 : memref<!tpu.dma_semaphore, #tpu.memory_space<semaphore_mem>>)
          %slice3A_566 = vector.extract_strided_slice %get3A_357 {offsets = [15], sizes = [1], strides = [1]} : vector<16xi32> to vector<1xi32>
          %squeeze3A_567 = vector.extract %slice3A_566[0] : i32 from vector<1xi32>
          %mul3A_568 = arith.constant 16 : i32
          %mul3A_569 = arith.muli %scan3A_352, %mul3A_568 : i32
          %add3A_570 = arith.constant 15 : i32
          %add3A_571 = arith.addi %mul3A_569, %add3A_570 : i32
          %dma_start3A_572 = arith.constant 0 : i32
          %dma_start3A_573 = tpu.memref_slice %arg14[%add3A_571, %dma_start3A_572] : memref<32x512xf32, #tpu.memory_space<vmem>> -> memref<1x512xf32, #tpu.memory_space<vmem>>
          %dma_start3A_574 = arith.constant 0 : i32
          %dma_start3A_575 = tpu.memref_slice %arg5[%squeeze3A_567, %dma_start3A_574] : memref<909x512xf32, #tpu.memory_space<vmem_shared>> -> memref<1x512xf32, #tpu.memory_space<vmem_shared>>
          %dma_start3A_576 = arith.constant 0 : i32
          %dma_start3A_577 = tpu.memref_slice %arg14[%add3A_571, %dma_start3A_576] : memref<32x512xf32, #tpu.memory_space<vmem>> -> memref<1x512xf32, #tpu.memory_space<vmem>>
          %dma_start3A_578 = arith.constant 0 : i32
          %dma_start3A_579 = tpu.memref_slice %arg5[%squeeze3A_567, %dma_start3A_578] : memref<909x512xf32, #tpu.memory_space<vmem_shared>> -> memref<1x512xf32, #tpu.memory_space<vmem_shared>>
          tpu.enqueue_dma source(%dma_start3A_579 : memref<1x512xf32, #tpu.memory_space<vmem_shared>>) target(%dma_start3A_577 : memref<1x512xf32, #tpu.memory_space<vmem>>) target_semaphore(%arg18 : memref<!tpu.dma_semaphore, #tpu.memory_space<semaphore_mem>>)
        }
        %scan3A_351 = arith.constant 2 : i32
      } else {
      }
      %mul3A_226 = arith.constant 4 : i32
      %mul3A_227 = arith.muli %scan3A_179, %mul3A_226 : i32
      %add3A_228 = arith.constant 2 : i32
      %add3A_229 = arith.addi %mul3A_227, %add3A_228 : i32
      %dma_wait3A_230 = arith.constant 0 : i32
      %dma_wait3A_231 = arith.constant 0 : i32
      %dma_wait3A_232 = tpu.memref_slice %arg3[%dma_wait3A_230, %dma_wait3A_231] : memref<909x512xf32, #tpu.memory_space<hbm>> -> memref<32x512xf32, #tpu.memory_space<hbm>>
      %dma_wait3A_233 = arith.constant 0 : i32
      %dma_wait3A_234 = arith.constant 0 : i32
      %dma_wait3A_235 = tpu.memref_slice %arg3[%dma_wait3A_233, %dma_wait3A_234] : memref<909x512xf32, #tpu.memory_space<hbm>> -> memref<32x512xf32, #tpu.memory_space<hbm>>
      tpu.wait_dma2 semaphore(%arg17 : memref<!tpu.dma_semaphore, #tpu.memory_space<semaphore_mem>>) src(%dma_wait3A_235 : memref<32x512xf32, #tpu.memory_space<hbm>>) dst(%arg13 : memref<32x512xf32, #tpu.memory_space<vmem>>)
      %mul3A_236 = arith.constant 32 : i32
      %mul3A_237 = arith.muli %add3A_229, %mul3A_236 : i32
      %add3A_238 = arith.addi %mul3A_2, %mul3A_237 : i32
      %dma_start3A_239 = arith.constant 0 : i32
      %dma_start3A_240 = tpu.memref_slice %arg4[%add3A_238, %dma_start3A_239] : memref<147456x512xf32, #tpu.memory_space<hbm>> -> memref<32x512xf32, #tpu.memory_space<hbm>>
      %dma_start3A_241 = arith.constant 0 : i32
      %dma_start3A_242 = tpu.memref_slice %arg4[%add3A_238, %dma_start3A_241] : memref<147456x512xf32, #tpu.memory_space<hbm>> -> memref<32x512xf32, #tpu.memory_space<hbm>>
      tpu.enqueue_dma source(%arg13 : memref<32x512xf32, #tpu.memory_space<vmem>>) target(%dma_start3A_242 : memref<32x512xf32, #tpu.memory_space<hbm>>) target_semaphore(%arg21 : memref<!tpu.dma_semaphore, #tpu.memory_space<semaphore_mem>>)
      %add3A_243 = arith.constant 2 : i32
      %add3A_244 = arith.addi %add3A_229, %add3A_243 : i32
      %lt3A_245 = arith.constant 144 : i32
      %lt3A_246 = arith.cmpi slt, %add3A_244, %lt3A_245 : i32
      %convert_element_type3A_247 = arith.extui %lt3A_246 : i1 to i32
      %cond3A_248 = arith.constant 0 : i32
      %cond3A_249 = arith.cmpi ne, %convert_element_type3A_247, %cond3A_248 : i32
      scf.if %cond3A_249 {
        %ge3A = arith.constant 4 : i32
        %ge3A_274 = arith.cmpi sge, %add3A_244, %ge3A : i32
        %convert_element_type3A_275 = arith.extui %ge3A_274 : i1 to i32
        %cond3A_276 = arith.constant 0 : i32
        %cond3A_277 = arith.cmpi ne, %convert_element_type3A_275, %cond3A_276 : i32
        scf.if %cond3A_277 {
          %sub3A_352 = arith.constant 4 : i32
          %sub3A_353 = arith.subi %add3A_244, %sub3A_352 : i32
          %mul3A_354 = arith.constant 32 : i32
          %mul3A_355 = arith.muli %sub3A_353, %mul3A_354 : i32
          %add3A_356 = arith.addi %mul3A_2, %mul3A_355 : i32
          %dma_wait3A_357 = arith.constant 0 : i32
          %dma_wait3A_358 = tpu.memref_slice %arg4[%add3A_356, %dma_wait3A_357] : memref<147456x512xf32, #tpu.memory_space<hbm>> -> memref<32x512xf32, #tpu.memory_space<hbm>>
          %dma_wait3A_359 = arith.constant 0 : i32
          %dma_wait3A_360 = tpu.memref_slice %arg4[%add3A_356, %dma_wait3A_359] : memref<147456x512xf32, #tpu.memory_space<hbm>> -> memref<32x512xf32, #tpu.memory_space<hbm>>
          tpu.wait_dma2 semaphore(%arg19 : memref<!tpu.dma_semaphore, #tpu.memory_space<semaphore_mem>>) src(%arg11 : memref<32x512xf32, #tpu.memory_space<vmem>>) dst(%dma_wait3A_360 : memref<32x512xf32, #tpu.memory_space<hbm>>)
        } else {
        }
        %mul3A_278 = arith.constant 32 : i32
        %mul3A_279 = arith.muli %add3A_244, %mul3A_278 : i32
        %add3A_280 = arith.constant 0 : i32
        %add3A_281 = arith.addi %mul3A_279, %add3A_280 : i32
        %get3A_282 = arith.index_cast %add3A_281 : i32 to index
        %get3A_283 = tpu.vector_load %arg6[%get3A_282] {strides = array<i32>} : memref<4608xf32, #tpu.memory_space<vmem>>, vector<16xf32>,
        %get3A_284 = vector.shape_cast %get3A_283 : vector<16xf32> to vector<16xf32>
        %max3A_285 = arith.constant 0.000000e+00 : f32
        %max3A_286 = vector.broadcast %max3A_285 : f32 to vector<16xf32>
        %max3A_287 = arith.maximumf %get3A_284, %max3A_286 : vector<16xf32>
        %min3A_288 = arith.constant 1.000000e+02 : f32
        %min3A_289 = vector.broadcast %min3A_288 : f32 to vector<16xf32>
        %min3A_290 = arith.minimumf %max3A_287, %min3A_289 : vector<16xf32>
        %add3A_291 = arith.constant 0x4B000000 : f32
        %add3A_292 = vector.broadcast %add3A_291 : f32 to vector<16xf32>
        %add3A_293 = arith.addf %min3A_290, %add3A_292 : vector<16xf32>
        %sub3A_294 = arith.constant 0x4B000000 : f32
        %sub3A_295 = vector.broadcast %sub3A_294 : f32 to vector<16xf32>
        %sub3A_296 = arith.subf %add3A_293, %sub3A_295 : vector<16xf32>
        %add3A_297 = arith.addi %mul3A_2, %add3A_281 : i32
        %add3A_298 = vector.broadcast %add3A_297 : i32 to vector<16xi32>
        %add3A_299 = arith.addi %add3A_298, %iota3A : vector<16xi32>
        %rem3A_300 = arith.constant 9 : i32
        %rem3A_301 = vector.broadcast %rem3A_300 : i32 to vector<16xi32>
        %rem3A_302 = arith.remsi %add3A_299, %rem3A_301 : vector<16xi32>
        %mul3A_303 = arith.constant 101 : i32
        %mul3A_304 = vector.broadcast %mul3A_303 : i32 to vector<16xi32>
        %mul3A_305 = arith.muli %rem3A_302, %mul3A_304 : vector<16xi32>
        %convert_element_type3A_306 = arith.fptosi %sub3A_296 : vector<16xf32> to vector<16xi32>
        %add3A_307 = arith.addi %mul3A_305, %convert_element_type3A_306 : vector<16xi32>
        %swap3A_308 = arith.constant 0 : index
        %swap3A_309 = tpu.vector_load %arg7[%swap3A_308] {strides = array<i32>} : memref<32xi32, #tpu.memory_space<vmem>>, vector<16xi32>,
        %swap3A_310 = vector.shape_cast %swap3A_309 : vector<16xi32> to vector<16xi32>
        %swap3A_311 = vector.shape_cast %add3A_307 : vector<16xi32> to vector<16xi32>
        tpu.vector_store %arg7[%swap3A_308], %swap3A_311 {strides = array<i32>} : memref<32xi32, #tpu.memory_space<vmem>>, vector<16xi32>,
        %mul3A_312 = arith.constant 32 : i32
        %mul3A_313 = arith.muli %add3A_244, %mul3A_312 : i32
        %add3A_314 = arith.constant 16 : i32
        %add3A_315 = arith.addi %mul3A_313, %add3A_314 : i32
        %get3A_316 = arith.index_cast %add3A_315 : i32 to index
        %get3A_317 = tpu.vector_load %arg6[%get3A_316] {strides = array<i32>} : memref<4608xf32, #tpu.memory_space<vmem>>, vector<16xf32>,
        %get3A_318 = vector.shape_cast %get3A_317 : vector<16xf32> to vector<16xf32>
        %max3A_319 = arith.constant 0.000000e+00 : f32
        %max3A_320 = vector.broadcast %max3A_319 : f32 to vector<16xf32>
        %max3A_321 = arith.maximumf %get3A_318, %max3A_320 : vector<16xf32>
        %min3A_322 = arith.constant 1.000000e+02 : f32
        %min3A_323 = vector.broadcast %min3A_322 : f32 to vector<16xf32>
        %min3A_324 = arith.minimumf %max3A_321, %min3A_323 : vector<16xf32>
        %add3A_325 = arith.constant 0x4B000000 : f32
        %add3A_326 = vector.broadcast %add3A_325 : f32 to vector<16xf32>
        %add3A_327 = arith.addf %min3A_324, %add3A_326 : vector<16xf32>
        %sub3A_328 = arith.constant 0x4B000000 : f32
        %sub3A_329 = vector.broadcast %sub3A_328 : f32 to vector<16xf32>
        %sub3A_330 = arith.subf %add3A_327, %sub3A_329 : vector<16xf32>
        %add3A_331 = arith.addi %mul3A_2, %add3A_315 : i32
        %add3A_332 = vector.broadcast %add3A_331 : i32 to vector<16xi32>
        %add3A_333 = arith.addi %add3A_332, %iota3A : vector<16xi32>
        %rem3A_334 = arith.constant 9 : i32
        %rem3A_335 = vector.broadcast %rem3A_334 : i32 to vector<16xi32>
        %rem3A_336 = arith.remsi %add3A_333, %rem3A_335 : vector<16xi32>
        %mul3A_337 = arith.constant 101 : i32
        %mul3A_338 = vector.broadcast %mul3A_337 : i32 to vector<16xi32>
        %mul3A_339 = arith.muli %rem3A_336, %mul3A_338 : vector<16xi32>
        %convert_element_type3A_340 = arith.fptosi %sub3A_330 : vector<16xf32> to vector<16xi32>
        %add3A_341 = arith.addi %mul3A_339, %convert_element_type3A_340 : vector<16xi32>
        %swap3A_342 = arith.constant 16 : index
        %swap3A_343 = tpu.vector_load %arg7[%swap3A_342] {strides = array<i32>} : memref<32xi32, #tpu.memory_space<vmem>>, vector<16xi32>,
        %swap3A_344 = vector.shape_cast %swap3A_343 : vector<16xi32> to vector<16xi32>
        %swap3A_345 = vector.shape_cast %add3A_341 : vector<16xi32> to vector<16xi32>
        tpu.vector_store %arg7[%swap3A_342], %swap3A_345 {strides = array<i32>} : memref<32xi32, #tpu.memory_space<vmem>>, vector<16xi32>,
        %scan3A_346 = arith.constant 0 : i32
        %scan3A_347 = arith.constant 0 : i32
        %scan3A_348 = arith.constant 2 : i32
        %scan3A_349 = arith.addi %scan3A_347, %scan3A_348 : i32
        %scan3A_350 = arith.constant 1 : i32
        scf.for %scan3A_352 = %scan3A_347 to %scan3A_349 step %scan3A_350  : i32 {
          %mul3A_353 = arith.constant 16 : i32
          %mul3A_354 = arith.muli %scan3A_352, %mul3A_353 : i32
          %get3A_355 = arith.index_cast %mul3A_354 : i32 to index
          %get3A_356 = tpu.vector_load %arg7[%get3A_355] {strides = array<i32>} : memref<32xi32, #tpu.memory_space<vmem>>, vector<16xi32>,
          %get3A_357 = vector.shape_cast %get3A_356 : vector<16xi32> to vector<16xi32>
          %slice3A = vector.extract_strided_slice %get3A_357 {offsets = [0], sizes = [1], strides = [1]} : vector<16xi32> to vector<1xi32>
          %squeeze3A = vector.extract %slice3A[0] : i32 from vector<1xi32>
          %mul3A_358 = arith.constant 16 : i32
          %mul3A_359 = arith.muli %scan3A_352, %mul3A_358 : i32
          %add3A_360 = arith.constant 0 : i32
          %add3A_361 = arith.addi %mul3A_359, %add3A_360 : i32
          %dma_start3A_362 = arith.constant 0 : i32
          %dma_start3A_363 = tpu.memref_slice %arg11[%add3A_361, %dma_start3A_362] : memref<32x512xf32, #tpu.memory_space<vmem>> -> memref<1x512xf32, #tpu.memory_space<vmem>>
          %dma_start3A_364 = arith.constant 0 : i32
          %dma_start3A_365 = tpu.memref_slice %arg5[%squeeze3A, %dma_start3A_364] : memref<909x512xf32, #tpu.memory_space<vmem_shared>> -> memref<1x512xf32, #tpu.memory_space<vmem_shared>>
          %dma_start3A_366 = arith.constant 0 : i32
          %dma_start3A_367 = tpu.memref_slice %arg11[%add3A_361, %dma_start3A_366] : memref<32x512xf32, #tpu.memory_space<vmem>> -> memref<1x512xf32, #tpu.memory_space<vmem>>
          %dma_start3A_368 = arith.constant 0 : i32
          %dma_start3A_369 = tpu.memref_slice %arg5[%squeeze3A, %dma_start3A_368] : memref<909x512xf32, #tpu.memory_space<vmem_shared>> -> memref<1x512xf32, #tpu.memory_space<vmem_shared>>
          tpu.enqueue_dma source(%dma_start3A_369 : memref<1x512xf32, #tpu.memory_space<vmem_shared>>) target(%dma_start3A_367 : memref<1x512xf32, #tpu.memory_space<vmem>>) target_semaphore(%arg15 : memref<!tpu.dma_semaphore, #tpu.memory_space<semaphore_mem>>)
          %slice3A_370 = vector.extract_strided_slice %get3A_357 {offsets = [1], sizes = [1], strides = [1]} : vector<16xi32> to vector<1xi32>
          %squeeze3A_371 = vector.extract %slice3A_370[0] : i32 from vector<1xi32>
          %mul3A_372 = arith.constant 16 : i32
          %mul3A_373 = arith.muli %scan3A_352, %mul3A_372 : i32
          %add3A_374 = arith.constant 1 : i32
          %add3A_375 = arith.addi %mul3A_373, %add3A_374 : i32
          %dma_start3A_376 = arith.constant 0 : i32
          %dma_start3A_377 = tpu.memref_slice %arg11[%add3A_375, %dma_start3A_376] : memref<32x512xf32, #tpu.memory_space<vmem>> -> memref<1x512xf32, #tpu.memory_space<vmem>>
          %dma_start3A_378 = arith.constant 0 : i32
          %dma_start3A_379 = tpu.memref_slice %arg5[%squeeze3A_371, %dma_start3A_378] : memref<909x512xf32, #tpu.memory_space<vmem_shared>> -> memref<1x512xf32, #tpu.memory_space<vmem_shared>>
          %dma_start3A_380 = arith.constant 0 : i32
          %dma_start3A_381 = tpu.memref_slice %arg11[%add3A_375, %dma_start3A_380] : memref<32x512xf32, #tpu.memory_space<vmem>> -> memref<1x512xf32, #tpu.memory_space<vmem>>
          %dma_start3A_382 = arith.constant 0 : i32
          %dma_start3A_383 = tpu.memref_slice %arg5[%squeeze3A_371, %dma_start3A_382] : memref<909x512xf32, #tpu.memory_space<vmem_shared>> -> memref<1x512xf32, #tpu.memory_space<vmem_shared>>
          tpu.enqueue_dma source(%dma_start3A_383 : memref<1x512xf32, #tpu.memory_space<vmem_shared>>) target(%dma_start3A_381 : memref<1x512xf32, #tpu.memory_space<vmem>>) target_semaphore(%arg15 : memref<!tpu.dma_semaphore, #tpu.memory_space<semaphore_mem>>)
          %slice3A_384 = vector.extract_strided_slice %get3A_357 {offsets = [2], sizes = [1], strides = [1]} : vector<16xi32> to vector<1xi32>
          %squeeze3A_385 = vector.extract %slice3A_384[0] : i32 from vector<1xi32>
          %mul3A_386 = arith.constant 16 : i32
          %mul3A_387 = arith.muli %scan3A_352, %mul3A_386 : i32
          %add3A_388 = arith.constant 2 : i32
          %add3A_389 = arith.addi %mul3A_387, %add3A_388 : i32
          %dma_start3A_390 = arith.constant 0 : i32
          %dma_start3A_391 = tpu.memref_slice %arg11[%add3A_389, %dma_start3A_390] : memref<32x512xf32, #tpu.memory_space<vmem>> -> memref<1x512xf32, #tpu.memory_space<vmem>>
          %dma_start3A_392 = arith.constant 0 : i32
          %dma_start3A_393 = tpu.memref_slice %arg5[%squeeze3A_385, %dma_start3A_392] : memref<909x512xf32, #tpu.memory_space<vmem_shared>> -> memref<1x512xf32, #tpu.memory_space<vmem_shared>>
          %dma_start3A_394 = arith.constant 0 : i32
          %dma_start3A_395 = tpu.memref_slice %arg11[%add3A_389, %dma_start3A_394] : memref<32x512xf32, #tpu.memory_space<vmem>> -> memref<1x512xf32, #tpu.memory_space<vmem>>
          %dma_start3A_396 = arith.constant 0 : i32
          %dma_start3A_397 = tpu.memref_slice %arg5[%squeeze3A_385, %dma_start3A_396] : memref<909x512xf32, #tpu.memory_space<vmem_shared>> -> memref<1x512xf32, #tpu.memory_space<vmem_shared>>
          tpu.enqueue_dma source(%dma_start3A_397 : memref<1x512xf32, #tpu.memory_space<vmem_shared>>) target(%dma_start3A_395 : memref<1x512xf32, #tpu.memory_space<vmem>>) target_semaphore(%arg15 : memref<!tpu.dma_semaphore, #tpu.memory_space<semaphore_mem>>)
          %slice3A_398 = vector.extract_strided_slice %get3A_357 {offsets = [3], sizes = [1], strides = [1]} : vector<16xi32> to vector<1xi32>
          %squeeze3A_399 = vector.extract %slice3A_398[0] : i32 from vector<1xi32>
          %mul3A_400 = arith.constant 16 : i32
          %mul3A_401 = arith.muli %scan3A_352, %mul3A_400 : i32
          %add3A_402 = arith.constant 3 : i32
          %add3A_403 = arith.addi %mul3A_401, %add3A_402 : i32
          %dma_start3A_404 = arith.constant 0 : i32
          %dma_start3A_405 = tpu.memref_slice %arg11[%add3A_403, %dma_start3A_404] : memref<32x512xf32, #tpu.memory_space<vmem>> -> memref<1x512xf32, #tpu.memory_space<vmem>>
          %dma_start3A_406 = arith.constant 0 : i32
          %dma_start3A_407 = tpu.memref_slice %arg5[%squeeze3A_399, %dma_start3A_406] : memref<909x512xf32, #tpu.memory_space<vmem_shared>> -> memref<1x512xf32, #tpu.memory_space<vmem_shared>>
          %dma_start3A_408 = arith.constant 0 : i32
          %dma_start3A_409 = tpu.memref_slice %arg11[%add3A_403, %dma_start3A_408] : memref<32x512xf32, #tpu.memory_space<vmem>> -> memref<1x512xf32, #tpu.memory_space<vmem>>
          %dma_start3A_410 = arith.constant 0 : i32
          %dma_start3A_411 = tpu.memref_slice %arg5[%squeeze3A_399, %dma_start3A_410] : memref<909x512xf32, #tpu.memory_space<vmem_shared>> -> memref<1x512xf32, #tpu.memory_space<vmem_shared>>
          tpu.enqueue_dma source(%dma_start3A_411 : memref<1x512xf32, #tpu.memory_space<vmem_shared>>) target(%dma_start3A_409 : memref<1x512xf32, #tpu.memory_space<vmem>>) target_semaphore(%arg15 : memref<!tpu.dma_semaphore, #tpu.memory_space<semaphore_mem>>)
          %slice3A_412 = vector.extract_strided_slice %get3A_357 {offsets = [4], sizes = [1], strides = [1]} : vector<16xi32> to vector<1xi32>
          %squeeze3A_413 = vector.extract %slice3A_412[0] : i32 from vector<1xi32>
          %mul3A_414 = arith.constant 16 : i32
          %mul3A_415 = arith.muli %scan3A_352, %mul3A_414 : i32
          %add3A_416 = arith.constant 4 : i32
          %add3A_417 = arith.addi %mul3A_415, %add3A_416 : i32
          %dma_start3A_418 = arith.constant 0 : i32
          %dma_start3A_419 = tpu.memref_slice %arg11[%add3A_417, %dma_start3A_418] : memref<32x512xf32, #tpu.memory_space<vmem>> -> memref<1x512xf32, #tpu.memory_space<vmem>>
          %dma_start3A_420 = arith.constant 0 : i32
          %dma_start3A_421 = tpu.memref_slice %arg5[%squeeze3A_413, %dma_start3A_420] : memref<909x512xf32, #tpu.memory_space<vmem_shared>> -> memref<1x512xf32, #tpu.memory_space<vmem_shared>>
          %dma_start3A_422 = arith.constant 0 : i32
          %dma_start3A_423 = tpu.memref_slice %arg11[%add3A_417, %dma_start3A_422] : memref<32x512xf32, #tpu.memory_space<vmem>> -> memref<1x512xf32, #tpu.memory_space<vmem>>
          %dma_start3A_424 = arith.constant 0 : i32
          %dma_start3A_425 = tpu.memref_slice %arg5[%squeeze3A_413, %dma_start3A_424] : memref<909x512xf32, #tpu.memory_space<vmem_shared>> -> memref<1x512xf32, #tpu.memory_space<vmem_shared>>
          tpu.enqueue_dma source(%dma_start3A_425 : memref<1x512xf32, #tpu.memory_space<vmem_shared>>) target(%dma_start3A_423 : memref<1x512xf32, #tpu.memory_space<vmem>>) target_semaphore(%arg15 : memref<!tpu.dma_semaphore, #tpu.memory_space<semaphore_mem>>)
          %slice3A_426 = vector.extract_strided_slice %get3A_357 {offsets = [5], sizes = [1], strides = [1]} : vector<16xi32> to vector<1xi32>
          %squeeze3A_427 = vector.extract %slice3A_426[0] : i32 from vector<1xi32>
          %mul3A_428 = arith.constant 16 : i32
          %mul3A_429 = arith.muli %scan3A_352, %mul3A_428 : i32
          %add3A_430 = arith.constant 5 : i32
          %add3A_431 = arith.addi %mul3A_429, %add3A_430 : i32
          %dma_start3A_432 = arith.constant 0 : i32
          %dma_start3A_433 = tpu.memref_slice %arg11[%add3A_431, %dma_start3A_432] : memref<32x512xf32, #tpu.memory_space<vmem>> -> memref<1x512xf32, #tpu.memory_space<vmem>>
          %dma_start3A_434 = arith.constant 0 : i32
          %dma_start3A_435 = tpu.memref_slice %arg5[%squeeze3A_427, %dma_start3A_434] : memref<909x512xf32, #tpu.memory_space<vmem_shared>> -> memref<1x512xf32, #tpu.memory_space<vmem_shared>>
          %dma_start3A_436 = arith.constant 0 : i32
          %dma_start3A_437 = tpu.memref_slice %arg11[%add3A_431, %dma_start3A_436] : memref<32x512xf32, #tpu.memory_space<vmem>> -> memref<1x512xf32, #tpu.memory_space<vmem>>
          %dma_start3A_438 = arith.constant 0 : i32
          %dma_start3A_439 = tpu.memref_slice %arg5[%squeeze3A_427, %dma_start3A_438] : memref<909x512xf32, #tpu.memory_space<vmem_shared>> -> memref<1x512xf32, #tpu.memory_space<vmem_shared>>
          tpu.enqueue_dma source(%dma_start3A_439 : memref<1x512xf32, #tpu.memory_space<vmem_shared>>) target(%dma_start3A_437 : memref<1x512xf32, #tpu.memory_space<vmem>>) target_semaphore(%arg15 : memref<!tpu.dma_semaphore, #tpu.memory_space<semaphore_mem>>)
          %slice3A_440 = vector.extract_strided_slice %get3A_357 {offsets = [6], sizes = [1], strides = [1]} : vector<16xi32> to vector<1xi32>
          %squeeze3A_441 = vector.extract %slice3A_440[0] : i32 from vector<1xi32>
          %mul3A_442 = arith.constant 16 : i32
          %mul3A_443 = arith.muli %scan3A_352, %mul3A_442 : i32
          %add3A_444 = arith.constant 6 : i32
          %add3A_445 = arith.addi %mul3A_443, %add3A_444 : i32
          %dma_start3A_446 = arith.constant 0 : i32
          %dma_start3A_447 = tpu.memref_slice %arg11[%add3A_445, %dma_start3A_446] : memref<32x512xf32, #tpu.memory_space<vmem>> -> memref<1x512xf32, #tpu.memory_space<vmem>>
          %dma_start3A_448 = arith.constant 0 : i32
          %dma_start3A_449 = tpu.memref_slice %arg5[%squeeze3A_441, %dma_start3A_448] : memref<909x512xf32, #tpu.memory_space<vmem_shared>> -> memref<1x512xf32, #tpu.memory_space<vmem_shared>>
          %dma_start3A_450 = arith.constant 0 : i32
          %dma_start3A_451 = tpu.memref_slice %arg11[%add3A_445, %dma_start3A_450] : memref<32x512xf32, #tpu.memory_space<vmem>> -> memref<1x512xf32, #tpu.memory_space<vmem>>
          %dma_start3A_452 = arith.constant 0 : i32
          %dma_start3A_453 = tpu.memref_slice %arg5[%squeeze3A_441, %dma_start3A_452] : memref<909x512xf32, #tpu.memory_space<vmem_shared>> -> memref<1x512xf32, #tpu.memory_space<vmem_shared>>
          tpu.enqueue_dma source(%dma_start3A_453 : memref<1x512xf32, #tpu.memory_space<vmem_shared>>) target(%dma_start3A_451 : memref<1x512xf32, #tpu.memory_space<vmem>>) target_semaphore(%arg15 : memref<!tpu.dma_semaphore, #tpu.memory_space<semaphore_mem>>)
          %slice3A_454 = vector.extract_strided_slice %get3A_357 {offsets = [7], sizes = [1], strides = [1]} : vector<16xi32> to vector<1xi32>
          %squeeze3A_455 = vector.extract %slice3A_454[0] : i32 from vector<1xi32>
          %mul3A_456 = arith.constant 16 : i32
          %mul3A_457 = arith.muli %scan3A_352, %mul3A_456 : i32
          %add3A_458 = arith.constant 7 : i32
          %add3A_459 = arith.addi %mul3A_457, %add3A_458 : i32
          %dma_start3A_460 = arith.constant 0 : i32
          %dma_start3A_461 = tpu.memref_slice %arg11[%add3A_459, %dma_start3A_460] : memref<32x512xf32, #tpu.memory_space<vmem>> -> memref<1x512xf32, #tpu.memory_space<vmem>>
          %dma_start3A_462 = arith.constant 0 : i32
          %dma_start3A_463 = tpu.memref_slice %arg5[%squeeze3A_455, %dma_start3A_462] : memref<909x512xf32, #tpu.memory_space<vmem_shared>> -> memref<1x512xf32, #tpu.memory_space<vmem_shared>>
          %dma_start3A_464 = arith.constant 0 : i32
          %dma_start3A_465 = tpu.memref_slice %arg11[%add3A_459, %dma_start3A_464] : memref<32x512xf32, #tpu.memory_space<vmem>> -> memref<1x512xf32, #tpu.memory_space<vmem>>
          %dma_start3A_466 = arith.constant 0 : i32
          %dma_start3A_467 = tpu.memref_slice %arg5[%squeeze3A_455, %dma_start3A_466] : memref<909x512xf32, #tpu.memory_space<vmem_shared>> -> memref<1x512xf32, #tpu.memory_space<vmem_shared>>
          tpu.enqueue_dma source(%dma_start3A_467 : memref<1x512xf32, #tpu.memory_space<vmem_shared>>) target(%dma_start3A_465 : memref<1x512xf32, #tpu.memory_space<vmem>>) target_semaphore(%arg15 : memref<!tpu.dma_semaphore, #tpu.memory_space<semaphore_mem>>)
          %slice3A_468 = vector.extract_strided_slice %get3A_357 {offsets = [8], sizes = [1], strides = [1]} : vector<16xi32> to vector<1xi32>
          %squeeze3A_469 = vector.extract %slice3A_468[0] : i32 from vector<1xi32>
          %mul3A_470 = arith.constant 16 : i32
          %mul3A_471 = arith.muli %scan3A_352, %mul3A_470 : i32
          %add3A_472 = arith.constant 8 : i32
          %add3A_473 = arith.addi %mul3A_471, %add3A_472 : i32
          %dma_start3A_474 = arith.constant 0 : i32
          %dma_start3A_475 = tpu.memref_slice %arg11[%add3A_473, %dma_start3A_474] : memref<32x512xf32, #tpu.memory_space<vmem>> -> memref<1x512xf32, #tpu.memory_space<vmem>>
          %dma_start3A_476 = arith.constant 0 : i32
          %dma_start3A_477 = tpu.memref_slice %arg5[%squeeze3A_469, %dma_start3A_476] : memref<909x512xf32, #tpu.memory_space<vmem_shared>> -> memref<1x512xf32, #tpu.memory_space<vmem_shared>>
          %dma_start3A_478 = arith.constant 0 : i32
          %dma_start3A_479 = tpu.memref_slice %arg11[%add3A_473, %dma_start3A_478] : memref<32x512xf32, #tpu.memory_space<vmem>> -> memref<1x512xf32, #tpu.memory_space<vmem>>
          %dma_start3A_480 = arith.constant 0 : i32
          %dma_start3A_481 = tpu.memref_slice %arg5[%squeeze3A_469, %dma_start3A_480] : memref<909x512xf32, #tpu.memory_space<vmem_shared>> -> memref<1x512xf32, #tpu.memory_space<vmem_shared>>
          tpu.enqueue_dma source(%dma_start3A_481 : memref<1x512xf32, #tpu.memory_space<vmem_shared>>) target(%dma_start3A_479 : memref<1x512xf32, #tpu.memory_space<vmem>>) target_semaphore(%arg15 : memref<!tpu.dma_semaphore, #tpu.memory_space<semaphore_mem>>)
          %slice3A_482 = vector.extract_strided_slice %get3A_357 {offsets = [9], sizes = [1], strides = [1]} : vector<16xi32> to vector<1xi32>
          %squeeze3A_483 = vector.extract %slice3A_482[0] : i32 from vector<1xi32>
          %mul3A_484 = arith.constant 16 : i32
          %mul3A_485 = arith.muli %scan3A_352, %mul3A_484 : i32
          %add3A_486 = arith.constant 9 : i32
          %add3A_487 = arith.addi %mul3A_485, %add3A_486 : i32
          %dma_start3A_488 = arith.constant 0 : i32
          %dma_start3A_489 = tpu.memref_slice %arg11[%add3A_487, %dma_start3A_488] : memref<32x512xf32, #tpu.memory_space<vmem>> -> memref<1x512xf32, #tpu.memory_space<vmem>>
          %dma_start3A_490 = arith.constant 0 : i32
          %dma_start3A_491 = tpu.memref_slice %arg5[%squeeze3A_483, %dma_start3A_490] : memref<909x512xf32, #tpu.memory_space<vmem_shared>> -> memref<1x512xf32, #tpu.memory_space<vmem_shared>>
          %dma_start3A_492 = arith.constant 0 : i32
          %dma_start3A_493 = tpu.memref_slice %arg11[%add3A_487, %dma_start3A_492] : memref<32x512xf32, #tpu.memory_space<vmem>> -> memref<1x512xf32, #tpu.memory_space<vmem>>
          %dma_start3A_494 = arith.constant 0 : i32
          %dma_start3A_495 = tpu.memref_slice %arg5[%squeeze3A_483, %dma_start3A_494] : memref<909x512xf32, #tpu.memory_space<vmem_shared>> -> memref<1x512xf32, #tpu.memory_space<vmem_shared>>
          tpu.enqueue_dma source(%dma_start3A_495 : memref<1x512xf32, #tpu.memory_space<vmem_shared>>) target(%dma_start3A_493 : memref<1x512xf32, #tpu.memory_space<vmem>>) target_semaphore(%arg15 : memref<!tpu.dma_semaphore, #tpu.memory_space<semaphore_mem>>)
          %slice3A_496 = vector.extract_strided_slice %get3A_357 {offsets = [10], sizes = [1], strides = [1]} : vector<16xi32> to vector<1xi32>
          %squeeze3A_497 = vector.extract %slice3A_496[0] : i32 from vector<1xi32>
          %mul3A_498 = arith.constant 16 : i32
          %mul3A_499 = arith.muli %scan3A_352, %mul3A_498 : i32
          %add3A_500 = arith.constant 10 : i32
          %add3A_501 = arith.addi %mul3A_499, %add3A_500 : i32
          %dma_start3A_502 = arith.constant 0 : i32
          %dma_start3A_503 = tpu.memref_slice %arg11[%add3A_501, %dma_start3A_502] : memref<32x512xf32, #tpu.memory_space<vmem>> -> memref<1x512xf32, #tpu.memory_space<vmem>>
          %dma_start3A_504 = arith.constant 0 : i32
          %dma_start3A_505 = tpu.memref_slice %arg5[%squeeze3A_497, %dma_start3A_504] : memref<909x512xf32, #tpu.memory_space<vmem_shared>> -> memref<1x512xf32, #tpu.memory_space<vmem_shared>>
          %dma_start3A_506 = arith.constant 0 : i32
          %dma_start3A_507 = tpu.memref_slice %arg11[%add3A_501, %dma_start3A_506] : memref<32x512xf32, #tpu.memory_space<vmem>> -> memref<1x512xf32, #tpu.memory_space<vmem>>
          %dma_start3A_508 = arith.constant 0 : i32
          %dma_start3A_509 = tpu.memref_slice %arg5[%squeeze3A_497, %dma_start3A_508] : memref<909x512xf32, #tpu.memory_space<vmem_shared>> -> memref<1x512xf32, #tpu.memory_space<vmem_shared>>
          tpu.enqueue_dma source(%dma_start3A_509 : memref<1x512xf32, #tpu.memory_space<vmem_shared>>) target(%dma_start3A_507 : memref<1x512xf32, #tpu.memory_space<vmem>>) target_semaphore(%arg15 : memref<!tpu.dma_semaphore, #tpu.memory_space<semaphore_mem>>)
          %slice3A_510 = vector.extract_strided_slice %get3A_357 {offsets = [11], sizes = [1], strides = [1]} : vector<16xi32> to vector<1xi32>
          %squeeze3A_511 = vector.extract %slice3A_510[0] : i32 from vector<1xi32>
          %mul3A_512 = arith.constant 16 : i32
          %mul3A_513 = arith.muli %scan3A_352, %mul3A_512 : i32
          %add3A_514 = arith.constant 11 : i32
          %add3A_515 = arith.addi %mul3A_513, %add3A_514 : i32
          %dma_start3A_516 = arith.constant 0 : i32
          %dma_start3A_517 = tpu.memref_slice %arg11[%add3A_515, %dma_start3A_516] : memref<32x512xf32, #tpu.memory_space<vmem>> -> memref<1x512xf32, #tpu.memory_space<vmem>>
          %dma_start3A_518 = arith.constant 0 : i32
          %dma_start3A_519 = tpu.memref_slice %arg5[%squeeze3A_511, %dma_start3A_518] : memref<909x512xf32, #tpu.memory_space<vmem_shared>> -> memref<1x512xf32, #tpu.memory_space<vmem_shared>>
          %dma_start3A_520 = arith.constant 0 : i32
          %dma_start3A_521 = tpu.memref_slice %arg11[%add3A_515, %dma_start3A_520] : memref<32x512xf32, #tpu.memory_space<vmem>> -> memref<1x512xf32, #tpu.memory_space<vmem>>
          %dma_start3A_522 = arith.constant 0 : i32
          %dma_start3A_523 = tpu.memref_slice %arg5[%squeeze3A_511, %dma_start3A_522] : memref<909x512xf32, #tpu.memory_space<vmem_shared>> -> memref<1x512xf32, #tpu.memory_space<vmem_shared>>
          tpu.enqueue_dma source(%dma_start3A_523 : memref<1x512xf32, #tpu.memory_space<vmem_shared>>) target(%dma_start3A_521 : memref<1x512xf32, #tpu.memory_space<vmem>>) target_semaphore(%arg15 : memref<!tpu.dma_semaphore, #tpu.memory_space<semaphore_mem>>)
          %slice3A_524 = vector.extract_strided_slice %get3A_357 {offsets = [12], sizes = [1], strides = [1]} : vector<16xi32> to vector<1xi32>
          %squeeze3A_525 = vector.extract %slice3A_524[0] : i32 from vector<1xi32>
          %mul3A_526 = arith.constant 16 : i32
          %mul3A_527 = arith.muli %scan3A_352, %mul3A_526 : i32
          %add3A_528 = arith.constant 12 : i32
          %add3A_529 = arith.addi %mul3A_527, %add3A_528 : i32
          %dma_start3A_530 = arith.constant 0 : i32
          %dma_start3A_531 = tpu.memref_slice %arg11[%add3A_529, %dma_start3A_530] : memref<32x512xf32, #tpu.memory_space<vmem>> -> memref<1x512xf32, #tpu.memory_space<vmem>>
          %dma_start3A_532 = arith.constant 0 : i32
          %dma_start3A_533 = tpu.memref_slice %arg5[%squeeze3A_525, %dma_start3A_532] : memref<909x512xf32, #tpu.memory_space<vmem_shared>> -> memref<1x512xf32, #tpu.memory_space<vmem_shared>>
          %dma_start3A_534 = arith.constant 0 : i32
          %dma_start3A_535 = tpu.memref_slice %arg11[%add3A_529, %dma_start3A_534] : memref<32x512xf32, #tpu.memory_space<vmem>> -> memref<1x512xf32, #tpu.memory_space<vmem>>
          %dma_start3A_536 = arith.constant 0 : i32
          %dma_start3A_537 = tpu.memref_slice %arg5[%squeeze3A_525, %dma_start3A_536] : memref<909x512xf32, #tpu.memory_space<vmem_shared>> -> memref<1x512xf32, #tpu.memory_space<vmem_shared>>
          tpu.enqueue_dma source(%dma_start3A_537 : memref<1x512xf32, #tpu.memory_space<vmem_shared>>) target(%dma_start3A_535 : memref<1x512xf32, #tpu.memory_space<vmem>>) target_semaphore(%arg15 : memref<!tpu.dma_semaphore, #tpu.memory_space<semaphore_mem>>)
          %slice3A_538 = vector.extract_strided_slice %get3A_357 {offsets = [13], sizes = [1], strides = [1]} : vector<16xi32> to vector<1xi32>
          %squeeze3A_539 = vector.extract %slice3A_538[0] : i32 from vector<1xi32>
          %mul3A_540 = arith.constant 16 : i32
          %mul3A_541 = arith.muli %scan3A_352, %mul3A_540 : i32
          %add3A_542 = arith.constant 13 : i32
          %add3A_543 = arith.addi %mul3A_541, %add3A_542 : i32
          %dma_start3A_544 = arith.constant 0 : i32
          %dma_start3A_545 = tpu.memref_slice %arg11[%add3A_543, %dma_start3A_544] : memref<32x512xf32, #tpu.memory_space<vmem>> -> memref<1x512xf32, #tpu.memory_space<vmem>>
          %dma_start3A_546 = arith.constant 0 : i32
          %dma_start3A_547 = tpu.memref_slice %arg5[%squeeze3A_539, %dma_start3A_546] : memref<909x512xf32, #tpu.memory_space<vmem_shared>> -> memref<1x512xf32, #tpu.memory_space<vmem_shared>>
          %dma_start3A_548 = arith.constant 0 : i32
          %dma_start3A_549 = tpu.memref_slice %arg11[%add3A_543, %dma_start3A_548] : memref<32x512xf32, #tpu.memory_space<vmem>> -> memref<1x512xf32, #tpu.memory_space<vmem>>
          %dma_start3A_550 = arith.constant 0 : i32
          %dma_start3A_551 = tpu.memref_slice %arg5[%squeeze3A_539, %dma_start3A_550] : memref<909x512xf32, #tpu.memory_space<vmem_shared>> -> memref<1x512xf32, #tpu.memory_space<vmem_shared>>
          tpu.enqueue_dma source(%dma_start3A_551 : memref<1x512xf32, #tpu.memory_space<vmem_shared>>) target(%dma_start3A_549 : memref<1x512xf32, #tpu.memory_space<vmem>>) target_semaphore(%arg15 : memref<!tpu.dma_semaphore, #tpu.memory_space<semaphore_mem>>)
          %slice3A_552 = vector.extract_strided_slice %get3A_357 {offsets = [14], sizes = [1], strides = [1]} : vector<16xi32> to vector<1xi32>
          %squeeze3A_553 = vector.extract %slice3A_552[0] : i32 from vector<1xi32>
          %mul3A_554 = arith.constant 16 : i32
          %mul3A_555 = arith.muli %scan3A_352, %mul3A_554 : i32
          %add3A_556 = arith.constant 14 : i32
          %add3A_557 = arith.addi %mul3A_555, %add3A_556 : i32
          %dma_start3A_558 = arith.constant 0 : i32
          %dma_start3A_559 = tpu.memref_slice %arg11[%add3A_557, %dma_start3A_558] : memref<32x512xf32, #tpu.memory_space<vmem>> -> memref<1x512xf32, #tpu.memory_space<vmem>>
          %dma_start3A_560 = arith.constant 0 : i32
          %dma_start3A_561 = tpu.memref_slice %arg5[%squeeze3A_553, %dma_start3A_560] : memref<909x512xf32, #tpu.memory_space<vmem_shared>> -> memref<1x512xf32, #tpu.memory_space<vmem_shared>>
          %dma_start3A_562 = arith.constant 0 : i32
          %dma_start3A_563 = tpu.memref_slice %arg11[%add3A_557, %dma_start3A_562] : memref<32x512xf32, #tpu.memory_space<vmem>> -> memref<1x512xf32, #tpu.memory_space<vmem>>
          %dma_start3A_564 = arith.constant 0 : i32
          %dma_start3A_565 = tpu.memref_slice %arg5[%squeeze3A_553, %dma_start3A_564] : memref<909x512xf32, #tpu.memory_space<vmem_shared>> -> memref<1x512xf32, #tpu.memory_space<vmem_shared>>
          tpu.enqueue_dma source(%dma_start3A_565 : memref<1x512xf32, #tpu.memory_space<vmem_shared>>) target(%dma_start3A_563 : memref<1x512xf32, #tpu.memory_space<vmem>>) target_semaphore(%arg15 : memref<!tpu.dma_semaphore, #tpu.memory_space<semaphore_mem>>)
          %slice3A_566 = vector.extract_strided_slice %get3A_357 {offsets = [15], sizes = [1], strides = [1]} : vector<16xi32> to vector<1xi32>
          %squeeze3A_567 = vector.extract %slice3A_566[0] : i32 from vector<1xi32>
          %mul3A_568 = arith.constant 16 : i32
          %mul3A_569 = arith.muli %scan3A_352, %mul3A_568 : i32
          %add3A_570 = arith.constant 15 : i32
          %add3A_571 = arith.addi %mul3A_569, %add3A_570 : i32
          %dma_start3A_572 = arith.constant 0 : i32
          %dma_start3A_573 = tpu.memref_slice %arg11[%add3A_571, %dma_start3A_572] : memref<32x512xf32, #tpu.memory_space<vmem>> -> memref<1x512xf32, #tpu.memory_space<vmem>>
          %dma_start3A_574 = arith.constant 0 : i32
          %dma_start3A_575 = tpu.memref_slice %arg5[%squeeze3A_567, %dma_start3A_574] : memref<909x512xf32, #tpu.memory_space<vmem_shared>> -> memref<1x512xf32, #tpu.memory_space<vmem_shared>>
          %dma_start3A_576 = arith.constant 0 : i32
          %dma_start3A_577 = tpu.memref_slice %arg11[%add3A_571, %dma_start3A_576] : memref<32x512xf32, #tpu.memory_space<vmem>> -> memref<1x512xf32, #tpu.memory_space<vmem>>
          %dma_start3A_578 = arith.constant 0 : i32
          %dma_start3A_579 = tpu.memref_slice %arg5[%squeeze3A_567, %dma_start3A_578] : memref<909x512xf32, #tpu.memory_space<vmem_shared>> -> memref<1x512xf32, #tpu.memory_space<vmem_shared>>
          tpu.enqueue_dma source(%dma_start3A_579 : memref<1x512xf32, #tpu.memory_space<vmem_shared>>) target(%dma_start3A_577 : memref<1x512xf32, #tpu.memory_space<vmem>>) target_semaphore(%arg15 : memref<!tpu.dma_semaphore, #tpu.memory_space<semaphore_mem>>)
        }
        %scan3A_351 = arith.constant 2 : i32
      } else {
      }
      %mul3A_250 = arith.constant 4 : i32
      %mul3A_251 = arith.muli %scan3A_179, %mul3A_250 : i32
      %add3A_252 = arith.constant 3 : i32
      %add3A_253 = arith.addi %mul3A_251, %add3A_252 : i32
      %dma_wait3A_254 = arith.constant 0 : i32
      %dma_wait3A_255 = arith.constant 0 : i32
      %dma_wait3A_256 = tpu.memref_slice %arg3[%dma_wait3A_254, %dma_wait3A_255] : memref<909x512xf32, #tpu.memory_space<hbm>> -> memref<32x512xf32, #tpu.memory_space<hbm>>
      %dma_wait3A_257 = arith.constant 0 : i32
      %dma_wait3A_258 = arith.constant 0 : i32
      %dma_wait3A_259 = tpu.memref_slice %arg3[%dma_wait3A_257, %dma_wait3A_258] : memref<909x512xf32, #tpu.memory_space<hbm>> -> memref<32x512xf32, #tpu.memory_space<hbm>>
      tpu.wait_dma2 semaphore(%arg18 : memref<!tpu.dma_semaphore, #tpu.memory_space<semaphore_mem>>) src(%dma_wait3A_259 : memref<32x512xf32, #tpu.memory_space<hbm>>) dst(%arg14 : memref<32x512xf32, #tpu.memory_space<vmem>>)
      %mul3A_260 = arith.constant 32 : i32
      %mul3A_261 = arith.muli %add3A_253, %mul3A_260 : i32
      %add3A_262 = arith.addi %mul3A_2, %mul3A_261 : i32
      %dma_start3A_263 = arith.constant 0 : i32
      %dma_start3A_264 = tpu.memref_slice %arg4[%add3A_262, %dma_start3A_263] : memref<147456x512xf32, #tpu.memory_space<hbm>> -> memref<32x512xf32, #tpu.memory_space<hbm>>
      %dma_start3A_265 = arith.constant 0 : i32
      %dma_start3A_266 = tpu.memref_slice %arg4[%add3A_262, %dma_start3A_265] : memref<147456x512xf32, #tpu.memory_space<hbm>> -> memref<32x512xf32, #tpu.memory_space<hbm>>
      tpu.enqueue_dma source(%arg14 : memref<32x512xf32, #tpu.memory_space<vmem>>) target(%dma_start3A_266 : memref<32x512xf32, #tpu.memory_space<hbm>>) target_semaphore(%arg22 : memref<!tpu.dma_semaphore, #tpu.memory_space<semaphore_mem>>)
      %add3A_267 = arith.constant 2 : i32
      %add3A_268 = arith.addi %add3A_253, %add3A_267 : i32
      %lt3A_269 = arith.constant 144 : i32
      %lt3A_270 = arith.cmpi slt, %add3A_268, %lt3A_269 : i32
      %convert_element_type3A_271 = arith.extui %lt3A_270 : i1 to i32
      %cond3A_272 = arith.constant 0 : i32
      %cond3A_273 = arith.cmpi ne, %convert_element_type3A_271, %cond3A_272 : i32
      scf.if %cond3A_273 {
        %ge3A = arith.constant 4 : i32
        %ge3A_274 = arith.cmpi sge, %add3A_268, %ge3A : i32
        %convert_element_type3A_275 = arith.extui %ge3A_274 : i1 to i32
        %cond3A_276 = arith.constant 0 : i32
        %cond3A_277 = arith.cmpi ne, %convert_element_type3A_275, %cond3A_276 : i32
        scf.if %cond3A_277 {
          %sub3A_352 = arith.constant 4 : i32
          %sub3A_353 = arith.subi %add3A_268, %sub3A_352 : i32
          %mul3A_354 = arith.constant 32 : i32
          %mul3A_355 = arith.muli %sub3A_353, %mul3A_354 : i32
          %add3A_356 = arith.addi %mul3A_2, %mul3A_355 : i32
          %dma_wait3A_357 = arith.constant 0 : i32
          %dma_wait3A_358 = tpu.memref_slice %arg4[%add3A_356, %dma_wait3A_357] : memref<147456x512xf32, #tpu.memory_space<hbm>> -> memref<32x512xf32, #tpu.memory_space<hbm>>
          %dma_wait3A_359 = arith.constant 0 : i32
          %dma_wait3A_360 = tpu.memref_slice %arg4[%add3A_356, %dma_wait3A_359] : memref<147456x512xf32, #tpu.memory_space<hbm>> -> memref<32x512xf32, #tpu.memory_space<hbm>>
          tpu.wait_dma2 semaphore(%arg20 : memref<!tpu.dma_semaphore, #tpu.memory_space<semaphore_mem>>) src(%arg12 : memref<32x512xf32, #tpu.memory_space<vmem>>) dst(%dma_wait3A_360 : memref<32x512xf32, #tpu.memory_space<hbm>>)
        } else {
        }
        %mul3A_278 = arith.constant 32 : i32
        %mul3A_279 = arith.muli %add3A_268, %mul3A_278 : i32
        %add3A_280 = arith.constant 0 : i32
        %add3A_281 = arith.addi %mul3A_279, %add3A_280 : i32
        %get3A_282 = arith.index_cast %add3A_281 : i32 to index
        %get3A_283 = tpu.vector_load %arg6[%get3A_282] {strides = array<i32>} : memref<4608xf32, #tpu.memory_space<vmem>>, vector<16xf32>,
        %get3A_284 = vector.shape_cast %get3A_283 : vector<16xf32> to vector<16xf32>
        %max3A_285 = arith.constant 0.000000e+00 : f32
        %max3A_286 = vector.broadcast %max3A_285 : f32 to vector<16xf32>
        %max3A_287 = arith.maximumf %get3A_284, %max3A_286 : vector<16xf32>
        %min3A_288 = arith.constant 1.000000e+02 : f32
        %min3A_289 = vector.broadcast %min3A_288 : f32 to vector<16xf32>
        %min3A_290 = arith.minimumf %max3A_287, %min3A_289 : vector<16xf32>
        %add3A_291 = arith.constant 0x4B000000 : f32
        %add3A_292 = vector.broadcast %add3A_291 : f32 to vector<16xf32>
        %add3A_293 = arith.addf %min3A_290, %add3A_292 : vector<16xf32>
        %sub3A_294 = arith.constant 0x4B000000 : f32
        %sub3A_295 = vector.broadcast %sub3A_294 : f32 to vector<16xf32>
        %sub3A_296 = arith.subf %add3A_293, %sub3A_295 : vector<16xf32>
        %add3A_297 = arith.addi %mul3A_2, %add3A_281 : i32
        %add3A_298 = vector.broadcast %add3A_297 : i32 to vector<16xi32>
        %add3A_299 = arith.addi %add3A_298, %iota3A : vector<16xi32>
        %rem3A_300 = arith.constant 9 : i32
        %rem3A_301 = vector.broadcast %rem3A_300 : i32 to vector<16xi32>
        %rem3A_302 = arith.remsi %add3A_299, %rem3A_301 : vector<16xi32>
        %mul3A_303 = arith.constant 101 : i32
        %mul3A_304 = vector.broadcast %mul3A_303 : i32 to vector<16xi32>
        %mul3A_305 = arith.muli %rem3A_302, %mul3A_304 : vector<16xi32>
        %convert_element_type3A_306 = arith.fptosi %sub3A_296 : vector<16xf32> to vector<16xi32>
        %add3A_307 = arith.addi %mul3A_305, %convert_element_type3A_306 : vector<16xi32>
        %swap3A_308 = arith.constant 0 : index
        %swap3A_309 = tpu.vector_load %arg8[%swap3A_308] {strides = array<i32>} : memref<32xi32, #tpu.memory_space<vmem>>, vector<16xi32>,
        %swap3A_310 = vector.shape_cast %swap3A_309 : vector<16xi32> to vector<16xi32>
        %swap3A_311 = vector.shape_cast %add3A_307 : vector<16xi32> to vector<16xi32>
        tpu.vector_store %arg8[%swap3A_308], %swap3A_311 {strides = array<i32>} : memref<32xi32, #tpu.memory_space<vmem>>, vector<16xi32>,
        %mul3A_312 = arith.constant 32 : i32
        %mul3A_313 = arith.muli %add3A_268, %mul3A_312 : i32
        %add3A_314 = arith.constant 16 : i32
        %add3A_315 = arith.addi %mul3A_313, %add3A_314 : i32
        %get3A_316 = arith.index_cast %add3A_315 : i32 to index
        %get3A_317 = tpu.vector_load %arg6[%get3A_316] {strides = array<i32>} : memref<4608xf32, #tpu.memory_space<vmem>>, vector<16xf32>,
        %get3A_318 = vector.shape_cast %get3A_317 : vector<16xf32> to vector<16xf32>
        %max3A_319 = arith.constant 0.000000e+00 : f32
        %max3A_320 = vector.broadcast %max3A_319 : f32 to vector<16xf32>
        %max3A_321 = arith.maximumf %get3A_318, %max3A_320 : vector<16xf32>
        %min3A_322 = arith.constant 1.000000e+02 : f32
        %min3A_323 = vector.broadcast %min3A_322 : f32 to vector<16xf32>
        %min3A_324 = arith.minimumf %max3A_321, %min3A_323 : vector<16xf32>
        %add3A_325 = arith.constant 0x4B000000 : f32
        %add3A_326 = vector.broadcast %add3A_325 : f32 to vector<16xf32>
        %add3A_327 = arith.addf %min3A_324, %add3A_326 : vector<16xf32>
        %sub3A_328 = arith.constant 0x4B000000 : f32
        %sub3A_329 = vector.broadcast %sub3A_328 : f32 to vector<16xf32>
        %sub3A_330 = arith.subf %add3A_327, %sub3A_329 : vector<16xf32>
        %add3A_331 = arith.addi %mul3A_2, %add3A_315 : i32
        %add3A_332 = vector.broadcast %add3A_331 : i32 to vector<16xi32>
        %add3A_333 = arith.addi %add3A_332, %iota3A : vector<16xi32>
        %rem3A_334 = arith.constant 9 : i32
        %rem3A_335 = vector.broadcast %rem3A_334 : i32 to vector<16xi32>
        %rem3A_336 = arith.remsi %add3A_333, %rem3A_335 : vector<16xi32>
        %mul3A_337 = arith.constant 101 : i32
        %mul3A_338 = vector.broadcast %mul3A_337 : i32 to vector<16xi32>
        %mul3A_339 = arith.muli %rem3A_336, %mul3A_338 : vector<16xi32>
        %convert_element_type3A_340 = arith.fptosi %sub3A_330 : vector<16xf32> to vector<16xi32>
        %add3A_341 = arith.addi %mul3A_339, %convert_element_type3A_340 : vector<16xi32>
        %swap3A_342 = arith.constant 16 : index
        %swap3A_343 = tpu.vector_load %arg8[%swap3A_342] {strides = array<i32>} : memref<32xi32, #tpu.memory_space<vmem>>, vector<16xi32>,
        %swap3A_344 = vector.shape_cast %swap3A_343 : vector<16xi32> to vector<16xi32>
        %swap3A_345 = vector.shape_cast %add3A_341 : vector<16xi32> to vector<16xi32>
        tpu.vector_store %arg8[%swap3A_342], %swap3A_345 {strides = array<i32>} : memref<32xi32, #tpu.memory_space<vmem>>, vector<16xi32>,
        %scan3A_346 = arith.constant 0 : i32
        %scan3A_347 = arith.constant 0 : i32
        %scan3A_348 = arith.constant 2 : i32
        %scan3A_349 = arith.addi %scan3A_347, %scan3A_348 : i32
        %scan3A_350 = arith.constant 1 : i32
        scf.for %scan3A_352 = %scan3A_347 to %scan3A_349 step %scan3A_350  : i32 {
          %mul3A_353 = arith.constant 16 : i32
          %mul3A_354 = arith.muli %scan3A_352, %mul3A_353 : i32
          %get3A_355 = arith.index_cast %mul3A_354 : i32 to index
          %get3A_356 = tpu.vector_load %arg8[%get3A_355] {strides = array<i32>} : memref<32xi32, #tpu.memory_space<vmem>>, vector<16xi32>,
          %get3A_357 = vector.shape_cast %get3A_356 : vector<16xi32> to vector<16xi32>
          %slice3A = vector.extract_strided_slice %get3A_357 {offsets = [0], sizes = [1], strides = [1]} : vector<16xi32> to vector<1xi32>
          %squeeze3A = vector.extract %slice3A[0] : i32 from vector<1xi32>
          %mul3A_358 = arith.constant 16 : i32
          %mul3A_359 = arith.muli %scan3A_352, %mul3A_358 : i32
          %add3A_360 = arith.constant 0 : i32
          %add3A_361 = arith.addi %mul3A_359, %add3A_360 : i32
          %dma_start3A_362 = arith.constant 0 : i32
          %dma_start3A_363 = tpu.memref_slice %arg12[%add3A_361, %dma_start3A_362] : memref<32x512xf32, #tpu.memory_space<vmem>> -> memref<1x512xf32, #tpu.memory_space<vmem>>
          %dma_start3A_364 = arith.constant 0 : i32
          %dma_start3A_365 = tpu.memref_slice %arg5[%squeeze3A, %dma_start3A_364] : memref<909x512xf32, #tpu.memory_space<vmem_shared>> -> memref<1x512xf32, #tpu.memory_space<vmem_shared>>
          %dma_start3A_366 = arith.constant 0 : i32
          %dma_start3A_367 = tpu.memref_slice %arg12[%add3A_361, %dma_start3A_366] : memref<32x512xf32, #tpu.memory_space<vmem>> -> memref<1x512xf32, #tpu.memory_space<vmem>>
          %dma_start3A_368 = arith.constant 0 : i32
          %dma_start3A_369 = tpu.memref_slice %arg5[%squeeze3A, %dma_start3A_368] : memref<909x512xf32, #tpu.memory_space<vmem_shared>> -> memref<1x512xf32, #tpu.memory_space<vmem_shared>>
          tpu.enqueue_dma source(%dma_start3A_369 : memref<1x512xf32, #tpu.memory_space<vmem_shared>>) target(%dma_start3A_367 : memref<1x512xf32, #tpu.memory_space<vmem>>) target_semaphore(%arg16 : memref<!tpu.dma_semaphore, #tpu.memory_space<semaphore_mem>>)
          %slice3A_370 = vector.extract_strided_slice %get3A_357 {offsets = [1], sizes = [1], strides = [1]} : vector<16xi32> to vector<1xi32>
          %squeeze3A_371 = vector.extract %slice3A_370[0] : i32 from vector<1xi32>
          %mul3A_372 = arith.constant 16 : i32
          %mul3A_373 = arith.muli %scan3A_352, %mul3A_372 : i32
          %add3A_374 = arith.constant 1 : i32
          %add3A_375 = arith.addi %mul3A_373, %add3A_374 : i32
          %dma_start3A_376 = arith.constant 0 : i32
          %dma_start3A_377 = tpu.memref_slice %arg12[%add3A_375, %dma_start3A_376] : memref<32x512xf32, #tpu.memory_space<vmem>> -> memref<1x512xf32, #tpu.memory_space<vmem>>
          %dma_start3A_378 = arith.constant 0 : i32
          %dma_start3A_379 = tpu.memref_slice %arg5[%squeeze3A_371, %dma_start3A_378] : memref<909x512xf32, #tpu.memory_space<vmem_shared>> -> memref<1x512xf32, #tpu.memory_space<vmem_shared>>
          %dma_start3A_380 = arith.constant 0 : i32
          %dma_start3A_381 = tpu.memref_slice %arg12[%add3A_375, %dma_start3A_380] : memref<32x512xf32, #tpu.memory_space<vmem>> -> memref<1x512xf32, #tpu.memory_space<vmem>>
          %dma_start3A_382 = arith.constant 0 : i32
          %dma_start3A_383 = tpu.memref_slice %arg5[%squeeze3A_371, %dma_start3A_382] : memref<909x512xf32, #tpu.memory_space<vmem_shared>> -> memref<1x512xf32, #tpu.memory_space<vmem_shared>>
          tpu.enqueue_dma source(%dma_start3A_383 : memref<1x512xf32, #tpu.memory_space<vmem_shared>>) target(%dma_start3A_381 : memref<1x512xf32, #tpu.memory_space<vmem>>) target_semaphore(%arg16 : memref<!tpu.dma_semaphore, #tpu.memory_space<semaphore_mem>>)
          %slice3A_384 = vector.extract_strided_slice %get3A_357 {offsets = [2], sizes = [1], strides = [1]} : vector<16xi32> to vector<1xi32>
          %squeeze3A_385 = vector.extract %slice3A_384[0] : i32 from vector<1xi32>
          %mul3A_386 = arith.constant 16 : i32
          %mul3A_387 = arith.muli %scan3A_352, %mul3A_386 : i32
          %add3A_388 = arith.constant 2 : i32
          %add3A_389 = arith.addi %mul3A_387, %add3A_388 : i32
          %dma_start3A_390 = arith.constant 0 : i32
          %dma_start3A_391 = tpu.memref_slice %arg12[%add3A_389, %dma_start3A_390] : memref<32x512xf32, #tpu.memory_space<vmem>> -> memref<1x512xf32, #tpu.memory_space<vmem>>
          %dma_start3A_392 = arith.constant 0 : i32
          %dma_start3A_393 = tpu.memref_slice %arg5[%squeeze3A_385, %dma_start3A_392] : memref<909x512xf32, #tpu.memory_space<vmem_shared>> -> memref<1x512xf32, #tpu.memory_space<vmem_shared>>
          %dma_start3A_394 = arith.constant 0 : i32
          %dma_start3A_395 = tpu.memref_slice %arg12[%add3A_389, %dma_start3A_394] : memref<32x512xf32, #tpu.memory_space<vmem>> -> memref<1x512xf32, #tpu.memory_space<vmem>>
          %dma_start3A_396 = arith.constant 0 : i32
          %dma_start3A_397 = tpu.memref_slice %arg5[%squeeze3A_385, %dma_start3A_396] : memref<909x512xf32, #tpu.memory_space<vmem_shared>> -> memref<1x512xf32, #tpu.memory_space<vmem_shared>>
          tpu.enqueue_dma source(%dma_start3A_397 : memref<1x512xf32, #tpu.memory_space<vmem_shared>>) target(%dma_start3A_395 : memref<1x512xf32, #tpu.memory_space<vmem>>) target_semaphore(%arg16 : memref<!tpu.dma_semaphore, #tpu.memory_space<semaphore_mem>>)
          %slice3A_398 = vector.extract_strided_slice %get3A_357 {offsets = [3], sizes = [1], strides = [1]} : vector<16xi32> to vector<1xi32>
          %squeeze3A_399 = vector.extract %slice3A_398[0] : i32 from vector<1xi32>
          %mul3A_400 = arith.constant 16 : i32
          %mul3A_401 = arith.muli %scan3A_352, %mul3A_400 : i32
          %add3A_402 = arith.constant 3 : i32
          %add3A_403 = arith.addi %mul3A_401, %add3A_402 : i32
          %dma_start3A_404 = arith.constant 0 : i32
          %dma_start3A_405 = tpu.memref_slice %arg12[%add3A_403, %dma_start3A_404] : memref<32x512xf32, #tpu.memory_space<vmem>> -> memref<1x512xf32, #tpu.memory_space<vmem>>
          %dma_start3A_406 = arith.constant 0 : i32
          %dma_start3A_407 = tpu.memref_slice %arg5[%squeeze3A_399, %dma_start3A_406] : memref<909x512xf32, #tpu.memory_space<vmem_shared>> -> memref<1x512xf32, #tpu.memory_space<vmem_shared>>
          %dma_start3A_408 = arith.constant 0 : i32
          %dma_start3A_409 = tpu.memref_slice %arg12[%add3A_403, %dma_start3A_408] : memref<32x512xf32, #tpu.memory_space<vmem>> -> memref<1x512xf32, #tpu.memory_space<vmem>>
          %dma_start3A_410 = arith.constant 0 : i32
          %dma_start3A_411 = tpu.memref_slice %arg5[%squeeze3A_399, %dma_start3A_410] : memref<909x512xf32, #tpu.memory_space<vmem_shared>> -> memref<1x512xf32, #tpu.memory_space<vmem_shared>>
          tpu.enqueue_dma source(%dma_start3A_411 : memref<1x512xf32, #tpu.memory_space<vmem_shared>>) target(%dma_start3A_409 : memref<1x512xf32, #tpu.memory_space<vmem>>) target_semaphore(%arg16 : memref<!tpu.dma_semaphore, #tpu.memory_space<semaphore_mem>>)
          %slice3A_412 = vector.extract_strided_slice %get3A_357 {offsets = [4], sizes = [1], strides = [1]} : vector<16xi32> to vector<1xi32>
          %squeeze3A_413 = vector.extract %slice3A_412[0] : i32 from vector<1xi32>
          %mul3A_414 = arith.constant 16 : i32
          %mul3A_415 = arith.muli %scan3A_352, %mul3A_414 : i32
          %add3A_416 = arith.constant 4 : i32
          %add3A_417 = arith.addi %mul3A_415, %add3A_416 : i32
          %dma_start3A_418 = arith.constant 0 : i32
          %dma_start3A_419 = tpu.memref_slice %arg12[%add3A_417, %dma_start3A_418] : memref<32x512xf32, #tpu.memory_space<vmem>> -> memref<1x512xf32, #tpu.memory_space<vmem>>
          %dma_start3A_420 = arith.constant 0 : i32
          %dma_start3A_421 = tpu.memref_slice %arg5[%squeeze3A_413, %dma_start3A_420] : memref<909x512xf32, #tpu.memory_space<vmem_shared>> -> memref<1x512xf32, #tpu.memory_space<vmem_shared>>
          %dma_start3A_422 = arith.constant 0 : i32
          %dma_start3A_423 = tpu.memref_slice %arg12[%add3A_417, %dma_start3A_422] : memref<32x512xf32, #tpu.memory_space<vmem>> -> memref<1x512xf32, #tpu.memory_space<vmem>>
          %dma_start3A_424 = arith.constant 0 : i32
          %dma_start3A_425 = tpu.memref_slice %arg5[%squeeze3A_413, %dma_start3A_424] : memref<909x512xf32, #tpu.memory_space<vmem_shared>> -> memref<1x512xf32, #tpu.memory_space<vmem_shared>>
          tpu.enqueue_dma source(%dma_start3A_425 : memref<1x512xf32, #tpu.memory_space<vmem_shared>>) target(%dma_start3A_423 : memref<1x512xf32, #tpu.memory_space<vmem>>) target_semaphore(%arg16 : memref<!tpu.dma_semaphore, #tpu.memory_space<semaphore_mem>>)
          %slice3A_426 = vector.extract_strided_slice %get3A_357 {offsets = [5], sizes = [1], strides = [1]} : vector<16xi32> to vector<1xi32>
          %squeeze3A_427 = vector.extract %slice3A_426[0] : i32 from vector<1xi32>
          %mul3A_428 = arith.constant 16 : i32
          %mul3A_429 = arith.muli %scan3A_352, %mul3A_428 : i32
          %add3A_430 = arith.constant 5 : i32
          %add3A_431 = arith.addi %mul3A_429, %add3A_430 : i32
          %dma_start3A_432 = arith.constant 0 : i32
          %dma_start3A_433 = tpu.memref_slice %arg12[%add3A_431, %dma_start3A_432] : memref<32x512xf32, #tpu.memory_space<vmem>> -> memref<1x512xf32, #tpu.memory_space<vmem>>
          %dma_start3A_434 = arith.constant 0 : i32
          %dma_start3A_435 = tpu.memref_slice %arg5[%squeeze3A_427, %dma_start3A_434] : memref<909x512xf32, #tpu.memory_space<vmem_shared>> -> memref<1x512xf32, #tpu.memory_space<vmem_shared>>
          %dma_start3A_436 = arith.constant 0 : i32
          %dma_start3A_437 = tpu.memref_slice %arg12[%add3A_431, %dma_start3A_436] : memref<32x512xf32, #tpu.memory_space<vmem>> -> memref<1x512xf32, #tpu.memory_space<vmem>>
          %dma_start3A_438 = arith.constant 0 : i32
          %dma_start3A_439 = tpu.memref_slice %arg5[%squeeze3A_427, %dma_start3A_438] : memref<909x512xf32, #tpu.memory_space<vmem_shared>> -> memref<1x512xf32, #tpu.memory_space<vmem_shared>>
          tpu.enqueue_dma source(%dma_start3A_439 : memref<1x512xf32, #tpu.memory_space<vmem_shared>>) target(%dma_start3A_437 : memref<1x512xf32, #tpu.memory_space<vmem>>) target_semaphore(%arg16 : memref<!tpu.dma_semaphore, #tpu.memory_space<semaphore_mem>>)
          %slice3A_440 = vector.extract_strided_slice %get3A_357 {offsets = [6], sizes = [1], strides = [1]} : vector<16xi32> to vector<1xi32>
          %squeeze3A_441 = vector.extract %slice3A_440[0] : i32 from vector<1xi32>
          %mul3A_442 = arith.constant 16 : i32
          %mul3A_443 = arith.muli %scan3A_352, %mul3A_442 : i32
          %add3A_444 = arith.constant 6 : i32
          %add3A_445 = arith.addi %mul3A_443, %add3A_444 : i32
          %dma_start3A_446 = arith.constant 0 : i32
          %dma_start3A_447 = tpu.memref_slice %arg12[%add3A_445, %dma_start3A_446] : memref<32x512xf32, #tpu.memory_space<vmem>> -> memref<1x512xf32, #tpu.memory_space<vmem>>
          %dma_start3A_448 = arith.constant 0 : i32
          %dma_start3A_449 = tpu.memref_slice %arg5[%squeeze3A_441, %dma_start3A_448] : memref<909x512xf32, #tpu.memory_space<vmem_shared>> -> memref<1x512xf32, #tpu.memory_space<vmem_shared>>
          %dma_start3A_450 = arith.constant 0 : i32
          %dma_start3A_451 = tpu.memref_slice %arg12[%add3A_445, %dma_start3A_450] : memref<32x512xf32, #tpu.memory_space<vmem>> -> memref<1x512xf32, #tpu.memory_space<vmem>>
          %dma_start3A_452 = arith.constant 0 : i32
          %dma_start3A_453 = tpu.memref_slice %arg5[%squeeze3A_441, %dma_start3A_452] : memref<909x512xf32, #tpu.memory_space<vmem_shared>> -> memref<1x512xf32, #tpu.memory_space<vmem_shared>>
          tpu.enqueue_dma source(%dma_start3A_453 : memref<1x512xf32, #tpu.memory_space<vmem_shared>>) target(%dma_start3A_451 : memref<1x512xf32, #tpu.memory_space<vmem>>) target_semaphore(%arg16 : memref<!tpu.dma_semaphore, #tpu.memory_space<semaphore_mem>>)
          %slice3A_454 = vector.extract_strided_slice %get3A_357 {offsets = [7], sizes = [1], strides = [1]} : vector<16xi32> to vector<1xi32>
          %squeeze3A_455 = vector.extract %slice3A_454[0] : i32 from vector<1xi32>
          %mul3A_456 = arith.constant 16 : i32
          %mul3A_457 = arith.muli %scan3A_352, %mul3A_456 : i32
          %add3A_458 = arith.constant 7 : i32
          %add3A_459 = arith.addi %mul3A_457, %add3A_458 : i32
          %dma_start3A_460 = arith.constant 0 : i32
          %dma_start3A_461 = tpu.memref_slice %arg12[%add3A_459, %dma_start3A_460] : memref<32x512xf32, #tpu.memory_space<vmem>> -> memref<1x512xf32, #tpu.memory_space<vmem>>
          %dma_start3A_462 = arith.constant 0 : i32
          %dma_start3A_463 = tpu.memref_slice %arg5[%squeeze3A_455, %dma_start3A_462] : memref<909x512xf32, #tpu.memory_space<vmem_shared>> -> memref<1x512xf32, #tpu.memory_space<vmem_shared>>
          %dma_start3A_464 = arith.constant 0 : i32
          %dma_start3A_465 = tpu.memref_slice %arg12[%add3A_459, %dma_start3A_464] : memref<32x512xf32, #tpu.memory_space<vmem>> -> memref<1x512xf32, #tpu.memory_space<vmem>>
          %dma_start3A_466 = arith.constant 0 : i32
          %dma_start3A_467 = tpu.memref_slice %arg5[%squeeze3A_455, %dma_start3A_466] : memref<909x512xf32, #tpu.memory_space<vmem_shared>> -> memref<1x512xf32, #tpu.memory_space<vmem_shared>>
          tpu.enqueue_dma source(%dma_start3A_467 : memref<1x512xf32, #tpu.memory_space<vmem_shared>>) target(%dma_start3A_465 : memref<1x512xf32, #tpu.memory_space<vmem>>) target_semaphore(%arg16 : memref<!tpu.dma_semaphore, #tpu.memory_space<semaphore_mem>>)
          %slice3A_468 = vector.extract_strided_slice %get3A_357 {offsets = [8], sizes = [1], strides = [1]} : vector<16xi32> to vector<1xi32>
          %squeeze3A_469 = vector.extract %slice3A_468[0] : i32 from vector<1xi32>
          %mul3A_470 = arith.constant 16 : i32
          %mul3A_471 = arith.muli %scan3A_352, %mul3A_470 : i32
          %add3A_472 = arith.constant 8 : i32
          %add3A_473 = arith.addi %mul3A_471, %add3A_472 : i32
          %dma_start3A_474 = arith.constant 0 : i32
          %dma_start3A_475 = tpu.memref_slice %arg12[%add3A_473, %dma_start3A_474] : memref<32x512xf32, #tpu.memory_space<vmem>> -> memref<1x512xf32, #tpu.memory_space<vmem>>
          %dma_start3A_476 = arith.constant 0 : i32
          %dma_start3A_477 = tpu.memref_slice %arg5[%squeeze3A_469, %dma_start3A_476] : memref<909x512xf32, #tpu.memory_space<vmem_shared>> -> memref<1x512xf32, #tpu.memory_space<vmem_shared>>
          %dma_start3A_478 = arith.constant 0 : i32
          %dma_start3A_479 = tpu.memref_slice %arg12[%add3A_473, %dma_start3A_478] : memref<32x512xf32, #tpu.memory_space<vmem>> -> memref<1x512xf32, #tpu.memory_space<vmem>>
          %dma_start3A_480 = arith.constant 0 : i32
          %dma_start3A_481 = tpu.memref_slice %arg5[%squeeze3A_469, %dma_start3A_480] : memref<909x512xf32, #tpu.memory_space<vmem_shared>> -> memref<1x512xf32, #tpu.memory_space<vmem_shared>>
          tpu.enqueue_dma source(%dma_start3A_481 : memref<1x512xf32, #tpu.memory_space<vmem_shared>>) target(%dma_start3A_479 : memref<1x512xf32, #tpu.memory_space<vmem>>) target_semaphore(%arg16 : memref<!tpu.dma_semaphore, #tpu.memory_space<semaphore_mem>>)
          %slice3A_482 = vector.extract_strided_slice %get3A_357 {offsets = [9], sizes = [1], strides = [1]} : vector<16xi32> to vector<1xi32>
          %squeeze3A_483 = vector.extract %slice3A_482[0] : i32 from vector<1xi32>
          %mul3A_484 = arith.constant 16 : i32
          %mul3A_485 = arith.muli %scan3A_352, %mul3A_484 : i32
          %add3A_486 = arith.constant 9 : i32
          %add3A_487 = arith.addi %mul3A_485, %add3A_486 : i32
          %dma_start3A_488 = arith.constant 0 : i32
          %dma_start3A_489 = tpu.memref_slice %arg12[%add3A_487, %dma_start3A_488] : memref<32x512xf32, #tpu.memory_space<vmem>> -> memref<1x512xf32, #tpu.memory_space<vmem>>
          %dma_start3A_490 = arith.constant 0 : i32
          %dma_start3A_491 = tpu.memref_slice %arg5[%squeeze3A_483, %dma_start3A_490] : memref<909x512xf32, #tpu.memory_space<vmem_shared>> -> memref<1x512xf32, #tpu.memory_space<vmem_shared>>
          %dma_start3A_492 = arith.constant 0 : i32
          %dma_start3A_493 = tpu.memref_slice %arg12[%add3A_487, %dma_start3A_492] : memref<32x512xf32, #tpu.memory_space<vmem>> -> memref<1x512xf32, #tpu.memory_space<vmem>>
          %dma_start3A_494 = arith.constant 0 : i32
          %dma_start3A_495 = tpu.memref_slice %arg5[%squeeze3A_483, %dma_start3A_494] : memref<909x512xf32, #tpu.memory_space<vmem_shared>> -> memref<1x512xf32, #tpu.memory_space<vmem_shared>>
          tpu.enqueue_dma source(%dma_start3A_495 : memref<1x512xf32, #tpu.memory_space<vmem_shared>>) target(%dma_start3A_493 : memref<1x512xf32, #tpu.memory_space<vmem>>) target_semaphore(%arg16 : memref<!tpu.dma_semaphore, #tpu.memory_space<semaphore_mem>>)
          %slice3A_496 = vector.extract_strided_slice %get3A_357 {offsets = [10], sizes = [1], strides = [1]} : vector<16xi32> to vector<1xi32>
          %squeeze3A_497 = vector.extract %slice3A_496[0] : i32 from vector<1xi32>
          %mul3A_498 = arith.constant 16 : i32
          %mul3A_499 = arith.muli %scan3A_352, %mul3A_498 : i32
          %add3A_500 = arith.constant 10 : i32
          %add3A_501 = arith.addi %mul3A_499, %add3A_500 : i32
          %dma_start3A_502 = arith.constant 0 : i32
          %dma_start3A_503 = tpu.memref_slice %arg12[%add3A_501, %dma_start3A_502] : memref<32x512xf32, #tpu.memory_space<vmem>> -> memref<1x512xf32, #tpu.memory_space<vmem>>
          %dma_start3A_504 = arith.constant 0 : i32
          %dma_start3A_505 = tpu.memref_slice %arg5[%squeeze3A_497, %dma_start3A_504] : memref<909x512xf32, #tpu.memory_space<vmem_shared>> -> memref<1x512xf32, #tpu.memory_space<vmem_shared>>
          %dma_start3A_506 = arith.constant 0 : i32
          %dma_start3A_507 = tpu.memref_slice %arg12[%add3A_501, %dma_start3A_506] : memref<32x512xf32, #tpu.memory_space<vmem>> -> memref<1x512xf32, #tpu.memory_space<vmem>>
          %dma_start3A_508 = arith.constant 0 : i32
          %dma_start3A_509 = tpu.memref_slice %arg5[%squeeze3A_497, %dma_start3A_508] : memref<909x512xf32, #tpu.memory_space<vmem_shared>> -> memref<1x512xf32, #tpu.memory_space<vmem_shared>>
          tpu.enqueue_dma source(%dma_start3A_509 : memref<1x512xf32, #tpu.memory_space<vmem_shared>>) target(%dma_start3A_507 : memref<1x512xf32, #tpu.memory_space<vmem>>) target_semaphore(%arg16 : memref<!tpu.dma_semaphore, #tpu.memory_space<semaphore_mem>>)
          %slice3A_510 = vector.extract_strided_slice %get3A_357 {offsets = [11], sizes = [1], strides = [1]} : vector<16xi32> to vector<1xi32>
          %squeeze3A_511 = vector.extract %slice3A_510[0] : i32 from vector<1xi32>
          %mul3A_512 = arith.constant 16 : i32
          %mul3A_513 = arith.muli %scan3A_352, %mul3A_512 : i32
          %add3A_514 = arith.constant 11 : i32
          %add3A_515 = arith.addi %mul3A_513, %add3A_514 : i32
          %dma_start3A_516 = arith.constant 0 : i32
          %dma_start3A_517 = tpu.memref_slice %arg12[%add3A_515, %dma_start3A_516] : memref<32x512xf32, #tpu.memory_space<vmem>> -> memref<1x512xf32, #tpu.memory_space<vmem>>
          %dma_start3A_518 = arith.constant 0 : i32
          %dma_start3A_519 = tpu.memref_slice %arg5[%squeeze3A_511, %dma_start3A_518] : memref<909x512xf32, #tpu.memory_space<vmem_shared>> -> memref<1x512xf32, #tpu.memory_space<vmem_shared>>
          %dma_start3A_520 = arith.constant 0 : i32
          %dma_start3A_521 = tpu.memref_slice %arg12[%add3A_515, %dma_start3A_520] : memref<32x512xf32, #tpu.memory_space<vmem>> -> memref<1x512xf32, #tpu.memory_space<vmem>>
          %dma_start3A_522 = arith.constant 0 : i32
          %dma_start3A_523 = tpu.memref_slice %arg5[%squeeze3A_511, %dma_start3A_522] : memref<909x512xf32, #tpu.memory_space<vmem_shared>> -> memref<1x512xf32, #tpu.memory_space<vmem_shared>>
          tpu.enqueue_dma source(%dma_start3A_523 : memref<1x512xf32, #tpu.memory_space<vmem_shared>>) target(%dma_start3A_521 : memref<1x512xf32, #tpu.memory_space<vmem>>) target_semaphore(%arg16 : memref<!tpu.dma_semaphore, #tpu.memory_space<semaphore_mem>>)
          %slice3A_524 = vector.extract_strided_slice %get3A_357 {offsets = [12], sizes = [1], strides = [1]} : vector<16xi32> to vector<1xi32>
          %squeeze3A_525 = vector.extract %slice3A_524[0] : i32 from vector<1xi32>
          %mul3A_526 = arith.constant 16 : i32
          %mul3A_527 = arith.muli %scan3A_352, %mul3A_526 : i32
          %add3A_528 = arith.constant 12 : i32
          %add3A_529 = arith.addi %mul3A_527, %add3A_528 : i32
          %dma_start3A_530 = arith.constant 0 : i32
          %dma_start3A_531 = tpu.memref_slice %arg12[%add3A_529, %dma_start3A_530] : memref<32x512xf32, #tpu.memory_space<vmem>> -> memref<1x512xf32, #tpu.memory_space<vmem>>
          %dma_start3A_532 = arith.constant 0 : i32
          %dma_start3A_533 = tpu.memref_slice %arg5[%squeeze3A_525, %dma_start3A_532] : memref<909x512xf32, #tpu.memory_space<vmem_shared>> -> memref<1x512xf32, #tpu.memory_space<vmem_shared>>
          %dma_start3A_534 = arith.constant 0 : i32
          %dma_start3A_535 = tpu.memref_slice %arg12[%add3A_529, %dma_start3A_534] : memref<32x512xf32, #tpu.memory_space<vmem>> -> memref<1x512xf32, #tpu.memory_space<vmem>>
          %dma_start3A_536 = arith.constant 0 : i32
          %dma_start3A_537 = tpu.memref_slice %arg5[%squeeze3A_525, %dma_start3A_536] : memref<909x512xf32, #tpu.memory_space<vmem_shared>> -> memref<1x512xf32, #tpu.memory_space<vmem_shared>>
          tpu.enqueue_dma source(%dma_start3A_537 : memref<1x512xf32, #tpu.memory_space<vmem_shared>>) target(%dma_start3A_535 : memref<1x512xf32, #tpu.memory_space<vmem>>) target_semaphore(%arg16 : memref<!tpu.dma_semaphore, #tpu.memory_space<semaphore_mem>>)
          %slice3A_538 = vector.extract_strided_slice %get3A_357 {offsets = [13], sizes = [1], strides = [1]} : vector<16xi32> to vector<1xi32>
          %squeeze3A_539 = vector.extract %slice3A_538[0] : i32 from vector<1xi32>
          %mul3A_540 = arith.constant 16 : i32
          %mul3A_541 = arith.muli %scan3A_352, %mul3A_540 : i32
          %add3A_542 = arith.constant 13 : i32
          %add3A_543 = arith.addi %mul3A_541, %add3A_542 : i32
          %dma_start3A_544 = arith.constant 0 : i32
          %dma_start3A_545 = tpu.memref_slice %arg12[%add3A_543, %dma_start3A_544] : memref<32x512xf32, #tpu.memory_space<vmem>> -> memref<1x512xf32, #tpu.memory_space<vmem>>
          %dma_start3A_546 = arith.constant 0 : i32
          %dma_start3A_547 = tpu.memref_slice %arg5[%squeeze3A_539, %dma_start3A_546] : memref<909x512xf32, #tpu.memory_space<vmem_shared>> -> memref<1x512xf32, #tpu.memory_space<vmem_shared>>
          %dma_start3A_548 = arith.constant 0 : i32
          %dma_start3A_549 = tpu.memref_slice %arg12[%add3A_543, %dma_start3A_548] : memref<32x512xf32, #tpu.memory_space<vmem>> -> memref<1x512xf32, #tpu.memory_space<vmem>>
          %dma_start3A_550 = arith.constant 0 : i32
          %dma_start3A_551 = tpu.memref_slice %arg5[%squeeze3A_539, %dma_start3A_550] : memref<909x512xf32, #tpu.memory_space<vmem_shared>> -> memref<1x512xf32, #tpu.memory_space<vmem_shared>>
          tpu.enqueue_dma source(%dma_start3A_551 : memref<1x512xf32, #tpu.memory_space<vmem_shared>>) target(%dma_start3A_549 : memref<1x512xf32, #tpu.memory_space<vmem>>) target_semaphore(%arg16 : memref<!tpu.dma_semaphore, #tpu.memory_space<semaphore_mem>>)
          %slice3A_552 = vector.extract_strided_slice %get3A_357 {offsets = [14], sizes = [1], strides = [1]} : vector<16xi32> to vector<1xi32>
          %squeeze3A_553 = vector.extract %slice3A_552[0] : i32 from vector<1xi32>
          %mul3A_554 = arith.constant 16 : i32
          %mul3A_555 = arith.muli %scan3A_352, %mul3A_554 : i32
          %add3A_556 = arith.constant 14 : i32
          %add3A_557 = arith.addi %mul3A_555, %add3A_556 : i32
          %dma_start3A_558 = arith.constant 0 : i32
          %dma_start3A_559 = tpu.memref_slice %arg12[%add3A_557, %dma_start3A_558] : memref<32x512xf32, #tpu.memory_space<vmem>> -> memref<1x512xf32, #tpu.memory_space<vmem>>
          %dma_start3A_560 = arith.constant 0 : i32
          %dma_start3A_561 = tpu.memref_slice %arg5[%squeeze3A_553, %dma_start3A_560] : memref<909x512xf32, #tpu.memory_space<vmem_shared>> -> memref<1x512xf32, #tpu.memory_space<vmem_shared>>
          %dma_start3A_562 = arith.constant 0 : i32
          %dma_start3A_563 = tpu.memref_slice %arg12[%add3A_557, %dma_start3A_562] : memref<32x512xf32, #tpu.memory_space<vmem>> -> memref<1x512xf32, #tpu.memory_space<vmem>>
          %dma_start3A_564 = arith.constant 0 : i32
          %dma_start3A_565 = tpu.memref_slice %arg5[%squeeze3A_553, %dma_start3A_564] : memref<909x512xf32, #tpu.memory_space<vmem_shared>> -> memref<1x512xf32, #tpu.memory_space<vmem_shared>>
          tpu.enqueue_dma source(%dma_start3A_565 : memref<1x512xf32, #tpu.memory_space<vmem_shared>>) target(%dma_start3A_563 : memref<1x512xf32, #tpu.memory_space<vmem>>) target_semaphore(%arg16 : memref<!tpu.dma_semaphore, #tpu.memory_space<semaphore_mem>>)
          %slice3A_566 = vector.extract_strided_slice %get3A_357 {offsets = [15], sizes = [1], strides = [1]} : vector<16xi32> to vector<1xi32>
          %squeeze3A_567 = vector.extract %slice3A_566[0] : i32 from vector<1xi32>
          %mul3A_568 = arith.constant 16 : i32
          %mul3A_569 = arith.muli %scan3A_352, %mul3A_568 : i32
          %add3A_570 = arith.constant 15 : i32
          %add3A_571 = arith.addi %mul3A_569, %add3A_570 : i32
          %dma_start3A_572 = arith.constant 0 : i32
          %dma_start3A_573 = tpu.memref_slice %arg12[%add3A_571, %dma_start3A_572] : memref<32x512xf32, #tpu.memory_space<vmem>> -> memref<1x512xf32, #tpu.memory_space<vmem>>
          %dma_start3A_574 = arith.constant 0 : i32
          %dma_start3A_575 = tpu.memref_slice %arg5[%squeeze3A_567, %dma_start3A_574] : memref<909x512xf32, #tpu.memory_space<vmem_shared>> -> memref<1x512xf32, #tpu.memory_space<vmem_shared>>
          %dma_start3A_576 = arith.constant 0 : i32
          %dma_start3A_577 = tpu.memref_slice %arg12[%add3A_571, %dma_start3A_576] : memref<32x512xf32, #tpu.memory_space<vmem>> -> memref<1x512xf32, #tpu.memory_space<vmem>>
          %dma_start3A_578 = arith.constant 0 : i32
          %dma_start3A_579 = tpu.memref_slice %arg5[%squeeze3A_567, %dma_start3A_578] : memref<909x512xf32, #tpu.memory_space<vmem_shared>> -> memref<1x512xf32, #tpu.memory_space<vmem_shared>>
          tpu.enqueue_dma source(%dma_start3A_579 : memref<1x512xf32, #tpu.memory_space<vmem_shared>>) target(%dma_start3A_577 : memref<1x512xf32, #tpu.memory_space<vmem>>) target_semaphore(%arg16 : memref<!tpu.dma_semaphore, #tpu.memory_space<semaphore_mem>>)
        }
        %scan3A_351 = arith.constant 2 : i32
      } else {
      }
    }
    %scan3A_155 = arith.constant 36 : i32
    %add3A_156 = arith.constant 4480 : i32
    %add3A_157 = arith.addi %mul3A_2, %add3A_156 : i32
    %dma_wait3A = arith.constant 0 : i32
    %dma_wait3A_158 = tpu.memref_slice %arg4[%add3A_157, %dma_wait3A] : memref<147456x512xf32, #tpu.memory_space<hbm>> -> memref<32x512xf32, #tpu.memory_space<hbm>>
    %dma_wait3A_159 = arith.constant 0 : i32
    %dma_wait3A_160 = tpu.memref_slice %arg4[%add3A_157, %dma_wait3A_159] : memref<147456x512xf32, #tpu.memory_space<hbm>> -> memref<32x512xf32, #tpu.memory_space<hbm>>
    tpu.wait_dma2 semaphore(%arg19 : memref<!tpu.dma_semaphore, #tpu.memory_space<semaphore_mem>>) src(%arg11 : memref<32x512xf32, #tpu.memory_space<vmem>>) dst(%dma_wait3A_160 : memref<32x512xf32, #tpu.memory_space<hbm>>)
    %add3A_161 = arith.constant 4512 : i32
    %add3A_162 = arith.addi %mul3A_2, %add3A_161 : i32
    %dma_wait3A_163 = arith.constant 0 : i32
    %dma_wait3A_164 = tpu.memref_slice %arg4[%add3A_162, %dma_wait3A_163] : memref<147456x512xf32, #tpu.memory_space<hbm>> -> memref<32x512xf32, #tpu.memory_space<hbm>>
    %dma_wait3A_165 = arith.constant 0 : i32
    %dma_wait3A_166 = tpu.memref_slice %arg4[%add3A_162, %dma_wait3A_165] : memref<147456x512xf32, #tpu.memory_space<hbm>> -> memref<32x512xf32, #tpu.memory_space<hbm>>
    tpu.wait_dma2 semaphore(%arg20 : memref<!tpu.dma_semaphore, #tpu.memory_space<semaphore_mem>>) src(%arg12 : memref<32x512xf32, #tpu.memory_space<vmem>>) dst(%dma_wait3A_166 : memref<32x512xf32, #tpu.memory_space<hbm>>)
    %add3A_167 = arith.constant 4544 : i32
    %add3A_168 = arith.addi %mul3A_2, %add3A_167 : i32
    %dma_wait3A_169 = arith.constant 0 : i32
    %dma_wait3A_170 = tpu.memref_slice %arg4[%add3A_168, %dma_wait3A_169] : memref<147456x512xf32, #tpu.memory_space<hbm>> -> memref<32x512xf32, #tpu.memory_space<hbm>>
    %dma_wait3A_171 = arith.constant 0 : i32
    %dma_wait3A_172 = tpu.memref_slice %arg4[%add3A_168, %dma_wait3A_171] : memref<147456x512xf32, #tpu.memory_space<hbm>> -> memref<32x512xf32, #tpu.memory_space<hbm>>
    tpu.wait_dma2 semaphore(%arg21 : memref<!tpu.dma_semaphore, #tpu.memory_space<semaphore_mem>>) src(%arg13 : memref<32x512xf32, #tpu.memory_space<vmem>>) dst(%dma_wait3A_172 : memref<32x512xf32, #tpu.memory_space<hbm>>)
    %add3A_173 = arith.constant 4576 : i32
    %add3A_174 = arith.addi %mul3A_2, %add3A_173 : i32
    %dma_wait3A_175 = arith.constant 0 : i32
    %dma_wait3A_176 = tpu.memref_slice %arg4[%add3A_174, %dma_wait3A_175] : memref<147456x512xf32, #tpu.memory_space<hbm>> -> memref<32x512xf32, #tpu.memory_space<hbm>>
    %dma_wait3A_177 = arith.constant 0 : i32
    %dma_wait3A_178 = tpu.memref_slice %arg4[%add3A_174, %dma_wait3A_177] : memref<147456x512xf32, #tpu.memory_space<hbm>> -> memref<32x512xf32, #tpu.memory_space<hbm>>
    tpu.wait_dma2 semaphore(%arg22 : memref<!tpu.dma_semaphore, #tpu.memory_space<semaphore_mem>>) src(%arg14 : memref<32x512xf32, #tpu.memory_space<vmem>>) dst(%dma_wait3A_178 : memref<32x512xf32, #tpu.memory_space<hbm>>)
    return
  }
}

</mosaic_0001>

<sc_bundles>
// kernel: kernel.3.cloned.1.call-start
scs
__scs_entry_jumppad:
0x0: {  	(pc) =	sbr.rel $0x88, $3  }
0x1: {  	(tag) =	ssettag $0x0;
	lr =	simm.s32 $0x1  }
0x2: {  	[smem:$0x3F9F] =	sst lr;
	_ =	strace $0xD0000000  }
0x3: {  	_ = 	snop  }
0x4: {  	_ = 	snop  }
0x5: {  	_ = 	snop  }
0x6: {  	_ = 	snop  }
0x7: {  	_ = 	snop  }
__scs_overlays_trampoline_lowered:
0x8: {  	[smem:$0x3FAE] =	sst s0  }
0x9: {  	[smem:$0x3FAF] =	sst s1  }
0xa: {  	[smem:$0x3FB0] =	sst s2  }
0xb: {  	[smem:$0x3FB1] =	sst s3  }
0xc: {  	[smem:$0x3FB2] =	sst s4  }
0xd: {  	[smem:$0x3FB3] =	sst s5  }
0xe: {  	[smem:$0x3FB4] =	sst s6  }
0xf: {  	[smem:$0x3FB5] =	sst s7  }
0x10: {  	[smem:$0x3FB6] =	sst s8  }
0x11: {  	[smem:$0x3FB7] =	sst s9;
	s0 =	simm.s32 @!p0 $0x0  }
0x12: {  	s1 =	sld [smem:$0x3F9D];
	s0 =	simm.s32 @p0 $0x1  }
0x13: {  	[smem:$0x3FB8] =	sst s0;
	s0 =	simm.s32 @!p1 $0x0  }
0x14: {  	s2 =	sld [smem:$0x3F9C];
	s0 =	simm.s32 @p1 $0x1  }
0x15: {  	[smem:$0x3FB9] =	sst s0;
	s0 =	simm.s32 @!p2 $0x0  }
0x16: {  	s3 =	sld [smem:$0x3FDB];
	s0 =	simm.s32 @p2 $0x1  }
0x17: {  	s4 =	simm.s32 $0x1BF5;
	[smem:$0x3FBB] =	sst s0  }
0x18: {  	s0 =	sld [smem:$0x3F9E];
	_ =	swait.ge [sflag:s4], $0x0  }
0x19: {  	s7 =	sld [smem:$0x3F9F]  }
0x1a: {  	s8 =	sadd.s32 $0xFFFFE003, lr  }
0x1b: {  	s9 =	sadd.s32 $0xFFFFFEF7, lr;
	s5 =	simm.s32 $0xFFFFFFFF;
	p2 =	slt.u32 s8, $0xFFFFF086  }
0x1c: {  	p1 =	slt.u32 s9, $0xF7A;
	s5 =	simm.s32 @!p2 $0x0  }
0x1d: {  	s5 =	simm.s32 @p1 $0x1;
	p0 =	seq.s32 s7, s2  }
0x1e: {  	s7 =	smul.u32 @!p0 $0xF7A, s2;
	p2 =	seq.s32 @!p0 s5, $0x0  }
0x1f: {  	s9 =	smul.u32 $0xF7A, s1;
	s8 =	simm.s32 @!p0 $0x1BF5;
	p2 =	por !p2, p0  }
0x20: {  	[sflag:s8] =	ssyncset.s32 @!p0 $0xFFFFF086;
	s6 =	sadd.s32 @!p0 s3, s7;
	s7 =	simm.s32 @!p0 $0x108  }
0x21: {  	s3 =	sadd.s32 s3, s9;
	s6 =	sadd.s32 @!p0 $0x88, s6;
	s7 =	simm.s32 @p2 $0x1082  }
0x22: {  	[simem:s7], [sflag:s8] =	dma.local @!p0 [hbm:s6], $0xF7A  }
0x23: {  	s9 =	sor.u32 $0xD0000000, s2;
	s6 =	simm.s32 $0x108;
	_ =	swait.ge @!p0 [sflag:s8], $0x0  }
0x24: {  	s3 =	sadd.s32 $0x88, s3;
	s6 =	simm.s32 @!p1 $0x1082;
	[sflag:s4] =	ssyncset.s32 $0xFFFFF086  }
0x25: {  	[simem:s6], [sflag:s4] =	dma.local [hbm:s3], $0xF7A  }
0x26: {  	[smem:$0x3F9F] =	sst s1;
	(tag) =	ssettag s2;
	_ =	strace s9  }
0x27: {  	s1 =	sld [smem:$0x3FAF]  }
0x28: {  	s2 =	sld [smem:$0x3FB0]  }
0x29: {  	s4 =	sld [smem:$0x3FB2]  }
0x2a: {  	p0 =	seq.s32 s5, $0x0;
	s5 =	sld [smem:$0x3FB3]  }
0x2b: {  	s6 =	sld [smem:$0x3FB4]  }
0x2c: {  	s7 =	sld [smem:$0x3FB5]  }
0x2d: {  	s3 =	simm.s32 $0x108;
	s8 =	sld [smem:$0x3FB6]  }
0x2e: {  	s3 =	simm.s32 @!p0 $0x1082;
	s9 =	sld [smem:$0x3FB7]  }
0x2f: {  	lr =	sadd.s32 s0, s3;
	s0 =	sld [smem:$0x3FAE]  }
0x30: {  	s3 =	sld [smem:$0x3FB1]  }
0x31: {  	[smem:$0x3FBA] =	sst s10  }
0x32: {  	s10 =	sld [smem:$0x3FB8];
	_ =	sdelay $0x3  }
0x33: {  	p0 =	seq.s32 s10, $0x1;
	s10 =	sld [smem:$0x3FBA];
	_ =	sdelay $0x3  }
0x34: {  	[smem:$0x3FBA] =	sst s10  }
0x35: {  	s10 =	sld [smem:$0x3FB9];
	_ =	sdelay $0x3  }
0x36: {  	p1 =	seq.s32 s10, $0x1;
	s10 =	sld [smem:$0x3FBA];
	_ =	sdelay $0x3  }
0x37: {  	[smem:$0x3FBA] =	sst s10  }
0x38: {  	s10 =	sld [smem:$0x3FBB]  }
0x39: {  	_ = 	snop;
	(pc) =	sbr.ind lr, $3  }
0x3a: {  	_ = 	snop  }
0x3b: {  	_ = 	snop  }
0x3c: {  	p2 =	seq.s32 s10, $0x1;
	s10 =	sld [smem:$0x3FBA]  }
0x3d: {  	_ =	shalt  }
0x3e: {  	_ =	shalt  }
0x3f: {  	_ =	shalt  }
0x40: {  	_ =	shalt  }
0x41: {  	_ =	shalt  }
0x42: {  	_ =	shalt  }
0x43: {  	_ =	shalt  }
0x44: {  	_ =	shalt  }
0x45: {  	_ =	shalt  }
0x46: {  	_ =	shalt  }
0x47: {  	_ =	shalt  }
0x48: {  	_ =	shalt  }
0x49: {  	_ =	shalt  }
0x4a: {  	_ =	shalt  }
0x4b: {  	_ =	shalt  }
0x4c: {  	_ =	shalt  }
0x4d: {  	_ =	shalt  }
0x4e: {  	_ =	shalt  }
0x4f: {  	_ =	shalt  }
0x50: {  	_ =	shalt  }
0x51: {  	_ =	shalt  }
0x52: {  	_ =	shalt  }
0x53: {  	_ =	shalt  }
0x54: {  	_ =	shalt  }
0x55: {  	_ =	shalt  }
0x56: {  	_ =	shalt  }
0x57: {  	_ =	shalt  }
0x58: {  	_ =	shalt  }
0x59: {  	_ =	shalt  }
0x5a: {  	_ =	shalt  }
0x5b: {  	_ =	shalt  }
0x5c: {  	_ =	shalt  }
0x5d: {  	_ =	shalt  }
0x5e: {  	_ =	shalt  }
0x5f: {  	_ =	shalt  }
0x60: {  	_ =	shalt  }
0x61: {  	_ =	shalt  }
0x62: {  	_ =	shalt  }
0x63: {  	_ =	shalt  }
0x64: {  	_ =	shalt  }
0x65: {  	_ =	shalt  }
0x66: {  	_ =	shalt  }
0x67: {  	_ =	shalt  }
0x68: {  	_ =	shalt  }
0x69: {  	_ =	shalt  }
0x6a: {  	_ =	shalt  }
0x6b: {  	_ =	shalt  }
0x6c: {  	_ =	shalt  }
0x6d: {  	_ =	shalt  }
0x6e: {  	_ =	shalt  }
0x6f: {  	_ =	shalt  }
0x70: {  	_ =	shalt  }
0x71: {  	_ =	shalt  }
0x72: {  	_ =	shalt  }
0x73: {  	_ =	shalt  }
0x74: {  	_ =	shalt  }
0x75: {  	_ =	shalt  }
0x76: {  	_ =	shalt  }
0x77: {  	_ =	shalt  }
0x78: {  	_ =	shalt  }
0x79: {  	_ =	shalt  }
0x7a: {  	_ =	shalt  }
0x7b: {  	_ =	shalt  }
0x7c: {  	_ =	shalt  }
0x7d: {  	_ =	shalt  }
0x7e: {  	_ =	shalt  }
0x7f: {  	_ =	shalt  }
0x80: {  	_ =	shalt  }
0x81: {  	_ =	shalt  }
0x82: {  	_ =	shalt  }
0x83: {  	_ =	shalt  }
0x84: {  	_ =	shalt  }
0x85: {  	_ =	shalt  }
0x86: {  	_ =	shalt  }
0x87: {  	_ =	shalt  }
.Lfunc_end0:
.L_simem_size_0:
called_computation_lowered:
.L_overlay_start_0:
0x88: {  	s2 =	sld [smem:$0x3FD9]  }
0x89: {  	s3 =	sld [smem:$0x3FFE];
	_ =	sdelay $0x1  }
0x8a: {  	s1 =	srdreg.scid  }
0x8b: {  	s0 =	sand.u32 $0x1, s1  }
0x8c: {  	s17 =	sshll.u32 s0, $0xA;
	s2 =	sadd.s32 s3, s2  }
0x8d: {  	s2 =	sadd.s32 s2, s17  }
0x8e: {  	[smem:$0x3FC6] =	sst s2  }
0x8f: {  	_ = 	snop  }
0x90: {  	s2 =	sld [smem:$0x3FD0];
	(tm) =	ssettm $0x1  }
0x91: {  	s18 =	sld [smem:$0x3FFB];
	_ =	sdelay $0x3  }
0x92: {  	_ =	strace s18  }
0x93: {  	s3 =	sld [smem:$0x3FFC];
	_ =	sdelay $0x3  }
0x94: {  	_ =	strace s3  }
0x95: {  	s3 =	sld [smem:$0x3FFD];
	_ =	sdelay $0x3  }
0x96: {  	_ =	strace s3  }
0x97: {  	_ =	strace $0x8FFFFFFF  }
0x98: {  	s19 =	sld [smem:$0x3FDB];
	_ =	sdelay $0x1  }
0x99: {  	s4 =	simm.s32 $_scs_section_size  }
0x9a: {  	s5 =	simm.s32 $_size__tile_overlayer_lowered;
	s6 =	simm.s32 $_tile_overlayer_lowered  }
0x9b: {  	s22 =	simm.s32 $0x1BFF;
	s21 =	sshll.u32 s6, $0x1;
	s3 =	sadd.s32 s4, s19  }
0x9c: {  	s7 =	simm.s32 $0x0;
	s20 =	sshll.u32 s5, $0x1;
	s5 =	sadd.s32 s21, s3  }
0x9d: {  	[timem:s7], [sflag:s22] =	dma.local [hbm:s5], s20  }
0x9e: {  	_ =	swait.ge [sflag:s22], s20  }
0x9f: {  	s4 =	ssub.s32 $0x0, s20;
	[sflag:s22] =	ssyncset.done $0x0  }
0xa0: {  	[sflag:s22] =	ssyncadd.s32 s4;
	_ =	sdelay $0x1  }
0xa1: {  	s23 =	simm.s32 $0x1B8B  }
0xa2: {  	_ =	swait.ge [sflag:s23], $0x1  }
0xa3: {  	[sflag:s23] =	ssyncset.done $0x0  }
0xa4: {  	s25 =	simm.s32 $0x1B8E;
	s24 =	sld [smem:$0x3FFE];
	[sflag:s23] =	ssyncadd.s32 $0xFFFFFFFF  }
0xa5: {  	s26 =	simm.s32 $execute0_lowered;
	[smem:$0x3FD2] =	sst s25  }
0xa6: {  	s5 =	sshll.u32 s26, $0x1;
	_ =	strace $0x80000046;
	[dreg:$0x1] =	wrdreg $0xFFFFFFFF  }
0xa7: {  	s28 =	simm.s32 $_size_execute0_lowered;
	s3 =	sadd.s32 s3, s5;
	[dreg:$0x0] =	wrdreg $0x0  }
0xa8: {  	s5 =	sshll.u32 s28, $0x1;
	[dreg:$0x2] =	wrdreg s3  }
0xa9: {  	[dreg:$0x3] =	wrdreg s5  }
0xaa: {  	[dreg:$0x4] =	wrdreg $0xC0  }
0xab: {  	_ =	task [dreg:s7], $0x5FFFF  }
0xac: {  	[dreg:$0x1] =	wrdreg $0xFFFFFFFF  }
0xad: {  	[dreg:$0x0] =	wrdreg $0x60  }
0xae: {  	[dreg:$0x2] =	wrdreg s24  }
0xaf: {  	[dreg:$0x3] =	wrdreg s2  }
0xb0: {  	[dreg:$0x4] =	wrdreg $0x0  }
0xb1: {  	[dreg:$0x5] =	wrdreg $0x9  }
0xb2: {  	_ =	task.clear_ibuf [dreg:s7], $0x6FFFF;
	_ =	strace $0x90000046  }
0xb3: {  	s29 =	simm.s32 $0x9;
	_ =	strace $0x80000048  }
0xb4: {  	_ =	swait.ge [sflag:s29], $0x1  }
0xb5: {  	[sflag:s29] =	ssyncadd.s32 $0xFFFFFFFF  }
0xb6: {  	_ =	strace $0x90000048  }
0xb7: {  	_ =	sfence  }
0xb8: {  	s30 =	sld [smem:$0x0];
	_ =	sdelay $0x2  }
0xb9: {  	s31 =	sshll.u32 s1, $0xD;
	s1 =	sshrl.u32 s1, $0x2  }
0xba: {  	s3 =	sand.u32 $0x4000, s31;
	s1 =	sadd.s32 s1, s30  }
0xbb: {  	s0 =	sor.u32 s3, s0;
	s1 =	sshll.u32 s1, $0x11  }
0xbc: {  	s0 =	sor.u32 s1, s0  }
0xbd: {  	s0 =	sadd.s32 $0x8F2B, s0  }
0xbe: {  	[sflag:s0] =	ssyncadd.remote.s32 $0x1  }
0xbf: {  	_ =	sfence.sel $0xFFFF  }
0xc0: {  	[dreg:$0x0] =	wrdreg $0xFFFFFFFF;
	(pc) =	sbr.abs _section_cstart, $3  }
0xc1: {  	[dreg:$0x1] =	wrdreg $0xFFFFFFFF  }
0xc2: {  	_ =	task.clear_ibuf [dreg:s7], $0x2FFFF;
	_ =	strace $0x9FFFFFFF  }
0xc3: {  	(tm) =	ssettm $0x7FFFFFFF  }
tec
execute0_lowered:
.L_overlay_start_1:
0x0: {  	(tag) =	ssettag $0x1  }
0x1: {  	s0 =	srdreg.scid;
	s9 =	stileid.u32  }
0x2: {  	s0 =	sand.u32 $0x1, s0;
	s2 =	sshll.u32 s9, $0x1  }
0x3: {  	s10 =	sor.u32 s0, s2  }
0x4: {  	s3 =	smul.u32 $0x1200, s10  }
0x5: {  	s7 =	rddreg [dreg:$0x0];
	v0 =	vlaneseq.u32  }
0x6: {  	s4 =	simm.s32 $0x0;
	s13 =	simm.s32 $0x9;
	v1 =	vor.u32 s3, v0;
	s5 =	sor.u32 $0x10, s3  }
0x7: {  	s14 =	simm.s32 $0x1;
	s15 =	simm.s32 $0x85A0;
	s6 =	sor.u32 $0x20, s3;
	v2 =	vmulhi.u32 $0x38E38E39, v1;
	v3 =	vor.u32 s5, v0  }
0x8: {  	s16 =	simm.s32 $0x2;
	s17 =	simm.s32 $0xC5A0;
	s11 =	sor.u32 $0x30, s3;
	v5 =	vor.u32 s6, v0;
	v4 =	vmulhi.u32 $0x38E38E39, v3  }
0x9: {  	s18 =	simm.s32 $0x3;
	s19 =	simm.s32 $0x105A0;
	s20 =	simm.s32 $0x4;
	v7 =	vor.u32 s11, v0;
	v6 =	vmulhi.u32 $0x38E38E39, v5  }
0xa: {  	s21 =	simm.s32 $0x145A0;
	s22 =	simm.s32 $0x5;
	s23 =	simm.s32 $0x6;
	v8 =	vmulhi.u32 $0x38E38E39, v7;
	v2 =	vshrl.u32 v2, $0x1  }
0xb: {  	s24 =	simm.s32 $0x7;
	s25 =	simm.s32 $0x8;
	s26 =	simm.s32 $0x0;
	v2 =	vmul.u32 $0x9, v2;
	v4 =	vshrl.u32 v4, $0x1  }
0xc: {  	[smem:$0x7FF] =	sst s4;
	p0 =	sne.s32 s9, $0x0;
	s0 =	ssub.s32 $0x2, s0;
	v6 =	vshrl.u32 v6, $0x1;
	v8 =	vshrl.u32 v8, $0x1;
	v4 =	vmul.u32 $0x9, v4  }
0xd: {  	s2 =	rddreg [dreg:$0x2];
	s12 =	sshrl.u32 s0, $0x1;
	s8 =	sshrl.u32 s3, $0x3;
	v6 =	vmul.u32 $0x9, v6;
	v8 =	vmul.u32 $0x9, v8  }
0xe: {  	_ =	strace $0x80000047;
	s0 =	ssub.s32 s0, s12;
	s8 =	sadd.s32 s8, s7;
	v1 =	vsub.s32 v1, v2;
	v2 =	vsub.s32 v3, v4  }
0xf: {  	s9 =	smul.u32 $0x240000, s10;
	s10 =	smax.u32 s0, $0x1;
	s1 =	sadd.s32 $0x400, s8;
	v3 =	vsub.s32 v5, v6;
	v1 =	vmul.u32 $0x65, v1;
	v4 =	vsub.s32 v7, v8  }
0x10: {  	s7 =	sadd.s32 $0x4C00, s7;
	s11 =	sshrl.u32 @!p0 s2, $0x3;
	[dreg:$0x4] =	wrdreg s1;
	v2 =	vmul.u32 $0x65, v2;
	v3 =	vmul.u32 $0x65, v3;
	v4 =	vmul.u32 $0x65, v4  }
.LBB2_1:
0x11: {  	s0 =	simm.s32 @!p0 $0x1C09;
	s1 =	rddreg [dreg:$0x1]  }
0x12: {  	[spmem:s11], [sflag:s0] =	dma.local @!p0 [hbm:s1], $0xE400  }
0x13: {  	s0 =	simm.s32 @!p0 $0x9  }
0x14: {  	_ =	swait.ge @!p0 [sflag:s0], $0xE400  }
0x15: {  	[sflag:s0] =	ssyncset.done @!p0 $0x0  }
0x16: {  	[sflag:s0] =	ssyncadd.s32 @!p0 $0xFFFF1C00  }
0x17: {  	[bflag:$0x0] =	sbarrier.arrive $0xFFFF  }
0x18: {  	s31 =	simm.s32 $0x71A0;
	s30 =	rddreg [dreg:$0x4]  }
0x19: {  	[tilespmem:s31], [sflag:$0x9] =	stream.linear.gather [hbm4b:s30+s4], $0x1200, $0x38;
	[tilespmem:$0x185A0] =	vst v63  }
0x1a: {  	_ =	swait.ge [sflag:s13], $0x1200  }
0x1b: {  	[sflag:s13] =	ssyncset.done $0x0  }
0x1c: {  	[sflag:s13] =	ssyncadd.s32 $0xFFFFEE00  }
0x1d: {  	v5 =	vld [tilespmem:$0x71A0]  }
0x1e: {  	v6 =	vld [tilespmem:$0x71B0];
	_ =	sdelay $0x3  }
0x1f: {  	v5 =	vmax.f32 v5, $0.0e+00  }
0x20: {  	v6 =	vmax.f32 v6, $0.0e+00;
	v5 =	vmin.f32 v5, $1.000000000e+02  }
0x21: {  	v6 =	vmin.f32 v6, $1.000000000e+02;
	v5 =	vadd.f32 $8.388608000e+06, v5  }
0x22: {  	v6 =	vadd.f32 $8.388608000e+06, v6  }
0x23: {  	v5 =	vadd.f32 $-8.388608000e+06, v5  }
0x24: {  	v6 =	vadd.f32 $-8.388608000e+06, v6  }
0x25: {  	v5 =	vtrunc.f32 v5  }
0x26: {  	v6 =	vtrunc.f32 v6;
	v5 =	vcvt.f32.s32 v5  }
0x27: {  	v6 =	vcvt.f32.s32 v6  }
0x28: {  	v5 =	vadd.s32 v5, v1  }
0x29: {  	[tilespmem:$0x83A0] =	vst v5;
	v5 =	vadd.s32 v6, v2  }
0x2a: {  	p1 =	por $0x1, $0x1;
	s0 =	simm.s32 $0x0;
	[tilespmem:$0x83B0] =	vst v5  }
.LBB2_2:
0x2b: {  	s28 =	sshll.u32 s0, $0x4  }
0x2c: {  	s28 =	sand.u32 $0x3FFFFFF0, s28  }
0x2d: {  	v5 =	vld [tilespmem:s28+$0x83A0];
	_ =	sdelay $0x4  }
0x2e: {  	(v2sf) =	vpush v5, $0x0;
	_ =	sdelay $0x7  }
0x2f: {  	(v2sf) =	vpush v5, $0x1;
	_ =	sdelay $0x6  }
0x30: {  	s31 =	spop (v2sf)  }
0x31: {  	s29 =	sshll.u32 s31, $0x9  }
0x32: {  	s1 =	sshll.u32 s0, $0xD;
	s28 =	sshll.u32 s31, $0x7;
	s29 =	sand.u32 $0xFFFFF000, s29  }
0x33: {  	(v2sf) =	vpush v5, $0x2;
	s30 =	sand.u32 $0x380, s28;
	s28 =	sand.u32 $0x3FFFE000, s1;
	s29 =	sadd.s32 s29, s2  }
0x34: {  	s8 =	sadd.s32 $0x85A0, s28;
	s0 =	sadd.s32 s30, s29  }
0x35: {  	[tilespmem:s8], [sflag:$0x1] =	stream.linear.gather [spmem:s0], $0x80, $0x38;
	[tilespmem:$0x185A0] =	vst v63  }
0x36: {  	s31 =	sadd.s32 $0x89A0, s28;
	s12 =	sadd.s32 $0x400, s0  }
0x37: {  	[tilespmem:s31], [sflag:$0x1] =	stream.linear.gather [spmem:s12], $0x80, $0x38;
	[tilespmem:$0x185A0] =	vst v63  }
0x38: {  	s30 =	spop (v2sf);
	s1 =	sadd.s32 $0x800, s0;
	s8 =	sadd.s32 $0x8DA0, s28  }
0x39: {  	[tilespmem:s8], [sflag:$0x1] =	stream.linear.gather [spmem:s1], $0x80, $0x38;
	[tilespmem:$0x185A0] =	vst v63  }
0x3a: {  	s0 =	sadd.s32 $0xC00, s0;
	s12 =	sadd.s32 $0x91A0, s28;
	s31 =	sshll.u32 s30, $0x9  }
0x3b: {  	[tilespmem:s12], [sflag:$0x1] =	stream.linear.gather [spmem:s0], $0x80, $0x38;
	[tilespmem:$0x185A0] =	vst v63  }
0x3c: {  	s29 =	sand.u32 $0xFFFFF000, s31;
	s0 =	sshll.u32 s30, $0x7  }
0x3d: {  	(v2sf) =	vpush v5, $0x3;
	s29 =	sadd.s32 s29, s2;
	s0 =	sand.u32 $0x380, s0  }
0x3e: {  	s1 =	sadd.s32 $0x8620, s28;
	s0 =	sadd.s32 s0, s29  }
0x3f: {  	[tilespmem:s1], [sflag:$0x1] =	stream.linear.gather [spmem:s0], $0x80, $0x38;
	[tilespmem:$0x185A0] =	vst v63  }
0x40: {  	s12 =	sadd.s32 $0x8A20, s28;
	s8 =	sadd.s32 $0x400, s0  }
0x41: {  	[tilespmem:s12], [sflag:$0x1] =	stream.linear.gather [spmem:s8], $0x80, $0x38;
	[tilespmem:$0x185A0] =	vst v63  }
0x42: {  	s31 =	sadd.s32 $0x800, s0;
	s1 =	sadd.s32 $0x8E20, s28;
	s12 =	spop (v2sf)  }
0x43: {  	[tilespmem:s1], [sflag:$0x1] =	stream.linear.gather [spmem:s31], $0x80, $0x38;
	[tilespmem:$0x185A0] =	vst v63  }
0x44: {  	s0 =	sadd.s32 $0xC00, s0;
	s8 =	sadd.s32 $0x9220, s28;
	s30 =	sshll.u32 s12, $0x9  }
0x45: {  	[tilespmem:s8], [sflag:$0x1] =	stream.linear.gather [spmem:s0], $0x80, $0x38;
	[tilespmem:$0x185A0] =	vst v63  }
0x46: {  	s29 =	sand.u32 $0xFFFFF000, s30;
	s0 =	sshll.u32 s12, $0x7  }
0x47: {  	(v2sf) =	vpush v5, $0x4;
	s29 =	sadd.s32 s29, s2;
	s0 =	sand.u32 $0x380, s0  }
0x48: {  	s31 =	sadd.s32 $0x86A0, s28;
	s0 =	sadd.s32 s0, s29  }
0x49: {  	[tilespmem:s31], [sflag:$0x1] =	stream.linear.gather [spmem:s0], $0x80, $0x38;
	[tilespmem:$0x185A0] =	vst v63  }
0x4a: {  	s8 =	sadd.s32 $0x8AA0, s28;
	s1 =	sadd.s32 $0x400, s0  }
0x4b: {  	[tilespmem:s8], [sflag:$0x1] =	stream.linear.gather [spmem:s1], $0x80, $0x38;
	[tilespmem:$0x185A0] =	vst v63  }
0x4c: {  	s12 =	sadd.s32 $0x800, s0;
	s31 =	sadd.s32 $0x8EA0, s28;
	s8 =	spop (v2sf)  }
0x4d: {  	[tilespmem:s31], [sflag:$0x1] =	stream.linear.gather [spmem:s12], $0x80, $0x38;
	[tilespmem:$0x185A0] =	vst v63  }
0x4e: {  	s0 =	sadd.s32 $0xC00, s0;
	s1 =	sadd.s32 $0x92A0, s28;
	s12 =	sshll.u32 s8, $0x9  }
0x4f: {  	[tilespmem:s1], [sflag:$0x1] =	stream.linear.gather [spmem:s0], $0x80, $0x38;
	[tilespmem:$0x185A0] =	vst v63  }
0x50: {  	s29 =	sand.u32 $0xFFFFF000, s12;
	s0 =	sshll.u32 s8, $0x7  }
0x51: {  	(v2sf) =	vpush v5, $0x5;
	s29 =	sadd.s32 s29, s2;
	s0 =	sand.u32 $0x380, s0  }
0x52: {  	s30 =	sadd.s32 $0x8720, s28;
	s0 =	sadd.s32 s0, s29  }
0x53: {  	[tilespmem:s30], [sflag:$0x1] =	stream.linear.gather [spmem:s0], $0x80, $0x38;
	[tilespmem:$0x185A0] =	vst v63  }
0x54: {  	s1 =	sadd.s32 $0x8B20, s28;
	s31 =	sadd.s32 $0x400, s0  }
0x55: {  	[tilespmem:s1], [sflag:$0x1] =	stream.linear.gather [spmem:s31], $0x80, $0x38;
	[tilespmem:$0x185A0] =	vst v63  }
0x56: {  	s12 =	sadd.s32 $0x8F20, s28;
	s8 =	sadd.s32 $0x800, s0;
	s31 =	spop (v2sf)  }
0x57: {  	[tilespmem:s12], [sflag:$0x1] =	stream.linear.gather [spmem:s8], $0x80, $0x38;
	[tilespmem:$0x185A0] =	vst v63  }
0x58: {  	s0 =	sadd.s32 $0xC00, s0;
	s30 =	sadd.s32 $0x9320, s28;
	s1 =	sshll.u32 s31, $0x9  }
0x59: {  	[tilespmem:s30], [sflag:$0x1] =	stream.linear.gather [spmem:s0], $0x80, $0x38;
	[tilespmem:$0x185A0] =	vst v63  }
0x5a: {  	s29 =	sand.u32 $0xFFFFF000, s1;
	s0 =	sshll.u32 s31, $0x7  }
0x5b: {  	(v2sf) =	vpush v5, $0x6;
	s29 =	sadd.s32 s29, s2;
	s0 =	sand.u32 $0x380, s0  }
0x5c: {  	s8 =	sadd.s32 $0x87A0, s28;
	s0 =	sadd.s32 s0, s29  }
0x5d: {  	[tilespmem:s8], [sflag:$0x1] =	stream.linear.gather [spmem:s0], $0x80, $0x38;
	[tilespmem:$0x185A0] =	vst v63  }
0x5e: {  	s31 =	sadd.s32 $0x8BA0, s28;
	s12 =	sadd.s32 $0x400, s0  }
0x5f: {  	[tilespmem:s31], [sflag:$0x1] =	stream.linear.gather [spmem:s12], $0x80, $0x38;
	[tilespmem:$0x185A0] =	vst v63  }
0x60: {  	s30 =	spop (v2sf);
	s1 =	sadd.s32 $0x800, s0;
	s8 =	sadd.s32 $0x8FA0, s28  }
0x61: {  	[tilespmem:s8], [sflag:$0x1] =	stream.linear.gather [spmem:s1], $0x80, $0x38;
	[tilespmem:$0x185A0] =	vst v63  }
0x62: {  	s0 =	sadd.s32 $0xC00, s0;
	s12 =	sadd.s32 $0x93A0, s28;
	s31 =	sshll.u32 s30, $0x9  }
0x63: {  	[tilespmem:s12], [sflag:$0x1] =	stream.linear.gather [spmem:s0], $0x80, $0x38;
	[tilespmem:$0x185A0] =	vst v63  }
0x64: {  	s29 =	sand.u32 $0xFFFFF000, s31;
	s0 =	sshll.u32 s30, $0x7  }
0x65: {  	(v2sf) =	vpush v5, $0x7;
	s29 =	sadd.s32 s29, s2;
	s0 =	sand.u32 $0x380, s0  }
0x66: {  	s1 =	sadd.s32 $0x8820, s28;
	s0 =	sadd.s32 s0, s29  }
0x67: {  	[tilespmem:s1], [sflag:$0x1] =	stream.linear.gather [spmem:s0], $0x80, $0x38;
	[tilespmem:$0x185A0] =	vst v63  }
0x68: {  	s12 =	sadd.s32 $0x8C20, s28;
	s8 =	sadd.s32 $0x400, s0  }
0x69: {  	[tilespmem:s12], [sflag:$0x1] =	stream.linear.gather [spmem:s8], $0x80, $0x38;
	[tilespmem:$0x185A0] =	vst v63  }
0x6a: {  	s31 =	sadd.s32 $0x800, s0;
	s1 =	sadd.s32 $0x9020, s28;
	s12 =	spop (v2sf)  }
0x6b: {  	[tilespmem:s1], [sflag:$0x1] =	stream.linear.gather [spmem:s31], $0x80, $0x38;
	[tilespmem:$0x185A0] =	vst v63  }
0x6c: {  	s0 =	sadd.s32 $0xC00, s0;
	s8 =	sadd.s32 $0x9420, s28;
	s30 =	sshll.u32 s12, $0x9  }
0x6d: {  	[tilespmem:s8], [sflag:$0x1] =	stream.linear.gather [spmem:s0], $0x80, $0x38;
	[tilespmem:$0x185A0] =	vst v63  }
0x6e: {  	s29 =	sand.u32 $0xFFFFF000, s30;
	s0 =	sshll.u32 s12, $0x7  }
0x6f: {  	(v2sf) =	vpush v5, $0x8;
	s29 =	sadd.s32 s29, s2;
	s0 =	sand.u32 $0x380, s0  }
0x70: {  	s31 =	sadd.s32 $0x88A0, s28;
	s0 =	sadd.s32 s0, s29  }
0x71: {  	[tilespmem:s31], [sflag:$0x1] =	stream.linear.gather [spmem:s0], $0x80, $0x38;
	[tilespmem:$0x185A0] =	vst v63  }
0x72: {  	s8 =	sadd.s32 $0x8CA0, s28;
	s1 =	sadd.s32 $0x400, s0  }
0x73: {  	[tilespmem:s8], [sflag:$0x1] =	stream.linear.gather [spmem:s1], $0x80, $0x38;
	[tilespmem:$0x185A0] =	vst v63  }
0x74: {  	s12 =	sadd.s32 $0x800, s0;
	s31 =	sadd.s32 $0x90A0, s28;
	s8 =	spop (v2sf)  }
0x75: {  	[tilespmem:s31], [sflag:$0x1] =	stream.linear.gather [spmem:s12], $0x80, $0x38;
	[tilespmem:$0x185A0] =	vst v63  }
0x76: {  	s0 =	sadd.s32 $0xC00, s0;
	s1 =	sadd.s32 $0x94A0, s28;
	s12 =	sshll.u32 s8, $0x9  }
0x77: {  	[tilespmem:s1], [sflag:$0x1] =	stream.linear.gather [spmem:s0], $0x80, $0x38;
	[tilespmem:$0x185A0] =	vst v63  }
0x78: {  	s29 =	sand.u32 $0xFFFFF000, s12;
	s0 =	sshll.u32 s8, $0x7  }
0x79: {  	(v2sf) =	vpush v5, $0x9;
	s29 =	sadd.s32 s29, s2;
	s0 =	sand.u32 $0x380, s0  }
0x7a: {  	s30 =	sadd.s32 $0x8920, s28;
	s0 =	sadd.s32 s0, s29  }
0x7b: {  	[tilespmem:s30], [sflag:$0x1] =	stream.linear.gather [spmem:s0], $0x80, $0x38;
	[tilespmem:$0x185A0] =	vst v63  }
0x7c: {  	s1 =	sadd.s32 $0x8D20, s28;
	s31 =	sadd.s32 $0x400, s0  }
0x7d: {  	[tilespmem:s1], [sflag:$0x1] =	stream.linear.gather [spmem:s31], $0x80, $0x38;
	[tilespmem:$0x185A0] =	vst v63  }
0x7e: {  	s12 =	sadd.s32 $0x9120, s28;
	s8 =	sadd.s32 $0x800, s0;
	s31 =	spop (v2sf)  }
0x7f: {  	[tilespmem:s12], [sflag:$0x1] =	stream.linear.gather [spmem:s8], $0x80, $0x38;
	[tilespmem:$0x185A0] =	vst v63  }
0x80: {  	s0 =	sadd.s32 $0xC00, s0;
	s30 =	sadd.s32 $0x9520, s28;
	s1 =	sshll.u32 s31, $0x9  }
0x81: {  	[tilespmem:s30], [sflag:$0x1] =	stream.linear.gather [spmem:s0], $0x80, $0x38;
	[tilespmem:$0x185A0] =	vst v63  }
0x82: {  	s29 =	sand.u32 $0xFFFFF000, s1;
	s0 =	sshll.u32 s31, $0x7  }
0x83: {  	(v2sf) =	vpush v5, $0xA;
	s29 =	sadd.s32 s29, s2;
	s0 =	sand.u32 $0x380, s0  }
0x84: {  	s8 =	sadd.s32 $0x95A0, s28;
	s0 =	sadd.s32 s0, s29  }
0x85: {  	[tilespmem:s8], [sflag:$0x1] =	stream.linear.gather [spmem:s0], $0x80, $0x38;
	[tilespmem:$0x185A0] =	vst v63  }
0x86: {  	s31 =	sadd.s32 $0x99A0, s28;
	s12 =	sadd.s32 $0x400, s0  }
0x87: {  	[tilespmem:s31], [sflag:$0x1] =	stream.linear.gather [spmem:s12], $0x80, $0x38;
	[tilespmem:$0x185A0] =	vst v63  }
0x88: {  	s30 =	spop (v2sf);
	s1 =	sadd.s32 $0x800, s0;
	s8 =	sadd.s32 $0x9DA0, s28  }
0x89: {  	[tilespmem:s8], [sflag:$0x1] =	stream.linear.gather [spmem:s1], $0x80, $0x38;
	[tilespmem:$0x185A0] =	vst v63  }
0x8a: {  	s0 =	sadd.s32 $0xC00, s0;
	s12 =	sadd.s32 $0xA1A0, s28;
	s31 =	sshll.u32 s30, $0x9  }
0x8b: {  	[tilespmem:s12], [sflag:$0x1] =	stream.linear.gather [spmem:s0], $0x80, $0x38;
	[tilespmem:$0x185A0] =	vst v63  }
0x8c: {  	s29 =	sand.u32 $0xFFFFF000, s31;
	s0 =	sshll.u32 s30, $0x7  }
0x8d: {  	(v2sf) =	vpush v5, $0xB;
	s29 =	sadd.s32 s29, s2;
	s0 =	sand.u32 $0x380, s0  }
0x8e: {  	s1 =	sadd.s32 $0x9620, s28;
	s0 =	sadd.s32 s0, s29  }
0x8f: {  	[tilespmem:s1], [sflag:$0x1] =	stream.linear.gather [spmem:s0], $0x80, $0x38;
	[tilespmem:$0x185A0] =	vst v63  }
0x90: {  	s12 =	sadd.s32 $0x9A20, s28;
	s8 =	sadd.s32 $0x400, s0  }
0x91: {  	[tilespmem:s12], [sflag:$0x1] =	stream.linear.gather [spmem:s8], $0x80, $0x38;
	[tilespmem:$0x185A0] =	vst v63  }
0x92: {  	s31 =	sadd.s32 $0x800, s0;
	s1 =	sadd.s32 $0x9E20, s28;
	s12 =	spop (v2sf)  }
0x93: {  	[tilespmem:s1], [sflag:$0x1] =	stream.linear.gather [spmem:s31], $0x80, $0x38;
	[tilespmem:$0x185A0] =	vst v63  }
0x94: {  	s0 =	sadd.s32 $0xC00, s0;
	s8 =	sadd.s32 $0xA220, s28;
	s30 =	sshll.u32 s12, $0x9  }
0x95: {  	[tilespmem:s8], [sflag:$0x1] =	stream.linear.gather [spmem:s0], $0x80, $0x38;
	[tilespmem:$0x185A0] =	vst v63  }
0x96: {  	s29 =	sand.u32 $0xFFFFF000, s30;
	s0 =	sshll.u32 s12, $0x7  }
0x97: {  	(v2sf) =	vpush v5, $0xC;
	s29 =	sadd.s32 s29, s2;
	s0 =	sand.u32 $0x380, s0  }
0x98: {  	s31 =	sadd.s32 $0x96A0, s28;
	s0 =	sadd.s32 s0, s29  }
0x99: {  	[tilespmem:s31], [sflag:$0x1] =	stream.linear.gather [spmem:s0], $0x80, $0x38;
	[tilespmem:$0x185A0] =	vst v63  }
0x9a: {  	s8 =	sadd.s32 $0x9AA0, s28;
	s1 =	sadd.s32 $0x400, s0  }
0x9b: {  	[tilespmem:s8], [sflag:$0x1] =	stream.linear.gather [spmem:s1], $0x80, $0x38;
	[tilespmem:$0x185A0] =	vst v63  }
0x9c: {  	s12 =	sadd.s32 $0x800, s0;
	s31 =	sadd.s32 $0x9EA0, s28;
	s8 =	spop (v2sf)  }
0x9d: {  	[tilespmem:s31], [sflag:$0x1] =	stream.linear.gather [spmem:s12], $0x80, $0x38;
	[tilespmem:$0x185A0] =	vst v63  }
0x9e: {  	s0 =	sadd.s32 $0xC00, s0;
	s1 =	sadd.s32 $0xA2A0, s28;
	s12 =	sshll.u32 s8, $0x9  }
0x9f: {  	[tilespmem:s1], [sflag:$0x1] =	stream.linear.gather [spmem:s0], $0x80, $0x38;
	[tilespmem:$0x185A0] =	vst v63  }
0xa0: {  	s29 =	sand.u32 $0xFFFFF000, s12;
	s0 =	sshll.u32 s8, $0x7  }
0xa1: {  	(v2sf) =	vpush v5, $0xD;
	s29 =	sadd.s32 s29, s2;
	s0 =	sand.u32 $0x380, s0  }
0xa2: {  	s30 =	sadd.s32 $0x9720, s28;
	s0 =	sadd.s32 s0, s29  }
0xa3: {  	[tilespmem:s30], [sflag:$0x1] =	stream.linear.gather [spmem:s0], $0x80, $0x38;
	[tilespmem:$0x185A0] =	vst v63  }
0xa4: {  	s1 =	sadd.s32 $0x9B20, s28;
	s31 =	sadd.s32 $0x400, s0  }
0xa5: {  	[tilespmem:s1], [sflag:$0x1] =	stream.linear.gather [spmem:s31], $0x80, $0x38;
	[tilespmem:$0x185A0] =	vst v63  }
0xa6: {  	s12 =	sadd.s32 $0x9F20, s28;
	s8 =	sadd.s32 $0x800, s0;
	s31 =	spop (v2sf)  }
0xa7: {  	[tilespmem:s12], [sflag:$0x1] =	stream.linear.gather [spmem:s8], $0x80, $0x38;
	[tilespmem:$0x185A0] =	vst v63  }
0xa8: {  	s0 =	sadd.s32 $0xC00, s0;
	s30 =	sadd.s32 $0xA320, s28;
	s1 =	sshll.u32 s31, $0x9  }
0xa9: {  	[tilespmem:s30], [sflag:$0x1] =	stream.linear.gather [spmem:s0], $0x80, $0x38;
	[tilespmem:$0x185A0] =	vst v63  }
0xaa: {  	s29 =	sand.u32 $0xFFFFF000, s1;
	s0 =	sshll.u32 s31, $0x7  }
0xab: {  	(v2sf) =	vpush v5, $0xE;
	s29 =	sadd.s32 s29, s2;
	s0 =	sand.u32 $0x380, s0  }
0xac: {  	s8 =	sadd.s32 $0x97A0, s28;
	s0 =	sadd.s32 s0, s29  }
0xad: {  	[tilespmem:s8], [sflag:$0x1] =	stream.linear.gather [spmem:s0], $0x80, $0x38;
	[tilespmem:$0x185A0] =	vst v63  }
0xae: {  	s31 =	sadd.s32 $0x9BA0, s28;
	s12 =	sadd.s32 $0x400, s0  }
0xaf: {  	[tilespmem:s31], [sflag:$0x1] =	stream.linear.gather [spmem:s12], $0x80, $0x38;
	[tilespmem:$0x185A0] =	vst v63  }
0xb0: {  	s30 =	spop (v2sf);
	s1 =	sadd.s32 $0x800, s0;
	s8 =	sadd.s32 $0x9FA0, s28  }
0xb1: {  	[tilespmem:s8], [sflag:$0x1] =	stream.linear.gather [spmem:s1], $0x80, $0x38;
	[tilespmem:$0x185A0] =	vst v63  }
0xb2: {  	s0 =	sadd.s32 $0xC00, s0;
	s12 =	sadd.s32 $0xA3A0, s28;
	s31 =	sshll.u32 s30, $0x9  }
0xb3: {  	[tilespmem:s12], [sflag:$0x1] =	stream.linear.gather [spmem:s0], $0x80, $0x38;
	[tilespmem:$0x185A0] =	vst v63  }
0xb4: {  	s29 =	sand.u32 $0xFFFFF000, s31;
	s0 =	sshll.u32 s30, $0x7  }
0xb5: {  	(v2sf) =	vpush v5, $0xF;
	s29 =	sadd.s32 s29, s2;
	s0 =	sand.u32 $0x380, s0  }
0xb6: {  	s1 =	sadd.s32 $0x9820, s28;
	s0 =	sadd.s32 s0, s29  }
0xb7: {  	[tilespmem:s1], [sflag:$0x1] =	stream.linear.gather [spmem:s0], $0x80, $0x38;
	[tilespmem:$0x185A0] =	vst v63  }
0xb8: {  	s12 =	sadd.s32 $0x9C20, s28;
	s8 =	sadd.s32 $0x400, s0  }
0xb9: {  	[tilespmem:s12], [sflag:$0x1] =	stream.linear.gather [spmem:s8], $0x80, $0x38;
	[tilespmem:$0x185A0] =	vst v63  }
0xba: {  	s31 =	sadd.s32 $0x800, s0;
	s1 =	sadd.s32 $0xA020, s28;
	s8 =	spop (v2sf)  }
0xbb: {  	[tilespmem:s1], [sflag:$0x1] =	stream.linear.gather [spmem:s31], $0x80, $0x38;
	[tilespmem:$0x185A0] =	vst v63  }
0xbc: {  	s0 =	sadd.s32 $0xC00, s0;
	s12 =	sadd.s32 $0xA420, s28;
	s31 =	sshll.u32 s8, $0x9  }
0xbd: {  	[tilespmem:s12], [sflag:$0x1] =	stream.linear.gather [spmem:s0], $0x80, $0x38;
	[tilespmem:$0x185A0] =	vst v63  }
0xbe: {  	s29 =	sshll.u32 s8, $0x7;
	s0 =	sand.u32 $0xFFFFF000, s31  }
0xbf: {  	s29 =	sand.u32 $0x380, s29;
	s0 =	sadd.s32 s0, s2  }
0xc0: {  	s1 =	sadd.s32 $0x98A0, s28;
	s0 =	sadd.s32 s29, s0  }
0xc1: {  	[tilespmem:s1], [sflag:$0x1] =	stream.linear.gather [spmem:s0], $0x80, $0x38;
	[tilespmem:$0x185A0] =	vst v63  }
0xc2: {  	s12 =	sadd.s32 $0x9CA0, s28;
	s8 =	sadd.s32 $0x400, s0  }
0xc3: {  	[tilespmem:s12], [sflag:$0x1] =	stream.linear.gather [spmem:s8], $0x80, $0x38;
	[tilespmem:$0x185A0] =	vst v63  }
0xc4: {  	s31 =	sadd.s32 $0x800, s0;
	s1 =	sadd.s32 $0xA0A0, s28;
	s12 =	spop (v2sf)  }
0xc5: {  	[tilespmem:s1], [sflag:$0x1] =	stream.linear.gather [spmem:s31], $0x80, $0x38;
	[tilespmem:$0x185A0] =	vst v63  }
0xc6: {  	s0 =	sadd.s32 $0xC00, s0;
	s8 =	sadd.s32 $0xA4A0, s28;
	s30 =	sshll.u32 s12, $0x9  }
0xc7: {  	[tilespmem:s8], [sflag:$0x1] =	stream.linear.gather [spmem:s0], $0x80, $0x38;
	[tilespmem:$0x185A0] =	vst v63  }
0xc8: {  	s29 =	sand.u32 $0xFFFFF000, s30;
	s0 =	sshll.u32 s12, $0x7  }
0xc9: {  	s29 =	sadd.s32 s29, s2;
	s0 =	sand.u32 $0x380, s0  }
0xca: {  	s31 =	sadd.s32 $0x9920, s28;
	s0 =	sadd.s32 s0, s29  }
0xcb: {  	[tilespmem:s31], [sflag:$0x1] =	stream.linear.gather [spmem:s0], $0x80, $0x38;
	[tilespmem:$0x185A0] =	vst v63  }
0xcc: {  	p2 =	por p1, p1;
	s8 =	sadd.s32 $0x9D20, s28;
	s1 =	sadd.s32 $0x400, s0  }
0xcd: {  	[tilespmem:s8], [sflag:$0x1] =	stream.linear.gather [spmem:s1], $0x80, $0x38;
	[tilespmem:$0x185A0] =	vst v63  }
.Ltmp0:
0xce: {  	s12 =	sadd.s32 $0x800, s0;
	s31 =	sadd.s32 $0xA120, s28;
	(pc) =	sbr.rel @p2 .LBB2_2-.Ltmp0, $4  }
0xcf: {  	[tilespmem:s31], [sflag:$0x1] =	stream.linear.gather [spmem:s12], $0x80, $0x38;
	[tilespmem:$0x185A0] =	vst v63  }
0xd0: {  	s0 =	sadd.s32 $0xC00, s0;
	s28 =	sadd.s32 $0xA520, s28  }
0xd1: {  	[tilespmem:s28], [sflag:$0x1] =	stream.linear.gather [spmem:s0], $0x80, $0x38;
	[tilespmem:$0x185A0] =	vst v63  }
0xd2: {  	p1 =	por $0x0, $0x0;
	s0 =	simm.s32 $0x1  }
0xd3: {  	v5 =	vld [tilespmem:$0x71C0]  }
0xd4: {  	v6 =	vld [tilespmem:$0x71D0];
	_ =	sdelay $0x3  }
0xd5: {  	v5 =	vmax.f32 v5, $0.0e+00  }
0xd6: {  	v6 =	vmax.f32 v6, $0.0e+00;
	v5 =	vmin.f32 v5, $1.000000000e+02  }
0xd7: {  	v6 =	vmin.f32 v6, $1.000000000e+02;
	v5 =	vadd.f32 $8.388608000e+06, v5  }
0xd8: {  	v6 =	vadd.f32 $8.388608000e+06, v6  }
0xd9: {  	v5 =	vadd.f32 $-8.388608000e+06, v5  }
0xda: {  	v6 =	vadd.f32 $-8.388608000e+06, v6  }
0xdb: {  	v5 =	vtrunc.f32 v5  }
0xdc: {  	v6 =	vtrunc.f32 v6;
	v5 =	vcvt.f32.s32 v5  }
0xdd: {  	v6 =	vcvt.f32.s32 v6  }
0xde: {  	v5 =	vadd.s32 v5, v3  }
0xdf: {  	[tilespmem:$0x8420] =	vst v5;
	v5 =	vadd.s32 v6, v4  }
0xe0: {  	s28 =	simm.s32 $0x0;
	p1 =	por $0x1, $0x1;
	s0 =	simm.s32 $0x0;
	[tilespmem:$0x8430] =	vst v5  }
.LBB2_4:
0xe1: {  	s29 =	sshll.u32 s0, $0x4  }
0xe2: {  	s29 =	sand.u32 $0x3FFFFFF0, s29  }
0xe3: {  	v5 =	vld [tilespmem:s29+$0x8420];
	_ =	sdelay $0x4  }
0xe4: {  	(v2sf) =	vpush v5, $0x0;
	_ =	sdelay $0x9  }
0xe5: {  	(v2sf) =	vpush v5, $0x1;
	_ =	sdelay $0x4  }
0xe6: {  	s31 =	spop (v2sf)  }
0xe7: {  	s30 =	sshll.u32 s31, $0x9  }
0xe8: {  	s1 =	sshll.u32 s0, $0xD;
	s29 =	sshll.u32 s31, $0x7;
	s30 =	sand.u32 $0xFFFFF000, s30  }
0xe9: {  	s31 =	sand.u32 $0x380, s29;
	s29 =	sand.u32 $0x3FFFE000, s1;
	s30 =	sadd.s32 s30, s2  }
0xea: {  	s8 =	sadd.s32 $0xC5A0, s29;
	s0 =	sadd.s32 s31, s30  }
0xeb: {  	[tilespmem:s8], [sflag:$0x2] =	stream.linear.gather [spmem:s0], $0x80, $0x38;
	[tilespmem:$0x185A0] =	vst v63  }
0xec: {  	(v2sf) =	vpush v5, $0x2;
	s1 =	sadd.s32 $0xC9A0, s29;
	s12 =	sadd.s32 $0x400, s0  }
0xed: {  	[tilespmem:s1], [sflag:$0x2] =	stream.linear.gather [spmem:s12], $0x80, $0x38;
	[tilespmem:$0x185A0] =	vst v63  }
0xee: {  	s8 =	sadd.s32 $0x800, s0;
	s12 =	sadd.s32 $0xCDA0, s29  }
0xef: {  	[tilespmem:s12], [sflag:$0x2] =	stream.linear.gather [spmem:s8], $0x80, $0x38;
	[tilespmem:$0x185A0] =	vst v63  }
0xf0: {  	s8 =	spop (v2sf)  }
0xf1: {  	s0 =	sadd.s32 $0xC00, s0;
	s1 =	sadd.s32 $0xD1A0, s29;
	s12 =	sshll.u32 s8, $0x9  }
0xf2: {  	[tilespmem:s1], [sflag:$0x2] =	stream.linear.gather [spmem:s0], $0x80, $0x38;
	[tilespmem:$0x185A0] =	vst v63  }
0xf3: {  	s30 =	sand.u32 $0xFFFFF000, s12;
	s0 =	sshll.u32 s8, $0x7  }
0xf4: {  	s0 =	sand.u32 $0x380, s0;
	s30 =	sadd.s32 s30, s2  }
0xf5: {  	s31 =	sadd.s32 $0xC620, s29;
	(v2sf) =	vpush v5, $0x3;
	s0 =	sadd.s32 s0, s30  }
0xf6: {  	[tilespmem:s31], [sflag:$0x2] =	stream.linear.gather [spmem:s0], $0x80, $0x38;
	[tilespmem:$0x185A0] =	vst v63  }
0xf7: {  	s8 =	sadd.s32 $0xCA20, s29;
	s1 =	sadd.s32 $0x400, s0  }
0xf8: {  	[tilespmem:s8], [sflag:$0x2] =	stream.linear.gather [spmem:s1], $0x80, $0x38;
	[tilespmem:$0x185A0] =	vst v63  }
0xf9: {  	s12 =	sadd.s32 $0x800, s0;
	s1 =	sadd.s32 $0xCE20, s29  }
0xfa: {  	[tilespmem:s1], [sflag:$0x2] =	stream.linear.gather [spmem:s12], $0x80, $0x38;
	[tilespmem:$0x185A0] =	vst v63  }
0xfb: {  	s12 =	spop (v2sf)  }
0xfc: {  	s0 =	sadd.s32 $0xC00, s0;
	s8 =	sadd.s32 $0xD220, s29;
	s31 =	sshll.u32 s12, $0x9  }
0xfd: {  	[tilespmem:s8], [sflag:$0x2] =	stream.linear.gather [spmem:s0], $0x80, $0x38;
	[tilespmem:$0x185A0] =	vst v63  }
0xfe: {  	s30 =	sand.u32 $0xFFFFF000, s31;
	s0 =	sshll.u32 s12, $0x7  }
0xff: {  	s0 =	sand.u32 $0x380, s0;
	s30 =	sadd.s32 s30, s2  }
0x100: {  	s1 =	sadd.s32 $0xC6A0, s29;
	s0 =	sadd.s32 s0, s30  }
0x101: {  	(v2sf) =	vpush v5, $0x4;
	[tilespmem:s1], [sflag:$0x2] =	stream.linear.gather [spmem:s0], $0x80, $0x38;
	[tilespmem:$0x185A0] =	vst v63  }
0x102: {  	s12 =	sadd.s32 $0xCAA0, s29;
	s8 =	sadd.s32 $0x400, s0  }
0x103: {  	[tilespmem:s12], [sflag:$0x2] =	stream.linear.gather [spmem:s8], $0x80, $0x38;
	[tilespmem:$0x185A0] =	vst v63  }
0x104: {  	s1 =	sadd.s32 $0x800, s0;
	s31 =	spop (v2sf);
	s8 =	sadd.s32 $0xCEA0, s29  }
0x105: {  	[tilespmem:s8], [sflag:$0x2] =	stream.linear.gather [spmem:s1], $0x80, $0x38;
	[tilespmem:$0x185A0] =	vst v63  }
0x106: {  	s0 =	sadd.s32 $0xC00, s0;
	s12 =	sadd.s32 $0xD2A0, s29;
	s1 =	sshll.u32 s31, $0x9  }
0x107: {  	[tilespmem:s12], [sflag:$0x2] =	stream.linear.gather [spmem:s0], $0x80, $0x38;
	[tilespmem:$0x185A0] =	vst v63  }
0x108: {  	s30 =	sand.u32 $0xFFFFF000, s1;
	s0 =	sshll.u32 s31, $0x7  }
0x109: {  	s30 =	sadd.s32 s30, s2;
	s0 =	sand.u32 $0x380, s0  }
0x10a: {  	s8 =	sadd.s32 $0xC720, s29;
	s0 =	sadd.s32 s0, s30  }
0x10b: {  	[tilespmem:s8], [sflag:$0x2] =	stream.linear.gather [spmem:s0], $0x80, $0x38;
	[tilespmem:$0x185A0] =	vst v63  }
0x10c: {  	(v2sf) =	vpush v5, $0x5;
	s1 =	sadd.s32 $0xCB20, s29;
	s12 =	sadd.s32 $0x400, s0  }
0x10d: {  	[tilespmem:s1], [sflag:$0x2] =	stream.linear.gather [spmem:s12], $0x80, $0x38;
	[tilespmem:$0x185A0] =	vst v63  }
0x10e: {  	s8 =	sadd.s32 $0x800, s0;
	s12 =	sadd.s32 $0xCF20, s29  }
0x10f: {  	[tilespmem:s12], [sflag:$0x2] =	stream.linear.gather [spmem:s8], $0x80, $0x38;
	[tilespmem:$0x185A0] =	vst v63  }
0x110: {  	s8 =	spop (v2sf)  }
0x111: {  	s0 =	sadd.s32 $0xC00, s0;
	s1 =	sadd.s32 $0xD320, s29;
	s12 =	sshll.u32 s8, $0x9  }
0x112: {  	[tilespmem:s1], [sflag:$0x2] =	stream.linear.gather [spmem:s0], $0x80, $0x38;
	[tilespmem:$0x185A0] =	vst v63  }
0x113: {  	s30 =	sand.u32 $0xFFFFF000, s12;
	s0 =	sshll.u32 s8, $0x7  }
0x114: {  	s0 =	sand.u32 $0x380, s0;
	s30 =	sadd.s32 s30, s2  }
0x115: {  	s31 =	sadd.s32 $0xC7A0, s29;
	(v2sf) =	vpush v5, $0x6;
	s0 =	sadd.s32 s0, s30  }
0x116: {  	[tilespmem:s31], [sflag:$0x2] =	stream.linear.gather [spmem:s0], $0x80, $0x38;
	[tilespmem:$0x185A0] =	vst v63  }
0x117: {  	s8 =	sadd.s32 $0xCBA0, s29;
	s1 =	sadd.s32 $0x400, s0  }
0x118: {  	[tilespmem:s8], [sflag:$0x2] =	stream.linear.gather [spmem:s1], $0x80, $0x38;
	[tilespmem:$0x185A0] =	vst v63  }
0x119: {  	s12 =	sadd.s32 $0x800, s0;
	s1 =	sadd.s32 $0xCFA0, s29  }
0x11a: {  	[tilespmem:s1], [sflag:$0x2] =	stream.linear.gather [spmem:s12], $0x80, $0x38;
	[tilespmem:$0x185A0] =	vst v63  }
0x11b: {  	s12 =	spop (v2sf)  }
0x11c: {  	s0 =	sadd.s32 $0xC00, s0;
	s8 =	sadd.s32 $0xD3A0, s29;
	s31 =	sshll.u32 s12, $0x9  }
0x11d: {  	[tilespmem:s8], [sflag:$0x2] =	stream.linear.gather [spmem:s0], $0x80, $0x38;
	[tilespmem:$0x185A0] =	vst v63  }
0x11e: {  	s30 =	sand.u32 $0xFFFFF000, s31;
	s0 =	sshll.u32 s12, $0x7  }
0x11f: {  	s0 =	sand.u32 $0x380, s0;
	s30 =	sadd.s32 s30, s2  }
0x120: {  	s1 =	sadd.s32 $0xC820, s29;
	s0 =	sadd.s32 s0, s30  }
0x121: {  	(v2sf) =	vpush v5, $0x7;
	[tilespmem:s1], [sflag:$0x2] =	stream.linear.gather [spmem:s0], $0x80, $0x38;
	[tilespmem:$0x185A0] =	vst v63  }
0x122: {  	s12 =	sadd.s32 $0xCC20, s29;
	s8 =	sadd.s32 $0x400, s0  }
0x123: {  	[tilespmem:s12], [sflag:$0x2] =	stream.linear.gather [spmem:s8], $0x80, $0x38;
	[tilespmem:$0x185A0] =	vst v63  }
0x124: {  	s1 =	sadd.s32 $0x800, s0;
	s31 =	spop (v2sf);
	s8 =	sadd.s32 $0xD020, s29  }
0x125: {  	[tilespmem:s8], [sflag:$0x2] =	stream.linear.gather [spmem:s1], $0x80, $0x38;
	[tilespmem:$0x185A0] =	vst v63  }
0x126: {  	s0 =	sadd.s32 $0xC00, s0;
	s12 =	sadd.s32 $0xD420, s29;
	s1 =	sshll.u32 s31, $0x9  }
0x127: {  	[tilespmem:s12], [sflag:$0x2] =	stream.linear.gather [spmem:s0], $0x80, $0x38;
	[tilespmem:$0x185A0] =	vst v63  }
0x128: {  	s30 =	sand.u32 $0xFFFFF000, s1;
	s0 =	sshll.u32 s31, $0x7  }
0x129: {  	s30 =	sadd.s32 s30, s2;
	s0 =	sand.u32 $0x380, s0  }
0x12a: {  	s8 =	sadd.s32 $0xC8A0, s29;
	s0 =	sadd.s32 s0, s30  }
0x12b: {  	[tilespmem:s8], [sflag:$0x2] =	stream.linear.gather [spmem:s0], $0x80, $0x38;
	[tilespmem:$0x185A0] =	vst v63  }
0x12c: {  	(v2sf) =	vpush v5, $0x8;
	s1 =	sadd.s32 $0xCCA0, s29;
	s12 =	sadd.s32 $0x400, s0  }
0x12d: {  	[tilespmem:s1], [sflag:$0x2] =	stream.linear.gather [spmem:s12], $0x80, $0x38;
	[tilespmem:$0x185A0] =	vst v63  }
0x12e: {  	s8 =	sadd.s32 $0x800, s0;
	s12 =	sadd.s32 $0xD0A0, s29  }
0x12f: {  	[tilespmem:s12], [sflag:$0x2] =	stream.linear.gather [spmem:s8], $0x80, $0x38;
	[tilespmem:$0x185A0] =	vst v63  }
0x130: {  	s8 =	spop (v2sf)  }
0x131: {  	s0 =	sadd.s32 $0xC00, s0;
	s1 =	sadd.s32 $0xD4A0, s29;
	s12 =	sshll.u32 s8, $0x9  }
0x132: {  	[tilespmem:s1], [sflag:$0x2] =	stream.linear.gather [spmem:s0], $0x80, $0x38;
	[tilespmem:$0x185A0] =	vst v63  }
0x133: {  	s30 =	sand.u32 $0xFFFFF000, s12;
	s0 =	sshll.u32 s8, $0x7  }
0x134: {  	s0 =	sand.u32 $0x380, s0;
	s30 =	sadd.s32 s30, s2  }
0x135: {  	s31 =	sadd.s32 $0xC920, s29;
	(v2sf) =	vpush v5, $0x9;
	s0 =	sadd.s32 s0, s30  }
0x136: {  	[tilespmem:s31], [sflag:$0x2] =	stream.linear.gather [spmem:s0], $0x80, $0x38;
	[tilespmem:$0x185A0] =	vst v63  }
0x137: {  	s8 =	sadd.s32 $0xCD20, s29;
	s1 =	sadd.s32 $0x400, s0  }
0x138: {  	[tilespmem:s8], [sflag:$0x2] =	stream.linear.gather [spmem:s1], $0x80, $0x38;
	[tilespmem:$0x185A0] =	vst v63  }
0x139: {  	s12 =	sadd.s32 $0x800, s0;
	s1 =	sadd.s32 $0xD120, s29  }
0x13a: {  	[tilespmem:s1], [sflag:$0x2] =	stream.linear.gather [spmem:s12], $0x80, $0x38;
	[tilespmem:$0x185A0] =	vst v63  }
0x13b: {  	s12 =	spop (v2sf)  }
0x13c: {  	s0 =	sadd.s32 $0xC00, s0;
	s8 =	sadd.s32 $0xD520, s29;
	s31 =	sshll.u32 s12, $0x9  }
0x13d: {  	[tilespmem:s8], [sflag:$0x2] =	stream.linear.gather [spmem:s0], $0x80, $0x38;
	[tilespmem:$0x185A0] =	vst v63  }
0x13e: {  	s30 =	sand.u32 $0xFFFFF000, s31;
	s0 =	sshll.u32 s12, $0x7  }
0x13f: {  	s0 =	sand.u32 $0x380, s0;
	s30 =	sadd.s32 s30, s2  }
0x140: {  	s1 =	sadd.s32 $0xD5A0, s29;
	s0 =	sadd.s32 s0, s30  }
0x141: {  	(v2sf) =	vpush v5, $0xA;
	[tilespmem:s1], [sflag:$0x2] =	stream.linear.gather [spmem:s0], $0x80, $0x38;
	[tilespmem:$0x185A0] =	vst v63  }
0x142: {  	s12 =	sadd.s32 $0xD9A0, s29;
	s8 =	sadd.s32 $0x400, s0  }
0x143: {  	[tilespmem:s12], [sflag:$0x2] =	stream.linear.gather [spmem:s8], $0x80, $0x38;
	[tilespmem:$0x185A0] =	vst v63  }
0x144: {  	s1 =	sadd.s32 $0x800, s0;
	s31 =	spop (v2sf);
	s8 =	sadd.s32 $0xDDA0, s29  }
0x145: {  	[tilespmem:s8], [sflag:$0x2] =	stream.linear.gather [spmem:s1], $0x80, $0x38;
	[tilespmem:$0x185A0] =	vst v63  }
0x146: {  	s0 =	sadd.s32 $0xC00, s0;
	s12 =	sadd.s32 $0xE1A0, s29;
	s1 =	sshll.u32 s31, $0x9  }
0x147: {  	[tilespmem:s12], [sflag:$0x2] =	stream.linear.gather [spmem:s0], $0x80, $0x38;
	[tilespmem:$0x185A0] =	vst v63  }
0x148: {  	s30 =	sand.u32 $0xFFFFF000, s1;
	s0 =	sshll.u32 s31, $0x7  }
0x149: {  	s30 =	sadd.s32 s30, s2;
	s0 =	sand.u32 $0x380, s0  }
0x14a: {  	s8 =	sadd.s32 $0xD620, s29;
	s0 =	sadd.s32 s0, s30  }
0x14b: {  	[tilespmem:s8], [sflag:$0x2] =	stream.linear.gather [spmem:s0], $0x80, $0x38;
	[tilespmem:$0x185A0] =	vst v63  }
0x14c: {  	(v2sf) =	vpush v5, $0xB;
	s1 =	sadd.s32 $0xDA20, s29;
	s12 =	sadd.s32 $0x400, s0  }
0x14d: {  	[tilespmem:s1], [sflag:$0x2] =	stream.linear.gather [spmem:s12], $0x80, $0x38;
	[tilespmem:$0x185A0] =	vst v63  }
0x14e: {  	s8 =	sadd.s32 $0x800, s0;
	s12 =	sadd.s32 $0xDE20, s29  }
0x14f: {  	[tilespmem:s12], [sflag:$0x2] =	stream.linear.gather [spmem:s8], $0x80, $0x38;
	[tilespmem:$0x185A0] =	vst v63  }
0x150: {  	s8 =	spop (v2sf)  }
0x151: {  	s0 =	sadd.s32 $0xC00, s0;
	s1 =	sadd.s32 $0xE220, s29;
	s12 =	sshll.u32 s8, $0x9  }
0x152: {  	[tilespmem:s1], [sflag:$0x2] =	stream.linear.gather [spmem:s0], $0x80, $0x38;
	[tilespmem:$0x185A0] =	vst v63  }
0x153: {  	s30 =	sand.u32 $0xFFFFF000, s12;
	s0 =	sshll.u32 s8, $0x7  }
0x154: {  	s0 =	sand.u32 $0x380, s0;
	s30 =	sadd.s32 s30, s2  }
0x155: {  	s31 =	sadd.s32 $0xD6A0, s29;
	(v2sf) =	vpush v5, $0xC;
	s0 =	sadd.s32 s0, s30  }
0x156: {  	[tilespmem:s31], [sflag:$0x2] =	stream.linear.gather [spmem:s0], $0x80, $0x38;
	[tilespmem:$0x185A0] =	vst v63  }
0x157: {  	s8 =	sadd.s32 $0xDAA0, s29;
	s1 =	sadd.s32 $0x400, s0  }
0x158: {  	[tilespmem:s8], [sflag:$0x2] =	stream.linear.gather [spmem:s1], $0x80, $0x38;
	[tilespmem:$0x185A0] =	vst v63  }
0x159: {  	s12 =	sadd.s32 $0x800, s0;
	s1 =	sadd.s32 $0xDEA0, s29  }
0x15a: {  	[tilespmem:s1], [sflag:$0x2] =	stream.linear.gather [spmem:s12], $0x80, $0x38;
	[tilespmem:$0x185A0] =	vst v63  }
0x15b: {  	s12 =	spop (v2sf)  }
0x15c: {  	s0 =	sadd.s32 $0xC00, s0;
	s8 =	sadd.s32 $0xE2A0, s29;
	s31 =	sshll.u32 s12, $0x9  }
0x15d: {  	[tilespmem:s8], [sflag:$0x2] =	stream.linear.gather [spmem:s0], $0x80, $0x38;
	[tilespmem:$0x185A0] =	vst v63  }
0x15e: {  	s30 =	sand.u32 $0xFFFFF000, s31;
	s0 =	sshll.u32 s12, $0x7  }
0x15f: {  	s0 =	sand.u32 $0x380, s0;
	s30 =	sadd.s32 s30, s2  }
0x160: {  	s1 =	sadd.s32 $0xD720, s29;
	s0 =	sadd.s32 s0, s30  }
0x161: {  	(v2sf) =	vpush v5, $0xD;
	[tilespmem:s1], [sflag:$0x2] =	stream.linear.gather [spmem:s0], $0x80, $0x38;
	[tilespmem:$0x185A0] =	vst v63  }
0x162: {  	s12 =	sadd.s32 $0xDB20, s29;
	s8 =	sadd.s32 $0x400, s0  }
0x163: {  	[tilespmem:s12], [sflag:$0x2] =	stream.linear.gather [spmem:s8], $0x80, $0x38;
	[tilespmem:$0x185A0] =	vst v63  }
0x164: {  	s1 =	sadd.s32 $0x800, s0;
	s31 =	spop (v2sf);
	s8 =	sadd.s32 $0xDF20, s29  }
0x165: {  	[tilespmem:s8], [sflag:$0x2] =	stream.linear.gather [spmem:s1], $0x80, $0x38;
	[tilespmem:$0x185A0] =	vst v63  }
0x166: {  	s0 =	sadd.s32 $0xC00, s0;
	s12 =	sadd.s32 $0xE320, s29;
	s1 =	sshll.u32 s31, $0x9  }
0x167: {  	[tilespmem:s12], [sflag:$0x2] =	stream.linear.gather [spmem:s0], $0x80, $0x38;
	[tilespmem:$0x185A0] =	vst v63  }
0x168: {  	s30 =	sand.u32 $0xFFFFF000, s1;
	s0 =	sshll.u32 s31, $0x7  }
0x169: {  	s30 =	sadd.s32 s30, s2;
	s0 =	sand.u32 $0x380, s0  }
0x16a: {  	(v2sf) =	vpush v5, $0xE;
	s8 =	sadd.s32 $0xD7A0, s29;
	s0 =	sadd.s32 s0, s30  }
0x16b: {  	[tilespmem:s8], [sflag:$0x2] =	stream.linear.gather [spmem:s0], $0x80, $0x38;
	[tilespmem:$0x185A0] =	vst v63  }
0x16c: {  	s1 =	sadd.s32 $0xDBA0, s29;
	s12 =	sadd.s32 $0x400, s0  }
0x16d: {  	[tilespmem:s1], [sflag:$0x2] =	stream.linear.gather [spmem:s12], $0x80, $0x38;
	[tilespmem:$0x185A0] =	vst v63  }
0x16e: {  	s8 =	sadd.s32 $0x800, s0;
	s12 =	sadd.s32 $0xDFA0, s29  }
0x16f: {  	[tilespmem:s12], [sflag:$0x2] =	stream.linear.gather [spmem:s8], $0x80, $0x38;
	[tilespmem:$0x185A0] =	vst v63  }
0x170: {  	s8 =	spop (v2sf)  }
0x171: {  	s0 =	sadd.s32 $0xC00, s0;
	s1 =	sadd.s32 $0xE3A0, s29;
	s12 =	sshll.u32 s8, $0x9  }
0x172: {  	[tilespmem:s1], [sflag:$0x2] =	stream.linear.gather [spmem:s0], $0x80, $0x38;
	[tilespmem:$0x185A0] =	vst v63  }
0x173: {  	s30 =	sand.u32 $0xFFFFF000, s12;
	s0 =	sshll.u32 s8, $0x7  }
0x174: {  	(v2sf) =	vpush v5, $0xF;
	s0 =	sand.u32 $0x380, s0;
	s30 =	sadd.s32 s30, s2  }
0x175: {  	s31 =	sadd.s32 $0xD820, s29;
	s0 =	sadd.s32 s0, s30  }
0x176: {  	[tilespmem:s31], [sflag:$0x2] =	stream.linear.gather [spmem:s0], $0x80, $0x38;
	[tilespmem:$0x185A0] =	vst v63  }
0x177: {  	s8 =	sadd.s32 $0xDC20, s29;
	s1 =	sadd.s32 $0x400, s0  }
0x178: {  	[tilespmem:s8], [sflag:$0x2] =	stream.linear.gather [spmem:s1], $0x80, $0x38;
	[tilespmem:$0x185A0] =	vst v63  }
0x179: {  	s12 =	sadd.s32 $0x800, s0;
	s1 =	sadd.s32 $0xE020, s29;
	s8 =	spop (v2sf)  }
0x17a: {  	[tilespmem:s1], [sflag:$0x2] =	stream.linear.gather [spmem:s12], $0x80, $0x38;
	[tilespmem:$0x185A0] =	vst v63  }
0x17b: {  	s0 =	sadd.s32 $0xC00, s0;
	s31 =	sshll.u32 s8, $0x9;
	s12 =	sadd.s32 $0xE420, s29  }
0x17c: {  	[tilespmem:s12], [sflag:$0x2] =	stream.linear.gather [spmem:s0], $0x80, $0x38;
	[tilespmem:$0x185A0] =	vst v63  }
0x17d: {  	s30 =	sshll.u32 s8, $0x7;
	s0 =	sand.u32 $0xFFFFF000, s31  }
0x17e: {  	s30 =	sand.u32 $0x380, s30;
	s0 =	sadd.s32 s0, s2  }
0x17f: {  	s1 =	sadd.s32 $0xD8A0, s29;
	s0 =	sadd.s32 s30, s0  }
0x180: {  	[tilespmem:s1], [sflag:$0x2] =	stream.linear.gather [spmem:s0], $0x80, $0x38;
	[tilespmem:$0x185A0] =	vst v63  }
0x181: {  	s12 =	sadd.s32 $0xDCA0, s29;
	s8 =	sadd.s32 $0x400, s0  }
0x182: {  	[tilespmem:s12], [sflag:$0x2] =	stream.linear.gather [spmem:s8], $0x80, $0x38;
	[tilespmem:$0x185A0] =	vst v63  }
0x183: {  	s1 =	sadd.s32 $0x800, s0;
	s31 =	spop (v2sf);
	s8 =	sadd.s32 $0xE0A0, s29  }
0x184: {  	[tilespmem:s8], [sflag:$0x2] =	stream.linear.gather [spmem:s1], $0x80, $0x38;
	[tilespmem:$0x185A0] =	vst v63  }
0x185: {  	s0 =	sadd.s32 $0xC00, s0;
	s12 =	sadd.s32 $0xE4A0, s29;
	s1 =	sshll.u32 s31, $0x9  }
0x186: {  	[tilespmem:s12], [sflag:$0x2] =	stream.linear.gather [spmem:s0], $0x80, $0x38;
	[tilespmem:$0x185A0] =	vst v63  }
0x187: {  	s30 =	sand.u32 $0xFFFFF000, s1;
	s0 =	sshll.u32 s31, $0x7  }
0x188: {  	s30 =	sadd.s32 s30, s2;
	s0 =	sand.u32 $0x380, s0  }
0x189: {  	s8 =	sadd.s32 $0xD920, s29;
	s0 =	sadd.s32 s0, s30  }
0x18a: {  	[tilespmem:s8], [sflag:$0x2] =	stream.linear.gather [spmem:s0], $0x80, $0x38;
	[tilespmem:$0x185A0] =	vst v63  }
0x18b: {  	p2 =	por p1, p1;
	s1 =	sadd.s32 $0xDD20, s29;
	s12 =	sadd.s32 $0x400, s0  }
0x18c: {  	[tilespmem:s1], [sflag:$0x2] =	stream.linear.gather [spmem:s12], $0x80, $0x38;
	[tilespmem:$0x185A0] =	vst v63  }
.Ltmp1:
0x18d: {  	s8 =	sadd.s32 $0x800, s0;
	s12 =	sadd.s32 $0xE120, s29;
	(pc) =	sbr.rel @p2 .LBB2_4-.Ltmp1, $4  }
0x18e: {  	[tilespmem:s12], [sflag:$0x2] =	stream.linear.gather [spmem:s8], $0x80, $0x38;
	[tilespmem:$0x185A0] =	vst v63  }
0x18f: {  	s0 =	sadd.s32 $0xC00, s0;
	s29 =	sadd.s32 $0xE520, s29  }
0x190: {  	[tilespmem:s29], [sflag:$0x2] =	stream.linear.gather [spmem:s0], $0x80, $0x38;
	[tilespmem:$0x185A0] =	vst v63  }
0x191: {  	p1 =	por $0x0, $0x0;
	s0 =	simm.s32 $0x1  }
.Ltmp2:
0x192: {  	_ = 	snop;
	(pc) =	sbr.rel .LBB2_5-.Ltmp2, $1  }
0x193: {  	_ =	sdelay $0x3  }
.LBB2_13:
0x194: {  	_ =	swait.ge [sflag:s23], $0x4000  }
0x195: {  	[sflag:s23] =	ssyncset.done $0x0  }
0x196: {  	[sflag:s23] =	ssyncadd.s32 $0xFFFFC000  }
0x197: {  	v5 =	vld [tilespmem:s29+$0x7240];
	_ =	sdelay $0x2  }
0x198: {  	s0 =	sadd.s32 $0xA0, s29  }
0x199: {  	s1 =	sadd.s32 s3, s0  }
0x19a: {  	v6 =	vor.u32 s1, v0;
	v5 =	vmax.f32 v5, $0.0e+00  }
0x19b: {  	v7 =	vmulhi.u32 $0x38E38E39, v6;
	v5 =	vmin.f32 v5, $1.000000000e+02  }
0x19c: {  	v5 =	vadd.f32 $8.388608000e+06, v5  }
0x19d: {  	v7 =	vshrl.u32 v7, $0x1  }
0x19e: {  	v7 =	vmul.u32 $0x9, v7;
	v5 =	vadd.f32 $-8.388608000e+06, v5;
	_ =	sdelay $0x1  }
0x19f: {  	v6 =	vsub.s32 v6, v7;
	v5 =	vtrunc.f32 v5  }
0x1a0: {  	v6 =	vmul.u32 $0x65, v6;
	v5 =	vcvt.f32.s32 v5;
	_ =	sdelay $0x1  }
0x1a1: {  	v5 =	vadd.s32 v5, v6  }
0x1a2: {  	s31 =	sor.u32 $0x30, s0;
	[tilespmem:$0x8420] =	vst v5  }
0x1a3: {  	v5 =	vld [tilespmem:s31+$0x71A0];
	_ =	sdelay $0x3  }
0x1a4: {  	s0 =	sadd.s32 s0, s5  }
0x1a5: {  	v6 =	vor.u32 s0, v0;
	v5 =	vmax.f32 v5, $0.0e+00  }
0x1a6: {  	v7 =	vmulhi.u32 $0x38E38E39, v6;
	v5 =	vmin.f32 v5, $1.000000000e+02  }
0x1a7: {  	v5 =	vadd.f32 $8.388608000e+06, v5  }
0x1a8: {  	v7 =	vshrl.u32 v7, $0x1  }
0x1a9: {  	v7 =	vmul.u32 $0x9, v7;
	v5 =	vadd.f32 $-8.388608000e+06, v5;
	_ =	sdelay $0x1  }
0x1aa: {  	v6 =	vsub.s32 v6, v7;
	v5 =	vtrunc.f32 v5  }
0x1ab: {  	v6 =	vmul.u32 $0x65, v6;
	v5 =	vcvt.f32.s32 v5;
	_ =	sdelay $0x1  }
0x1ac: {  	v5 =	vadd.s32 v5, v6  }
0x1ad: {  	p1 =	por $0x1, $0x1;
	s0 =	simm.s32 $0x0;
	[tilespmem:$0x8430] =	vst v5  }
.LBB2_14:
0x1ae: {  	s1 =	sshll.u32 s0, $0x4  }
0x1af: {  	s1 =	sand.u32 $0x3FFFFFF0, s1  }
0x1b0: {  	v5 =	vld [tilespmem:s1+$0x8420];
	_ =	sdelay $0x4  }
0x1b1: {  	(v2sf) =	vpush v5, $0x0;
	_ =	sdelay $0x7  }
0x1b2: {  	(v2sf) =	vpush v5, $0x1;
	_ =	sdelay $0x6  }
0x1b3: {  	s12 =	spop (v2sf)  }
0x1b4: {  	s8 =	sshll.u32 s12, $0x9  }
0x1b5: {  	s29 =	sshll.u32 s0, $0xD;
	s1 =	sshll.u32 s12, $0x7;
	s8 =	sand.u32 $0xFFFFF000, s8  }
0x1b6: {  	s0 =	sand.u32 $0x3FFFE000, s29;
	(v2sf) =	vpush v5, $0x2;
	s1 =	sand.u32 $0x380, s1;
	s8 =	sadd.s32 s8, s2  }
0x1b7: {  	s30 =	sadd.s32 $0xC5A0, s0;
	s1 =	sadd.s32 s1, s8  }
0x1b8: {  	[tilespmem:s30], [sflag:$0x2] =	stream.linear.gather [spmem:s1], $0x80, $0x38;
	[tilespmem:$0x185A0] =	vst v63  }
0x1b9: {  	s12 =	sadd.s32 $0xC9A0, s0;
	s31 =	sadd.s32 $0x400, s1  }
0x1ba: {  	[tilespmem:s12], [sflag:$0x2] =	stream.linear.gather [spmem:s31], $0x80, $0x38;
	[tilespmem:$0x185A0] =	vst v63  }
0x1bb: {  	s29 =	sadd.s32 $0xCDA0, s0;
	s12 =	sadd.s32 $0x800, s1;
	s31 =	spop (v2sf)  }
0x1bc: {  	[tilespmem:s29], [sflag:$0x2] =	stream.linear.gather [spmem:s12], $0x80, $0x38;
	[tilespmem:$0x185A0] =	vst v63  }
0x1bd: {  	s30 =	sadd.s32 $0xD1A0, s0;
	s1 =	sadd.s32 $0xC00, s1;
	s12 =	sshll.u32 s31, $0x9  }
0x1be: {  	[tilespmem:s30], [sflag:$0x2] =	stream.linear.gather [spmem:s1], $0x80, $0x38;
	[tilespmem:$0x185A0] =	vst v63  }
0x1bf: {  	s8 =	sand.u32 $0xFFFFF000, s12;
	s1 =	sshll.u32 s31, $0x7  }
0x1c0: {  	(v2sf) =	vpush v5, $0x3;
	s8 =	sadd.s32 s8, s2;
	s1 =	sand.u32 $0x380, s1  }
0x1c1: {  	s29 =	sadd.s32 $0xC620, s0;
	s1 =	sadd.s32 s1, s8  }
0x1c2: {  	[tilespmem:s29], [sflag:$0x2] =	stream.linear.gather [spmem:s1], $0x80, $0x38;
	[tilespmem:$0x185A0] =	vst v63  }
0x1c3: {  	s31 =	sadd.s32 $0xCA20, s0;
	s30 =	sadd.s32 $0x400, s1  }
0x1c4: {  	[tilespmem:s31], [sflag:$0x2] =	stream.linear.gather [spmem:s30], $0x80, $0x38;
	[tilespmem:$0x185A0] =	vst v63  }
0x1c5: {  	s12 =	sadd.s32 $0x800, s1;
	s29 =	sadd.s32 $0xCE20, s0;
	s31 =	spop (v2sf)  }
0x1c6: {  	[tilespmem:s29], [sflag:$0x2] =	stream.linear.gather [spmem:s12], $0x80, $0x38;
	[tilespmem:$0x185A0] =	vst v63  }
0x1c7: {  	s1 =	sadd.s32 $0xC00, s1;
	s30 =	sadd.s32 $0xD220, s0;
	s12 =	sshll.u32 s31, $0x9  }
0x1c8: {  	[tilespmem:s30], [sflag:$0x2] =	stream.linear.gather [spmem:s1], $0x80, $0x38;
	[tilespmem:$0x185A0] =	vst v63  }
0x1c9: {  	s8 =	sand.u32 $0xFFFFF000, s12;
	s1 =	sshll.u32 s31, $0x7  }
0x1ca: {  	(v2sf) =	vpush v5, $0x4;
	s8 =	sadd.s32 s8, s2;
	s1 =	sand.u32 $0x380, s1  }
0x1cb: {  	s29 =	sadd.s32 $0xC6A0, s0;
	s1 =	sadd.s32 s1, s8  }
0x1cc: {  	[tilespmem:s29], [sflag:$0x2] =	stream.linear.gather [spmem:s1], $0x80, $0x38;
	[tilespmem:$0x185A0] =	vst v63  }
0x1cd: {  	s31 =	sadd.s32 $0xCAA0, s0;
	s30 =	sadd.s32 $0x400, s1  }
0x1ce: {  	[tilespmem:s31], [sflag:$0x2] =	stream.linear.gather [spmem:s30], $0x80, $0x38;
	[tilespmem:$0x185A0] =	vst v63  }
0x1cf: {  	s12 =	sadd.s32 $0x800, s1;
	s29 =	sadd.s32 $0xCEA0, s0;
	s31 =	spop (v2sf)  }
0x1d0: {  	[tilespmem:s29], [sflag:$0x2] =	stream.linear.gather [spmem:s12], $0x80, $0x38;
	[tilespmem:$0x185A0] =	vst v63  }
0x1d1: {  	s1 =	sadd.s32 $0xC00, s1;
	s30 =	sadd.s32 $0xD2A0, s0;
	s12 =	sshll.u32 s31, $0x9  }
0x1d2: {  	[tilespmem:s30], [sflag:$0x2] =	stream.linear.gather [spmem:s1], $0x80, $0x38;
	[tilespmem:$0x185A0] =	vst v63  }
0x1d3: {  	s8 =	sand.u32 $0xFFFFF000, s12;
	s1 =	sshll.u32 s31, $0x7  }
0x1d4: {  	(v2sf) =	vpush v5, $0x5;
	s8 =	sadd.s32 s8, s2;
	s1 =	sand.u32 $0x380, s1  }
0x1d5: {  	s29 =	sadd.s32 $0xC720, s0;
	s1 =	sadd.s32 s1, s8  }
0x1d6: {  	[tilespmem:s29], [sflag:$0x2] =	stream.linear.gather [spmem:s1], $0x80, $0x38;
	[tilespmem:$0x185A0] =	vst v63  }
0x1d7: {  	s31 =	sadd.s32 $0xCB20, s0;
	s30 =	sadd.s32 $0x400, s1  }
0x1d8: {  	[tilespmem:s31], [sflag:$0x2] =	stream.linear.gather [spmem:s30], $0x80, $0x38;
	[tilespmem:$0x185A0] =	vst v63  }
0x1d9: {  	s12 =	sadd.s32 $0x800, s1;
	s29 =	sadd.s32 $0xCF20, s0;
	s31 =	spop (v2sf)  }
0x1da: {  	[tilespmem:s29], [sflag:$0x2] =	stream.linear.gather [spmem:s12], $0x80, $0x38;
	[tilespmem:$0x185A0] =	vst v63  }
0x1db: {  	s1 =	sadd.s32 $0xC00, s1;
	s30 =	sadd.s32 $0xD320, s0;
	s12 =	sshll.u32 s31, $0x9  }
0x1dc: {  	[tilespmem:s30], [sflag:$0x2] =	stream.linear.gather [spmem:s1], $0x80, $0x38;
	[tilespmem:$0x185A0] =	vst v63  }
0x1dd: {  	s8 =	sand.u32 $0xFFFFF000, s12;
	s1 =	sshll.u32 s31, $0x7  }
0x1de: {  	(v2sf) =	vpush v5, $0x6;
	s8 =	sadd.s32 s8, s2;
	s1 =	sand.u32 $0x380, s1  }
0x1df: {  	s29 =	sadd.s32 $0xC7A0, s0;
	s1 =	sadd.s32 s1, s8  }
0x1e0: {  	[tilespmem:s29], [sflag:$0x2] =	stream.linear.gather [spmem:s1], $0x80, $0x38;
	[tilespmem:$0x185A0] =	vst v63  }
0x1e1: {  	s31 =	sadd.s32 $0xCBA0, s0;
	s30 =	sadd.s32 $0x400, s1  }
0x1e2: {  	[tilespmem:s31], [sflag:$0x2] =	stream.linear.gather [spmem:s30], $0x80, $0x38;
	[tilespmem:$0x185A0] =	vst v63  }
0x1e3: {  	s12 =	sadd.s32 $0x800, s1;
	s29 =	sadd.s32 $0xCFA0, s0;
	s31 =	spop (v2sf)  }
0x1e4: {  	[tilespmem:s29], [sflag:$0x2] =	stream.linear.gather [spmem:s12], $0x80, $0x38;
	[tilespmem:$0x185A0] =	vst v63  }
0x1e5: {  	s1 =	sadd.s32 $0xC00, s1;
	s30 =	sadd.s32 $0xD3A0, s0;
	s12 =	sshll.u32 s31, $0x9  }
0x1e6: {  	[tilespmem:s30], [sflag:$0x2] =	stream.linear.gather [spmem:s1], $0x80, $0x38;
	[tilespmem:$0x185A0] =	vst v63  }
0x1e7: {  	s8 =	sand.u32 $0xFFFFF000, s12;
	s1 =	sshll.u32 s31, $0x7  }
0x1e8: {  	(v2sf) =	vpush v5, $0x7;
	s8 =	sadd.s32 s8, s2;
	s1 =	sand.u32 $0x380, s1  }
0x1e9: {  	s29 =	sadd.s32 $0xC820, s0;
	s1 =	sadd.s32 s1, s8  }
0x1ea: {  	[tilespmem:s29], [sflag:$0x2] =	stream.linear.gather [spmem:s1], $0x80, $0x38;
	[tilespmem:$0x185A0] =	vst v63  }
0x1eb: {  	s31 =	sadd.s32 $0xCC20, s0;
	s30 =	sadd.s32 $0x400, s1  }
0x1ec: {  	[tilespmem:s31], [sflag:$0x2] =	stream.linear.gather [spmem:s30], $0x80, $0x38;
	[tilespmem:$0x185A0] =	vst v63  }
0x1ed: {  	s12 =	sadd.s32 $0x800, s1;
	s29 =	sadd.s32 $0xD020, s0;
	s31 =	spop (v2sf)  }
0x1ee: {  	[tilespmem:s29], [sflag:$0x2] =	stream.linear.gather [spmem:s12], $0x80, $0x38;
	[tilespmem:$0x185A0] =	vst v63  }
0x1ef: {  	s1 =	sadd.s32 $0xC00, s1;
	s30 =	sadd.s32 $0xD420, s0;
	s12 =	sshll.u32 s31, $0x9  }
0x1f0: {  	[tilespmem:s30], [sflag:$0x2] =	stream.linear.gather [spmem:s1], $0x80, $0x38;
	[tilespmem:$0x185A0] =	vst v63  }
0x1f1: {  	s8 =	sand.u32 $0xFFFFF000, s12;
	s1 =	sshll.u32 s31, $0x7  }
0x1f2: {  	(v2sf) =	vpush v5, $0x8;
	s8 =	sadd.s32 s8, s2;
	s1 =	sand.u32 $0x380, s1  }
0x1f3: {  	s29 =	sadd.s32 $0xC8A0, s0;
	s1 =	sadd.s32 s1, s8  }
0x1f4: {  	[tilespmem:s29], [sflag:$0x2] =	stream.linear.gather [spmem:s1], $0x80, $0x38;
	[tilespmem:$0x185A0] =	vst v63  }
0x1f5: {  	s31 =	sadd.s32 $0xCCA0, s0;
	s30 =	sadd.s32 $0x400, s1  }
0x1f6: {  	[tilespmem:s31], [sflag:$0x2] =	stream.linear.gather [spmem:s30], $0x80, $0x38;
	[tilespmem:$0x185A0] =	vst v63  }
0x1f7: {  	s12 =	sadd.s32 $0x800, s1;
	s29 =	sadd.s32 $0xD0A0, s0;
	s31 =	spop (v2sf)  }
0x1f8: {  	[tilespmem:s29], [sflag:$0x2] =	stream.linear.gather [spmem:s12], $0x80, $0x38;
	[tilespmem:$0x185A0] =	vst v63  }
0x1f9: {  	s1 =	sadd.s32 $0xC00, s1;
	s30 =	sadd.s32 $0xD4A0, s0;
	s12 =	sshll.u32 s31, $0x9  }
0x1fa: {  	[tilespmem:s30], [sflag:$0x2] =	stream.linear.gather [spmem:s1], $0x80, $0x38;
	[tilespmem:$0x185A0] =	vst v63  }
0x1fb: {  	s8 =	sand.u32 $0xFFFFF000, s12;
	s1 =	sshll.u32 s31, $0x7  }
0x1fc: {  	(v2sf) =	vpush v5, $0x9;
	s8 =	sadd.s32 s8, s2;
	s1 =	sand.u32 $0x380, s1  }
0x1fd: {  	s29 =	sadd.s32 $0xC920, s0;
	s1 =	sadd.s32 s1, s8  }
0x1fe: {  	[tilespmem:s29], [sflag:$0x2] =	stream.linear.gather [spmem:s1], $0x80, $0x38;
	[tilespmem:$0x185A0] =	vst v63  }
0x1ff: {  	s31 =	sadd.s32 $0xCD20, s0;
	s30 =	sadd.s32 $0x400, s1  }
0x200: {  	[tilespmem:s31], [sflag:$0x2] =	stream.linear.gather [spmem:s30], $0x80, $0x38;
	[tilespmem:$0x185A0] =	vst v63  }
0x201: {  	s12 =	sadd.s32 $0x800, s1;
	s29 =	sadd.s32 $0xD120, s0;
	s31 =	spop (v2sf)  }
0x202: {  	[tilespmem:s29], [sflag:$0x2] =	stream.linear.gather [spmem:s12], $0x80, $0x38;
	[tilespmem:$0x185A0] =	vst v63  }
0x203: {  	s1 =	sadd.s32 $0xC00, s1;
	s30 =	sadd.s32 $0xD520, s0;
	s12 =	sshll.u32 s31, $0x9  }
0x204: {  	[tilespmem:s30], [sflag:$0x2] =	stream.linear.gather [spmem:s1], $0x80, $0x38;
	[tilespmem:$0x185A0] =	vst v63  }
0x205: {  	s8 =	sand.u32 $0xFFFFF000, s12;
	s1 =	sshll.u32 s31, $0x7  }
0x206: {  	(v2sf) =	vpush v5, $0xA;
	s8 =	sadd.s32 s8, s2;
	s1 =	sand.u32 $0x380, s1  }
0x207: {  	s29 =	sadd.s32 $0xD5A0, s0;
	s1 =	sadd.s32 s1, s8  }
0x208: {  	[tilespmem:s29], [sflag:$0x2] =	stream.linear.gather [spmem:s1], $0x80, $0x38;
	[tilespmem:$0x185A0] =	vst v63  }
0x209: {  	s31 =	sadd.s32 $0xD9A0, s0;
	s30 =	sadd.s32 $0x400, s1  }
0x20a: {  	[tilespmem:s31], [sflag:$0x2] =	stream.linear.gather [spmem:s30], $0x80, $0x38;
	[tilespmem:$0x185A0] =	vst v63  }
0x20b: {  	s12 =	sadd.s32 $0x800, s1;
	s29 =	sadd.s32 $0xDDA0, s0;
	s31 =	spop (v2sf)  }
0x20c: {  	[tilespmem:s29], [sflag:$0x2] =	stream.linear.gather [spmem:s12], $0x80, $0x38;
	[tilespmem:$0x185A0] =	vst v63  }
0x20d: {  	s1 =	sadd.s32 $0xC00, s1;
	s30 =	sadd.s32 $0xE1A0, s0;
	s12 =	sshll.u32 s31, $0x9  }
0x20e: {  	[tilespmem:s30], [sflag:$0x2] =	stream.linear.gather [spmem:s1], $0x80, $0x38;
	[tilespmem:$0x185A0] =	vst v63  }
0x20f: {  	s8 =	sand.u32 $0xFFFFF000, s12;
	s1 =	sshll.u32 s31, $0x7  }
0x210: {  	(v2sf) =	vpush v5, $0xB;
	s8 =	sadd.s32 s8, s2;
	s1 =	sand.u32 $0x380, s1  }
0x211: {  	s29 =	sadd.s32 $0xD620, s0;
	s1 =	sadd.s32 s1, s8  }
0x212: {  	[tilespmem:s29], [sflag:$0x2] =	stream.linear.gather [spmem:s1], $0x80, $0x38;
	[tilespmem:$0x185A0] =	vst v63  }
0x213: {  	s31 =	sadd.s32 $0xDA20, s0;
	s30 =	sadd.s32 $0x400, s1  }
0x214: {  	[tilespmem:s31], [sflag:$0x2] =	stream.linear.gather [spmem:s30], $0x80, $0x38;
	[tilespmem:$0x185A0] =	vst v63  }
0x215: {  	s12 =	sadd.s32 $0x800, s1;
	s29 =	sadd.s32 $0xDE20, s0;
	s31 =	spop (v2sf)  }
0x216: {  	[tilespmem:s29], [sflag:$0x2] =	stream.linear.gather [spmem:s12], $0x80, $0x38;
	[tilespmem:$0x185A0] =	vst v63  }
0x217: {  	s1 =	sadd.s32 $0xC00, s1;
	s30 =	sadd.s32 $0xE220, s0;
	s12 =	sshll.u32 s31, $0x9  }
0x218: {  	[tilespmem:s30], [sflag:$0x2] =	stream.linear.gather [spmem:s1], $0x80, $0x38;
	[tilespmem:$0x185A0] =	vst v63  }
0x219: {  	s8 =	sand.u32 $0xFFFFF000, s12;
	s1 =	sshll.u32 s31, $0x7  }
0x21a: {  	(v2sf) =	vpush v5, $0xC;
	s8 =	sadd.s32 s8, s2;
	s1 =	sand.u32 $0x380, s1  }
0x21b: {  	s29 =	sadd.s32 $0xD6A0, s0;
	s1 =	sadd.s32 s1, s8  }
0x21c: {  	[tilespmem:s29], [sflag:$0x2] =	stream.linear.gather [spmem:s1], $0x80, $0x38;
	[tilespmem:$0x185A0] =	vst v63  }
0x21d: {  	s31 =	sadd.s32 $0xDAA0, s0;
	s30 =	sadd.s32 $0x400, s1  }
0x21e: {  	[tilespmem:s31], [sflag:$0x2] =	stream.linear.gather [spmem:s30], $0x80, $0x38;
	[tilespmem:$0x185A0] =	vst v63  }
0x21f: {  	s12 =	sadd.s32 $0x800, s1;
	s29 =	sadd.s32 $0xDEA0, s0;
	s31 =	spop (v2sf)  }
0x220: {  	[tilespmem:s29], [sflag:$0x2] =	stream.linear.gather [spmem:s12], $0x80, $0x38;
	[tilespmem:$0x185A0] =	vst v63  }
0x221: {  	s1 =	sadd.s32 $0xC00, s1;
	s30 =	sadd.s32 $0xE2A0, s0;
	s12 =	sshll.u32 s31, $0x9  }
0x222: {  	[tilespmem:s30], [sflag:$0x2] =	stream.linear.gather [spmem:s1], $0x80, $0x38;
	[tilespmem:$0x185A0] =	vst v63  }
0x223: {  	s8 =	sand.u32 $0xFFFFF000, s12;
	s1 =	sshll.u32 s31, $0x7  }
0x224: {  	(v2sf) =	vpush v5, $0xD;
	s8 =	sadd.s32 s8, s2;
	s1 =	sand.u32 $0x380, s1  }
0x225: {  	s29 =	sadd.s32 $0xD720, s0;
	s1 =	sadd.s32 s1, s8  }
0x226: {  	[tilespmem:s29], [sflag:$0x2] =	stream.linear.gather [spmem:s1], $0x80, $0x38;
	[tilespmem:$0x185A0] =	vst v63  }
0x227: {  	s31 =	sadd.s32 $0xDB20, s0;
	s30 =	sadd.s32 $0x400, s1  }
0x228: {  	[tilespmem:s31], [sflag:$0x2] =	stream.linear.gather [spmem:s30], $0x80, $0x38;
	[tilespmem:$0x185A0] =	vst v63  }
0x229: {  	s12 =	sadd.s32 $0x800, s1;
	s29 =	sadd.s32 $0xDF20, s0;
	s31 =	spop (v2sf)  }
0x22a: {  	[tilespmem:s29], [sflag:$0x2] =	stream.linear.gather [spmem:s12], $0x80, $0x38;
	[tilespmem:$0x185A0] =	vst v63  }
0x22b: {  	s1 =	sadd.s32 $0xC00, s1;
	s30 =	sadd.s32 $0xE320, s0;
	s12 =	sshll.u32 s31, $0x9  }
0x22c: {  	[tilespmem:s30], [sflag:$0x2] =	stream.linear.gather [spmem:s1], $0x80, $0x38;
	[tilespmem:$0x185A0] =	vst v63  }
0x22d: {  	s8 =	sand.u32 $0xFFFFF000, s12;
	s1 =	sshll.u32 s31, $0x7  }
0x22e: {  	(v2sf) =	vpush v5, $0xE;
	s8 =	sadd.s32 s8, s2;
	s1 =	sand.u32 $0x380, s1  }
0x22f: {  	s29 =	sadd.s32 $0xD7A0, s0;
	s1 =	sadd.s32 s1, s8  }
0x230: {  	[tilespmem:s29], [sflag:$0x2] =	stream.linear.gather [spmem:s1], $0x80, $0x38;
	[tilespmem:$0x185A0] =	vst v63  }
0x231: {  	s31 =	sadd.s32 $0xDBA0, s0;
	s30 =	sadd.s32 $0x400, s1  }
0x232: {  	[tilespmem:s31], [sflag:$0x2] =	stream.linear.gather [spmem:s30], $0x80, $0x38;
	[tilespmem:$0x185A0] =	vst v63  }
0x233: {  	s12 =	sadd.s32 $0x800, s1;
	s29 =	sadd.s32 $0xDFA0, s0;
	s31 =	spop (v2sf)  }
0x234: {  	[tilespmem:s29], [sflag:$0x2] =	stream.linear.gather [spmem:s12], $0x80, $0x38;
	[tilespmem:$0x185A0] =	vst v63  }
0x235: {  	s1 =	sadd.s32 $0xC00, s1;
	s30 =	sadd.s32 $0xE3A0, s0;
	s12 =	sshll.u32 s31, $0x9  }
0x236: {  	[tilespmem:s30], [sflag:$0x2] =	stream.linear.gather [spmem:s1], $0x80, $0x38;
	[tilespmem:$0x185A0] =	vst v63  }
0x237: {  	s8 =	sand.u32 $0xFFFFF000, s12;
	s1 =	sshll.u32 s31, $0x7  }
0x238: {  	(v2sf) =	vpush v5, $0xF;
	s8 =	sadd.s32 s8, s2;
	s1 =	sand.u32 $0x380, s1  }
0x239: {  	s29 =	sadd.s32 $0xD820, s0;
	s1 =	sadd.s32 s1, s8  }
0x23a: {  	[tilespmem:s29], [sflag:$0x2] =	stream.linear.gather [spmem:s1], $0x80, $0x38;
	[tilespmem:$0x185A0] =	vst v63  }
0x23b: {  	s31 =	sadd.s32 $0xDC20, s0;
	s30 =	sadd.s32 $0x400, s1  }
0x23c: {  	[tilespmem:s31], [sflag:$0x2] =	stream.linear.gather [spmem:s30], $0x80, $0x38;
	[tilespmem:$0x185A0] =	vst v63  }
0x23d: {  	s29 =	sadd.s32 $0x800, s1;
	s30 =	sadd.s32 $0xE020, s0;
	s31 =	spop (v2sf)  }
0x23e: {  	[tilespmem:s30], [sflag:$0x2] =	stream.linear.gather [spmem:s29], $0x80, $0x38;
	[tilespmem:$0x185A0] =	vst v63  }
0x23f: {  	s1 =	sadd.s32 $0xC00, s1;
	s29 =	sadd.s32 $0xE420, s0;
	s30 =	sshll.u32 s31, $0x9  }
0x240: {  	[tilespmem:s29], [sflag:$0x2] =	stream.linear.gather [spmem:s1], $0x80, $0x38;
	[tilespmem:$0x185A0] =	vst v63  }
0x241: {  	s8 =	sshll.u32 s31, $0x7;
	s1 =	sand.u32 $0xFFFFF000, s30  }
0x242: {  	s8 =	sand.u32 $0x380, s8;
	s1 =	sadd.s32 s1, s2  }
0x243: {  	s31 =	sadd.s32 $0xD8A0, s0;
	s1 =	sadd.s32 s8, s1  }
0x244: {  	[tilespmem:s31], [sflag:$0x2] =	stream.linear.gather [spmem:s1], $0x80, $0x38;
	[tilespmem:$0x185A0] =	vst v63  }
0x245: {  	s29 =	sadd.s32 $0xDCA0, s0;
	s12 =	sadd.s32 $0x400, s1  }
0x246: {  	[tilespmem:s29], [sflag:$0x2] =	stream.linear.gather [spmem:s12], $0x80, $0x38;
	[tilespmem:$0x185A0] =	vst v63  }
0x247: {  	s30 =	sadd.s32 $0x800, s1;
	s31 =	sadd.s32 $0xE0A0, s0;
	s29 =	spop (v2sf)  }
0x248: {  	[tilespmem:s31], [sflag:$0x2] =	stream.linear.gather [spmem:s30], $0x80, $0x38;
	[tilespmem:$0x185A0] =	vst v63  }
0x249: {  	s1 =	sadd.s32 $0xC00, s1;
	s12 =	sadd.s32 $0xE4A0, s0;
	s30 =	sshll.u32 s29, $0x9  }
0x24a: {  	[tilespmem:s12], [sflag:$0x2] =	stream.linear.gather [spmem:s1], $0x80, $0x38;
	[tilespmem:$0x185A0] =	vst v63  }
0x24b: {  	s8 =	sand.u32 $0xFFFFF000, s30;
	s1 =	sshll.u32 s29, $0x7  }
0x24c: {  	s8 =	sadd.s32 s8, s2;
	s1 =	sand.u32 $0x380, s1  }
0x24d: {  	s31 =	sadd.s32 $0xD920, s0;
	s1 =	sadd.s32 s1, s8  }
0x24e: {  	[tilespmem:s31], [sflag:$0x2] =	stream.linear.gather [spmem:s1], $0x80, $0x38;
	[tilespmem:$0x185A0] =	vst v63  }
0x24f: {  	p2 =	por p1, p1;
	s29 =	sadd.s32 $0xDD20, s0;
	s12 =	sadd.s32 $0x400, s1  }
0x250: {  	[tilespmem:s29], [sflag:$0x2] =	stream.linear.gather [spmem:s12], $0x80, $0x38;
	[tilespmem:$0x185A0] =	vst v63  }
.Ltmp3:
0x251: {  	s30 =	sadd.s32 $0x800, s1;
	s31 =	sadd.s32 $0xE120, s0;
	(pc) =	sbr.rel @p2 .LBB2_14-.Ltmp3, $4  }
0x252: {  	[tilespmem:s31], [sflag:$0x2] =	stream.linear.gather [spmem:s30], $0x80, $0x38;
	[tilespmem:$0x185A0] =	vst v63  }
0x253: {  	s1 =	sadd.s32 $0xC00, s1;
	s0 =	sadd.s32 $0xE520, s0  }
0x254: {  	[tilespmem:s0], [sflag:$0x2] =	stream.linear.gather [spmem:s1], $0x80, $0x38;
	[tilespmem:$0x185A0] =	vst v63  }
0x255: {  	p1 =	por $0x0, $0x0;
	s0 =	simm.s32 $0x1  }
0x256: {  	s28 =	sadd.s32 $0x1, s28  }
.LBB2_5:
0x257: {  	s0 =	sshll.u32 s28, $0x10  }
0x258: {  	_ =	swait.ge [sflag:s14], $0x4000;
	s0 =	sadd.s32 s9, s0  }
0x259: {  	[sflag:s14] =	ssyncset.done $0x0;
	s0 =	sshrl.u32 s0, $0x3  }
0x25a: {  	p1 =	seq.s32 s28, $0x0;
	[sflag:s14] =	ssyncadd.s32 $0xFFFFC000;
	s0 =	sadd.s32 s7, s0  }
0x25b: {  	[hbm4b:s0+s4] =	stream.linear.scatter [tilespmem:s15], [sflag:$0x5], $0x4000, $0x38;
	[tilespmem:$0x185A0] =	vst v63  }
0x25c: {  	s0 =	simm.s32 @!p1 $0x7  }
0x25d: {  	s30 =	sshll.u32 s28, $0x2;
	_ =	swait.ge @!p1 [sflag:s0], $0x4000  }
0x25e: {  	s31 =	sor.u32 $0x2, s30;
	[sflag:s0] =	ssyncset.done @!p1 $0x0  }
0x25f: {  	s8 =	sshll.u32 s31, $0x5;
	[sflag:s0] =	ssyncadd.s32 @!p1 $0xFFFFC000  }
0x260: {  	v5 =	vld [tilespmem:s8+$0x71A0];
	_ =	sdelay $0x3  }
0x261: {  	s29 =	sadd.s32 s3, s8  }
0x262: {  	v6 =	vor.u32 s29, v0;
	v5 =	vmax.f32 v5, $0.0e+00  }
0x263: {  	v7 =	vmulhi.u32 $0x38E38E39, v6;
	v5 =	vmin.f32 v5, $1.000000000e+02  }
0x264: {  	v5 =	vadd.f32 $8.388608000e+06, v5  }
0x265: {  	v7 =	vshrl.u32 v7, $0x1  }
0x266: {  	v7 =	vmul.u32 $0x9, v7;
	v5 =	vadd.f32 $-8.388608000e+06, v5;
	_ =	sdelay $0x1  }
0x267: {  	v6 =	vsub.s32 v6, v7;
	v5 =	vtrunc.f32 v5  }
0x268: {  	v6 =	vmul.u32 $0x65, v6;
	v5 =	vcvt.f32.s32 v5;
	_ =	sdelay $0x1  }
0x269: {  	v5 =	vadd.s32 v5, v6  }
0x26a: {  	s12 =	sor.u32 $0x50, s8;
	[tilespmem:$0x84A0] =	vst v5  }
0x26b: {  	v5 =	vld [tilespmem:s12+$0x71A0];
	_ =	sdelay $0x3  }
0x26c: {  	s0 =	sadd.s32 s8, s5  }
0x26d: {  	v6 =	vor.u32 s0, v0;
	v5 =	vmax.f32 v5, $0.0e+00  }
0x26e: {  	v7 =	vmulhi.u32 $0x38E38E39, v6;
	v5 =	vmin.f32 v5, $1.000000000e+02  }
0x26f: {  	v5 =	vadd.f32 $8.388608000e+06, v5  }
0x270: {  	v7 =	vshrl.u32 v7, $0x1  }
0x271: {  	v7 =	vmul.u32 $0x9, v7;
	v5 =	vadd.f32 $-8.388608000e+06, v5;
	_ =	sdelay $0x1  }
0x272: {  	v6 =	vsub.s32 v6, v7;
	v5 =	vtrunc.f32 v5  }
0x273: {  	v6 =	vmul.u32 $0x65, v6;
	v5 =	vcvt.f32.s32 v5;
	_ =	sdelay $0x1  }
0x274: {  	v5 =	vadd.s32 v5, v6  }
0x275: {  	p2 =	por $0x1, $0x1;
	s0 =	simm.s32 $0x0;
	[tilespmem:$0x84B0] =	vst v5  }
.LBB2_6:
0x276: {  	s29 =	sshll.u32 s0, $0x4  }
0x277: {  	s29 =	sand.u32 $0x3FFFFFF0, s29  }
0x278: {  	v5 =	vld [tilespmem:s29+$0x84A0];
	_ =	sdelay $0x4  }
0x279: {  	(v2sf) =	vpush v5, $0x0;
	_ =	sdelay $0x9  }
0x27a: {  	(v2sf) =	vpush v5, $0x1;
	_ =	sdelay $0x4  }
0x27b: {  	s12 =	spop (v2sf)  }
0x27c: {  	s1 =	sshll.u32 s12, $0x9  }
0x27d: {  	s8 =	sshll.u32 s0, $0xD;
	s29 =	sshll.u32 s12, $0x7;
	s1 =	sand.u32 $0xFFFFF000, s1  }
0x27e: {  	s12 =	sand.u32 $0x380, s29;
	s29 =	sand.u32 $0x3FFFE000, s8;
	s1 =	sadd.s32 s1, s2  }
0x27f: {  	s8 =	sadd.s32 $0x105A0, s29;
	s0 =	sadd.s32 s12, s1  }
0x280: {  	[tilespmem:s8], [sflag:$0x3] =	stream.linear.gather [spmem:s0], $0x80, $0x38;
	[tilespmem:$0x185A0] =	vst v63  }
0x281: {  	(v2sf) =	vpush v5, $0x2;
	s12 =	sadd.s32 $0x400, s0;
	s8 =	sadd.s32 $0x109A0, s29  }
0x282: {  	[tilespmem:s8], [sflag:$0x3] =	stream.linear.gather [spmem:s12], $0x80, $0x38;
	[tilespmem:$0x185A0] =	vst v63  }
0x283: {  	s12 =	sadd.s32 $0x800, s0;
	s8 =	sadd.s32 $0x10DA0, s29  }
0x284: {  	[tilespmem:s8], [sflag:$0x3] =	stream.linear.gather [spmem:s12], $0x80, $0x38;
	[tilespmem:$0x185A0] =	vst v63  }
0x285: {  	s0 =	sadd.s32 $0xC00, s0;
	s12 =	sadd.s32 $0x111A0, s29;
	s8 =	spop (v2sf)  }
0x286: {  	[tilespmem:s12], [sflag:$0x3] =	stream.linear.gather [spmem:s0], $0x80, $0x38;
	[tilespmem:$0x185A0] =	vst v63  }
0x287: {  	s12 =	sshll.u32 s8, $0x9  }
0x288: {  	s0 =	sshll.u32 s8, $0x7;
	s1 =	sand.u32 $0xFFFFF000, s12  }
0x289: {  	s0 =	sand.u32 $0x380, s0;
	s1 =	sadd.s32 s1, s2  }
0x28a: {  	s8 =	sadd.s32 $0x10620, s29;
	s0 =	sadd.s32 s0, s1  }
0x28b: {  	[tilespmem:s8], [sflag:$0x3] =	stream.linear.gather [spmem:s0], $0x80, $0x38;
	[tilespmem:$0x185A0] =	vst v63  }
0x28c: {  	(v2sf) =	vpush v5, $0x3;
	s12 =	sadd.s32 $0x400, s0;
	s8 =	sadd.s32 $0x10A20, s29  }
0x28d: {  	[tilespmem:s8], [sflag:$0x3] =	stream.linear.gather [spmem:s12], $0x80, $0x38;
	[tilespmem:$0x185A0] =	vst v63  }
0x28e: {  	s12 =	sadd.s32 $0x800, s0;
	s8 =	sadd.s32 $0x10E20, s29  }
0x28f: {  	[tilespmem:s8], [sflag:$0x3] =	stream.linear.gather [spmem:s12], $0x80, $0x38;
	[tilespmem:$0x185A0] =	vst v63  }
0x290: {  	s0 =	sadd.s32 $0xC00, s0;
	s12 =	sadd.s32 $0x11220, s29;
	s8 =	spop (v2sf)  }
0x291: {  	[tilespmem:s12], [sflag:$0x3] =	stream.linear.gather [spmem:s0], $0x80, $0x38;
	[tilespmem:$0x185A0] =	vst v63  }
0x292: {  	s12 =	sshll.u32 s8, $0x9  }
0x293: {  	s0 =	sshll.u32 s8, $0x7;
	s1 =	sand.u32 $0xFFFFF000, s12  }
0x294: {  	s0 =	sand.u32 $0x380, s0;
	s1 =	sadd.s32 s1, s2  }
0x295: {  	s8 =	sadd.s32 $0x106A0, s29;
	s0 =	sadd.s32 s0, s1  }
0x296: {  	[tilespmem:s8], [sflag:$0x3] =	stream.linear.gather [spmem:s0], $0x80, $0x38;
	[tilespmem:$0x185A0] =	vst v63  }
0x297: {  	(v2sf) =	vpush v5, $0x4;
	s12 =	sadd.s32 $0x400, s0;
	s8 =	sadd.s32 $0x10AA0, s29  }
0x298: {  	[tilespmem:s8], [sflag:$0x3] =	stream.linear.gather [spmem:s12], $0x80, $0x38;
	[tilespmem:$0x185A0] =	vst v63  }
0x299: {  	s12 =	sadd.s32 $0x800, s0;
	s8 =	sadd.s32 $0x10EA0, s29  }
0x29a: {  	[tilespmem:s8], [sflag:$0x3] =	stream.linear.gather [spmem:s12], $0x80, $0x38;
	[tilespmem:$0x185A0] =	vst v63  }
0x29b: {  	s0 =	sadd.s32 $0xC00, s0;
	s12 =	sadd.s32 $0x112A0, s29;
	s8 =	spop (v2sf)  }
0x29c: {  	[tilespmem:s12], [sflag:$0x3] =	stream.linear.gather [spmem:s0], $0x80, $0x38;
	[tilespmem:$0x185A0] =	vst v63  }
0x29d: {  	s12 =	sshll.u32 s8, $0x9  }
0x29e: {  	s0 =	sshll.u32 s8, $0x7;
	s1 =	sand.u32 $0xFFFFF000, s12  }
0x29f: {  	s0 =	sand.u32 $0x380, s0;
	s1 =	sadd.s32 s1, s2  }
0x2a0: {  	s8 =	sadd.s32 $0x10720, s29;
	s0 =	sadd.s32 s0, s1  }
0x2a1: {  	[tilespmem:s8], [sflag:$0x3] =	stream.linear.gather [spmem:s0], $0x80, $0x38;
	[tilespmem:$0x185A0] =	vst v63  }
0x2a2: {  	(v2sf) =	vpush v5, $0x5;
	s12 =	sadd.s32 $0x400, s0;
	s8 =	sadd.s32 $0x10B20, s29  }
0x2a3: {  	[tilespmem:s8], [sflag:$0x3] =	stream.linear.gather [spmem:s12], $0x80, $0x38;
	[tilespmem:$0x185A0] =	vst v63  }
0x2a4: {  	s12 =	sadd.s32 $0x800, s0;
	s8 =	sadd.s32 $0x10F20, s29  }
0x2a5: {  	[tilespmem:s8], [sflag:$0x3] =	stream.linear.gather [spmem:s12], $0x80, $0x38;
	[tilespmem:$0x185A0] =	vst v63  }
0x2a6: {  	s0 =	sadd.s32 $0xC00, s0;
	s12 =	sadd.s32 $0x11320, s29;
	s8 =	spop (v2sf)  }
0x2a7: {  	[tilespmem:s12], [sflag:$0x3] =	stream.linear.gather [spmem:s0], $0x80, $0x38;
	[tilespmem:$0x185A0] =	vst v63  }
0x2a8: {  	s12 =	sshll.u32 s8, $0x9  }
0x2a9: {  	s0 =	sshll.u32 s8, $0x7;
	s1 =	sand.u32 $0xFFFFF000, s12  }
0x2aa: {  	s0 =	sand.u32 $0x380, s0;
	s1 =	sadd.s32 s1, s2  }
0x2ab: {  	s8 =	sadd.s32 $0x107A0, s29;
	s0 =	sadd.s32 s0, s1  }
0x2ac: {  	[tilespmem:s8], [sflag:$0x3] =	stream.linear.gather [spmem:s0], $0x80, $0x38;
	[tilespmem:$0x185A0] =	vst v63  }
0x2ad: {  	(v2sf) =	vpush v5, $0x6;
	s12 =	sadd.s32 $0x400, s0;
	s8 =	sadd.s32 $0x10BA0, s29  }
0x2ae: {  	[tilespmem:s8], [sflag:$0x3] =	stream.linear.gather [spmem:s12], $0x80, $0x38;
	[tilespmem:$0x185A0] =	vst v63  }
0x2af: {  	s12 =	sadd.s32 $0x800, s0;
	s8 =	sadd.s32 $0x10FA0, s29  }
0x2b0: {  	[tilespmem:s8], [sflag:$0x3] =	stream.linear.gather [spmem:s12], $0x80, $0x38;
	[tilespmem:$0x185A0] =	vst v63  }
0x2b1: {  	s0 =	sadd.s32 $0xC00, s0;
	s12 =	sadd.s32 $0x113A0, s29;
	s8 =	spop (v2sf)  }
0x2b2: {  	[tilespmem:s12], [sflag:$0x3] =	stream.linear.gather [spmem:s0], $0x80, $0x38;
	[tilespmem:$0x185A0] =	vst v63  }
0x2b3: {  	s12 =	sshll.u32 s8, $0x9  }
0x2b4: {  	s0 =	sshll.u32 s8, $0x7;
	s1 =	sand.u32 $0xFFFFF000, s12  }
0x2b5: {  	s0 =	sand.u32 $0x380, s0;
	s1 =	sadd.s32 s1, s2  }
0x2b6: {  	s8 =	sadd.s32 $0x10820, s29;
	s0 =	sadd.s32 s0, s1  }
0x2b7: {  	[tilespmem:s8], [sflag:$0x3] =	stream.linear.gather [spmem:s0], $0x80, $0x38;
	[tilespmem:$0x185A0] =	vst v63  }
0x2b8: {  	(v2sf) =	vpush v5, $0x7;
	s12 =	sadd.s32 $0x400, s0;
	s8 =	sadd.s32 $0x10C20, s29  }
0x2b9: {  	[tilespmem:s8], [sflag:$0x3] =	stream.linear.gather [spmem:s12], $0x80, $0x38;
	[tilespmem:$0x185A0] =	vst v63  }
0x2ba: {  	s12 =	sadd.s32 $0x800, s0;
	s8 =	sadd.s32 $0x11020, s29  }
0x2bb: {  	[tilespmem:s8], [sflag:$0x3] =	stream.linear.gather [spmem:s12], $0x80, $0x38;
	[tilespmem:$0x185A0] =	vst v63  }
0x2bc: {  	s0 =	sadd.s32 $0xC00, s0;
	s12 =	sadd.s32 $0x11420, s29;
	s8 =	spop (v2sf)  }
0x2bd: {  	[tilespmem:s12], [sflag:$0x3] =	stream.linear.gather [spmem:s0], $0x80, $0x38;
	[tilespmem:$0x185A0] =	vst v63  }
0x2be: {  	s12 =	sshll.u32 s8, $0x9  }
0x2bf: {  	s0 =	sshll.u32 s8, $0x7;
	s1 =	sand.u32 $0xFFFFF000, s12  }
0x2c0: {  	s0 =	sand.u32 $0x380, s0;
	s1 =	sadd.s32 s1, s2  }
0x2c1: {  	s8 =	sadd.s32 $0x108A0, s29;
	s0 =	sadd.s32 s0, s1  }
0x2c2: {  	[tilespmem:s8], [sflag:$0x3] =	stream.linear.gather [spmem:s0], $0x80, $0x38;
	[tilespmem:$0x185A0] =	vst v63  }
0x2c3: {  	(v2sf) =	vpush v5, $0x8;
	s12 =	sadd.s32 $0x400, s0;
	s8 =	sadd.s32 $0x10CA0, s29  }
0x2c4: {  	[tilespmem:s8], [sflag:$0x3] =	stream.linear.gather [spmem:s12], $0x80, $0x38;
	[tilespmem:$0x185A0] =	vst v63  }
0x2c5: {  	s12 =	sadd.s32 $0x800, s0;
	s8 =	sadd.s32 $0x110A0, s29  }
0x2c6: {  	[tilespmem:s8], [sflag:$0x3] =	stream.linear.gather [spmem:s12], $0x80, $0x38;
	[tilespmem:$0x185A0] =	vst v63  }
0x2c7: {  	s0 =	sadd.s32 $0xC00, s0;
	s12 =	sadd.s32 $0x114A0, s29;
	s8 =	spop (v2sf)  }
0x2c8: {  	[tilespmem:s12], [sflag:$0x3] =	stream.linear.gather [spmem:s0], $0x80, $0x38;
	[tilespmem:$0x185A0] =	vst v63  }
0x2c9: {  	s12 =	sshll.u32 s8, $0x9  }
0x2ca: {  	s0 =	sshll.u32 s8, $0x7;
	s1 =	sand.u32 $0xFFFFF000, s12  }
0x2cb: {  	s0 =	sand.u32 $0x380, s0;
	s1 =	sadd.s32 s1, s2  }
0x2cc: {  	s8 =	sadd.s32 $0x10920, s29;
	s0 =	sadd.s32 s0, s1  }
0x2cd: {  	[tilespmem:s8], [sflag:$0x3] =	stream.linear.gather [spmem:s0], $0x80, $0x38;
	[tilespmem:$0x185A0] =	vst v63  }
0x2ce: {  	(v2sf) =	vpush v5, $0x9;
	s12 =	sadd.s32 $0x400, s0;
	s8 =	sadd.s32 $0x10D20, s29  }
0x2cf: {  	[tilespmem:s8], [sflag:$0x3] =	stream.linear.gather [spmem:s12], $0x80, $0x38;
	[tilespmem:$0x185A0] =	vst v63  }
0x2d0: {  	s12 =	sadd.s32 $0x800, s0;
	s8 =	sadd.s32 $0x11120, s29  }
0x2d1: {  	[tilespmem:s8], [sflag:$0x3] =	stream.linear.gather [spmem:s12], $0x80, $0x38;
	[tilespmem:$0x185A0] =	vst v63  }
0x2d2: {  	s0 =	sadd.s32 $0xC00, s0;
	s12 =	sadd.s32 $0x11520, s29;
	s8 =	spop (v2sf)  }
0x2d3: {  	[tilespmem:s12], [sflag:$0x3] =	stream.linear.gather [spmem:s0], $0x80, $0x38;
	[tilespmem:$0x185A0] =	vst v63  }
0x2d4: {  	s12 =	sshll.u32 s8, $0x9  }
0x2d5: {  	s0 =	sshll.u32 s8, $0x7;
	s1 =	sand.u32 $0xFFFFF000, s12  }
0x2d6: {  	s0 =	sand.u32 $0x380, s0;
	s1 =	sadd.s32 s1, s2  }
0x2d7: {  	s8 =	sadd.s32 $0x115A0, s29;
	s0 =	sadd.s32 s0, s1  }
0x2d8: {  	[tilespmem:s8], [sflag:$0x3] =	stream.linear.gather [spmem:s0], $0x80, $0x38;
	[tilespmem:$0x185A0] =	vst v63  }
0x2d9: {  	(v2sf) =	vpush v5, $0xA;
	s12 =	sadd.s32 $0x400, s0;
	s8 =	sadd.s32 $0x119A0, s29  }
0x2da: {  	[tilespmem:s8], [sflag:$0x3] =	stream.linear.gather [spmem:s12], $0x80, $0x38;
	[tilespmem:$0x185A0] =	vst v63  }
0x2db: {  	s12 =	sadd.s32 $0x800, s0;
	s8 =	sadd.s32 $0x11DA0, s29  }
0x2dc: {  	[tilespmem:s8], [sflag:$0x3] =	stream.linear.gather [spmem:s12], $0x80, $0x38;
	[tilespmem:$0x185A0] =	vst v63  }
0x2dd: {  	s0 =	sadd.s32 $0xC00, s0;
	s12 =	sadd.s32 $0x121A0, s29;
	s8 =	spop (v2sf)  }
0x2de: {  	[tilespmem:s12], [sflag:$0x3] =	stream.linear.gather [spmem:s0], $0x80, $0x38;
	[tilespmem:$0x185A0] =	vst v63  }
0x2df: {  	s12 =	sshll.u32 s8, $0x9  }
0x2e0: {  	s0 =	sshll.u32 s8, $0x7;
	s1 =	sand.u32 $0xFFFFF000, s12  }
0x2e1: {  	s0 =	sand.u32 $0x380, s0;
	s1 =	sadd.s32 s1, s2  }
0x2e2: {  	s8 =	sadd.s32 $0x11620, s29;
	s0 =	sadd.s32 s0, s1  }
0x2e3: {  	[tilespmem:s8], [sflag:$0x3] =	stream.linear.gather [spmem:s0], $0x80, $0x38;
	[tilespmem:$0x185A0] =	vst v63  }
0x2e4: {  	(v2sf) =	vpush v5, $0xB;
	s12 =	sadd.s32 $0x400, s0;
	s8 =	sadd.s32 $0x11A20, s29  }
0x2e5: {  	[tilespmem:s8], [sflag:$0x3] =	stream.linear.gather [spmem:s12], $0x80, $0x38;
	[tilespmem:$0x185A0] =	vst v63  }
0x2e6: {  	s12 =	sadd.s32 $0x800, s0;
	s8 =	sadd.s32 $0x11E20, s29  }
0x2e7: {  	[tilespmem:s8], [sflag:$0x3] =	stream.linear.gather [spmem:s12], $0x80, $0x38;
	[tilespmem:$0x185A0] =	vst v63  }
0x2e8: {  	s0 =	sadd.s32 $0xC00, s0;
	s12 =	sadd.s32 $0x12220, s29;
	s8 =	spop (v2sf)  }
0x2e9: {  	[tilespmem:s12], [sflag:$0x3] =	stream.linear.gather [spmem:s0], $0x80, $0x38;
	[tilespmem:$0x185A0] =	vst v63  }
0x2ea: {  	s12 =	sshll.u32 s8, $0x9  }
0x2eb: {  	s0 =	sshll.u32 s8, $0x7;
	s1 =	sand.u32 $0xFFFFF000, s12  }
0x2ec: {  	s0 =	sand.u32 $0x380, s0;
	s1 =	sadd.s32 s1, s2  }
0x2ed: {  	s8 =	sadd.s32 $0x116A0, s29;
	s0 =	sadd.s32 s0, s1  }
0x2ee: {  	[tilespmem:s8], [sflag:$0x3] =	stream.linear.gather [spmem:s0], $0x80, $0x38;
	[tilespmem:$0x185A0] =	vst v63  }
0x2ef: {  	(v2sf) =	vpush v5, $0xC;
	s12 =	sadd.s32 $0x400, s0;
	s8 =	sadd.s32 $0x11AA0, s29  }
0x2f0: {  	[tilespmem:s8], [sflag:$0x3] =	stream.linear.gather [spmem:s12], $0x80, $0x38;
	[tilespmem:$0x185A0] =	vst v63  }
0x2f1: {  	s12 =	sadd.s32 $0x800, s0;
	s8 =	sadd.s32 $0x11EA0, s29  }
0x2f2: {  	[tilespmem:s8], [sflag:$0x3] =	stream.linear.gather [spmem:s12], $0x80, $0x38;
	[tilespmem:$0x185A0] =	vst v63  }
0x2f3: {  	s0 =	sadd.s32 $0xC00, s0;
	s12 =	sadd.s32 $0x122A0, s29;
	s8 =	spop (v2sf)  }
0x2f4: {  	[tilespmem:s12], [sflag:$0x3] =	stream.linear.gather [spmem:s0], $0x80, $0x38;
	[tilespmem:$0x185A0] =	vst v63  }
0x2f5: {  	s12 =	sshll.u32 s8, $0x9  }
0x2f6: {  	s0 =	sshll.u32 s8, $0x7;
	s1 =	sand.u32 $0xFFFFF000, s12  }
0x2f7: {  	s0 =	sand.u32 $0x380, s0;
	s1 =	sadd.s32 s1, s2  }
0x2f8: {  	s8 =	sadd.s32 $0x11720, s29;
	s0 =	sadd.s32 s0, s1  }
0x2f9: {  	[tilespmem:s8], [sflag:$0x3] =	stream.linear.gather [spmem:s0], $0x80, $0x38;
	[tilespmem:$0x185A0] =	vst v63  }
0x2fa: {  	(v2sf) =	vpush v5, $0xD;
	s12 =	sadd.s32 $0x400, s0;
	s8 =	sadd.s32 $0x11B20, s29  }
0x2fb: {  	[tilespmem:s8], [sflag:$0x3] =	stream.linear.gather [spmem:s12], $0x80, $0x38;
	[tilespmem:$0x185A0] =	vst v63  }
0x2fc: {  	s12 =	sadd.s32 $0x800, s0;
	s8 =	sadd.s32 $0x11F20, s29  }
0x2fd: {  	[tilespmem:s8], [sflag:$0x3] =	stream.linear.gather [spmem:s12], $0x80, $0x38;
	[tilespmem:$0x185A0] =	vst v63  }
0x2fe: {  	s0 =	sadd.s32 $0xC00, s0;
	s12 =	sadd.s32 $0x12320, s29;
	s8 =	spop (v2sf)  }
0x2ff: {  	[tilespmem:s12], [sflag:$0x3] =	stream.linear.gather [spmem:s0], $0x80, $0x38;
	[tilespmem:$0x185A0] =	vst v63  }
0x300: {  	s12 =	sshll.u32 s8, $0x9  }
0x301: {  	s0 =	sshll.u32 s8, $0x7;
	s1 =	sand.u32 $0xFFFFF000, s12  }
0x302: {  	s0 =	sand.u32 $0x380, s0;
	s1 =	sadd.s32 s1, s2  }
0x303: {  	(v2sf) =	vpush v5, $0xE;
	s8 =	sadd.s32 $0x117A0, s29;
	s0 =	sadd.s32 s0, s1  }
0x304: {  	[tilespmem:s8], [sflag:$0x3] =	stream.linear.gather [spmem:s0], $0x80, $0x38;
	[tilespmem:$0x185A0] =	vst v63  }
0x305: {  	s12 =	sadd.s32 $0x400, s0;
	s8 =	sadd.s32 $0x11BA0, s29  }
0x306: {  	[tilespmem:s8], [sflag:$0x3] =	stream.linear.gather [spmem:s12], $0x80, $0x38;
	[tilespmem:$0x185A0] =	vst v63  }
0x307: {  	s12 =	sadd.s32 $0x800, s0;
	s8 =	sadd.s32 $0x11FA0, s29  }
0x308: {  	[tilespmem:s8], [sflag:$0x3] =	stream.linear.gather [spmem:s12], $0x80, $0x38;
	[tilespmem:$0x185A0] =	vst v63  }
0x309: {  	s0 =	sadd.s32 $0xC00, s0;
	s12 =	sadd.s32 $0x123A0, s29;
	s8 =	spop (v2sf)  }
0x30a: {  	[tilespmem:s12], [sflag:$0x3] =	stream.linear.gather [spmem:s0], $0x80, $0x38;
	[tilespmem:$0x185A0] =	vst v63  }
0x30b: {  	s12 =	sshll.u32 s8, $0x9  }
0x30c: {  	s0 =	sshll.u32 s8, $0x7;
	s1 =	sand.u32 $0xFFFFF000, s12  }
0x30d: {  	s0 =	sand.u32 $0x380, s0;
	s1 =	sadd.s32 s1, s2  }
0x30e: {  	s8 =	sadd.s32 $0x11820, s29;
	s0 =	sadd.s32 s0, s1  }
0x30f: {  	(v2sf) =	vpush v5, $0xF;
	[tilespmem:s8], [sflag:$0x3] =	stream.linear.gather [spmem:s0], $0x80, $0x38;
	[tilespmem:$0x185A0] =	vst v63  }
0x310: {  	s12 =	sadd.s32 $0x400, s0;
	s8 =	sadd.s32 $0x11C20, s29  }
0x311: {  	[tilespmem:s8], [sflag:$0x3] =	stream.linear.gather [spmem:s12], $0x80, $0x38;
	[tilespmem:$0x185A0] =	vst v63  }
0x312: {  	s1 =	spop (v2sf);
	s12 =	sadd.s32 $0x800, s0;
	s8 =	sadd.s32 $0x12020, s29  }
0x313: {  	[tilespmem:s8], [sflag:$0x3] =	stream.linear.gather [spmem:s12], $0x80, $0x38;
	[tilespmem:$0x185A0] =	vst v63  }
0x314: {  	s0 =	sadd.s32 $0xC00, s0;
	s8 =	sadd.s32 $0x12420, s29;
	s12 =	sshll.u32 s1, $0x9  }
0x315: {  	[tilespmem:s8], [sflag:$0x3] =	stream.linear.gather [spmem:s0], $0x80, $0x38;
	[tilespmem:$0x185A0] =	vst v63  }
0x316: {  	s1 =	sshll.u32 s1, $0x7;
	s0 =	sand.u32 $0xFFFFF000, s12  }
0x317: {  	s1 =	sand.u32 $0x380, s1;
	s0 =	sadd.s32 s0, s2  }
0x318: {  	s8 =	sadd.s32 $0x118A0, s29;
	s0 =	sadd.s32 s1, s0  }
0x319: {  	[tilespmem:s8], [sflag:$0x3] =	stream.linear.gather [spmem:s0], $0x80, $0x38;
	[tilespmem:$0x185A0] =	vst v63  }
0x31a: {  	s12 =	sadd.s32 $0x400, s0;
	s8 =	sadd.s32 $0x11CA0, s29  }
0x31b: {  	[tilespmem:s8], [sflag:$0x3] =	stream.linear.gather [spmem:s12], $0x80, $0x38;
	[tilespmem:$0x185A0] =	vst v63  }
0x31c: {  	s12 =	sadd.s32 $0x800, s0;
	s8 =	sadd.s32 $0x120A0, s29  }
0x31d: {  	[tilespmem:s8], [sflag:$0x3] =	stream.linear.gather [spmem:s12], $0x80, $0x38;
	[tilespmem:$0x185A0] =	vst v63  }
0x31e: {  	s0 =	sadd.s32 $0xC00, s0;
	s12 =	sadd.s32 $0x124A0, s29;
	s8 =	spop (v2sf)  }
0x31f: {  	[tilespmem:s12], [sflag:$0x3] =	stream.linear.gather [spmem:s0], $0x80, $0x38;
	[tilespmem:$0x185A0] =	vst v63  }
0x320: {  	s12 =	sshll.u32 s8, $0x9  }
0x321: {  	s0 =	sshll.u32 s8, $0x7;
	s1 =	sand.u32 $0xFFFFF000, s12  }
0x322: {  	s0 =	sand.u32 $0x380, s0;
	s1 =	sadd.s32 s1, s2  }
0x323: {  	s8 =	sadd.s32 $0x11920, s29;
	s0 =	sadd.s32 s0, s1  }
0x324: {  	[tilespmem:s8], [sflag:$0x3] =	stream.linear.gather [spmem:s0], $0x80, $0x38;
	[tilespmem:$0x185A0] =	vst v63  }
0x325: {  	p3 =	por p2, p2;
	s12 =	sadd.s32 $0x400, s0;
	s8 =	sadd.s32 $0x11D20, s29  }
0x326: {  	[tilespmem:s8], [sflag:$0x3] =	stream.linear.gather [spmem:s12], $0x80, $0x38;
	[tilespmem:$0x185A0] =	vst v63  }
.Ltmp4:
0x327: {  	s12 =	sadd.s32 $0x800, s0;
	s8 =	sadd.s32 $0x12120, s29;
	(pc) =	sbr.rel @p3 .LBB2_6-.Ltmp4, $4  }
0x328: {  	[tilespmem:s8], [sflag:$0x3] =	stream.linear.gather [spmem:s12], $0x80, $0x38;
	[tilespmem:$0x185A0] =	vst v63  }
0x329: {  	s0 =	sadd.s32 $0xC00, s0;
	s29 =	sadd.s32 $0x12520, s29  }
0x32a: {  	[tilespmem:s29], [sflag:$0x3] =	stream.linear.gather [spmem:s0], $0x80, $0x38;
	[tilespmem:$0x185A0] =	vst v63  }
0x32b: {  	p2 =	por $0x0, $0x0;
	s0 =	simm.s32 $0x1  }
0x32c: {  	s29 =	sshll.u32 s28, $0x7  }
0x32d: {  	_ =	swait.ge [sflag:s16], $0x4000;
	s0 =	sadd.s32 s29, s6  }
0x32e: {  	[sflag:s16] =	ssyncset.done $0x0;
	s0 =	sshll.u32 s0, $0x6  }
0x32f: {  	[sflag:s16] =	ssyncadd.s32 $0xFFFFC000;
	s0 =	sadd.s32 s7, s0  }
0x330: {  	[hbm4b:s0+s4] =	stream.linear.scatter [tilespmem:s17], [sflag:$0x6], $0x4000, $0x38;
	[tilespmem:$0x185A0] =	vst v63  }
0x331: {  	s0 =	simm.s32 @!p1 $0x8  }
0x332: {  	_ =	swait.ge @!p1 [sflag:s0], $0x4000  }
0x333: {  	s30 =	sor.u32 $0x3, s30;
	[sflag:s0] =	ssyncset.done @!p1 $0x0  }
0x334: {  	s8 =	sshll.u32 s30, $0x5;
	[sflag:s0] =	ssyncadd.s32 @!p1 $0xFFFFC000  }
0x335: {  	v5 =	vld [tilespmem:s8+$0x71A0];
	_ =	sdelay $0x3  }
0x336: {  	s1 =	sadd.s32 s3, s8  }
0x337: {  	v6 =	vor.u32 s1, v0;
	v5 =	vmax.f32 v5, $0.0e+00  }
0x338: {  	v7 =	vmulhi.u32 $0x38E38E39, v6;
	v5 =	vmin.f32 v5, $1.000000000e+02  }
0x339: {  	v5 =	vadd.f32 $8.388608000e+06, v5  }
0x33a: {  	v7 =	vshrl.u32 v7, $0x1  }
0x33b: {  	v7 =	vmul.u32 $0x9, v7;
	v5 =	vadd.f32 $-8.388608000e+06, v5;
	_ =	sdelay $0x1  }
0x33c: {  	v6 =	vsub.s32 v6, v7;
	v5 =	vtrunc.f32 v5  }
0x33d: {  	v6 =	vmul.u32 $0x65, v6;
	v5 =	vcvt.f32.s32 v5;
	_ =	sdelay $0x1  }
0x33e: {  	v5 =	vadd.s32 v5, v6  }
0x33f: {  	s12 =	sor.u32 $0x70, s8;
	[tilespmem:$0x8520] =	vst v5  }
0x340: {  	v5 =	vld [tilespmem:s12+$0x71A0];
	_ =	sdelay $0x3  }
0x341: {  	s0 =	sadd.s32 s8, s5  }
0x342: {  	v6 =	vor.u32 s0, v0;
	v5 =	vmax.f32 v5, $0.0e+00  }
0x343: {  	v7 =	vmulhi.u32 $0x38E38E39, v6;
	v5 =	vmin.f32 v5, $1.000000000e+02  }
0x344: {  	v5 =	vadd.f32 $8.388608000e+06, v5  }
0x345: {  	v7 =	vshrl.u32 v7, $0x1  }
0x346: {  	v7 =	vmul.u32 $0x9, v7;
	v5 =	vadd.f32 $-8.388608000e+06, v5;
	_ =	sdelay $0x1  }
0x347: {  	v6 =	vsub.s32 v6, v7;
	v5 =	vtrunc.f32 v5  }
0x348: {  	v6 =	vmul.u32 $0x65, v6;
	v5 =	vcvt.f32.s32 v5;
	_ =	sdelay $0x1  }
0x349: {  	v5 =	vadd.s32 v5, v6  }
0x34a: {  	p1 =	por $0x1, $0x1;
	s0 =	simm.s32 $0x0;
	[tilespmem:$0x8530] =	vst v5  }
.LBB2_8:
0x34b: {  	s1 =	sshll.u32 s0, $0x4  }
0x34c: {  	s1 =	sand.u32 $0x3FFFFFF0, s1  }
0x34d: {  	v5 =	vld [tilespmem:s1+$0x8520];
	_ =	sdelay $0x4  }
0x34e: {  	(v2sf) =	vpush v5, $0x0;
	_ =	sdelay $0xb  }
0x34f: {  	(v2sf) =	vpush v5, $0x1;
	_ =	sdelay $0x2  }
0x350: {  	s8 =	spop (v2sf)  }
0x351: {  	s12 =	sshll.u32 s8, $0x9  }
0x352: {  	s1 =	sshll.u32 s8, $0x7;
	s8 =	sshll.u32 s0, $0xD;
	s12 =	sand.u32 $0xFFFFF000, s12  }
0x353: {  	s1 =	sand.u32 $0x380, s1;
	s0 =	sand.u32 $0x3FFFE000, s8;
	s12 =	sadd.s32 s12, s2  }
0x354: {  	s8 =	sadd.s32 $0x145A0, s0;
	s1 =	sadd.s32 s1, s12  }
0x355: {  	[tilespmem:s8], [sflag:$0x4] =	stream.linear.gather [spmem:s1], $0x80, $0x38;
	[tilespmem:$0x185A0] =	vst v63  }
0x356: {  	s12 =	sadd.s32 $0x400, s1;
	s8 =	sadd.s32 $0x149A0, s0  }
0x357: {  	[tilespmem:s8], [sflag:$0x4] =	stream.linear.gather [spmem:s12], $0x80, $0x38;
	[tilespmem:$0x185A0] =	vst v63  }
0x358: {  	s8 =	sadd.s32 $0x800, s1;
	s12 =	sadd.s32 $0x14DA0, s0  }
0x359: {  	(v2sf) =	vpush v5, $0x2;
	[tilespmem:s12], [sflag:$0x4] =	stream.linear.gather [spmem:s8], $0x80, $0x38;
	[tilespmem:$0x185A0] =	vst v63  }
0x35a: {  	s1 =	sadd.s32 $0xC00, s1;
	s12 =	sadd.s32 $0x151A0, s0  }
0x35b: {  	[tilespmem:s12], [sflag:$0x4] =	stream.linear.gather [spmem:s1], $0x80, $0x38;
	[tilespmem:$0x185A0] =	vst v63  }
0x35c: {  	s1 =	spop (v2sf)  }
0x35d: {  	s12 =	sshll.u32 s1, $0x9  }
0x35e: {  	s1 =	sshll.u32 s1, $0x7;
	s8 =	sand.u32 $0xFFFFF000, s12  }
0x35f: {  	s1 =	sand.u32 $0x380, s1;
	s8 =	sadd.s32 s8, s2  }
0x360: {  	s12 =	sadd.s32 $0x14620, s0;
	s1 =	sadd.s32 s1, s8  }
0x361: {  	[tilespmem:s12], [sflag:$0x4] =	stream.linear.gather [spmem:s1], $0x80, $0x38;
	[tilespmem:$0x185A0] =	vst v63  }
0x362: {  	s8 =	sadd.s32 $0x400, s1;
	s12 =	sadd.s32 $0x14A20, s0  }
0x363: {  	[tilespmem:s12], [sflag:$0x4] =	stream.linear.gather [spmem:s8], $0x80, $0x38;
	[tilespmem:$0x185A0] =	vst v63  }
0x364: {  	s8 =	sadd.s32 $0x800, s1;
	s12 =	sadd.s32 $0x14E20, s0  }
0x365: {  	(v2sf) =	vpush v5, $0x3;
	[tilespmem:s12], [sflag:$0x4] =	stream.linear.gather [spmem:s8], $0x80, $0x38;
	[tilespmem:$0x185A0] =	vst v63  }
0x366: {  	s1 =	sadd.s32 $0xC00, s1;
	s12 =	sadd.s32 $0x15220, s0  }
0x367: {  	[tilespmem:s12], [sflag:$0x4] =	stream.linear.gather [spmem:s1], $0x80, $0x38;
	[tilespmem:$0x185A0] =	vst v63  }
0x368: {  	s1 =	spop (v2sf)  }
0x369: {  	s12 =	sshll.u32 s1, $0x9  }
0x36a: {  	s1 =	sshll.u32 s1, $0x7;
	s8 =	sand.u32 $0xFFFFF000, s12  }
0x36b: {  	s1 =	sand.u32 $0x380, s1;
	s8 =	sadd.s32 s8, s2  }
0x36c: {  	s12 =	sadd.s32 $0x146A0, s0;
	s1 =	sadd.s32 s1, s8  }
0x36d: {  	[tilespmem:s12], [sflag:$0x4] =	stream.linear.gather [spmem:s1], $0x80, $0x38;
	[tilespmem:$0x185A0] =	vst v63  }
0x36e: {  	s8 =	sadd.s32 $0x400, s1;
	s12 =	sadd.s32 $0x14AA0, s0  }
0x36f: {  	[tilespmem:s12], [sflag:$0x4] =	stream.linear.gather [spmem:s8], $0x80, $0x38;
	[tilespmem:$0x185A0] =	vst v63  }
0x370: {  	s8 =	sadd.s32 $0x800, s1;
	s12 =	sadd.s32 $0x14EA0, s0  }
0x371: {  	(v2sf) =	vpush v5, $0x4;
	[tilespmem:s12], [sflag:$0x4] =	stream.linear.gather [spmem:s8], $0x80, $0x38;
	[tilespmem:$0x185A0] =	vst v63  }
0x372: {  	s1 =	sadd.s32 $0xC00, s1;
	s12 =	sadd.s32 $0x152A0, s0  }
0x373: {  	[tilespmem:s12], [sflag:$0x4] =	stream.linear.gather [spmem:s1], $0x80, $0x38;
	[tilespmem:$0x185A0] =	vst v63  }
0x374: {  	s1 =	spop (v2sf)  }
0x375: {  	s12 =	sshll.u32 s1, $0x9  }
0x376: {  	s1 =	sshll.u32 s1, $0x7;
	s8 =	sand.u32 $0xFFFFF000, s12  }
0x377: {  	s1 =	sand.u32 $0x380, s1;
	s8 =	sadd.s32 s8, s2  }
0x378: {  	s12 =	sadd.s32 $0x14720, s0;
	s1 =	sadd.s32 s1, s8  }
0x379: {  	[tilespmem:s12], [sflag:$0x4] =	stream.linear.gather [spmem:s1], $0x80, $0x38;
	[tilespmem:$0x185A0] =	vst v63  }
0x37a: {  	s8 =	sadd.s32 $0x400, s1;
	s12 =	sadd.s32 $0x14B20, s0  }
0x37b: {  	[tilespmem:s12], [sflag:$0x4] =	stream.linear.gather [spmem:s8], $0x80, $0x38;
	[tilespmem:$0x185A0] =	vst v63  }
0x37c: {  	s8 =	sadd.s32 $0x800, s1;
	s12 =	sadd.s32 $0x14F20, s0  }
0x37d: {  	(v2sf) =	vpush v5, $0x5;
	[tilespmem:s12], [sflag:$0x4] =	stream.linear.gather [spmem:s8], $0x80, $0x38;
	[tilespmem:$0x185A0] =	vst v63  }
0x37e: {  	s1 =	sadd.s32 $0xC00, s1;
	s12 =	sadd.s32 $0x15320, s0  }
0x37f: {  	[tilespmem:s12], [sflag:$0x4] =	stream.linear.gather [spmem:s1], $0x80, $0x38;
	[tilespmem:$0x185A0] =	vst v63  }
0x380: {  	s1 =	spop (v2sf)  }
0x381: {  	s12 =	sshll.u32 s1, $0x9  }
0x382: {  	s1 =	sshll.u32 s1, $0x7;
	s8 =	sand.u32 $0xFFFFF000, s12  }
0x383: {  	s1 =	sand.u32 $0x380, s1;
	s8 =	sadd.s32 s8, s2  }
0x384: {  	s12 =	sadd.s32 $0x147A0, s0;
	s1 =	sadd.s32 s1, s8  }
0x385: {  	[tilespmem:s12], [sflag:$0x4] =	stream.linear.gather [spmem:s1], $0x80, $0x38;
	[tilespmem:$0x185A0] =	vst v63  }
0x386: {  	s8 =	sadd.s32 $0x400, s1;
	s12 =	sadd.s32 $0x14BA0, s0  }
0x387: {  	[tilespmem:s12], [sflag:$0x4] =	stream.linear.gather [spmem:s8], $0x80, $0x38;
	[tilespmem:$0x185A0] =	vst v63  }
0x388: {  	s8 =	sadd.s32 $0x800, s1;
	s12 =	sadd.s32 $0x14FA0, s0  }
0x389: {  	(v2sf) =	vpush v5, $0x6;
	[tilespmem:s12], [sflag:$0x4] =	stream.linear.gather [spmem:s8], $0x80, $0x38;
	[tilespmem:$0x185A0] =	vst v63  }
0x38a: {  	s1 =	sadd.s32 $0xC00, s1;
	s12 =	sadd.s32 $0x153A0, s0  }
0x38b: {  	[tilespmem:s12], [sflag:$0x4] =	stream.linear.gather [spmem:s1], $0x80, $0x38;
	[tilespmem:$0x185A0] =	vst v63  }
0x38c: {  	s1 =	spop (v2sf)  }
0x38d: {  	s12 =	sshll.u32 s1, $0x9  }
0x38e: {  	s1 =	sshll.u32 s1, $0x7;
	s8 =	sand.u32 $0xFFFFF000, s12  }
0x38f: {  	s1 =	sand.u32 $0x380, s1;
	s8 =	sadd.s32 s8, s2  }
0x390: {  	s12 =	sadd.s32 $0x14820, s0;
	s1 =	sadd.s32 s1, s8  }
0x391: {  	[tilespmem:s12], [sflag:$0x4] =	stream.linear.gather [spmem:s1], $0x80, $0x38;
	[tilespmem:$0x185A0] =	vst v63  }
0x392: {  	s8 =	sadd.s32 $0x400, s1;
	s12 =	sadd.s32 $0x14C20, s0  }
0x393: {  	[tilespmem:s12], [sflag:$0x4] =	stream.linear.gather [spmem:s8], $0x80, $0x38;
	[tilespmem:$0x185A0] =	vst v63  }
0x394: {  	s8 =	sadd.s32 $0x800, s1;
	s12 =	sadd.s32 $0x15020, s0  }
0x395: {  	(v2sf) =	vpush v5, $0x7;
	[tilespmem:s12], [sflag:$0x4] =	stream.linear.gather [spmem:s8], $0x80, $0x38;
	[tilespmem:$0x185A0] =	vst v63  }
0x396: {  	s1 =	sadd.s32 $0xC00, s1;
	s12 =	sadd.s32 $0x15420, s0  }
0x397: {  	[tilespmem:s12], [sflag:$0x4] =	stream.linear.gather [spmem:s1], $0x80, $0x38;
	[tilespmem:$0x185A0] =	vst v63  }
0x398: {  	s1 =	spop (v2sf)  }
0x399: {  	s12 =	sshll.u32 s1, $0x9  }
0x39a: {  	s1 =	sshll.u32 s1, $0x7;
	s8 =	sand.u32 $0xFFFFF000, s12  }
0x39b: {  	s1 =	sand.u32 $0x380, s1;
	s8 =	sadd.s32 s8, s2  }
0x39c: {  	s12 =	sadd.s32 $0x148A0, s0;
	s1 =	sadd.s32 s1, s8  }
0x39d: {  	[tilespmem:s12], [sflag:$0x4] =	stream.linear.gather [spmem:s1], $0x80, $0x38;
	[tilespmem:$0x185A0] =	vst v63  }
0x39e: {  	s8 =	sadd.s32 $0x400, s1;
	s12 =	sadd.s32 $0x14CA0, s0  }
0x39f: {  	[tilespmem:s12], [sflag:$0x4] =	stream.linear.gather [spmem:s8], $0x80, $0x38;
	[tilespmem:$0x185A0] =	vst v63  }
0x3a0: {  	s8 =	sadd.s32 $0x800, s1;
	s12 =	sadd.s32 $0x150A0, s0  }
0x3a1: {  	(v2sf) =	vpush v5, $0x8;
	[tilespmem:s12], [sflag:$0x4] =	stream.linear.gather [spmem:s8], $0x80, $0x38;
	[tilespmem:$0x185A0] =	vst v63  }
0x3a2: {  	s1 =	sadd.s32 $0xC00, s1;
	s12 =	sadd.s32 $0x154A0, s0  }
0x3a3: {  	[tilespmem:s12], [sflag:$0x4] =	stream.linear.gather [spmem:s1], $0x80, $0x38;
	[tilespmem:$0x185A0] =	vst v63  }
0x3a4: {  	s1 =	spop (v2sf)  }
0x3a5: {  	s12 =	sshll.u32 s1, $0x9  }
0x3a6: {  	s1 =	sshll.u32 s1, $0x7;
	s8 =	sand.u32 $0xFFFFF000, s12  }
0x3a7: {  	s1 =	sand.u32 $0x380, s1;
	s8 =	sadd.s32 s8, s2  }
0x3a8: {  	s12 =	sadd.s32 $0x14920, s0;
	s1 =	sadd.s32 s1, s8  }
0x3a9: {  	[tilespmem:s12], [sflag:$0x4] =	stream.linear.gather [spmem:s1], $0x80, $0x38;
	[tilespmem:$0x185A0] =	vst v63  }
0x3aa: {  	s8 =	sadd.s32 $0x400, s1;
	s12 =	sadd.s32 $0x14D20, s0  }
0x3ab: {  	[tilespmem:s12], [sflag:$0x4] =	stream.linear.gather [spmem:s8], $0x80, $0x38;
	[tilespmem:$0x185A0] =	vst v63  }
0x3ac: {  	s8 =	sadd.s32 $0x800, s1;
	s12 =	sadd.s32 $0x15120, s0  }
0x3ad: {  	(v2sf) =	vpush v5, $0x9;
	[tilespmem:s12], [sflag:$0x4] =	stream.linear.gather [spmem:s8], $0x80, $0x38;
	[tilespmem:$0x185A0] =	vst v63  }
0x3ae: {  	s1 =	sadd.s32 $0xC00, s1;
	s12 =	sadd.s32 $0x15520, s0  }
0x3af: {  	[tilespmem:s12], [sflag:$0x4] =	stream.linear.gather [spmem:s1], $0x80, $0x38;
	[tilespmem:$0x185A0] =	vst v63  }
0x3b0: {  	s1 =	spop (v2sf)  }
0x3b1: {  	s12 =	sshll.u32 s1, $0x9  }
0x3b2: {  	s1 =	sshll.u32 s1, $0x7;
	s8 =	sand.u32 $0xFFFFF000, s12  }
0x3b3: {  	s1 =	sand.u32 $0x380, s1;
	s8 =	sadd.s32 s8, s2  }
0x3b4: {  	s12 =	sadd.s32 $0x155A0, s0;
	s1 =	sadd.s32 s1, s8  }
0x3b5: {  	[tilespmem:s12], [sflag:$0x4] =	stream.linear.gather [spmem:s1], $0x80, $0x38;
	[tilespmem:$0x185A0] =	vst v63  }
0x3b6: {  	s8 =	sadd.s32 $0x400, s1;
	s12 =	sadd.s32 $0x159A0, s0  }
0x3b7: {  	[tilespmem:s12], [sflag:$0x4] =	stream.linear.gather [spmem:s8], $0x80, $0x38;
	[tilespmem:$0x185A0] =	vst v63  }
0x3b8: {  	s8 =	sadd.s32 $0x800, s1;
	s12 =	sadd.s32 $0x15DA0, s0  }
0x3b9: {  	(v2sf) =	vpush v5, $0xA;
	[tilespmem:s12], [sflag:$0x4] =	stream.linear.gather [spmem:s8], $0x80, $0x38;
	[tilespmem:$0x185A0] =	vst v63  }
0x3ba: {  	s1 =	sadd.s32 $0xC00, s1;
	s12 =	sadd.s32 $0x161A0, s0  }
0x3bb: {  	[tilespmem:s12], [sflag:$0x4] =	stream.linear.gather [spmem:s1], $0x80, $0x38;
	[tilespmem:$0x185A0] =	vst v63  }
0x3bc: {  	s1 =	spop (v2sf)  }
0x3bd: {  	s12 =	sshll.u32 s1, $0x9  }
0x3be: {  	s1 =	sshll.u32 s1, $0x7;
	s8 =	sand.u32 $0xFFFFF000, s12  }
0x3bf: {  	s1 =	sand.u32 $0x380, s1;
	s8 =	sadd.s32 s8, s2  }
0x3c0: {  	s12 =	sadd.s32 $0x15620, s0;
	s1 =	sadd.s32 s1, s8  }
0x3c1: {  	[tilespmem:s12], [sflag:$0x4] =	stream.linear.gather [spmem:s1], $0x80, $0x38;
	[tilespmem:$0x185A0] =	vst v63  }
0x3c2: {  	s8 =	sadd.s32 $0x400, s1;
	s12 =	sadd.s32 $0x15A20, s0  }
0x3c3: {  	[tilespmem:s12], [sflag:$0x4] =	stream.linear.gather [spmem:s8], $0x80, $0x38;
	[tilespmem:$0x185A0] =	vst v63  }
0x3c4: {  	s8 =	sadd.s32 $0x800, s1;
	s12 =	sadd.s32 $0x15E20, s0  }
0x3c5: {  	(v2sf) =	vpush v5, $0xB;
	[tilespmem:s12], [sflag:$0x4] =	stream.linear.gather [spmem:s8], $0x80, $0x38;
	[tilespmem:$0x185A0] =	vst v63  }
0x3c6: {  	s1 =	sadd.s32 $0xC00, s1;
	s12 =	sadd.s32 $0x16220, s0  }
0x3c7: {  	[tilespmem:s12], [sflag:$0x4] =	stream.linear.gather [spmem:s1], $0x80, $0x38;
	[tilespmem:$0x185A0] =	vst v63  }
0x3c8: {  	s1 =	spop (v2sf)  }
0x3c9: {  	s12 =	sshll.u32 s1, $0x9  }
0x3ca: {  	s1 =	sshll.u32 s1, $0x7;
	s8 =	sand.u32 $0xFFFFF000, s12  }
0x3cb: {  	s1 =	sand.u32 $0x380, s1;
	s8 =	sadd.s32 s8, s2  }
0x3cc: {  	s12 =	sadd.s32 $0x156A0, s0;
	s1 =	sadd.s32 s1, s8  }
0x3cd: {  	[tilespmem:s12], [sflag:$0x4] =	stream.linear.gather [spmem:s1], $0x80, $0x38;
	[tilespmem:$0x185A0] =	vst v63  }
0x3ce: {  	s8 =	sadd.s32 $0x400, s1;
	s12 =	sadd.s32 $0x15AA0, s0  }
0x3cf: {  	[tilespmem:s12], [sflag:$0x4] =	stream.linear.gather [spmem:s8], $0x80, $0x38;
	[tilespmem:$0x185A0] =	vst v63  }
0x3d0: {  	s8 =	sadd.s32 $0x800, s1;
	s12 =	sadd.s32 $0x15EA0, s0  }
0x3d1: {  	(v2sf) =	vpush v5, $0xC;
	[tilespmem:s12], [sflag:$0x4] =	stream.linear.gather [spmem:s8], $0x80, $0x38;
	[tilespmem:$0x185A0] =	vst v63  }
0x3d2: {  	s1 =	sadd.s32 $0xC00, s1;
	s12 =	sadd.s32 $0x162A0, s0  }
0x3d3: {  	[tilespmem:s12], [sflag:$0x4] =	stream.linear.gather [spmem:s1], $0x80, $0x38;
	[tilespmem:$0x185A0] =	vst v63  }
0x3d4: {  	s1 =	spop (v2sf)  }
0x3d5: {  	s12 =	sshll.u32 s1, $0x9  }
0x3d6: {  	s1 =	sshll.u32 s1, $0x7;
	s8 =	sand.u32 $0xFFFFF000, s12  }
0x3d7: {  	s1 =	sand.u32 $0x380, s1;
	s8 =	sadd.s32 s8, s2  }
0x3d8: {  	s12 =	sadd.s32 $0x15720, s0;
	s1 =	sadd.s32 s1, s8  }
0x3d9: {  	[tilespmem:s12], [sflag:$0x4] =	stream.linear.gather [spmem:s1], $0x80, $0x38;
	[tilespmem:$0x185A0] =	vst v63  }
0x3da: {  	s8 =	sadd.s32 $0x400, s1;
	s12 =	sadd.s32 $0x15B20, s0  }
0x3db: {  	[tilespmem:s12], [sflag:$0x4] =	stream.linear.gather [spmem:s8], $0x80, $0x38;
	[tilespmem:$0x185A0] =	vst v63  }
0x3dc: {  	s8 =	sadd.s32 $0x800, s1;
	s12 =	sadd.s32 $0x15F20, s0  }
0x3dd: {  	(v2sf) =	vpush v5, $0xD;
	[tilespmem:s12], [sflag:$0x4] =	stream.linear.gather [spmem:s8], $0x80, $0x38;
	[tilespmem:$0x185A0] =	vst v63  }
0x3de: {  	s1 =	sadd.s32 $0xC00, s1;
	s12 =	sadd.s32 $0x16320, s0  }
0x3df: {  	[tilespmem:s12], [sflag:$0x4] =	stream.linear.gather [spmem:s1], $0x80, $0x38;
	[tilespmem:$0x185A0] =	vst v63  }
0x3e0: {  	s1 =	spop (v2sf)  }
0x3e1: {  	s12 =	sshll.u32 s1, $0x9  }
0x3e2: {  	s1 =	sshll.u32 s1, $0x7;
	s8 =	sand.u32 $0xFFFFF000, s12  }
0x3e3: {  	s1 =	sand.u32 $0x380, s1;
	s8 =	sadd.s32 s8, s2  }
0x3e4: {  	s12 =	sadd.s32 $0x157A0, s0;
	s1 =	sadd.s32 s1, s8  }
0x3e5: {  	[tilespmem:s12], [sflag:$0x4] =	stream.linear.gather [spmem:s1], $0x80, $0x38;
	[tilespmem:$0x185A0] =	vst v63  }
0x3e6: {  	s8 =	sadd.s32 $0x400, s1;
	s12 =	sadd.s32 $0x15BA0, s0  }
0x3e7: {  	(v2sf) =	vpush v5, $0xE;
	[tilespmem:s12], [sflag:$0x4] =	stream.linear.gather [spmem:s8], $0x80, $0x38;
	[tilespmem:$0x185A0] =	vst v63  }
0x3e8: {  	s8 =	sadd.s32 $0x800, s1;
	s12 =	sadd.s32 $0x15FA0, s0  }
0x3e9: {  	[tilespmem:s12], [sflag:$0x4] =	stream.linear.gather [spmem:s8], $0x80, $0x38;
	[tilespmem:$0x185A0] =	vst v63  }
0x3ea: {  	s1 =	sadd.s32 $0xC00, s1;
	s12 =	sadd.s32 $0x163A0, s0  }
0x3eb: {  	[tilespmem:s12], [sflag:$0x4] =	stream.linear.gather [spmem:s1], $0x80, $0x38;
	[tilespmem:$0x185A0] =	vst v63  }
0x3ec: {  	s1 =	spop (v2sf)  }
0x3ed: {  	s12 =	sshll.u32 s1, $0x9  }
0x3ee: {  	s1 =	sshll.u32 s1, $0x7;
	s8 =	sand.u32 $0xFFFFF000, s12  }
0x3ef: {  	s1 =	sand.u32 $0x380, s1;
	s8 =	sadd.s32 s8, s2  }
0x3f0: {  	s12 =	sadd.s32 $0x15820, s0;
	s1 =	sadd.s32 s1, s8  }
0x3f1: {  	[tilespmem:s12], [sflag:$0x4] =	stream.linear.gather [spmem:s1], $0x80, $0x38;
	[tilespmem:$0x185A0] =	vst v63  }
0x3f2: {  	s8 =	sadd.s32 $0x400, s1;
	s12 =	sadd.s32 $0x15C20, s0  }
0x3f3: {  	[tilespmem:s12], [sflag:$0x4] =	stream.linear.gather [spmem:s8], $0x80, $0x38;
	[tilespmem:$0x185A0] =	vst v63  }
0x3f4: {  	(v2sf) =	vpush v5, $0xF;
	s8 =	sadd.s32 $0x800, s1;
	s12 =	sadd.s32 $0x16020, s0  }
0x3f5: {  	[tilespmem:s12], [sflag:$0x4] =	stream.linear.gather [spmem:s8], $0x80, $0x38;
	[tilespmem:$0x185A0] =	vst v63  }
0x3f6: {  	s1 =	sadd.s32 $0xC00, s1;
	s8 =	spop (v2sf);
	s12 =	sadd.s32 $0x16420, s0  }
0x3f7: {  	[tilespmem:s12], [sflag:$0x4] =	stream.linear.gather [spmem:s1], $0x80, $0x38;
	[tilespmem:$0x185A0] =	vst v63  }
0x3f8: {  	s12 =	sshll.u32 s8, $0x9  }
0x3f9: {  	s8 =	sshll.u32 s8, $0x7;
	s1 =	sand.u32 $0xFFFFF000, s12  }
0x3fa: {  	s8 =	sand.u32 $0x380, s8;
	s1 =	sadd.s32 s1, s2  }
0x3fb: {  	s12 =	sadd.s32 $0x158A0, s0;
	s1 =	sadd.s32 s8, s1  }
0x3fc: {  	[tilespmem:s12], [sflag:$0x4] =	stream.linear.gather [spmem:s1], $0x80, $0x38;
	[tilespmem:$0x185A0] =	vst v63  }
0x3fd: {  	s8 =	sadd.s32 $0x400, s1;
	s12 =	sadd.s32 $0x15CA0, s0  }
0x3fe: {  	[tilespmem:s12], [sflag:$0x4] =	stream.linear.gather [spmem:s8], $0x80, $0x38;
	[tilespmem:$0x185A0] =	vst v63  }
0x3ff: {  	s8 =	sadd.s32 $0x800, s1;
	s12 =	sadd.s32 $0x160A0, s0  }
0x400: {  	[tilespmem:s12], [sflag:$0x4] =	stream.linear.gather [spmem:s8], $0x80, $0x38;
	[tilespmem:$0x185A0] =	vst v63  }
0x401: {  	s1 =	sadd.s32 $0xC00, s1;
	s12 =	sadd.s32 $0x164A0, s0  }
0x402: {  	[tilespmem:s12], [sflag:$0x4] =	stream.linear.gather [spmem:s1], $0x80, $0x38;
	[tilespmem:$0x185A0] =	vst v63  }
0x403: {  	s1 =	spop (v2sf)  }
0x404: {  	s12 =	sshll.u32 s1, $0x9  }
0x405: {  	s1 =	sshll.u32 s1, $0x7;
	s8 =	sand.u32 $0xFFFFF000, s12  }
0x406: {  	s1 =	sand.u32 $0x380, s1;
	s8 =	sadd.s32 s8, s2  }
0x407: {  	s12 =	sadd.s32 $0x15920, s0;
	s1 =	sadd.s32 s1, s8  }
0x408: {  	[tilespmem:s12], [sflag:$0x4] =	stream.linear.gather [spmem:s1], $0x80, $0x38;
	[tilespmem:$0x185A0] =	vst v63  }
0x409: {  	p2 =	por p1, p1;
	s8 =	sadd.s32 $0x400, s1;
	s12 =	sadd.s32 $0x15D20, s0  }
0x40a: {  	[tilespmem:s12], [sflag:$0x4] =	stream.linear.gather [spmem:s8], $0x80, $0x38;
	[tilespmem:$0x185A0] =	vst v63  }
.Ltmp5:
0x40b: {  	s8 =	sadd.s32 $0x800, s1;
	s12 =	sadd.s32 $0x16120, s0;
	(pc) =	sbr.rel @p2 .LBB2_8-.Ltmp5, $4  }
0x40c: {  	[tilespmem:s12], [sflag:$0x4] =	stream.linear.gather [spmem:s8], $0x80, $0x38;
	[tilespmem:$0x185A0] =	vst v63  }
0x40d: {  	s1 =	sadd.s32 $0xC00, s1;
	s0 =	sadd.s32 $0x16520, s0  }
0x40e: {  	[tilespmem:s0], [sflag:$0x4] =	stream.linear.gather [spmem:s1], $0x80, $0x38;
	[tilespmem:$0x185A0] =	vst v63  }
0x40f: {  	p1 =	por $0x0, $0x0;
	s0 =	simm.s32 $0x1  }
0x410: {  	p1 =	seq.s32 s28, $0x23  }
.Ltmp6:
0x411: {  	s0 =	sshll.u32 s31, $0xE;
	(pc) =	sbr.rel @p1 .LBB2_12-.Ltmp6, $4  }
0x412: {  	_ =	swait.ge [sflag:s18], $0x4000;
	s0 =	sadd.s32 s9, s0  }
0x413: {  	[sflag:s18] =	ssyncset.done $0x0;
	s0 =	sshrl.u32 s0, $0x3  }
0x414: {  	[sflag:s18] =	ssyncadd.s32 $0xFFFFC000;
	s0 =	sadd.s32 s7, s0  }
0x415: {  	[hbm4b:s0+s4] =	stream.linear.scatter [tilespmem:s19], [sflag:$0x7], $0x4000, $0x38;
	[tilespmem:$0x185A0] =	vst v63  }
0x416: {  	_ =	swait.ge [sflag:s22], $0x4000  }
0x417: {  	[sflag:s22] =	ssyncset.done $0x0  }
0x418: {  	[sflag:s22] =	ssyncadd.s32 $0xFFFFC000  }
0x419: {  	v5 =	vld [tilespmem:s29+$0x7220];
	_ =	sdelay $0x2  }
0x41a: {  	s0 =	sadd.s32 $0x80, s29  }
0x41b: {  	s1 =	sadd.s32 s3, s0  }
0x41c: {  	v6 =	vor.u32 s1, v0;
	v5 =	vmax.f32 v5, $0.0e+00  }
0x41d: {  	v7 =	vmulhi.u32 $0x38E38E39, v6;
	v5 =	vmin.f32 v5, $1.000000000e+02  }
0x41e: {  	v5 =	vadd.f32 $8.388608000e+06, v5  }
0x41f: {  	v7 =	vshrl.u32 v7, $0x1  }
0x420: {  	v7 =	vmul.u32 $0x9, v7;
	v5 =	vadd.f32 $-8.388608000e+06, v5;
	_ =	sdelay $0x1  }
0x421: {  	v6 =	vsub.s32 v6, v7;
	v5 =	vtrunc.f32 v5  }
0x422: {  	v6 =	vmul.u32 $0x65, v6;
	v5 =	vcvt.f32.s32 v5;
	_ =	sdelay $0x1  }
0x423: {  	v5 =	vadd.s32 v5, v6  }
0x424: {  	[tilespmem:$0x83A0] =	vst v5  }
0x425: {  	v5 =	vld [tilespmem:s29+$0x7230];
	_ =	sdelay $0x3  }
0x426: {  	s0 =	sadd.s32 s0, s5  }
0x427: {  	v6 =	vor.u32 s0, v0;
	v5 =	vmax.f32 v5, $0.0e+00  }
0x428: {  	v7 =	vmulhi.u32 $0x38E38E39, v6;
	v5 =	vmin.f32 v5, $1.000000000e+02  }
0x429: {  	v5 =	vadd.f32 $8.388608000e+06, v5  }
0x42a: {  	v7 =	vshrl.u32 v7, $0x1  }
0x42b: {  	v7 =	vmul.u32 $0x9, v7;
	v5 =	vadd.f32 $-8.388608000e+06, v5;
	_ =	sdelay $0x1  }
0x42c: {  	v6 =	vsub.s32 v6, v7;
	v5 =	vtrunc.f32 v5  }
0x42d: {  	v6 =	vmul.u32 $0x65, v6;
	v5 =	vcvt.f32.s32 v5;
	_ =	sdelay $0x1  }
0x42e: {  	v5 =	vadd.s32 v5, v6  }
0x42f: {  	p2 =	por $0x1, $0x1;
	s0 =	simm.s32 $0x0;
	[tilespmem:$0x83B0] =	vst v5  }
.LBB2_11:
0x430: {  	s1 =	sshll.u32 s0, $0x4  }
0x431: {  	s1 =	sand.u32 $0x3FFFFFF0, s1  }
0x432: {  	v5 =	vld [tilespmem:s1+$0x83A0];
	_ =	sdelay $0x4  }
0x433: {  	(v2sf) =	vpush v5, $0x0;
	_ =	sdelay $0x9  }
0x434: {  	(v2sf) =	vpush v5, $0x1;
	_ =	sdelay $0x4  }
0x435: {  	s12 =	spop (v2sf)  }
0x436: {  	s8 =	sshll.u32 s12, $0x9  }
0x437: {  	s31 =	sshll.u32 s0, $0xD;
	s1 =	sshll.u32 s12, $0x7;
	s8 =	sand.u32 $0xFFFFF000, s8  }
0x438: {  	s0 =	sand.u32 $0x3FFFE000, s31;
	s1 =	sand.u32 $0x380, s1;
	s8 =	sadd.s32 s8, s2  }
0x439: {  	s12 =	sadd.s32 $0x85A0, s0;
	s1 =	sadd.s32 s1, s8  }
0x43a: {  	[tilespmem:s12], [sflag:$0x1] =	stream.linear.gather [spmem:s1], $0x80, $0x38;
	[tilespmem:$0x185A0] =	vst v63  }
0x43b: {  	(v2sf) =	vpush v5, $0x2;
	s31 =	sadd.s32 $0x400, s1;
	s12 =	sadd.s32 $0x89A0, s0  }
0x43c: {  	[tilespmem:s12], [sflag:$0x1] =	stream.linear.gather [spmem:s31], $0x80, $0x38;
	[tilespmem:$0x185A0] =	vst v63  }
0x43d: {  	s12 =	sadd.s32 $0x800, s1;
	s31 =	sadd.s32 $0x8DA0, s0  }
0x43e: {  	[tilespmem:s31], [sflag:$0x1] =	stream.linear.gather [spmem:s12], $0x80, $0x38;
	[tilespmem:$0x185A0] =	vst v63  }
0x43f: {  	s1 =	sadd.s32 $0xC00, s1;
	s12 =	sadd.s32 $0x91A0, s0;
	s31 =	spop (v2sf)  }
0x440: {  	[tilespmem:s12], [sflag:$0x1] =	stream.linear.gather [spmem:s1], $0x80, $0x38;
	[tilespmem:$0x185A0] =	vst v63  }
0x441: {  	s12 =	sshll.u32 s31, $0x9  }
0x442: {  	s1 =	sshll.u32 s31, $0x7;
	s8 =	sand.u32 $0xFFFFF000, s12  }
0x443: {  	s1 =	sand.u32 $0x380, s1;
	s8 =	sadd.s32 s8, s2  }
0x444: {  	s31 =	sadd.s32 $0x8620, s0;
	s1 =	sadd.s32 s1, s8  }
0x445: {  	[tilespmem:s31], [sflag:$0x1] =	stream.linear.gather [spmem:s1], $0x80, $0x38;
	[tilespmem:$0x185A0] =	vst v63  }
0x446: {  	(v2sf) =	vpush v5, $0x3;
	s12 =	sadd.s32 $0x400, s1;
	s31 =	sadd.s32 $0x8A20, s0  }
0x447: {  	[tilespmem:s31], [sflag:$0x1] =	stream.linear.gather [spmem:s12], $0x80, $0x38;
	[tilespmem:$0x185A0] =	vst v63  }
0x448: {  	s12 =	sadd.s32 $0x800, s1;
	s31 =	sadd.s32 $0x8E20, s0  }
0x449: {  	[tilespmem:s31], [sflag:$0x1] =	stream.linear.gather [spmem:s12], $0x80, $0x38;
	[tilespmem:$0x185A0] =	vst v63  }
0x44a: {  	s1 =	sadd.s32 $0xC00, s1;
	s12 =	sadd.s32 $0x9220, s0;
	s31 =	spop (v2sf)  }
0x44b: {  	[tilespmem:s12], [sflag:$0x1] =	stream.linear.gather [spmem:s1], $0x80, $0x38;
	[tilespmem:$0x185A0] =	vst v63  }
0x44c: {  	s12 =	sshll.u32 s31, $0x9  }
0x44d: {  	s1 =	sshll.u32 s31, $0x7;
	s8 =	sand.u32 $0xFFFFF000, s12  }
0x44e: {  	s1 =	sand.u32 $0x380, s1;
	s8 =	sadd.s32 s8, s2  }
0x44f: {  	s31 =	sadd.s32 $0x86A0, s0;
	s1 =	sadd.s32 s1, s8  }
0x450: {  	[tilespmem:s31], [sflag:$0x1] =	stream.linear.gather [spmem:s1], $0x80, $0x38;
	[tilespmem:$0x185A0] =	vst v63  }
0x451: {  	(v2sf) =	vpush v5, $0x4;
	s12 =	sadd.s32 $0x400, s1;
	s31 =	sadd.s32 $0x8AA0, s0  }
0x452: {  	[tilespmem:s31], [sflag:$0x1] =	stream.linear.gather [spmem:s12], $0x80, $0x38;
	[tilespmem:$0x185A0] =	vst v63  }
0x453: {  	s12 =	sadd.s32 $0x800, s1;
	s31 =	sadd.s32 $0x8EA0, s0  }
0x454: {  	[tilespmem:s31], [sflag:$0x1] =	stream.linear.gather [spmem:s12], $0x80, $0x38;
	[tilespmem:$0x185A0] =	vst v63  }
0x455: {  	s1 =	sadd.s32 $0xC00, s1;
	s12 =	sadd.s32 $0x92A0, s0;
	s31 =	spop (v2sf)  }
0x456: {  	[tilespmem:s12], [sflag:$0x1] =	stream.linear.gather [spmem:s1], $0x80, $0x38;
	[tilespmem:$0x185A0] =	vst v63  }
0x457: {  	s12 =	sshll.u32 s31, $0x9  }
0x458: {  	s1 =	sshll.u32 s31, $0x7;
	s8 =	sand.u32 $0xFFFFF000, s12  }
0x459: {  	s1 =	sand.u32 $0x380, s1;
	s8 =	sadd.s32 s8, s2  }
0x45a: {  	s31 =	sadd.s32 $0x8720, s0;
	s1 =	sadd.s32 s1, s8  }
0x45b: {  	[tilespmem:s31], [sflag:$0x1] =	stream.linear.gather [spmem:s1], $0x80, $0x38;
	[tilespmem:$0x185A0] =	vst v63  }
0x45c: {  	(v2sf) =	vpush v5, $0x5;
	s12 =	sadd.s32 $0x400, s1;
	s31 =	sadd.s32 $0x8B20, s0  }
0x45d: {  	[tilespmem:s31], [sflag:$0x1] =	stream.linear.gather [spmem:s12], $0x80, $0x38;
	[tilespmem:$0x185A0] =	vst v63  }
0x45e: {  	s12 =	sadd.s32 $0x800, s1;
	s31 =	sadd.s32 $0x8F20, s0  }
0x45f: {  	[tilespmem:s31], [sflag:$0x1] =	stream.linear.gather [spmem:s12], $0x80, $0x38;
	[tilespmem:$0x185A0] =	vst v63  }
0x460: {  	s1 =	sadd.s32 $0xC00, s1;
	s12 =	sadd.s32 $0x9320, s0;
	s31 =	spop (v2sf)  }
0x461: {  	[tilespmem:s12], [sflag:$0x1] =	stream.linear.gather [spmem:s1], $0x80, $0x38;
	[tilespmem:$0x185A0] =	vst v63  }
0x462: {  	s12 =	sshll.u32 s31, $0x9  }
0x463: {  	s1 =	sshll.u32 s31, $0x7;
	s8 =	sand.u32 $0xFFFFF000, s12  }
0x464: {  	s1 =	sand.u32 $0x380, s1;
	s8 =	sadd.s32 s8, s2  }
0x465: {  	s31 =	sadd.s32 $0x87A0, s0;
	s1 =	sadd.s32 s1, s8  }
0x466: {  	[tilespmem:s31], [sflag:$0x1] =	stream.linear.gather [spmem:s1], $0x80, $0x38;
	[tilespmem:$0x185A0] =	vst v63  }
0x467: {  	(v2sf) =	vpush v5, $0x6;
	s12 =	sadd.s32 $0x400, s1;
	s31 =	sadd.s32 $0x8BA0, s0  }
0x468: {  	[tilespmem:s31], [sflag:$0x1] =	stream.linear.gather [spmem:s12], $0x80, $0x38;
	[tilespmem:$0x185A0] =	vst v63  }
0x469: {  	s12 =	sadd.s32 $0x800, s1;
	s31 =	sadd.s32 $0x8FA0, s0  }
0x46a: {  	[tilespmem:s31], [sflag:$0x1] =	stream.linear.gather [spmem:s12], $0x80, $0x38;
	[tilespmem:$0x185A0] =	vst v63  }
0x46b: {  	s1 =	sadd.s32 $0xC00, s1;
	s12 =	sadd.s32 $0x93A0, s0;
	s31 =	spop (v2sf)  }
0x46c: {  	[tilespmem:s12], [sflag:$0x1] =	stream.linear.gather [spmem:s1], $0x80, $0x38;
	[tilespmem:$0x185A0] =	vst v63  }
0x46d: {  	s12 =	sshll.u32 s31, $0x9  }
0x46e: {  	s1 =	sshll.u32 s31, $0x7;
	s8 =	sand.u32 $0xFFFFF000, s12  }
0x46f: {  	s1 =	sand.u32 $0x380, s1;
	s8 =	sadd.s32 s8, s2  }
0x470: {  	s31 =	sadd.s32 $0x8820, s0;
	s1 =	sadd.s32 s1, s8  }
0x471: {  	[tilespmem:s31], [sflag:$0x1] =	stream.linear.gather [spmem:s1], $0x80, $0x38;
	[tilespmem:$0x185A0] =	vst v63  }
0x472: {  	(v2sf) =	vpush v5, $0x7;
	s12 =	sadd.s32 $0x400, s1;
	s31 =	sadd.s32 $0x8C20, s0  }
0x473: {  	[tilespmem:s31], [sflag:$0x1] =	stream.linear.gather [spmem:s12], $0x80, $0x38;
	[tilespmem:$0x185A0] =	vst v63  }
0x474: {  	s12 =	sadd.s32 $0x800, s1;
	s31 =	sadd.s32 $0x9020, s0  }
0x475: {  	[tilespmem:s31], [sflag:$0x1] =	stream.linear.gather [spmem:s12], $0x80, $0x38;
	[tilespmem:$0x185A0] =	vst v63  }
0x476: {  	s1 =	sadd.s32 $0xC00, s1;
	s12 =	sadd.s32 $0x9420, s0;
	s31 =	spop (v2sf)  }
0x477: {  	[tilespmem:s12], [sflag:$0x1] =	stream.linear.gather [spmem:s1], $0x80, $0x38;
	[tilespmem:$0x185A0] =	vst v63  }
0x478: {  	s12 =	sshll.u32 s31, $0x9  }
0x479: {  	s1 =	sshll.u32 s31, $0x7;
	s8 =	sand.u32 $0xFFFFF000, s12  }
0x47a: {  	s1 =	sand.u32 $0x380, s1;
	s8 =	sadd.s32 s8, s2  }
0x47b: {  	s31 =	sadd.s32 $0x88A0, s0;
	s1 =	sadd.s32 s1, s8  }
0x47c: {  	[tilespmem:s31], [sflag:$0x1] =	stream.linear.gather [spmem:s1], $0x80, $0x38;
	[tilespmem:$0x185A0] =	vst v63  }
0x47d: {  	(v2sf) =	vpush v5, $0x8;
	s12 =	sadd.s32 $0x400, s1;
	s31 =	sadd.s32 $0x8CA0, s0  }
0x47e: {  	[tilespmem:s31], [sflag:$0x1] =	stream.linear.gather [spmem:s12], $0x80, $0x38;
	[tilespmem:$0x185A0] =	vst v63  }
0x47f: {  	s12 =	sadd.s32 $0x800, s1;
	s31 =	sadd.s32 $0x90A0, s0  }
0x480: {  	[tilespmem:s31], [sflag:$0x1] =	stream.linear.gather [spmem:s12], $0x80, $0x38;
	[tilespmem:$0x185A0] =	vst v63  }
0x481: {  	s1 =	sadd.s32 $0xC00, s1;
	s12 =	sadd.s32 $0x94A0, s0;
	s31 =	spop (v2sf)  }
0x482: {  	[tilespmem:s12], [sflag:$0x1] =	stream.linear.gather [spmem:s1], $0x80, $0x38;
	[tilespmem:$0x185A0] =	vst v63  }
0x483: {  	s12 =	sshll.u32 s31, $0x9  }
0x484: {  	s1 =	sshll.u32 s31, $0x7;
	s8 =	sand.u32 $0xFFFFF000, s12  }
0x485: {  	s1 =	sand.u32 $0x380, s1;
	s8 =	sadd.s32 s8, s2  }
0x486: {  	s31 =	sadd.s32 $0x8920, s0;
	s1 =	sadd.s32 s1, s8  }
0x487: {  	[tilespmem:s31], [sflag:$0x1] =	stream.linear.gather [spmem:s1], $0x80, $0x38;
	[tilespmem:$0x185A0] =	vst v63  }
0x488: {  	(v2sf) =	vpush v5, $0x9;
	s12 =	sadd.s32 $0x400, s1;
	s31 =	sadd.s32 $0x8D20, s0  }
0x489: {  	[tilespmem:s31], [sflag:$0x1] =	stream.linear.gather [spmem:s12], $0x80, $0x38;
	[tilespmem:$0x185A0] =	vst v63  }
0x48a: {  	s12 =	sadd.s32 $0x800, s1;
	s31 =	sadd.s32 $0x9120, s0  }
0x48b: {  	[tilespmem:s31], [sflag:$0x1] =	stream.linear.gather [spmem:s12], $0x80, $0x38;
	[tilespmem:$0x185A0] =	vst v63  }
0x48c: {  	s1 =	sadd.s32 $0xC00, s1;
	s12 =	sadd.s32 $0x9520, s0;
	s31 =	spop (v2sf)  }
0x48d: {  	[tilespmem:s12], [sflag:$0x1] =	stream.linear.gather [spmem:s1], $0x80, $0x38;
	[tilespmem:$0x185A0] =	vst v63  }
0x48e: {  	s12 =	sshll.u32 s31, $0x9  }
0x48f: {  	s1 =	sshll.u32 s31, $0x7;
	s8 =	sand.u32 $0xFFFFF000, s12  }
0x490: {  	s1 =	sand.u32 $0x380, s1;
	s8 =	sadd.s32 s8, s2  }
0x491: {  	s31 =	sadd.s32 $0x95A0, s0;
	s1 =	sadd.s32 s1, s8  }
0x492: {  	[tilespmem:s31], [sflag:$0x1] =	stream.linear.gather [spmem:s1], $0x80, $0x38;
	[tilespmem:$0x185A0] =	vst v63  }
0x493: {  	(v2sf) =	vpush v5, $0xA;
	s12 =	sadd.s32 $0x400, s1;
	s31 =	sadd.s32 $0x99A0, s0  }
0x494: {  	[tilespmem:s31], [sflag:$0x1] =	stream.linear.gather [spmem:s12], $0x80, $0x38;
	[tilespmem:$0x185A0] =	vst v63  }
0x495: {  	s12 =	sadd.s32 $0x800, s1;
	s31 =	sadd.s32 $0x9DA0, s0  }
0x496: {  	[tilespmem:s31], [sflag:$0x1] =	stream.linear.gather [spmem:s12], $0x80, $0x38;
	[tilespmem:$0x185A0] =	vst v63  }
0x497: {  	s1 =	sadd.s32 $0xC00, s1;
	s12 =	sadd.s32 $0xA1A0, s0;
	s31 =	spop (v2sf)  }
0x498: {  	[tilespmem:s12], [sflag:$0x1] =	stream.linear.gather [spmem:s1], $0x80, $0x38;
	[tilespmem:$0x185A0] =	vst v63  }
0x499: {  	s12 =	sshll.u32 s31, $0x9  }
0x49a: {  	s1 =	sshll.u32 s31, $0x7;
	s8 =	sand.u32 $0xFFFFF000, s12  }
0x49b: {  	s1 =	sand.u32 $0x380, s1;
	s8 =	sadd.s32 s8, s2  }
0x49c: {  	s31 =	sadd.s32 $0x9620, s0;
	s1 =	sadd.s32 s1, s8  }
0x49d: {  	[tilespmem:s31], [sflag:$0x1] =	stream.linear.gather [spmem:s1], $0x80, $0x38;
	[tilespmem:$0x185A0] =	vst v63  }
0x49e: {  	(v2sf) =	vpush v5, $0xB;
	s12 =	sadd.s32 $0x400, s1;
	s31 =	sadd.s32 $0x9A20, s0  }
0x49f: {  	[tilespmem:s31], [sflag:$0x1] =	stream.linear.gather [spmem:s12], $0x80, $0x38;
	[tilespmem:$0x185A0] =	vst v63  }
0x4a0: {  	s12 =	sadd.s32 $0x800, s1;
	s31 =	sadd.s32 $0x9E20, s0  }
0x4a1: {  	[tilespmem:s31], [sflag:$0x1] =	stream.linear.gather [spmem:s12], $0x80, $0x38;
	[tilespmem:$0x185A0] =	vst v63  }
0x4a2: {  	s1 =	sadd.s32 $0xC00, s1;
	s12 =	sadd.s32 $0xA220, s0;
	s31 =	spop (v2sf)  }
0x4a3: {  	[tilespmem:s12], [sflag:$0x1] =	stream.linear.gather [spmem:s1], $0x80, $0x38;
	[tilespmem:$0x185A0] =	vst v63  }
0x4a4: {  	s12 =	sshll.u32 s31, $0x9  }
0x4a5: {  	s1 =	sshll.u32 s31, $0x7;
	s8 =	sand.u32 $0xFFFFF000, s12  }
0x4a6: {  	s1 =	sand.u32 $0x380, s1;
	s8 =	sadd.s32 s8, s2  }
0x4a7: {  	s31 =	sadd.s32 $0x96A0, s0;
	s1 =	sadd.s32 s1, s8  }
0x4a8: {  	[tilespmem:s31], [sflag:$0x1] =	stream.linear.gather [spmem:s1], $0x80, $0x38;
	[tilespmem:$0x185A0] =	vst v63  }
0x4a9: {  	(v2sf) =	vpush v5, $0xC;
	s12 =	sadd.s32 $0x400, s1;
	s31 =	sadd.s32 $0x9AA0, s0  }
0x4aa: {  	[tilespmem:s31], [sflag:$0x1] =	stream.linear.gather [spmem:s12], $0x80, $0x38;
	[tilespmem:$0x185A0] =	vst v63  }
0x4ab: {  	s12 =	sadd.s32 $0x800, s1;
	s31 =	sadd.s32 $0x9EA0, s0  }
0x4ac: {  	[tilespmem:s31], [sflag:$0x1] =	stream.linear.gather [spmem:s12], $0x80, $0x38;
	[tilespmem:$0x185A0] =	vst v63  }
0x4ad: {  	s1 =	sadd.s32 $0xC00, s1;
	s12 =	sadd.s32 $0xA2A0, s0;
	s31 =	spop (v2sf)  }
0x4ae: {  	[tilespmem:s12], [sflag:$0x1] =	stream.linear.gather [spmem:s1], $0x80, $0x38;
	[tilespmem:$0x185A0] =	vst v63  }
0x4af: {  	s12 =	sshll.u32 s31, $0x9  }
0x4b0: {  	s1 =	sshll.u32 s31, $0x7;
	s8 =	sand.u32 $0xFFFFF000, s12  }
0x4b1: {  	s1 =	sand.u32 $0x380, s1;
	s8 =	sadd.s32 s8, s2  }
0x4b2: {  	s31 =	sadd.s32 $0x9720, s0;
	s1 =	sadd.s32 s1, s8  }
0x4b3: {  	[tilespmem:s31], [sflag:$0x1] =	stream.linear.gather [spmem:s1], $0x80, $0x38;
	[tilespmem:$0x185A0] =	vst v63  }
0x4b4: {  	(v2sf) =	vpush v5, $0xD;
	s12 =	sadd.s32 $0x400, s1;
	s31 =	sadd.s32 $0x9B20, s0  }
0x4b5: {  	[tilespmem:s31], [sflag:$0x1] =	stream.linear.gather [spmem:s12], $0x80, $0x38;
	[tilespmem:$0x185A0] =	vst v63  }
0x4b6: {  	s12 =	sadd.s32 $0x800, s1;
	s31 =	sadd.s32 $0x9F20, s0  }
0x4b7: {  	[tilespmem:s31], [sflag:$0x1] =	stream.linear.gather [spmem:s12], $0x80, $0x38;
	[tilespmem:$0x185A0] =	vst v63  }
0x4b8: {  	s1 =	sadd.s32 $0xC00, s1;
	s12 =	sadd.s32 $0xA320, s0;
	s31 =	spop (v2sf)  }
0x4b9: {  	[tilespmem:s12], [sflag:$0x1] =	stream.linear.gather [spmem:s1], $0x80, $0x38;
	[tilespmem:$0x185A0] =	vst v63  }
0x4ba: {  	s12 =	sshll.u32 s31, $0x9  }
0x4bb: {  	s1 =	sshll.u32 s31, $0x7;
	s8 =	sand.u32 $0xFFFFF000, s12  }
0x4bc: {  	s1 =	sand.u32 $0x380, s1;
	s8 =	sadd.s32 s8, s2  }
0x4bd: {  	(v2sf) =	vpush v5, $0xE;
	s31 =	sadd.s32 $0x97A0, s0;
	s1 =	sadd.s32 s1, s8  }
0x4be: {  	[tilespmem:s31], [sflag:$0x1] =	stream.linear.gather [spmem:s1], $0x80, $0x38;
	[tilespmem:$0x185A0] =	vst v63  }
0x4bf: {  	s12 =	sadd.s32 $0x400, s1;
	s31 =	sadd.s32 $0x9BA0, s0  }
0x4c0: {  	[tilespmem:s31], [sflag:$0x1] =	stream.linear.gather [spmem:s12], $0x80, $0x38;
	[tilespmem:$0x185A0] =	vst v63  }
0x4c1: {  	s12 =	sadd.s32 $0x800, s1;
	s31 =	sadd.s32 $0x9FA0, s0  }
0x4c2: {  	[tilespmem:s31], [sflag:$0x1] =	stream.linear.gather [spmem:s12], $0x80, $0x38;
	[tilespmem:$0x185A0] =	vst v63  }
0x4c3: {  	s1 =	sadd.s32 $0xC00, s1;
	s12 =	sadd.s32 $0xA3A0, s0;
	s31 =	spop (v2sf)  }
0x4c4: {  	[tilespmem:s12], [sflag:$0x1] =	stream.linear.gather [spmem:s1], $0x80, $0x38;
	[tilespmem:$0x185A0] =	vst v63  }
0x4c5: {  	s12 =	sshll.u32 s31, $0x9  }
0x4c6: {  	s1 =	sshll.u32 s31, $0x7;
	s8 =	sand.u32 $0xFFFFF000, s12  }
0x4c7: {  	s1 =	sand.u32 $0x380, s1;
	s8 =	sadd.s32 s8, s2  }
0x4c8: {  	s31 =	sadd.s32 $0x9820, s0;
	s1 =	sadd.s32 s1, s8  }
0x4c9: {  	(v2sf) =	vpush v5, $0xF;
	[tilespmem:s31], [sflag:$0x1] =	stream.linear.gather [spmem:s1], $0x80, $0x38;
	[tilespmem:$0x185A0] =	vst v63  }
0x4ca: {  	s12 =	sadd.s32 $0x400, s1;
	s31 =	sadd.s32 $0x9C20, s0  }
0x4cb: {  	[tilespmem:s31], [sflag:$0x1] =	stream.linear.gather [spmem:s12], $0x80, $0x38;
	[tilespmem:$0x185A0] =	vst v63  }
0x4cc: {  	s8 =	spop (v2sf);
	s12 =	sadd.s32 $0x800, s1;
	s31 =	sadd.s32 $0xA020, s0  }
0x4cd: {  	[tilespmem:s31], [sflag:$0x1] =	stream.linear.gather [spmem:s12], $0x80, $0x38;
	[tilespmem:$0x185A0] =	vst v63  }
0x4ce: {  	s1 =	sadd.s32 $0xC00, s1;
	s31 =	sadd.s32 $0xA420, s0;
	s12 =	sshll.u32 s8, $0x9  }
0x4cf: {  	[tilespmem:s31], [sflag:$0x1] =	stream.linear.gather [spmem:s1], $0x80, $0x38;
	[tilespmem:$0x185A0] =	vst v63  }
0x4d0: {  	s8 =	sshll.u32 s8, $0x7;
	s1 =	sand.u32 $0xFFFFF000, s12  }
0x4d1: {  	s8 =	sand.u32 $0x380, s8;
	s1 =	sadd.s32 s1, s2  }
0x4d2: {  	s31 =	sadd.s32 $0x98A0, s0;
	s1 =	sadd.s32 s8, s1  }
0x4d3: {  	[tilespmem:s31], [sflag:$0x1] =	stream.linear.gather [spmem:s1], $0x80, $0x38;
	[tilespmem:$0x185A0] =	vst v63  }
0x4d4: {  	s12 =	sadd.s32 $0x400, s1;
	s31 =	sadd.s32 $0x9CA0, s0  }
0x4d5: {  	[tilespmem:s31], [sflag:$0x1] =	stream.linear.gather [spmem:s12], $0x80, $0x38;
	[tilespmem:$0x185A0] =	vst v63  }
0x4d6: {  	s12 =	sadd.s32 $0x800, s1;
	s31 =	sadd.s32 $0xA0A0, s0  }
0x4d7: {  	[tilespmem:s31], [sflag:$0x1] =	stream.linear.gather [spmem:s12], $0x80, $0x38;
	[tilespmem:$0x185A0] =	vst v63  }
0x4d8: {  	s1 =	sadd.s32 $0xC00, s1;
	s12 =	sadd.s32 $0xA4A0, s0;
	s31 =	spop (v2sf)  }
0x4d9: {  	[tilespmem:s12], [sflag:$0x1] =	stream.linear.gather [spmem:s1], $0x80, $0x38;
	[tilespmem:$0x185A0] =	vst v63  }
0x4da: {  	s12 =	sshll.u32 s31, $0x9  }
0x4db: {  	s1 =	sshll.u32 s31, $0x7;
	s8 =	sand.u32 $0xFFFFF000, s12  }
0x4dc: {  	s1 =	sand.u32 $0x380, s1;
	s8 =	sadd.s32 s8, s2  }
0x4dd: {  	s31 =	sadd.s32 $0x9920, s0;
	s1 =	sadd.s32 s1, s8  }
0x4de: {  	[tilespmem:s31], [sflag:$0x1] =	stream.linear.gather [spmem:s1], $0x80, $0x38;
	[tilespmem:$0x185A0] =	vst v63  }
0x4df: {  	p3 =	por p2, p2;
	s12 =	sadd.s32 $0x400, s1;
	s31 =	sadd.s32 $0x9D20, s0  }
0x4e0: {  	[tilespmem:s31], [sflag:$0x1] =	stream.linear.gather [spmem:s12], $0x80, $0x38;
	[tilespmem:$0x185A0] =	vst v63  }
.Ltmp7:
0x4e1: {  	s12 =	sadd.s32 $0x800, s1;
	s31 =	sadd.s32 $0xA120, s0;
	(pc) =	sbr.rel @p3 .LBB2_11-.Ltmp7, $4  }
0x4e2: {  	[tilespmem:s31], [sflag:$0x1] =	stream.linear.gather [spmem:s12], $0x80, $0x38;
	[tilespmem:$0x185A0] =	vst v63  }
0x4e3: {  	s1 =	sadd.s32 $0xC00, s1;
	s0 =	sadd.s32 $0xA520, s0  }
0x4e4: {  	[tilespmem:s0], [sflag:$0x1] =	stream.linear.gather [spmem:s1], $0x80, $0x38;
	[tilespmem:$0x185A0] =	vst v63  }
0x4e5: {  	p2 =	por $0x0, $0x0;
	s0 =	simm.s32 $0x1  }
.LBB2_12:
.Ltmp8:
0x4e6: {  	s0 =	sshll.u32 s30, $0xE;
	(pc) =	sbr.rel @!p1 .LBB2_13-.Ltmp8, $4  }
0x4e7: {  	_ =	swait.ge [sflag:s20], $0x4000;
	s0 =	sadd.s32 s9, s0  }
0x4e8: {  	[sflag:s20] =	ssyncset.done $0x0;
	s0 =	sshrl.u32 s0, $0x3  }
0x4e9: {  	[sflag:s20] =	ssyncadd.s32 $0xFFFFC000;
	s0 =	sadd.s32 s7, s0  }
0x4ea: {  	[hbm4b:s0+s4] =	stream.linear.scatter [tilespmem:s21], [sflag:$0x8], $0x4000, $0x38;
	[tilespmem:$0x185A0] =	vst v63  }
0x4eb: {  	_ =	swait.ge [sflag:s22], $0x4000  }
0x4ec: {  	[sflag:s22] =	ssyncset.done $0x0  }
0x4ed: {  	[sflag:s22] =	ssyncadd.s32 $0xFFFFC000  }
0x4ee: {  	_ =	swait.ge [sflag:s23], $0x4000  }
0x4ef: {  	[sflag:s23] =	ssyncset.done $0x0  }
0x4f0: {  	s26 =	sadd.s32 $0x1, s26;
	[sflag:s23] =	ssyncadd.s32 $0xFFFFC000  }
0x4f1: {  	p1 =	sne.s32 s26, s10;
	_ =	swait.ge [sflag:s24], $0x4000  }
.Ltmp9:
0x4f2: {  	[sflag:s24] =	ssyncset.done $0x0;
	(pc) =	sbr.rel @p1 .LBB2_1-.Ltmp9, $4  }
0x4f3: {  	[sflag:s24] =	ssyncadd.s32 $0xFFFFC000  }
0x4f4: {  	_ =	swait.ge [sflag:s25], $0x4000  }
0x4f5: {  	[sflag:s25] =	ssyncset.done $0x0  }
0x4f6: {  	[sflag:s25] =	ssyncadd.s32 $0xFFFFC000  }
0x4f7: {  	_ =	sfence.sel $0x180000  }
0x4f8: {  	[bflag:$0x0] =	sbarrier.arrive $0xFFFF  }
0x4f9: {  	_ =	strace $0x90000047  }
0x4fa: {  	[bflag:$0x2] =	sbarrier.arrive $0xFFFF  }
0x4fb: {  	s0 =	rddreg [dreg:$0x3]  }
0x4fc: {  	s0 =	sadd.s32 @!p0 $0x100000, s0  }
0x4fd: {  	[sflag:s0] =	ssyncadd.tile.s32 @!p0 $0x1;
	_ =	shalt  }
.Lfunc_end2:
_tile_overlayer_lowered:
.L_overlay_start_2:
0x4fe: {  	(tag) =	ssettag $0x2  }
0x4ff: {  	s0 =	rddreg [dreg:$0x0];
	s2 =	stileid.u32  }
0x500: {  	s1 =	rddreg [dreg:$0x1];
	p0 =	sne.s32 s2, $0x0  }
0x501: {  	s3 =	rddreg [dreg:$0x2];
	[bflag:$0x3] =	sbarrier.arrive $0xFFFF;
	s2 =	simm.s32 @!p0 $0x1C09  }
0x502: {  	[timem:s3], [sflag:s2] =	dma.local @!p0 [hbm:s0], s1  }
0x503: {  	s0 =	simm.s32 @!p0 $0x9  }
0x504: {  	_ =	swait.ge @!p0 [sflag:s0], s1  }
0x505: {  	s1 =	ssub.s32 @!p0 $0x0, s1;
	[sflag:s0] =	ssyncset.done @!p0 $0x0  }
0x506: {  	[sflag:s0] =	ssyncadd.s32 @!p0 s1  }
0x507: {  	[bflag:$0x3] =	sbarrier.arrive $0xFFFF  }
0x508: {  	_ =	shalt  }

</sc_bundles>
